<compile_context>
chip_gen: v7x
topology: tpu7x:2x2x1
jax: 0.10.2.dev20260603
libtpu: 0.0.44.dev20260713+nightly
codegen_flags: <defaults>
</compile_context>

<pallas_src>
import functools

import jax
import jax.numpy as jnp
from jax import lax
from jax.experimental import pallas as pl
from jax.experimental.pallas import tpu as pltpu
from jax.experimental.pallas import tpu_sc as plsc

N = 100000
E = 6400000
T = 3
LR = 0.1
N_SENSORY = 784

NC, NS, L = 2, 16, 16
TILES = NC * NS
EPT = E // TILES
C = 4000
NCHUNK = EPT // C
NBUF = 2
ROWS, COLS = 784, 128
NPAD = ROWS * COLS
SLICE = NPAD // NS



def _seg_body(g_hbm, gidx_hbm, sidx_hbm, w_hbm, out_hbm,
              g_loc, gi_v, w_v, *rest):
    si = list(rest[0:NBUF])
    co = list(rest[NBUF:2 * NBUF])
    acc = rest[2 * NBUF]
    in_sem = rest[2 * NBUF + 1]
    sems = list(rest[2 * NBUF + 2:2 * NBUF + 2 + NBUF])
    co_a = co[0]
    c = lax.axis_index("c")
    s = lax.axis_index("s")
    wid = c * NS + s

    def _zero(i, _):
        co_a[pl.ds(i * 16, 16)] = jnp.zeros((16,), jnp.float32)
        return 0
    lax.fori_loop(0, C // 16, _zero, 0)
    base_a = pl.multiple_of(s * SLICE, 8)
    for off in range(0, SLICE, C):
        sz = min(C, SLICE - off)
        pltpu.sync_copy(co_a.at[pl.ds(0, sz)], acc.at[pl.ds(base_a + off, sz)])

    pltpu.sync_copy(g_hbm.at[pl.ds(0, N)], g_loc)
    plsc.subcore_barrier()

    def _prep_fire(gi, b):
        base = pl.multiple_of(wid * EPT + gi * C, 8)
        d1 = pltpu.async_copy(gidx_hbm.at[pl.ds(base, C)], gi_v, in_sem)
        d2 = pltpu.async_copy(sidx_hbm.at[pl.ds(base, C)], si[b], in_sem)
        d3 = pltpu.async_copy(w_hbm.at[pl.ds(base, C)], w_v, in_sem)
        d1.wait()
        d2.wait()
        d3.wait()

        def _inner(i, _):
            ii = pl.multiple_of(i * 16, 16)
            idx16 = gi_v[pl.ds(ii, 16)]
            vals = plsc.load_gather(g_loc, [idx16])
            co[b][pl.ds(ii, 16)] = w_v[pl.ds(ii, 16)] * vals
            return 0
        lax.fori_loop(0, C // 16, _inner, 0)
        pltpu.async_copy(co[b], acc.at[si[b]], sems[b], add=True)

    def _wait_scatter(b):
        pltpu.make_async_copy(co[b], acc.at[si[b]], sems[b]).wait()

    for b in range(NBUF):
        _prep_fire(b, b)

    def _round(r, _):
        for b in range(NBUF):
            _wait_scatter(b)
            _prep_fire(NBUF * r + b, b)
        return 0
    lax.fori_loop(1, NCHUNK // NBUF, _round, 0)
    for j, gi in enumerate(range(NBUF * (NCHUNK // NBUF), NCHUNK)):
        _wait_scatter(j)
        _prep_fire(gi, j)
    for b in range(NBUF):
        _wait_scatter(b)

    plsc.subcore_barrier()
    pltpu.sync_copy(acc.at[pl.ds(base_a, SLICE)],
                    out_hbm.at[c, pl.ds(base_a, SLICE)])


_seg_sum = functools.partial(
    pl.kernel,
    out_type=jax.ShapeDtypeStruct((NC, NPAD), jnp.float32),
    mesh=plsc.VectorSubcoreMesh(core_axis_name="c", subcore_axis_name="s"),
    compiler_params=pltpu.CompilerParams(needs_layout_passes=False),
    scratch_types=(
        [pltpu.VMEM((N,), jnp.float32),
         pltpu.VMEM((C,), jnp.int32),
         pltpu.VMEM((C,), jnp.float32)]
        + [pltpu.VMEM((C,), jnp.int32)] * NBUF
        + [pltpu.VMEM((C,), jnp.float32)] * NBUF
        + [pltpu.VMEM_SHARED((NPAD,), jnp.float32)]
        + [pltpu.SemaphoreType.DMA]
        + [pltpu.SemaphoreType.DMA] * NBUF
    ),
)(_seg_body)


def _tanh_body(x_ref, o_ref):
    o_ref[...] = jnp.tanh(x_ref[...])


_tanh_tc = pl.pallas_call(
    _tanh_body, out_shape=jax.ShapeDtypeStruct((ROWS, COLS), jnp.float32))


def _err_body(v_ref, p_ref, o_ref):
    o_ref[...] = v_ref[...] - p_ref[0] - p_ref[1]


_err_tc = pl.pallas_call(
    _err_body, out_shape=jax.ShapeDtypeStruct((ROWS, COLS), jnp.float32))


def _upd_body(v_ref, fv_ref, e_ref, b_ref, vn_ref, fvn_ref):
    idx = (lax.broadcasted_iota(jnp.int32, (ROWS, COLS), 0) * COLS
           + lax.broadcasted_iota(jnp.int32, (ROWS, COLS), 1))
    mask = (idx >= N_SENSORY).astype(jnp.float32)
    fv = fv_ref[...]
    back = b_ref[0] + b_ref[1]
    grad = e_ref[...] - (1.0 - fv * fv) * back
    vn = v_ref[...] - LR * mask * grad
    vn_ref[...] = vn
    fvn_ref[...] = jnp.tanh(vn)


_upd_tc = pl.pallas_call(
    _upd_body,
    out_shape=(jax.ShapeDtypeStruct((ROWS, COLS), jnp.float32),
               jax.ShapeDtypeStruct((ROWS, COLS), jnp.float32)))


def kernel(values, edge_index, weights):
    src = edge_index[0]
    dst = edge_index[1]
    v2 = jnp.pad(values, (0, NPAD - N)).reshape(ROWS, COLS)
    fv2 = _tanh_tc(v2)
    for _ in range(T):
        preds = _seg_sum(fv2.reshape(NPAD), src, dst, weights)
        err2 = _err_tc(v2, preds.reshape(NC, ROWS, COLS))
        back = _seg_sum(err2.reshape(NPAD), dst, src, weights)
        v2, fv2 = _upd_tc(v2, fv2, err2, back.reshape(NC, ROWS, COLS))
    return v2.reshape(-1)[:N]

# --- scband reference (transcript-rebuilt; emitter-appended) ---
"""Pipeline reference for scband-pcgraph-conv-83537113907851 (READ-ONLY COPY).

The authoritative reference and input builder live on the scoring server;
editing this copy changes nothing except your own understanding.
"""

import jax, jax.numpy as jnp
import numpy as np
import math

N = 100000          # num_vertices (batch_size=1)
E = 6400000         # edges in graph_structure
T = 3               # inference iterations
LR_VALUES = 0.1     # lr for value (state) updates
N_SENSORY = 784     # sensory nodes are clamped (indices 0..783)


def setup_inputs(seed: int = 0) -> dict:
    key = jax.random.key(seed)
    k1, k2, k3 = jax.random.split(key, 3)
    values = jax.random.normal(k1, (N,), dtype=jnp.float32)
    edge_index = jax.random.randint(k2, (2, E), 0, N, dtype=jnp.int32)
    # per-edge scalar weights, uniform(-k, k) with k = 1/sqrt(num_vertices)
    k = 1.0 / math.sqrt(N)
    weights = jax.random.uniform(k3, (E,), dtype=jnp.float32, minval=-k, maxval=k)
    return {"values": values, "edge_index": edge_index, "weights": weights}


def reference(values, edge_index, weights):
    # Predictive-coding graph inference (PCGraphConv forward, T value-update steps):
    #   prediction_i = sum_{j->i} w_ij * f(v_j)      (PredictionMessagePassing, f=tanh)
    #   error_i      = v_i - prediction_i
    #   dE/dv_j      = e_j - f'(v_j) * sum_{j->i} w_ij * e_i   (ValueMessagePassing)
    #   v <- v - lr_values * dE/dv   (sensory nodes clamped)
    src = edge_index[0]
    dst = edge_index[1]
    internal_mask = (jnp.arange(N) >= N_SENSORY).astype(jnp.float32)
    v = values
    for _ in range(T):
        fv = jnp.tanh(v)
        preds = jax.ops.segment_sum(weights * fv[src], dst, num_segments=N)
        errors = v - preds
        back = jax.ops.segment_sum(weights * errors[dst], src, num_segments=N)
        f_prime = 1.0 - jnp.tanh(v) ** 2
        grad_v = errors - f_prime * back
        v = v - LR_VALUES * internal_mask * grad_v
    return v

if __name__ == "__main__":
    import jax
    _d = setup_inputs()
    print(jax.jit(kernel)(*tuple(_d.values())))

</pallas_src>

<mosaic_0001>
#map = affine_map<(d0, d1) -> (0)>
#map1 = affine_map<(d0, d1) -> (0, 0)>
module attributes {stable_mosaic.version = 14 : i64} {
  func.func @_seg_body(%arg0: i32, %arg1: i32, %arg2: memref<100352xf32, #tpu.memory_space<hbm>>, %arg3: memref<6400000xi32, #tpu.memory_space<hbm>>, %arg4: memref<6400000xi32, #tpu.memory_space<hbm>>, %arg5: memref<6400000xf32, #tpu.memory_space<hbm>>, %arg6: memref<2x100352xf32, #tpu.memory_space<hbm>>, %arg7: memref<100000xf32, #tpu.memory_space<vmem>>, %arg8: memref<4000xi32, #tpu.memory_space<vmem>>, %arg9: memref<4000xf32, #tpu.memory_space<vmem>>, %arg10: memref<4000xi32, #tpu.memory_space<vmem>>, %arg11: memref<4000xi32, #tpu.memory_space<vmem>>, %arg12: memref<4000xf32, #tpu.memory_space<vmem>>, %arg13: memref<4000xf32, #tpu.memory_space<vmem>>, %arg14: memref<100352xf32, #tpu.memory_space<vmem_shared>>, %arg15: memref<!tpu.dma_semaphore, #tpu.memory_space<semaphore_mem>>, %arg16: memref<!tpu.dma_semaphore, #tpu.memory_space<semaphore_mem>>, %arg17: memref<!tpu.dma_semaphore, #tpu.memory_space<semaphore_mem>>) attributes {dimension_semantics = [#tpu.dimension_semantics<core_parallel>, #tpu.dimension_semantics<subcore_parallel>], iteration_bounds = array<i64: 2, 16>, scalar_prefetch = 0 : i64, scratch_operands = 11 : i64, tpu.core_type = #tpu.core_type<sc_vector_subcore>, window_params = [{transform_indices = #map}, {transform_indices = #map}, {transform_indices = #map}, {transform_indices = #map}, {transform_indices = #map1}]} {
    %mul3A = arith.constant 16 : i32
    %mul3A_0 = arith.muli %arg0, %mul3A : i32
    %add3A = arith.addi %mul3A_0, %arg1 : i32
    %scan3A = arith.constant 0 : i32
    %scan3A_1 = arith.constant 0 : i32
    %scan3A_2 = arith.constant 250 : i32
    %scan3A_3 = arith.addi %scan3A_1, %scan3A_2 : i32
    %scan3A_4 = arith.constant 1 : i32
    %scan3A_5 = scf.for %scan3A_75 = %scan3A_1 to %scan3A_3 step %scan3A_4 iter_args(%scan3A_76 = %scan3A) -> (i32)  : i32 {
      %broadcast_in_dim3A = arith.constant 0.000000e+00 : f32
      %broadcast_in_dim3A_77 = vector.broadcast %broadcast_in_dim3A : f32 to vector<16xf32>
      %mul3A_78 = arith.constant 16 : i32
      %mul3A_79 = arith.muli %scan3A_75, %mul3A_78 : i32
      %swap3A = arith.index_cast %mul3A_79 : i32 to index
      %swap3A_80 = tpu.vector_load %arg12[%swap3A] {strides = array<i32>} : memref<4000xf32, #tpu.memory_space<vmem>>, vector<16xf32>,
      tpu.vector_store %arg12[%swap3A], %broadcast_in_dim3A_77 {strides = array<i32>} : memref<4000xf32, #tpu.memory_space<vmem>>, vector<16xf32>,
      %scan3A_81 = arith.constant 0 : i32
      scf.yield %scan3A_81 : i32
    }
    %scan3A_6 = arith.constant 250 : i32
    %mul3A_7 = arith.constant 6272 : i32
    %mul3A_8 = arith.muli %arg1, %mul3A_7 : i32
    %multiple_of3A = tpu.assume_multiple %mul3A_8, 8 : i32
    %add3A_9 = arith.constant 0 : i32
    %add3A_10 = arith.addi %multiple_of3A, %add3A_9 : i32
    "tpu.region"() ({
      %run_scoped3A = tpu.sem_alloc : memref<!tpu.dma_semaphore, #tpu.memory_space<semaphore_mem>>
      %dma_start3A_75 = arith.constant 0 : i32
      %dma_start3A_76 = tpu.memref_slice %arg12[%dma_start3A_75] : memref<4000xf32, #tpu.memory_space<vmem>> -> memref<4000xf32, #tpu.memory_space<vmem>>
      %dma_start3A_77 = tpu.memref_slice %arg14[%add3A_10] : memref<100352xf32, #tpu.memory_space<vmem_shared>> -> memref<4000xf32, #tpu.memory_space<vmem_shared>>
      %dma_start3A_78 = tpu.memref_slice %arg14[%add3A_10] : memref<100352xf32, #tpu.memory_space<vmem_shared>> -> memref<4000xf32, #tpu.memory_space<vmem_shared>>
      %dma_start3A_79 = arith.constant 0 : i32
      %dma_start3A_80 = tpu.memref_slice %arg12[%dma_start3A_79] : memref<4000xf32, #tpu.memory_space<vmem>> -> memref<4000xf32, #tpu.memory_space<vmem>>
      tpu.enqueue_dma source(%dma_start3A_80 : memref<4000xf32, #tpu.memory_space<vmem>>) target(%dma_start3A_78 : memref<4000xf32, #tpu.memory_space<vmem_shared>>) target_semaphore(%run_scoped3A : memref<!tpu.dma_semaphore, #tpu.memory_space<semaphore_mem>>)
      %dma_wait3A_81 = arith.constant 0 : i32
      %dma_wait3A_82 = tpu.memref_slice %arg12[%dma_wait3A_81] : memref<4000xf32, #tpu.memory_space<vmem>> -> memref<4000xf32, #tpu.memory_space<vmem>>
      %dma_wait3A_83 = tpu.memref_slice %arg14[%add3A_10] : memref<100352xf32, #tpu.memory_space<vmem_shared>> -> memref<4000xf32, #tpu.memory_space<vmem_shared>>
      %dma_wait3A_84 = tpu.memref_slice %arg14[%add3A_10] : memref<100352xf32, #tpu.memory_space<vmem_shared>> -> memref<4000xf32, #tpu.memory_space<vmem_shared>>
      %dma_wait3A_85 = arith.constant 0 : i32
      %dma_wait3A_86 = tpu.memref_slice %arg12[%dma_wait3A_85] : memref<4000xf32, #tpu.memory_space<vmem>> -> memref<4000xf32, #tpu.memory_space<vmem>>
      tpu.wait_dma2 semaphore(%run_scoped3A : memref<!tpu.dma_semaphore, #tpu.memory_space<semaphore_mem>>) src(%dma_wait3A_86 : memref<4000xf32, #tpu.memory_space<vmem>>) dst(%dma_wait3A_84 : memref<4000xf32, #tpu.memory_space<vmem_shared>>)
      tpu.yield
    }) : () -> ()
    %add3A_11 = arith.constant 4000 : i32
    %add3A_12 = arith.addi %multiple_of3A, %add3A_11 : i32
    "tpu.region"() ({
      %run_scoped3A = tpu.sem_alloc : memref<!tpu.dma_semaphore, #tpu.memory_space<semaphore_mem>>
      %dma_start3A_75 = arith.constant 0 : i32
      %dma_start3A_76 = tpu.memref_slice %arg12[%dma_start3A_75] : memref<4000xf32, #tpu.memory_space<vmem>> -> memref<2272xf32, #tpu.memory_space<vmem>>
      %dma_start3A_77 = tpu.memref_slice %arg14[%add3A_12] : memref<100352xf32, #tpu.memory_space<vmem_shared>> -> memref<2272xf32, #tpu.memory_space<vmem_shared>>
      %dma_start3A_78 = tpu.memref_slice %arg14[%add3A_12] : memref<100352xf32, #tpu.memory_space<vmem_shared>> -> memref<2272xf32, #tpu.memory_space<vmem_shared>>
      %dma_start3A_79 = arith.constant 0 : i32
      %dma_start3A_80 = tpu.memref_slice %arg12[%dma_start3A_79] : memref<4000xf32, #tpu.memory_space<vmem>> -> memref<2272xf32, #tpu.memory_space<vmem>>
      tpu.enqueue_dma source(%dma_start3A_80 : memref<2272xf32, #tpu.memory_space<vmem>>) target(%dma_start3A_78 : memref<2272xf32, #tpu.memory_space<vmem_shared>>) target_semaphore(%run_scoped3A : memref<!tpu.dma_semaphore, #tpu.memory_space<semaphore_mem>>)
      %dma_wait3A_81 = arith.constant 0 : i32
      %dma_wait3A_82 = tpu.memref_slice %arg12[%dma_wait3A_81] : memref<4000xf32, #tpu.memory_space<vmem>> -> memref<2272xf32, #tpu.memory_space<vmem>>
      %dma_wait3A_83 = tpu.memref_slice %arg14[%add3A_12] : memref<100352xf32, #tpu.memory_space<vmem_shared>> -> memref<2272xf32, #tpu.memory_space<vmem_shared>>
      %dma_wait3A_84 = tpu.memref_slice %arg14[%add3A_12] : memref<100352xf32, #tpu.memory_space<vmem_shared>> -> memref<2272xf32, #tpu.memory_space<vmem_shared>>
      %dma_wait3A_85 = arith.constant 0 : i32
      %dma_wait3A_86 = tpu.memref_slice %arg12[%dma_wait3A_85] : memref<4000xf32, #tpu.memory_space<vmem>> -> memref<2272xf32, #tpu.memory_space<vmem>>
      tpu.wait_dma2 semaphore(%run_scoped3A : memref<!tpu.dma_semaphore, #tpu.memory_space<semaphore_mem>>) src(%dma_wait3A_86 : memref<2272xf32, #tpu.memory_space<vmem>>) dst(%dma_wait3A_84 : memref<2272xf32, #tpu.memory_space<vmem_shared>>)
      tpu.yield
    }) : () -> ()
    "tpu.region"() ({
      %run_scoped3A = tpu.sem_alloc : memref<!tpu.dma_semaphore, #tpu.memory_space<semaphore_mem>>
      %dma_start3A_75 = arith.constant 0 : i32
      %dma_start3A_76 = tpu.memref_slice %arg2[%dma_start3A_75] : memref<100352xf32, #tpu.memory_space<hbm>> -> memref<100000xf32, #tpu.memory_space<hbm>>
      %dma_start3A_77 = arith.constant 0 : i32
      %dma_start3A_78 = tpu.memref_slice %arg2[%dma_start3A_77] : memref<100352xf32, #tpu.memory_space<hbm>> -> memref<100000xf32, #tpu.memory_space<hbm>>
      tpu.enqueue_dma source(%dma_start3A_78 : memref<100000xf32, #tpu.memory_space<hbm>>) target(%arg7 : memref<100000xf32, #tpu.memory_space<vmem>>) target_semaphore(%run_scoped3A : memref<!tpu.dma_semaphore, #tpu.memory_space<semaphore_mem>>)
      %dma_wait3A_79 = arith.constant 0 : i32
      %dma_wait3A_80 = tpu.memref_slice %arg2[%dma_wait3A_79] : memref<100352xf32, #tpu.memory_space<hbm>> -> memref<100000xf32, #tpu.memory_space<hbm>>
      %dma_wait3A_81 = arith.constant 0 : i32
      %dma_wait3A_82 = tpu.memref_slice %arg2[%dma_wait3A_81] : memref<100352xf32, #tpu.memory_space<hbm>> -> memref<100000xf32, #tpu.memory_space<hbm>>
      tpu.wait_dma2 semaphore(%run_scoped3A : memref<!tpu.dma_semaphore, #tpu.memory_space<semaphore_mem>>) src(%dma_wait3A_82 : memref<100000xf32, #tpu.memory_space<hbm>>) dst(%arg7 : memref<100000xf32, #tpu.memory_space<vmem>>)
      tpu.yield
    }) : () -> ()
    %barrier3A = arith.constant 0 : index
    tpu.barrier barrier_id(%barrier3A)
    %mul3A_13 = arith.constant 200000 : i32
    %mul3A_14 = arith.muli %add3A, %mul3A_13 : i32
    %add3A_15 = arith.constant 0 : i32
    %add3A_16 = arith.addi %mul3A_14, %add3A_15 : i32
    %multiple_of3A_17 = tpu.assume_multiple %add3A_16, 8 : i32
    %dma_start3A = tpu.memref_slice %arg3[%multiple_of3A_17] : memref<6400000xi32, #tpu.memory_space<hbm>> -> memref<4000xi32, #tpu.memory_space<hbm>>
    %dma_start3A_18 = tpu.memref_slice %arg3[%multiple_of3A_17] : memref<6400000xi32, #tpu.memory_space<hbm>> -> memref<4000xi32, #tpu.memory_space<hbm>>
    tpu.enqueue_dma source(%dma_start3A_18 : memref<4000xi32, #tpu.memory_space<hbm>>) target(%arg8 : memref<4000xi32, #tpu.memory_space<vmem>>) target_semaphore(%arg15 : memref<!tpu.dma_semaphore, #tpu.memory_space<semaphore_mem>>)
    %dma_start3A_19 = tpu.memref_slice %arg4[%multiple_of3A_17] : memref<6400000xi32, #tpu.memory_space<hbm>> -> memref<4000xi32, #tpu.memory_space<hbm>>
    %dma_start3A_20 = tpu.memref_slice %arg4[%multiple_of3A_17] : memref<6400000xi32, #tpu.memory_space<hbm>> -> memref<4000xi32, #tpu.memory_space<hbm>>
    tpu.enqueue_dma source(%dma_start3A_20 : memref<4000xi32, #tpu.memory_space<hbm>>) target(%arg10 : memref<4000xi32, #tpu.memory_space<vmem>>) target_semaphore(%arg15 : memref<!tpu.dma_semaphore, #tpu.memory_space<semaphore_mem>>)
    %dma_start3A_21 = tpu.memref_slice %arg5[%multiple_of3A_17] : memref<6400000xf32, #tpu.memory_space<hbm>> -> memref<4000xf32, #tpu.memory_space<hbm>>
    %dma_start3A_22 = tpu.memref_slice %arg5[%multiple_of3A_17] : memref<6400000xf32, #tpu.memory_space<hbm>> -> memref<4000xf32, #tpu.memory_space<hbm>>
    tpu.enqueue_dma source(%dma_start3A_22 : memref<4000xf32, #tpu.memory_space<hbm>>) target(%arg9 : memref<4000xf32, #tpu.memory_space<vmem>>) target_semaphore(%arg15 : memref<!tpu.dma_semaphore, #tpu.memory_space<semaphore_mem>>)
    %dma_wait3A = tpu.memref_slice %arg3[%multiple_of3A_17] : memref<6400000xi32, #tpu.memory_space<hbm>> -> memref<4000xi32, #tpu.memory_space<hbm>>
    %dma_wait3A_23 = tpu.memref_slice %arg3[%multiple_of3A_17] : memref<6400000xi32, #tpu.memory_space<hbm>> -> memref<4000xi32, #tpu.memory_space<hbm>>
    tpu.wait_dma2 semaphore(%arg15 : memref<!tpu.dma_semaphore, #tpu.memory_space<semaphore_mem>>) src(%dma_wait3A_23 : memref<4000xi32, #tpu.memory_space<hbm>>) dst(%arg8 : memref<4000xi32, #tpu.memory_space<vmem>>)
    %dma_wait3A_24 = tpu.memref_slice %arg4[%multiple_of3A_17] : memref<6400000xi32, #tpu.memory_space<hbm>> -> memref<4000xi32, #tpu.memory_space<hbm>>
    %dma_wait3A_25 = tpu.memref_slice %arg4[%multiple_of3A_17] : memref<6400000xi32, #tpu.memory_space<hbm>> -> memref<4000xi32, #tpu.memory_space<hbm>>
    tpu.wait_dma2 semaphore(%arg15 : memref<!tpu.dma_semaphore, #tpu.memory_space<semaphore_mem>>) src(%dma_wait3A_25 : memref<4000xi32, #tpu.memory_space<hbm>>) dst(%arg10 : memref<4000xi32, #tpu.memory_space<vmem>>)
    %dma_wait3A_26 = tpu.memref_slice %arg5[%multiple_of3A_17] : memref<6400000xf32, #tpu.memory_space<hbm>> -> memref<4000xf32, #tpu.memory_space<hbm>>
    %dma_wait3A_27 = tpu.memref_slice %arg5[%multiple_of3A_17] : memref<6400000xf32, #tpu.memory_space<hbm>> -> memref<4000xf32, #tpu.memory_space<hbm>>
    tpu.wait_dma2 semaphore(%arg15 : memref<!tpu.dma_semaphore, #tpu.memory_space<semaphore_mem>>) src(%dma_wait3A_27 : memref<4000xf32, #tpu.memory_space<hbm>>) dst(%arg9 : memref<4000xf32, #tpu.memory_space<vmem>>)
    %scan3A_28 = arith.constant 0 : i32
    %scan3A_29 = arith.constant 0 : i32
    %scan3A_30 = arith.constant 250 : i32
    %scan3A_31 = arith.addi %scan3A_29, %scan3A_30 : i32
    %scan3A_32 = arith.constant 1 : i32
    %scan3A_33 = scf.for %scan3A_75 = %scan3A_29 to %scan3A_31 step %scan3A_32 iter_args(%scan3A_76 = %scan3A_28) -> (i32)  : i32 {
      %mul3A_77 = arith.constant 16 : i32
      %mul3A_78 = arith.muli %scan3A_75, %mul3A_77 : i32
      %multiple_of3A_79 = tpu.assume_multiple %mul3A_78, 16 : i32
      %get3A = arith.index_cast %multiple_of3A_79 : i32 to index
      %get3A_80 = tpu.vector_load %arg8[%get3A] {strides = array<i32>} : memref<4000xi32, #tpu.memory_space<vmem>>, vector<16xi32>,
      %gather3A = tpu.vector_load_idx %arg7[%get3A_80] : memref<100000xf32, #tpu.memory_space<vmem>>[vector<16xi32>], vector<16xf32>,
      %get3A_81 = arith.index_cast %multiple_of3A_79 : i32 to index
      %get3A_82 = tpu.vector_load %arg9[%get3A_81] {strides = array<i32>} : memref<4000xf32, #tpu.memory_space<vmem>>, vector<16xf32>,
      %mul3A_83 = arith.mulf %get3A_82, %gather3A : vector<16xf32>
      %swap3A = arith.index_cast %multiple_of3A_79 : i32 to index
      %swap3A_84 = tpu.vector_load %arg12[%swap3A] {strides = array<i32>} : memref<4000xf32, #tpu.memory_space<vmem>>, vector<16xf32>,
      tpu.vector_store %arg12[%swap3A], %mul3A_83 {strides = array<i32>} : memref<4000xf32, #tpu.memory_space<vmem>>, vector<16xf32>,
      %scan3A_85 = arith.constant 0 : i32
      scf.yield %scan3A_85 : i32
    }
    %scan3A_34 = arith.constant 250 : i32
    %dma_start3A_35 = arith.constant 0 : i32
    %dma_start3A_36 = tpu.memref_slice %arg14[%dma_start3A_35] : memref<100352xf32, #tpu.memory_space<vmem_shared>> -> memref<100352xf32, #tpu.memory_space<vmem_shared>>
    tpu.enqueue_indirect_dma source(%arg12 : memref<4000xf32, #tpu.memory_space<vmem>>) target(%dma_start3A_36 : memref<100352xf32, #tpu.memory_space<vmem_shared>>) offsets(%arg10 : memref<4000xi32, #tpu.memory_space<vmem>>) semaphore(%arg16 : memref<!tpu.dma_semaphore, #tpu.memory_space<semaphore_mem>>) {add = true}
    %mul3A_37 = arith.constant 200000 : i32
    %mul3A_38 = arith.muli %add3A, %mul3A_37 : i32
    %add3A_39 = arith.constant 4000 : i32
    %add3A_40 = arith.addi %mul3A_38, %add3A_39 : i32
    %multiple_of3A_41 = tpu.assume_multiple %add3A_40, 8 : i32
    %dma_start3A_42 = tpu.memref_slice %arg3[%multiple_of3A_41] : memref<6400000xi32, #tpu.memory_space<hbm>> -> memref<4000xi32, #tpu.memory_space<hbm>>
    %dma_start3A_43 = tpu.memref_slice %arg3[%multiple_of3A_41] : memref<6400000xi32, #tpu.memory_space<hbm>> -> memref<4000xi32, #tpu.memory_space<hbm>>
    tpu.enqueue_dma source(%dma_start3A_43 : memref<4000xi32, #tpu.memory_space<hbm>>) target(%arg8 : memref<4000xi32, #tpu.memory_space<vmem>>) target_semaphore(%arg15 : memref<!tpu.dma_semaphore, #tpu.memory_space<semaphore_mem>>)
    %dma_start3A_44 = tpu.memref_slice %arg4[%multiple_of3A_41] : memref<6400000xi32, #tpu.memory_space<hbm>> -> memref<4000xi32, #tpu.memory_space<hbm>>
    %dma_start3A_45 = tpu.memref_slice %arg4[%multiple_of3A_41] : memref<6400000xi32, #tpu.memory_space<hbm>> -> memref<4000xi32, #tpu.memory_space<hbm>>
    tpu.enqueue_dma source(%dma_start3A_45 : memref<4000xi32, #tpu.memory_space<hbm>>) target(%arg11 : memref<4000xi32, #tpu.memory_space<vmem>>) target_semaphore(%arg15 : memref<!tpu.dma_semaphore, #tpu.memory_space<semaphore_mem>>)
    %dma_start3A_46 = tpu.memref_slice %arg5[%multiple_of3A_41] : memref<6400000xf32, #tpu.memory_space<hbm>> -> memref<4000xf32, #tpu.memory_space<hbm>>
    %dma_start3A_47 = tpu.memref_slice %arg5[%multiple_of3A_41] : memref<6400000xf32, #tpu.memory_space<hbm>> -> memref<4000xf32, #tpu.memory_space<hbm>>
    tpu.enqueue_dma source(%dma_start3A_47 : memref<4000xf32, #tpu.memory_space<hbm>>) target(%arg9 : memref<4000xf32, #tpu.memory_space<vmem>>) target_semaphore(%arg15 : memref<!tpu.dma_semaphore, #tpu.memory_space<semaphore_mem>>)
    %dma_wait3A_48 = tpu.memref_slice %arg3[%multiple_of3A_41] : memref<6400000xi32, #tpu.memory_space<hbm>> -> memref<4000xi32, #tpu.memory_space<hbm>>
    %dma_wait3A_49 = tpu.memref_slice %arg3[%multiple_of3A_41] : memref<6400000xi32, #tpu.memory_space<hbm>> -> memref<4000xi32, #tpu.memory_space<hbm>>
    tpu.wait_dma2 semaphore(%arg15 : memref<!tpu.dma_semaphore, #tpu.memory_space<semaphore_mem>>) src(%dma_wait3A_49 : memref<4000xi32, #tpu.memory_space<hbm>>) dst(%arg8 : memref<4000xi32, #tpu.memory_space<vmem>>)
    %dma_wait3A_50 = tpu.memref_slice %arg4[%multiple_of3A_41] : memref<6400000xi32, #tpu.memory_space<hbm>> -> memref<4000xi32, #tpu.memory_space<hbm>>
    %dma_wait3A_51 = tpu.memref_slice %arg4[%multiple_of3A_41] : memref<6400000xi32, #tpu.memory_space<hbm>> -> memref<4000xi32, #tpu.memory_space<hbm>>
    tpu.wait_dma2 semaphore(%arg15 : memref<!tpu.dma_semaphore, #tpu.memory_space<semaphore_mem>>) src(%dma_wait3A_51 : memref<4000xi32, #tpu.memory_space<hbm>>) dst(%arg11 : memref<4000xi32, #tpu.memory_space<vmem>>)
    %dma_wait3A_52 = tpu.memref_slice %arg5[%multiple_of3A_41] : memref<6400000xf32, #tpu.memory_space<hbm>> -> memref<4000xf32, #tpu.memory_space<hbm>>
    %dma_wait3A_53 = tpu.memref_slice %arg5[%multiple_of3A_41] : memref<6400000xf32, #tpu.memory_space<hbm>> -> memref<4000xf32, #tpu.memory_space<hbm>>
    tpu.wait_dma2 semaphore(%arg15 : memref<!tpu.dma_semaphore, #tpu.memory_space<semaphore_mem>>) src(%dma_wait3A_53 : memref<4000xf32, #tpu.memory_space<hbm>>) dst(%arg9 : memref<4000xf32, #tpu.memory_space<vmem>>)
    %scan3A_54 = arith.constant 0 : i32
    %scan3A_55 = arith.constant 0 : i32
    %scan3A_56 = arith.constant 250 : i32
    %scan3A_57 = arith.addi %scan3A_55, %scan3A_56 : i32
    %scan3A_58 = arith.constant 1 : i32
    %scan3A_59 = scf.for %scan3A_75 = %scan3A_55 to %scan3A_57 step %scan3A_58 iter_args(%scan3A_76 = %scan3A_54) -> (i32)  : i32 {
      %mul3A_77 = arith.constant 16 : i32
      %mul3A_78 = arith.muli %scan3A_75, %mul3A_77 : i32
      %multiple_of3A_79 = tpu.assume_multiple %mul3A_78, 16 : i32
      %get3A = arith.index_cast %multiple_of3A_79 : i32 to index
      %get3A_80 = tpu.vector_load %arg8[%get3A] {strides = array<i32>} : memref<4000xi32, #tpu.memory_space<vmem>>, vector<16xi32>,
      %gather3A = tpu.vector_load_idx %arg7[%get3A_80] : memref<100000xf32, #tpu.memory_space<vmem>>[vector<16xi32>], vector<16xf32>,
      %get3A_81 = arith.index_cast %multiple_of3A_79 : i32 to index
      %get3A_82 = tpu.vector_load %arg9[%get3A_81] {strides = array<i32>} : memref<4000xf32, #tpu.memory_space<vmem>>, vector<16xf32>,
      %mul3A_83 = arith.mulf %get3A_82, %gather3A : vector<16xf32>
      %swap3A = arith.index_cast %multiple_of3A_79 : i32 to index
      %swap3A_84 = tpu.vector_load %arg13[%swap3A] {strides = array<i32>} : memref<4000xf32, #tpu.memory_space<vmem>>, vector<16xf32>,
      tpu.vector_store %arg13[%swap3A], %mul3A_83 {strides = array<i32>} : memref<4000xf32, #tpu.memory_space<vmem>>, vector<16xf32>,
      %scan3A_85 = arith.constant 0 : i32
      scf.yield %scan3A_85 : i32
    }
    %scan3A_60 = arith.constant 250 : i32
    %dma_start3A_61 = arith.constant 0 : i32
    %dma_start3A_62 = tpu.memref_slice %arg14[%dma_start3A_61] : memref<100352xf32, #tpu.memory_space<vmem_shared>> -> memref<100352xf32, #tpu.memory_space<vmem_shared>>
    tpu.enqueue_indirect_dma source(%arg13 : memref<4000xf32, #tpu.memory_space<vmem>>) target(%dma_start3A_62 : memref<100352xf32, #tpu.memory_space<vmem_shared>>) offsets(%arg11 : memref<4000xi32, #tpu.memory_space<vmem>>) semaphore(%arg17 : memref<!tpu.dma_semaphore, #tpu.memory_space<semaphore_mem>>) {add = true}
    %scan3A_63 = arith.constant 0 : i32
    %scan3A_64 = arith.constant 1 : i32
    %scan3A_65 = arith.constant 24 : i32
    %scan3A_66 = arith.addi %scan3A_64, %scan3A_65 : i32
    %scan3A_67 = arith.constant 1 : i32
    %scan3A_68 = scf.for %scan3A_75 = %scan3A_64 to %scan3A_66 step %scan3A_67 iter_args(%scan3A_76 = %scan3A_63) -> (i32)  : i32 {
      %dma_wait3A_77 = arith.constant 0 : i32
      %dma_wait3A_78 = tpu.memref_slice %arg14[%dma_wait3A_77] : memref<100352xf32, #tpu.memory_space<vmem_shared>> -> memref<100352xf32, #tpu.memory_space<vmem_shared>>
      tpu.wait_indirect_dma semaphore(%arg16 : memref<!tpu.dma_semaphore, #tpu.memory_space<semaphore_mem>>) src(%arg12 : memref<4000xf32, #tpu.memory_space<vmem>>) dst(%dma_wait3A_78 : memref<100352xf32, #tpu.memory_space<vmem_shared>>)
      %mul3A_79 = arith.constant 2 : i32
      %mul3A_80 = arith.muli %mul3A_79, %scan3A_75 : i32
      %add3A_81 = arith.constant 0 : i32
      %add3A_82 = arith.addi %mul3A_80, %add3A_81 : i32
      %mul3A_83 = arith.constant 200000 : i32
      %mul3A_84 = arith.muli %add3A, %mul3A_83 : i32
      %mul3A_85 = arith.constant 4000 : i32
      %mul3A_86 = arith.muli %add3A_82, %mul3A_85 : i32
      %add3A_87 = arith.addi %mul3A_84, %mul3A_86 : i32
      %multiple_of3A_88 = tpu.assume_multiple %add3A_87, 8 : i32
      %dma_start3A_89 = tpu.memref_slice %arg3[%multiple_of3A_88] : memref<6400000xi32, #tpu.memory_space<hbm>> -> memref<4000xi32, #tpu.memory_space<hbm>>
      %dma_start3A_90 = tpu.memref_slice %arg3[%multiple_of3A_88] : memref<6400000xi32, #tpu.memory_space<hbm>> -> memref<4000xi32, #tpu.memory_space<hbm>>
      tpu.enqueue_dma source(%dma_start3A_90 : memref<4000xi32, #tpu.memory_space<hbm>>) target(%arg8 : memref<4000xi32, #tpu.memory_space<vmem>>) target_semaphore(%arg15 : memref<!tpu.dma_semaphore, #tpu.memory_space<semaphore_mem>>)
      %dma_start3A_91 = tpu.memref_slice %arg4[%multiple_of3A_88] : memref<6400000xi32, #tpu.memory_space<hbm>> -> memref<4000xi32, #tpu.memory_space<hbm>>
      %dma_start3A_92 = tpu.memref_slice %arg4[%multiple_of3A_88] : memref<6400000xi32, #tpu.memory_space<hbm>> -> memref<4000xi32, #tpu.memory_space<hbm>>
      tpu.enqueue_dma source(%dma_start3A_92 : memref<4000xi32, #tpu.memory_space<hbm>>) target(%arg10 : memref<4000xi32, #tpu.memory_space<vmem>>) target_semaphore(%arg15 : memref<!tpu.dma_semaphore, #tpu.memory_space<semaphore_mem>>)
      %dma_start3A_93 = tpu.memref_slice %arg5[%multiple_of3A_88] : memref<6400000xf32, #tpu.memory_space<hbm>> -> memref<4000xf32, #tpu.memory_space<hbm>>
      %dma_start3A_94 = tpu.memref_slice %arg5[%multiple_of3A_88] : memref<6400000xf32, #tpu.memory_space<hbm>> -> memref<4000xf32, #tpu.memory_space<hbm>>
      tpu.enqueue_dma source(%dma_start3A_94 : memref<4000xf32, #tpu.memory_space<hbm>>) target(%arg9 : memref<4000xf32, #tpu.memory_space<vmem>>) target_semaphore(%arg15 : memref<!tpu.dma_semaphore, #tpu.memory_space<semaphore_mem>>)
      %dma_wait3A_95 = tpu.memref_slice %arg3[%multiple_of3A_88] : memref<6400000xi32, #tpu.memory_space<hbm>> -> memref<4000xi32, #tpu.memory_space<hbm>>
      %dma_wait3A_96 = tpu.memref_slice %arg3[%multiple_of3A_88] : memref<6400000xi32, #tpu.memory_space<hbm>> -> memref<4000xi32, #tpu.memory_space<hbm>>
      tpu.wait_dma2 semaphore(%arg15 : memref<!tpu.dma_semaphore, #tpu.memory_space<semaphore_mem>>) src(%dma_wait3A_96 : memref<4000xi32, #tpu.memory_space<hbm>>) dst(%arg8 : memref<4000xi32, #tpu.memory_space<vmem>>)
      %dma_wait3A_97 = tpu.memref_slice %arg4[%multiple_of3A_88] : memref<6400000xi32, #tpu.memory_space<hbm>> -> memref<4000xi32, #tpu.memory_space<hbm>>
      %dma_wait3A_98 = tpu.memref_slice %arg4[%multiple_of3A_88] : memref<6400000xi32, #tpu.memory_space<hbm>> -> memref<4000xi32, #tpu.memory_space<hbm>>
      tpu.wait_dma2 semaphore(%arg15 : memref<!tpu.dma_semaphore, #tpu.memory_space<semaphore_mem>>) src(%dma_wait3A_98 : memref<4000xi32, #tpu.memory_space<hbm>>) dst(%arg10 : memref<4000xi32, #tpu.memory_space<vmem>>)
      %dma_wait3A_99 = tpu.memref_slice %arg5[%multiple_of3A_88] : memref<6400000xf32, #tpu.memory_space<hbm>> -> memref<4000xf32, #tpu.memory_space<hbm>>
      %dma_wait3A_100 = tpu.memref_slice %arg5[%multiple_of3A_88] : memref<6400000xf32, #tpu.memory_space<hbm>> -> memref<4000xf32, #tpu.memory_space<hbm>>
      tpu.wait_dma2 semaphore(%arg15 : memref<!tpu.dma_semaphore, #tpu.memory_space<semaphore_mem>>) src(%dma_wait3A_100 : memref<4000xf32, #tpu.memory_space<hbm>>) dst(%arg9 : memref<4000xf32, #tpu.memory_space<vmem>>)
      %scan3A_101 = arith.constant 0 : i32
      %scan3A_102 = arith.constant 0 : i32
      %scan3A_103 = arith.constant 250 : i32
      %scan3A_104 = arith.addi %scan3A_102, %scan3A_103 : i32
      %scan3A_105 = arith.constant 1 : i32
      %scan3A_106 = scf.for %scan3A_144 = %scan3A_102 to %scan3A_104 step %scan3A_105 iter_args(%scan3A_145 = %scan3A_101) -> (i32)  : i32 {
        %mul3A_146 = arith.constant 16 : i32
        %mul3A_147 = arith.muli %scan3A_144, %mul3A_146 : i32
        %multiple_of3A_148 = tpu.assume_multiple %mul3A_147, 16 : i32
        %get3A = arith.index_cast %multiple_of3A_148 : i32 to index
        %get3A_149 = tpu.vector_load %arg8[%get3A] {strides = array<i32>} : memref<4000xi32, #tpu.memory_space<vmem>>, vector<16xi32>,
        %gather3A = tpu.vector_load_idx %arg7[%get3A_149] : memref<100000xf32, #tpu.memory_space<vmem>>[vector<16xi32>], vector<16xf32>,
        %get3A_150 = arith.index_cast %multiple_of3A_148 : i32 to index
        %get3A_151 = tpu.vector_load %arg9[%get3A_150] {strides = array<i32>} : memref<4000xf32, #tpu.memory_space<vmem>>, vector<16xf32>,
        %mul3A_152 = arith.mulf %get3A_151, %gather3A : vector<16xf32>
        %swap3A = arith.index_cast %multiple_of3A_148 : i32 to index
        %swap3A_153 = tpu.vector_load %arg12[%swap3A] {strides = array<i32>} : memref<4000xf32, #tpu.memory_space<vmem>>, vector<16xf32>,
        tpu.vector_store %arg12[%swap3A], %mul3A_152 {strides = array<i32>} : memref<4000xf32, #tpu.memory_space<vmem>>, vector<16xf32>,
        %scan3A_154 = arith.constant 0 : i32
        scf.yield %scan3A_154 : i32
      }
      %scan3A_107 = arith.constant 250 : i32
      %dma_start3A_108 = arith.constant 0 : i32
      %dma_start3A_109 = tpu.memref_slice %arg14[%dma_start3A_108] : memref<100352xf32, #tpu.memory_space<vmem_shared>> -> memref<100352xf32, #tpu.memory_space<vmem_shared>>
      tpu.enqueue_indirect_dma source(%arg12 : memref<4000xf32, #tpu.memory_space<vmem>>) target(%dma_start3A_109 : memref<100352xf32, #tpu.memory_space<vmem_shared>>) offsets(%arg10 : memref<4000xi32, #tpu.memory_space<vmem>>) semaphore(%arg16 : memref<!tpu.dma_semaphore, #tpu.memory_space<semaphore_mem>>) {add = true}
      %dma_wait3A_110 = arith.constant 0 : i32
      %dma_wait3A_111 = tpu.memref_slice %arg14[%dma_wait3A_110] : memref<100352xf32, #tpu.memory_space<vmem_shared>> -> memref<100352xf32, #tpu.memory_space<vmem_shared>>
      tpu.wait_indirect_dma semaphore(%arg17 : memref<!tpu.dma_semaphore, #tpu.memory_space<semaphore_mem>>) src(%arg13 : memref<4000xf32, #tpu.memory_space<vmem>>) dst(%dma_wait3A_111 : memref<100352xf32, #tpu.memory_space<vmem_shared>>)
      %mul3A_112 = arith.constant 2 : i32
      %mul3A_113 = arith.muli %mul3A_112, %scan3A_75 : i32
      %add3A_114 = arith.constant 1 : i32
      %add3A_115 = arith.addi %mul3A_113, %add3A_114 : i32
      %mul3A_116 = arith.constant 200000 : i32
      %mul3A_117 = arith.muli %add3A, %mul3A_116 : i32
      %mul3A_118 = arith.constant 4000 : i32
      %mul3A_119 = arith.muli %add3A_115, %mul3A_118 : i32
      %add3A_120 = arith.addi %mul3A_117, %mul3A_119 : i32
      %multiple_of3A_121 = tpu.assume_multiple %add3A_120, 8 : i32
      %dma_start3A_122 = tpu.memref_slice %arg3[%multiple_of3A_121] : memref<6400000xi32, #tpu.memory_space<hbm>> -> memref<4000xi32, #tpu.memory_space<hbm>>
      %dma_start3A_123 = tpu.memref_slice %arg3[%multiple_of3A_121] : memref<6400000xi32, #tpu.memory_space<hbm>> -> memref<4000xi32, #tpu.memory_space<hbm>>
      tpu.enqueue_dma source(%dma_start3A_123 : memref<4000xi32, #tpu.memory_space<hbm>>) target(%arg8 : memref<4000xi32, #tpu.memory_space<vmem>>) target_semaphore(%arg15 : memref<!tpu.dma_semaphore, #tpu.memory_space<semaphore_mem>>)
      %dma_start3A_124 = tpu.memref_slice %arg4[%multiple_of3A_121] : memref<6400000xi32, #tpu.memory_space<hbm>> -> memref<4000xi32, #tpu.memory_space<hbm>>
      %dma_start3A_125 = tpu.memref_slice %arg4[%multiple_of3A_121] : memref<6400000xi32, #tpu.memory_space<hbm>> -> memref<4000xi32, #tpu.memory_space<hbm>>
      tpu.enqueue_dma source(%dma_start3A_125 : memref<4000xi32, #tpu.memory_space<hbm>>) target(%arg11 : memref<4000xi32, #tpu.memory_space<vmem>>) target_semaphore(%arg15 : memref<!tpu.dma_semaphore, #tpu.memory_space<semaphore_mem>>)
      %dma_start3A_126 = tpu.memref_slice %arg5[%multiple_of3A_121] : memref<6400000xf32, #tpu.memory_space<hbm>> -> memref<4000xf32, #tpu.memory_space<hbm>>
      %dma_start3A_127 = tpu.memref_slice %arg5[%multiple_of3A_121] : memref<6400000xf32, #tpu.memory_space<hbm>> -> memref<4000xf32, #tpu.memory_space<hbm>>
      tpu.enqueue_dma source(%dma_start3A_127 : memref<4000xf32, #tpu.memory_space<hbm>>) target(%arg9 : memref<4000xf32, #tpu.memory_space<vmem>>) target_semaphore(%arg15 : memref<!tpu.dma_semaphore, #tpu.memory_space<semaphore_mem>>)
      %dma_wait3A_128 = tpu.memref_slice %arg3[%multiple_of3A_121] : memref<6400000xi32, #tpu.memory_space<hbm>> -> memref<4000xi32, #tpu.memory_space<hbm>>
      %dma_wait3A_129 = tpu.memref_slice %arg3[%multiple_of3A_121] : memref<6400000xi32, #tpu.memory_space<hbm>> -> memref<4000xi32, #tpu.memory_space<hbm>>
      tpu.wait_dma2 semaphore(%arg15 : memref<!tpu.dma_semaphore, #tpu.memory_space<semaphore_mem>>) src(%dma_wait3A_129 : memref<4000xi32, #tpu.memory_space<hbm>>) dst(%arg8 : memref<4000xi32, #tpu.memory_space<vmem>>)
      %dma_wait3A_130 = tpu.memref_slice %arg4[%multiple_of3A_121] : memref<6400000xi32, #tpu.memory_space<hbm>> -> memref<4000xi32, #tpu.memory_space<hbm>>
      %dma_wait3A_131 = tpu.memref_slice %arg4[%multiple_of3A_121] : memref<6400000xi32, #tpu.memory_space<hbm>> -> memref<4000xi32, #tpu.memory_space<hbm>>
      tpu.wait_dma2 semaphore(%arg15 : memref<!tpu.dma_semaphore, #tpu.memory_space<semaphore_mem>>) src(%dma_wait3A_131 : memref<4000xi32, #tpu.memory_space<hbm>>) dst(%arg11 : memref<4000xi32, #tpu.memory_space<vmem>>)
      %dma_wait3A_132 = tpu.memref_slice %arg5[%multiple_of3A_121] : memref<6400000xf32, #tpu.memory_space<hbm>> -> memref<4000xf32, #tpu.memory_space<hbm>>
      %dma_wait3A_133 = tpu.memref_slice %arg5[%multiple_of3A_121] : memref<6400000xf32, #tpu.memory_space<hbm>> -> memref<4000xf32, #tpu.memory_space<hbm>>
      tpu.wait_dma2 semaphore(%arg15 : memref<!tpu.dma_semaphore, #tpu.memory_space<semaphore_mem>>) src(%dma_wait3A_133 : memref<4000xf32, #tpu.memory_space<hbm>>) dst(%arg9 : memref<4000xf32, #tpu.memory_space<vmem>>)
      %scan3A_134 = arith.constant 0 : i32
      %scan3A_135 = arith.constant 0 : i32
      %scan3A_136 = arith.constant 250 : i32
      %scan3A_137 = arith.addi %scan3A_135, %scan3A_136 : i32
      %scan3A_138 = arith.constant 1 : i32
      %scan3A_139 = scf.for %scan3A_144 = %scan3A_135 to %scan3A_137 step %scan3A_138 iter_args(%scan3A_145 = %scan3A_134) -> (i32)  : i32 {
        %mul3A_146 = arith.constant 16 : i32
        %mul3A_147 = arith.muli %scan3A_144, %mul3A_146 : i32
        %multiple_of3A_148 = tpu.assume_multiple %mul3A_147, 16 : i32
        %get3A = arith.index_cast %multiple_of3A_148 : i32 to index
        %get3A_149 = tpu.vector_load %arg8[%get3A] {strides = array<i32>} : memref<4000xi32, #tpu.memory_space<vmem>>, vector<16xi32>,
        %gather3A = tpu.vector_load_idx %arg7[%get3A_149] : memref<100000xf32, #tpu.memory_space<vmem>>[vector<16xi32>], vector<16xf32>,
        %get3A_150 = arith.index_cast %multiple_of3A_148 : i32 to index
        %get3A_151 = tpu.vector_load %arg9[%get3A_150] {strides = array<i32>} : memref<4000xf32, #tpu.memory_space<vmem>>, vector<16xf32>,
        %mul3A_152 = arith.mulf %get3A_151, %gather3A : vector<16xf32>
        %swap3A = arith.index_cast %multiple_of3A_148 : i32 to index
        %swap3A_153 = tpu.vector_load %arg13[%swap3A] {strides = array<i32>} : memref<4000xf32, #tpu.memory_space<vmem>>, vector<16xf32>,
        tpu.vector_store %arg13[%swap3A], %mul3A_152 {strides = array<i32>} : memref<4000xf32, #tpu.memory_space<vmem>>, vector<16xf32>,
        %scan3A_154 = arith.constant 0 : i32
        scf.yield %scan3A_154 : i32
      }
      %scan3A_140 = arith.constant 250 : i32
      %dma_start3A_141 = arith.constant 0 : i32
      %dma_start3A_142 = tpu.memref_slice %arg14[%dma_start3A_141] : memref<100352xf32, #tpu.memory_space<vmem_shared>> -> memref<100352xf32, #tpu.memory_space<vmem_shared>>
      tpu.enqueue_indirect_dma source(%arg13 : memref<4000xf32, #tpu.memory_space<vmem>>) target(%dma_start3A_142 : memref<100352xf32, #tpu.memory_space<vmem_shared>>) offsets(%arg11 : memref<4000xi32, #tpu.memory_space<vmem>>) semaphore(%arg17 : memref<!tpu.dma_semaphore, #tpu.memory_space<semaphore_mem>>) {add = true}
      %scan3A_143 = arith.constant 0 : i32
      scf.yield %scan3A_143 : i32
    }
    %scan3A_69 = arith.constant 24 : i32
    %dma_wait3A_70 = arith.constant 0 : i32
    %dma_wait3A_71 = tpu.memref_slice %arg14[%dma_wait3A_70] : memref<100352xf32, #tpu.memory_space<vmem_shared>> -> memref<100352xf32, #tpu.memory_space<vmem_shared>>
    tpu.wait_indirect_dma semaphore(%arg16 : memref<!tpu.dma_semaphore, #tpu.memory_space<semaphore_mem>>) src(%arg12 : memref<4000xf32, #tpu.memory_space<vmem>>) dst(%dma_wait3A_71 : memref<100352xf32, #tpu.memory_space<vmem_shared>>)
    %dma_wait3A_72 = arith.constant 0 : i32
    %dma_wait3A_73 = tpu.memref_slice %arg14[%dma_wait3A_72] : memref<100352xf32, #tpu.memory_space<vmem_shared>> -> memref<100352xf32, #tpu.memory_space<vmem_shared>>
    tpu.wait_indirect_dma semaphore(%arg17 : memref<!tpu.dma_semaphore, #tpu.memory_space<semaphore_mem>>) src(%arg13 : memref<4000xf32, #tpu.memory_space<vmem>>) dst(%dma_wait3A_73 : memref<100352xf32, #tpu.memory_space<vmem_shared>>)
    %barrier3A_74 = arith.constant 0 : index
    tpu.barrier barrier_id(%barrier3A_74)
    "tpu.region"() ({
      %run_scoped3A = tpu.sem_alloc : memref<!tpu.dma_semaphore, #tpu.memory_space<semaphore_mem>>
      %dma_start3A_75 = tpu.memref_slice %arg6[%arg0, %multiple_of3A] : memref<2x100352xf32, #tpu.memory_space<hbm>> -> memref<1x6272xf32, #tpu.memory_space<hbm>>
      %dma_start3A_76 = tpu.memref_squeeze %dma_start3A_75 : memref<1x6272xf32, #tpu.memory_space<hbm>> -> memref<6272xf32, #tpu.memory_space<hbm>>
      %dma_start3A_77 = tpu.memref_slice %arg14[%multiple_of3A] : memref<100352xf32, #tpu.memory_space<vmem_shared>> -> memref<6272xf32, #tpu.memory_space<vmem_shared>>
      tpu.enqueue_dma source(%dma_start3A_77 : memref<6272xf32, #tpu.memory_space<vmem_shared>>) target(%dma_start3A_76 : memref<6272xf32, #tpu.memory_space<hbm>>) target_semaphore(%run_scoped3A : memref<!tpu.dma_semaphore, #tpu.memory_space<semaphore_mem>>)
      %dma_wait3A_78 = tpu.memref_slice %arg6[%arg0, %multiple_of3A] : memref<2x100352xf32, #tpu.memory_space<hbm>> -> memref<1x6272xf32, #tpu.memory_space<hbm>>
      %dma_wait3A_79 = tpu.memref_squeeze %dma_wait3A_78 : memref<1x6272xf32, #tpu.memory_space<hbm>> -> memref<6272xf32, #tpu.memory_space<hbm>>
      %dma_wait3A_80 = tpu.memref_slice %arg14[%multiple_of3A] : memref<100352xf32, #tpu.memory_space<vmem_shared>> -> memref<6272xf32, #tpu.memory_space<vmem_shared>>
      tpu.wait_dma2 semaphore(%run_scoped3A : memref<!tpu.dma_semaphore, #tpu.memory_space<semaphore_mem>>) src(%dma_wait3A_80 : memref<6272xf32, #tpu.memory_space<vmem_shared>>) dst(%dma_wait3A_79 : memref<6272xf32, #tpu.memory_space<hbm>>)
      tpu.yield
    }) : () -> ()
    return
  }
}

#map = affine_map<(d0, d1) -> (0)>
#map1 = affine_map<(d0, d1) -> (0, 0)>
module attributes {stable_mosaic.version = 14 : i64} {
  func.func @_seg_body(%arg0: i32, %arg1: i32, %arg2: memref<100352xf32, #tpu.memory_space<hbm>>, %arg3: memref<6400000xi32, #tpu.memory_space<hbm>>, %arg4: memref<6400000xi32, #tpu.memory_space<hbm>>, %arg5: memref<6400000xf32, #tpu.memory_space<hbm>>, %arg6: memref<2x100352xf32, #tpu.memory_space<hbm>>, %arg7: memref<100000xf32, #tpu.memory_space<vmem>>, %arg8: memref<4000xi32, #tpu.memory_space<vmem>>, %arg9: memref<4000xf32, #tpu.memory_space<vmem>>, %arg10: memref<4000xi32, #tpu.memory_space<vmem>>, %arg11: memref<4000xi32, #tpu.memory_space<vmem>>, %arg12: memref<4000xf32, #tpu.memory_space<vmem>>, %arg13: memref<4000xf32, #tpu.memory_space<vmem>>, %arg14: memref<100352xf32, #tpu.memory_space<vmem_shared>>, %arg15: memref<!tpu.dma_semaphore, #tpu.memory_space<semaphore_mem>>, %arg16: memref<!tpu.dma_semaphore, #tpu.memory_space<semaphore_mem>>, %arg17: memref<!tpu.dma_semaphore, #tpu.memory_space<semaphore_mem>>) attributes {dimension_semantics = [#tpu.dimension_semantics<core_parallel>, #tpu.dimension_semantics<subcore_parallel>], iteration_bounds = array<i64: 2, 16>, scalar_prefetch = 0 : i64, scratch_operands = 11 : i64, tpu.core_type = #tpu.core_type<sc_vector_subcore>, window_params = [{transform_indices = #map}, {transform_indices = #map}, {transform_indices = #map}, {transform_indices = #map}, {transform_indices = #map1}]} {
    %mul3A = arith.constant 16 : i32
    %mul3A_0 = arith.muli %arg0, %mul3A : i32
    %add3A = arith.addi %mul3A_0, %arg1 : i32
    %scan3A = arith.constant 0 : i32
    %scan3A_1 = arith.constant 0 : i32
    %scan3A_2 = arith.constant 250 : i32
    %scan3A_3 = arith.addi %scan3A_1, %scan3A_2 : i32
    %scan3A_4 = arith.constant 1 : i32
    %scan3A_5 = scf.for %scan3A_75 = %scan3A_1 to %scan3A_3 step %scan3A_4 iter_args(%scan3A_76 = %scan3A) -> (i32)  : i32 {
      %broadcast_in_dim3A = arith.constant 0.000000e+00 : f32
      %broadcast_in_dim3A_77 = vector.broadcast %broadcast_in_dim3A : f32 to vector<16xf32>
      %mul3A_78 = arith.constant 16 : i32
      %mul3A_79 = arith.muli %scan3A_75, %mul3A_78 : i32
      %swap3A = arith.index_cast %mul3A_79 : i32 to index
      %swap3A_80 = tpu.vector_load %arg12[%swap3A] {strides = array<i32>} : memref<4000xf32, #tpu.memory_space<vmem>>, vector<16xf32>,
      tpu.vector_store %arg12[%swap3A], %broadcast_in_dim3A_77 {strides = array<i32>} : memref<4000xf32, #tpu.memory_space<vmem>>, vector<16xf32>,
      %scan3A_81 = arith.constant 0 : i32
      scf.yield %scan3A_81 : i32
    }
    %scan3A_6 = arith.constant 250 : i32
    %mul3A_7 = arith.constant 6272 : i32
    %mul3A_8 = arith.muli %arg1, %mul3A_7 : i32
    %multiple_of3A = tpu.assume_multiple %mul3A_8, 8 : i32
    %add3A_9 = arith.constant 0 : i32
    %add3A_10 = arith.addi %multiple_of3A, %add3A_9 : i32
    "tpu.region"() ({
      %run_scoped3A = tpu.sem_alloc : memref<!tpu.dma_semaphore, #tpu.memory_space<semaphore_mem>>
      %dma_start3A_75 = arith.constant 0 : i32
      %dma_start3A_76 = tpu.memref_slice %arg12[%dma_start3A_75] : memref<4000xf32, #tpu.memory_space<vmem>> -> memref<4000xf32, #tpu.memory_space<vmem>>
      %dma_start3A_77 = tpu.memref_slice %arg14[%add3A_10] : memref<100352xf32, #tpu.memory_space<vmem_shared>> -> memref<4000xf32, #tpu.memory_space<vmem_shared>>
      %dma_start3A_78 = tpu.memref_slice %arg14[%add3A_10] : memref<100352xf32, #tpu.memory_space<vmem_shared>> -> memref<4000xf32, #tpu.memory_space<vmem_shared>>
      %dma_start3A_79 = arith.constant 0 : i32
      %dma_start3A_80 = tpu.memref_slice %arg12[%dma_start3A_79] : memref<4000xf32, #tpu.memory_space<vmem>> -> memref<4000xf32, #tpu.memory_space<vmem>>
      tpu.enqueue_dma source(%dma_start3A_80 : memref<4000xf32, #tpu.memory_space<vmem>>) target(%dma_start3A_78 : memref<4000xf32, #tpu.memory_space<vmem_shared>>) target_semaphore(%run_scoped3A : memref<!tpu.dma_semaphore, #tpu.memory_space<semaphore_mem>>)
      %dma_wait3A_81 = arith.constant 0 : i32
      %dma_wait3A_82 = tpu.memref_slice %arg12[%dma_wait3A_81] : memref<4000xf32, #tpu.memory_space<vmem>> -> memref<4000xf32, #tpu.memory_space<vmem>>
      %dma_wait3A_83 = tpu.memref_slice %arg14[%add3A_10] : memref<100352xf32, #tpu.memory_space<vmem_shared>> -> memref<4000xf32, #tpu.memory_space<vmem_shared>>
      %dma_wait3A_84 = tpu.memref_slice %arg14[%add3A_10] : memref<100352xf32, #tpu.memory_space<vmem_shared>> -> memref<4000xf32, #tpu.memory_space<vmem_shared>>
      %dma_wait3A_85 = arith.constant 0 : i32
      %dma_wait3A_86 = tpu.memref_slice %arg12[%dma_wait3A_85] : memref<4000xf32, #tpu.memory_space<vmem>> -> memref<4000xf32, #tpu.memory_space<vmem>>
      tpu.wait_dma2 semaphore(%run_scoped3A : memref<!tpu.dma_semaphore, #tpu.memory_space<semaphore_mem>>) src(%dma_wait3A_86 : memref<4000xf32, #tpu.memory_space<vmem>>) dst(%dma_wait3A_84 : memref<4000xf32, #tpu.memory_space<vmem_shared>>)
      tpu.yield
    }) : () -> ()
    %add3A_11 = arith.constant 4000 : i32
    %add3A_12 = arith.addi %multiple_of3A, %add3A_11 : i32
    "tpu.region"() ({
      %run_scoped3A = tpu.sem_alloc : memref<!tpu.dma_semaphore, #tpu.memory_space<semaphore_mem>>
      %dma_start3A_75 = arith.constant 0 : i32
      %dma_start3A_76 = tpu.memref_slice %arg12[%dma_start3A_75] : memref<4000xf32, #tpu.memory_space<vmem>> -> memref<2272xf32, #tpu.memory_space<vmem>>
      %dma_start3A_77 = tpu.memref_slice %arg14[%add3A_12] : memref<100352xf32, #tpu.memory_space<vmem_shared>> -> memref<2272xf32, #tpu.memory_space<vmem_shared>>
      %dma_start3A_78 = tpu.memref_slice %arg14[%add3A_12] : memref<100352xf32, #tpu.memory_space<vmem_shared>> -> memref<2272xf32, #tpu.memory_space<vmem_shared>>
      %dma_start3A_79 = arith.constant 0 : i32
      %dma_start3A_80 = tpu.memref_slice %arg12[%dma_start3A_79] : memref<4000xf32, #tpu.memory_space<vmem>> -> memref<2272xf32, #tpu.memory_space<vmem>>
      tpu.enqueue_dma source(%dma_start3A_80 : memref<2272xf32, #tpu.memory_space<vmem>>) target(%dma_start3A_78 : memref<2272xf32, #tpu.memory_space<vmem_shared>>) target_semaphore(%run_scoped3A : memref<!tpu.dma_semaphore, #tpu.memory_space<semaphore_mem>>)
      %dma_wait3A_81 = arith.constant 0 : i32
      %dma_wait3A_82 = tpu.memref_slice %arg12[%dma_wait3A_81] : memref<4000xf32, #tpu.memory_space<vmem>> -> memref<2272xf32, #tpu.memory_space<vmem>>
      %dma_wait3A_83 = tpu.memref_slice %arg14[%add3A_12] : memref<100352xf32, #tpu.memory_space<vmem_shared>> -> memref<2272xf32, #tpu.memory_space<vmem_shared>>
      %dma_wait3A_84 = tpu.memref_slice %arg14[%add3A_12] : memref<100352xf32, #tpu.memory_space<vmem_shared>> -> memref<2272xf32, #tpu.memory_space<vmem_shared>>
      %dma_wait3A_85 = arith.constant 0 : i32
      %dma_wait3A_86 = tpu.memref_slice %arg12[%dma_wait3A_85] : memref<4000xf32, #tpu.memory_space<vmem>> -> memref<2272xf32, #tpu.memory_space<vmem>>
      tpu.wait_dma2 semaphore(%run_scoped3A : memref<!tpu.dma_semaphore, #tpu.memory_space<semaphore_mem>>) src(%dma_wait3A_86 : memref<2272xf32, #tpu.memory_space<vmem>>) dst(%dma_wait3A_84 : memref<2272xf32, #tpu.memory_space<vmem_shared>>)
      tpu.yield
    }) : () -> ()
    "tpu.region"() ({
      %run_scoped3A = tpu.sem_alloc : memref<!tpu.dma_semaphore, #tpu.memory_space<semaphore_mem>>
      %dma_start3A_75 = arith.constant 0 : i32
      %dma_start3A_76 = tpu.memref_slice %arg2[%dma_start3A_75] : memref<100352xf32, #tpu.memory_space<hbm>> -> memref<100000xf32, #tpu.memory_space<hbm>>
      %dma_start3A_77 = arith.constant 0 : i32
      %dma_start3A_78 = tpu.memref_slice %arg2[%dma_start3A_77] : memref<100352xf32, #tpu.memory_space<hbm>> -> memref<100000xf32, #tpu.memory_space<hbm>>
      tpu.enqueue_dma source(%dma_start3A_78 : memref<100000xf32, #tpu.memory_space<hbm>>) target(%arg7 : memref<100000xf32, #tpu.memory_space<vmem>>) target_semaphore(%run_scoped3A : memref<!tpu.dma_semaphore, #tpu.memory_space<semaphore_mem>>)
      %dma_wait3A_79 = arith.constant 0 : i32
      %dma_wait3A_80 = tpu.memref_slice %arg2[%dma_wait3A_79] : memref<100352xf32, #tpu.memory_space<hbm>> -> memref<100000xf32, #tpu.memory_space<hbm>>
      %dma_wait3A_81 = arith.constant 0 : i32
      %dma_wait3A_82 = tpu.memref_slice %arg2[%dma_wait3A_81] : memref<100352xf32, #tpu.memory_space<hbm>> -> memref<100000xf32, #tpu.memory_space<hbm>>
      tpu.wait_dma2 semaphore(%run_scoped3A : memref<!tpu.dma_semaphore, #tpu.memory_space<semaphore_mem>>) src(%dma_wait3A_82 : memref<100000xf32, #tpu.memory_space<hbm>>) dst(%arg7 : memref<100000xf32, #tpu.memory_space<vmem>>)
      tpu.yield
    }) : () -> ()
    %barrier3A = arith.constant 0 : index
    tpu.barrier barrier_id(%barrier3A)
    %mul3A_13 = arith.constant 200000 : i32
    %mul3A_14 = arith.muli %add3A, %mul3A_13 : i32
    %add3A_15 = arith.constant 0 : i32
    %add3A_16 = arith.addi %mul3A_14, %add3A_15 : i32
    %multiple_of3A_17 = tpu.assume_multiple %add3A_16, 8 : i32
    %dma_start3A = tpu.memref_slice %arg3[%multiple_of3A_17] : memref<6400000xi32, #tpu.memory_space<hbm>> -> memref<4000xi32, #tpu.memory_space<hbm>>
    %dma_start3A_18 = tpu.memref_slice %arg3[%multiple_of3A_17] : memref<6400000xi32, #tpu.memory_space<hbm>> -> memref<4000xi32, #tpu.memory_space<hbm>>
    tpu.enqueue_dma source(%dma_start3A_18 : memref<4000xi32, #tpu.memory_space<hbm>>) target(%arg8 : memref<4000xi32, #tpu.memory_space<vmem>>) target_semaphore(%arg15 : memref<!tpu.dma_semaphore, #tpu.memory_space<semaphore_mem>>)
    %dma_start3A_19 = tpu.memref_slice %arg4[%multiple_of3A_17] : memref<6400000xi32, #tpu.memory_space<hbm>> -> memref<4000xi32, #tpu.memory_space<hbm>>
    %dma_start3A_20 = tpu.memref_slice %arg4[%multiple_of3A_17] : memref<6400000xi32, #tpu.memory_space<hbm>> -> memref<4000xi32, #tpu.memory_space<hbm>>
    tpu.enqueue_dma source(%dma_start3A_20 : memref<4000xi32, #tpu.memory_space<hbm>>) target(%arg10 : memref<4000xi32, #tpu.memory_space<vmem>>) target_semaphore(%arg15 : memref<!tpu.dma_semaphore, #tpu.memory_space<semaphore_mem>>)
    %dma_start3A_21 = tpu.memref_slice %arg5[%multiple_of3A_17] : memref<6400000xf32, #tpu.memory_space<hbm>> -> memref<4000xf32, #tpu.memory_space<hbm>>
    %dma_start3A_22 = tpu.memref_slice %arg5[%multiple_of3A_17] : memref<6400000xf32, #tpu.memory_space<hbm>> -> memref<4000xf32, #tpu.memory_space<hbm>>
    tpu.enqueue_dma source(%dma_start3A_22 : memref<4000xf32, #tpu.memory_space<hbm>>) target(%arg9 : memref<4000xf32, #tpu.memory_space<vmem>>) target_semaphore(%arg15 : memref<!tpu.dma_semaphore, #tpu.memory_space<semaphore_mem>>)
    %dma_wait3A = tpu.memref_slice %arg3[%multiple_of3A_17] : memref<6400000xi32, #tpu.memory_space<hbm>> -> memref<4000xi32, #tpu.memory_space<hbm>>
    %dma_wait3A_23 = tpu.memref_slice %arg3[%multiple_of3A_17] : memref<6400000xi32, #tpu.memory_space<hbm>> -> memref<4000xi32, #tpu.memory_space<hbm>>
    tpu.wait_dma2 semaphore(%arg15 : memref<!tpu.dma_semaphore, #tpu.memory_space<semaphore_mem>>) src(%dma_wait3A_23 : memref<4000xi32, #tpu.memory_space<hbm>>) dst(%arg8 : memref<4000xi32, #tpu.memory_space<vmem>>)
    %dma_wait3A_24 = tpu.memref_slice %arg4[%multiple_of3A_17] : memref<6400000xi32, #tpu.memory_space<hbm>> -> memref<4000xi32, #tpu.memory_space<hbm>>
    %dma_wait3A_25 = tpu.memref_slice %arg4[%multiple_of3A_17] : memref<6400000xi32, #tpu.memory_space<hbm>> -> memref<4000xi32, #tpu.memory_space<hbm>>
    tpu.wait_dma2 semaphore(%arg15 : memref<!tpu.dma_semaphore, #tpu.memory_space<semaphore_mem>>) src(%dma_wait3A_25 : memref<4000xi32, #tpu.memory_space<hbm>>) dst(%arg10 : memref<4000xi32, #tpu.memory_space<vmem>>)
    %dma_wait3A_26 = tpu.memref_slice %arg5[%multiple_of3A_17] : memref<6400000xf32, #tpu.memory_space<hbm>> -> memref<4000xf32, #tpu.memory_space<hbm>>
    %dma_wait3A_27 = tpu.memref_slice %arg5[%multiple_of3A_17] : memref<6400000xf32, #tpu.memory_space<hbm>> -> memref<4000xf32, #tpu.memory_space<hbm>>
    tpu.wait_dma2 semaphore(%arg15 : memref<!tpu.dma_semaphore, #tpu.memory_space<semaphore_mem>>) src(%dma_wait3A_27 : memref<4000xf32, #tpu.memory_space<hbm>>) dst(%arg9 : memref<4000xf32, #tpu.memory_space<vmem>>)
    %scan3A_28 = arith.constant 0 : i32
    %scan3A_29 = arith.constant 0 : i32
    %scan3A_30 = arith.constant 250 : i32
    %scan3A_31 = arith.addi %scan3A_29, %scan3A_30 : i32
    %scan3A_32 = arith.constant 1 : i32
    %scan3A_33 = scf.for %scan3A_75 = %scan3A_29 to %scan3A_31 step %scan3A_32 iter_args(%scan3A_76 = %scan3A_28) -> (i32)  : i32 {
      %mul3A_77 = arith.constant 16 : i32
      %mul3A_78 = arith.muli %scan3A_75, %mul3A_77 : i32
      %multiple_of3A_79 = tpu.assume_multiple %mul3A_78, 16 : i32
      %get3A = arith.index_cast %multiple_of3A_79 : i32 to index
      %get3A_80 = tpu.vector_load %arg8[%get3A] {strides = array<i32>} : memref<4000xi32, #tpu.memory_space<vmem>>, vector<16xi32>,
      %gather3A = tpu.vector_load_idx %arg7[%get3A_80] : memref<100000xf32, #tpu.memory_space<vmem>>[vector<16xi32>], vector<16xf32>,
      %get3A_81 = arith.index_cast %multiple_of3A_79 : i32 to index
      %get3A_82 = tpu.vector_load %arg9[%get3A_81] {strides = array<i32>} : memref<4000xf32, #tpu.memory_space<vmem>>, vector<16xf32>,
      %mul3A_83 = arith.mulf %get3A_82, %gather3A : vector<16xf32>
      %swap3A = arith.index_cast %multiple_of3A_79 : i32 to index
      %swap3A_84 = tpu.vector_load %arg12[%swap3A] {strides = array<i32>} : memref<4000xf32, #tpu.memory_space<vmem>>, vector<16xf32>,
      tpu.vector_store %arg12[%swap3A], %mul3A_83 {strides = array<i32>} : memref<4000xf32, #tpu.memory_space<vmem>>, vector<16xf32>,
      %scan3A_85 = arith.constant 0 : i32
      scf.yield %scan3A_85 : i32
    }
    %scan3A_34 = arith.constant 250 : i32
    %dma_start3A_35 = arith.constant 0 : i32
    %dma_start3A_36 = tpu.memref_slice %arg14[%dma_start3A_35] : memref<100352xf32, #tpu.memory_space<vmem_shared>> -> memref<100352xf32, #tpu.memory_space<vmem_shared>>
    tpu.enqueue_indirect_dma source(%arg12 : memref<4000xf32, #tpu.memory_space<vmem>>) target(%dma_start3A_36 : memref<100352xf32, #tpu.memory_space<vmem_shared>>) offsets(%arg10 : memref<4000xi32, #tpu.memory_space<vmem>>) semaphore(%arg16 : memref<!tpu.dma_semaphore, #tpu.memory_space<semaphore_mem>>) {add = true}
    %mul3A_37 = arith.constant 200000 : i32
    %mul3A_38 = arith.muli %add3A, %mul3A_37 : i32
    %add3A_39 = arith.constant 4000 : i32
    %add3A_40 = arith.addi %mul3A_38, %add3A_39 : i32
    %multiple_of3A_41 = tpu.assume_multiple %add3A_40, 8 : i32
    %dma_start3A_42 = tpu.memref_slice %arg3[%multiple_of3A_41] : memref<6400000xi32, #tpu.memory_space<hbm>> -> memref<4000xi32, #tpu.memory_space<hbm>>
    %dma_start3A_43 = tpu.memref_slice %arg3[%multiple_of3A_41] : memref<6400000xi32, #tpu.memory_space<hbm>> -> memref<4000xi32, #tpu.memory_space<hbm>>
    tpu.enqueue_dma source(%dma_start3A_43 : memref<4000xi32, #tpu.memory_space<hbm>>) target(%arg8 : memref<4000xi32, #tpu.memory_space<vmem>>) target_semaphore(%arg15 : memref<!tpu.dma_semaphore, #tpu.memory_space<semaphore_mem>>)
    %dma_start3A_44 = tpu.memref_slice %arg4[%multiple_of3A_41] : memref<6400000xi32, #tpu.memory_space<hbm>> -> memref<4000xi32, #tpu.memory_space<hbm>>
    %dma_start3A_45 = tpu.memref_slice %arg4[%multiple_of3A_41] : memref<6400000xi32, #tpu.memory_space<hbm>> -> memref<4000xi32, #tpu.memory_space<hbm>>
    tpu.enqueue_dma source(%dma_start3A_45 : memref<4000xi32, #tpu.memory_space<hbm>>) target(%arg11 : memref<4000xi32, #tpu.memory_space<vmem>>) target_semaphore(%arg15 : memref<!tpu.dma_semaphore, #tpu.memory_space<semaphore_mem>>)
    %dma_start3A_46 = tpu.memref_slice %arg5[%multiple_of3A_41] : memref<6400000xf32, #tpu.memory_space<hbm>> -> memref<4000xf32, #tpu.memory_space<hbm>>
    %dma_start3A_47 = tpu.memref_slice %arg5[%multiple_of3A_41] : memref<6400000xf32, #tpu.memory_space<hbm>> -> memref<4000xf32, #tpu.memory_space<hbm>>
    tpu.enqueue_dma source(%dma_start3A_47 : memref<4000xf32, #tpu.memory_space<hbm>>) target(%arg9 : memref<4000xf32, #tpu.memory_space<vmem>>) target_semaphore(%arg15 : memref<!tpu.dma_semaphore, #tpu.memory_space<semaphore_mem>>)
    %dma_wait3A_48 = tpu.memref_slice %arg3[%multiple_of3A_41] : memref<6400000xi32, #tpu.memory_space<hbm>> -> memref<4000xi32, #tpu.memory_space<hbm>>
    %dma_wait3A_49 = tpu.memref_slice %arg3[%multiple_of3A_41] : memref<6400000xi32, #tpu.memory_space<hbm>> -> memref<4000xi32, #tpu.memory_space<hbm>>
    tpu.wait_dma2 semaphore(%arg15 : memref<!tpu.dma_semaphore, #tpu.memory_space<semaphore_mem>>) src(%dma_wait3A_49 : memref<4000xi32, #tpu.memory_space<hbm>>) dst(%arg8 : memref<4000xi32, #tpu.memory_space<vmem>>)
    %dma_wait3A_50 = tpu.memref_slice %arg4[%multiple_of3A_41] : memref<6400000xi32, #tpu.memory_space<hbm>> -> memref<4000xi32, #tpu.memory_space<hbm>>
    %dma_wait3A_51 = tpu.memref_slice %arg4[%multiple_of3A_41] : memref<6400000xi32, #tpu.memory_space<hbm>> -> memref<4000xi32, #tpu.memory_space<hbm>>
    tpu.wait_dma2 semaphore(%arg15 : memref<!tpu.dma_semaphore, #tpu.memory_space<semaphore_mem>>) src(%dma_wait3A_51 : memref<4000xi32, #tpu.memory_space<hbm>>) dst(%arg11 : memref<4000xi32, #tpu.memory_space<vmem>>)
    %dma_wait3A_52 = tpu.memref_slice %arg5[%multiple_of3A_41] : memref<6400000xf32, #tpu.memory_space<hbm>> -> memref<4000xf32, #tpu.memory_space<hbm>>
    %dma_wait3A_53 = tpu.memref_slice %arg5[%multiple_of3A_41] : memref<6400000xf32, #tpu.memory_space<hbm>> -> memref<4000xf32, #tpu.memory_space<hbm>>
    tpu.wait_dma2 semaphore(%arg15 : memref<!tpu.dma_semaphore, #tpu.memory_space<semaphore_mem>>) src(%dma_wait3A_53 : memref<4000xf32, #tpu.memory_space<hbm>>) dst(%arg9 : memref<4000xf32, #tpu.memory_space<vmem>>)
    %scan3A_54 = arith.constant 0 : i32
    %scan3A_55 = arith.constant 0 : i32
    %scan3A_56 = arith.constant 250 : i32
    %scan3A_57 = arith.addi %scan3A_55, %scan3A_56 : i32
    %scan3A_58 = arith.constant 1 : i32
    %scan3A_59 = scf.for %scan3A_75 = %scan3A_55 to %scan3A_57 step %scan3A_58 iter_args(%scan3A_76 = %scan3A_54) -> (i32)  : i32 {
      %mul3A_77 = arith.constant 16 : i32
      %mul3A_78 = arith.muli %scan3A_75, %mul3A_77 : i32
      %multiple_of3A_79 = tpu.assume_multiple %mul3A_78, 16 : i32
      %get3A = arith.index_cast %multiple_of3A_79 : i32 to index
      %get3A_80 = tpu.vector_load %arg8[%get3A] {strides = array<i32>} : memref<4000xi32, #tpu.memory_space<vmem>>, vector<16xi32>,
      %gather3A = tpu.vector_load_idx %arg7[%get3A_80] : memref<100000xf32, #tpu.memory_space<vmem>>[vector<16xi32>], vector<16xf32>,
      %get3A_81 = arith.index_cast %multiple_of3A_79 : i32 to index
      %get3A_82 = tpu.vector_load %arg9[%get3A_81] {strides = array<i32>} : memref<4000xf32, #tpu.memory_space<vmem>>, vector<16xf32>,
      %mul3A_83 = arith.mulf %get3A_82, %gather3A : vector<16xf32>
      %swap3A = arith.index_cast %multiple_of3A_79 : i32 to index
      %swap3A_84 = tpu.vector_load %arg13[%swap3A] {strides = array<i32>} : memref<4000xf32, #tpu.memory_space<vmem>>, vector<16xf32>,
      tpu.vector_store %arg13[%swap3A], %mul3A_83 {strides = array<i32>} : memref<4000xf32, #tpu.memory_space<vmem>>, vector<16xf32>,
      %scan3A_85 = arith.constant 0 : i32
      scf.yield %scan3A_85 : i32
    }
    %scan3A_60 = arith.constant 250 : i32
    %dma_start3A_61 = arith.constant 0 : i32
    %dma_start3A_62 = tpu.memref_slice %arg14[%dma_start3A_61] : memref<100352xf32, #tpu.memory_space<vmem_shared>> -> memref<100352xf32, #tpu.memory_space<vmem_shared>>
    tpu.enqueue_indirect_dma source(%arg13 : memref<4000xf32, #tpu.memory_space<vmem>>) target(%dma_start3A_62 : memref<100352xf32, #tpu.memory_space<vmem_shared>>) offsets(%arg11 : memref<4000xi32, #tpu.memory_space<vmem>>) semaphore(%arg17 : memref<!tpu.dma_semaphore, #tpu.memory_space<semaphore_mem>>) {add = true}
    %scan3A_63 = arith.constant 0 : i32
    %scan3A_64 = arith.constant 1 : i32
    %scan3A_65 = arith.constant 24 : i32
    %scan3A_66 = arith.addi %scan3A_64, %scan3A_65 : i32
    %scan3A_67 = arith.constant 1 : i32
    %scan3A_68 = scf.for %scan3A_75 = %scan3A_64 to %scan3A_66 step %scan3A_67 iter_args(%scan3A_76 = %scan3A_63) -> (i32)  : i32 {
      %dma_wait3A_77 = arith.constant 0 : i32
      %dma_wait3A_78 = tpu.memref_slice %arg14[%dma_wait3A_77] : memref<100352xf32, #tpu.memory_space<vmem_shared>> -> memref<100352xf32, #tpu.memory_space<vmem_shared>>
      tpu.wait_indirect_dma semaphore(%arg16 : memref<!tpu.dma_semaphore, #tpu.memory_space<semaphore_mem>>) src(%arg12 : memref<4000xf32, #tpu.memory_space<vmem>>) dst(%dma_wait3A_78 : memref<100352xf32, #tpu.memory_space<vmem_shared>>)
      %mul3A_79 = arith.constant 2 : i32
      %mul3A_80 = arith.muli %mul3A_79, %scan3A_75 : i32
      %add3A_81 = arith.constant 0 : i32
      %add3A_82 = arith.addi %mul3A_80, %add3A_81 : i32
      %mul3A_83 = arith.constant 200000 : i32
      %mul3A_84 = arith.muli %add3A, %mul3A_83 : i32
      %mul3A_85 = arith.constant 4000 : i32
      %mul3A_86 = arith.muli %add3A_82, %mul3A_85 : i32
      %add3A_87 = arith.addi %mul3A_84, %mul3A_86 : i32
      %multiple_of3A_88 = tpu.assume_multiple %add3A_87, 8 : i32
      %dma_start3A_89 = tpu.memref_slice %arg3[%multiple_of3A_88] : memref<6400000xi32, #tpu.memory_space<hbm>> -> memref<4000xi32, #tpu.memory_space<hbm>>
      %dma_start3A_90 = tpu.memref_slice %arg3[%multiple_of3A_88] : memref<6400000xi32, #tpu.memory_space<hbm>> -> memref<4000xi32, #tpu.memory_space<hbm>>
      tpu.enqueue_dma source(%dma_start3A_90 : memref<4000xi32, #tpu.memory_space<hbm>>) target(%arg8 : memref<4000xi32, #tpu.memory_space<vmem>>) target_semaphore(%arg15 : memref<!tpu.dma_semaphore, #tpu.memory_space<semaphore_mem>>)
      %dma_start3A_91 = tpu.memref_slice %arg4[%multiple_of3A_88] : memref<6400000xi32, #tpu.memory_space<hbm>> -> memref<4000xi32, #tpu.memory_space<hbm>>
      %dma_start3A_92 = tpu.memref_slice %arg4[%multiple_of3A_88] : memref<6400000xi32, #tpu.memory_space<hbm>> -> memref<4000xi32, #tpu.memory_space<hbm>>
      tpu.enqueue_dma source(%dma_start3A_92 : memref<4000xi32, #tpu.memory_space<hbm>>) target(%arg10 : memref<4000xi32, #tpu.memory_space<vmem>>) target_semaphore(%arg15 : memref<!tpu.dma_semaphore, #tpu.memory_space<semaphore_mem>>)
      %dma_start3A_93 = tpu.memref_slice %arg5[%multiple_of3A_88] : memref<6400000xf32, #tpu.memory_space<hbm>> -> memref<4000xf32, #tpu.memory_space<hbm>>
      %dma_start3A_94 = tpu.memref_slice %arg5[%multiple_of3A_88] : memref<6400000xf32, #tpu.memory_space<hbm>> -> memref<4000xf32, #tpu.memory_space<hbm>>
      tpu.enqueue_dma source(%dma_start3A_94 : memref<4000xf32, #tpu.memory_space<hbm>>) target(%arg9 : memref<4000xf32, #tpu.memory_space<vmem>>) target_semaphore(%arg15 : memref<!tpu.dma_semaphore, #tpu.memory_space<semaphore_mem>>)
      %dma_wait3A_95 = tpu.memref_slice %arg3[%multiple_of3A_88] : memref<6400000xi32, #tpu.memory_space<hbm>> -> memref<4000xi32, #tpu.memory_space<hbm>>
      %dma_wait3A_96 = tpu.memref_slice %arg3[%multiple_of3A_88] : memref<6400000xi32, #tpu.memory_space<hbm>> -> memref<4000xi32, #tpu.memory_space<hbm>>
      tpu.wait_dma2 semaphore(%arg15 : memref<!tpu.dma_semaphore, #tpu.memory_space<semaphore_mem>>) src(%dma_wait3A_96 : memref<4000xi32, #tpu.memory_space<hbm>>) dst(%arg8 : memref<4000xi32, #tpu.memory_space<vmem>>)
      %dma_wait3A_97 = tpu.memref_slice %arg4[%multiple_of3A_88] : memref<6400000xi32, #tpu.memory_space<hbm>> -> memref<4000xi32, #tpu.memory_space<hbm>>
      %dma_wait3A_98 = tpu.memref_slice %arg4[%multiple_of3A_88] : memref<6400000xi32, #tpu.memory_space<hbm>> -> memref<4000xi32, #tpu.memory_space<hbm>>
      tpu.wait_dma2 semaphore(%arg15 : memref<!tpu.dma_semaphore, #tpu.memory_space<semaphore_mem>>) src(%dma_wait3A_98 : memref<4000xi32, #tpu.memory_space<hbm>>) dst(%arg10 : memref<4000xi32, #tpu.memory_space<vmem>>)
      %dma_wait3A_99 = tpu.memref_slice %arg5[%multiple_of3A_88] : memref<6400000xf32, #tpu.memory_space<hbm>> -> memref<4000xf32, #tpu.memory_space<hbm>>
      %dma_wait3A_100 = tpu.memref_slice %arg5[%multiple_of3A_88] : memref<6400000xf32, #tpu.memory_space<hbm>> -> memref<4000xf32, #tpu.memory_space<hbm>>
      tpu.wait_dma2 semaphore(%arg15 : memref<!tpu.dma_semaphore, #tpu.memory_space<semaphore_mem>>) src(%dma_wait3A_100 : memref<4000xf32, #tpu.memory_space<hbm>>) dst(%arg9 : memref<4000xf32, #tpu.memory_space<vmem>>)
      %scan3A_101 = arith.constant 0 : i32
      %scan3A_102 = arith.constant 0 : i32
      %scan3A_103 = arith.constant 250 : i32
      %scan3A_104 = arith.addi %scan3A_102, %scan3A_103 : i32
      %scan3A_105 = arith.constant 1 : i32
      %scan3A_106 = scf.for %scan3A_144 = %scan3A_102 to %scan3A_104 step %scan3A_105 iter_args(%scan3A_145 = %scan3A_101) -> (i32)  : i32 {
        %mul3A_146 = arith.constant 16 : i32
        %mul3A_147 = arith.muli %scan3A_144, %mul3A_146 : i32
        %multiple_of3A_148 = tpu.assume_multiple %mul3A_147, 16 : i32
        %get3A = arith.index_cast %multiple_of3A_148 : i32 to index
        %get3A_149 = tpu.vector_load %arg8[%get3A] {strides = array<i32>} : memref<4000xi32, #tpu.memory_space<vmem>>, vector<16xi32>,
        %gather3A = tpu.vector_load_idx %arg7[%get3A_149] : memref<100000xf32, #tpu.memory_space<vmem>>[vector<16xi32>], vector<16xf32>,
        %get3A_150 = arith.index_cast %multiple_of3A_148 : i32 to index
        %get3A_151 = tpu.vector_load %arg9[%get3A_150] {strides = array<i32>} : memref<4000xf32, #tpu.memory_space<vmem>>, vector<16xf32>,
        %mul3A_152 = arith.mulf %get3A_151, %gather3A : vector<16xf32>
        %swap3A = arith.index_cast %multiple_of3A_148 : i32 to index
        %swap3A_153 = tpu.vector_load %arg12[%swap3A] {strides = array<i32>} : memref<4000xf32, #tpu.memory_space<vmem>>, vector<16xf32>,
        tpu.vector_store %arg12[%swap3A], %mul3A_152 {strides = array<i32>} : memref<4000xf32, #tpu.memory_space<vmem>>, vector<16xf32>,
        %scan3A_154 = arith.constant 0 : i32
        scf.yield %scan3A_154 : i32
      }
      %scan3A_107 = arith.constant 250 : i32
      %dma_start3A_108 = arith.constant 0 : i32
      %dma_start3A_109 = tpu.memref_slice %arg14[%dma_start3A_108] : memref<100352xf32, #tpu.memory_space<vmem_shared>> -> memref<100352xf32, #tpu.memory_space<vmem_shared>>
      tpu.enqueue_indirect_dma source(%arg12 : memref<4000xf32, #tpu.memory_space<vmem>>) target(%dma_start3A_109 : memref<100352xf32, #tpu.memory_space<vmem_shared>>) offsets(%arg10 : memref<4000xi32, #tpu.memory_space<vmem>>) semaphore(%arg16 : memref<!tpu.dma_semaphore, #tpu.memory_space<semaphore_mem>>) {add = true}
      %dma_wait3A_110 = arith.constant 0 : i32
      %dma_wait3A_111 = tpu.memref_slice %arg14[%dma_wait3A_110] : memref<100352xf32, #tpu.memory_space<vmem_shared>> -> memref<100352xf32, #tpu.memory_space<vmem_shared>>
      tpu.wait_indirect_dma semaphore(%arg17 : memref<!tpu.dma_semaphore, #tpu.memory_space<semaphore_mem>>) src(%arg13 : memref<4000xf32, #tpu.memory_space<vmem>>) dst(%dma_wait3A_111 : memref<100352xf32, #tpu.memory_space<vmem_shared>>)
      %mul3A_112 = arith.constant 2 : i32
      %mul3A_113 = arith.muli %mul3A_112, %scan3A_75 : i32
      %add3A_114 = arith.constant 1 : i32
      %add3A_115 = arith.addi %mul3A_113, %add3A_114 : i32
      %mul3A_116 = arith.constant 200000 : i32
      %mul3A_117 = arith.muli %add3A, %mul3A_116 : i32
      %mul3A_118 = arith.constant 4000 : i32
      %mul3A_119 = arith.muli %add3A_115, %mul3A_118 : i32
      %add3A_120 = arith.addi %mul3A_117, %mul3A_119 : i32
      %multiple_of3A_121 = tpu.assume_multiple %add3A_120, 8 : i32
      %dma_start3A_122 = tpu.memref_slice %arg3[%multiple_of3A_121] : memref<6400000xi32, #tpu.memory_space<hbm>> -> memref<4000xi32, #tpu.memory_space<hbm>>
      %dma_start3A_123 = tpu.memref_slice %arg3[%multiple_of3A_121] : memref<6400000xi32, #tpu.memory_space<hbm>> -> memref<4000xi32, #tpu.memory_space<hbm>>
      tpu.enqueue_dma source(%dma_start3A_123 : memref<4000xi32, #tpu.memory_space<hbm>>) target(%arg8 : memref<4000xi32, #tpu.memory_space<vmem>>) target_semaphore(%arg15 : memref<!tpu.dma_semaphore, #tpu.memory_space<semaphore_mem>>)
      %dma_start3A_124 = tpu.memref_slice %arg4[%multiple_of3A_121] : memref<6400000xi32, #tpu.memory_space<hbm>> -> memref<4000xi32, #tpu.memory_space<hbm>>
      %dma_start3A_125 = tpu.memref_slice %arg4[%multiple_of3A_121] : memref<6400000xi32, #tpu.memory_space<hbm>> -> memref<4000xi32, #tpu.memory_space<hbm>>
      tpu.enqueue_dma source(%dma_start3A_125 : memref<4000xi32, #tpu.memory_space<hbm>>) target(%arg11 : memref<4000xi32, #tpu.memory_space<vmem>>) target_semaphore(%arg15 : memref<!tpu.dma_semaphore, #tpu.memory_space<semaphore_mem>>)
      %dma_start3A_126 = tpu.memref_slice %arg5[%multiple_of3A_121] : memref<6400000xf32, #tpu.memory_space<hbm>> -> memref<4000xf32, #tpu.memory_space<hbm>>
      %dma_start3A_127 = tpu.memref_slice %arg5[%multiple_of3A_121] : memref<6400000xf32, #tpu.memory_space<hbm>> -> memref<4000xf32, #tpu.memory_space<hbm>>
      tpu.enqueue_dma source(%dma_start3A_127 : memref<4000xf32, #tpu.memory_space<hbm>>) target(%arg9 : memref<4000xf32, #tpu.memory_space<vmem>>) target_semaphore(%arg15 : memref<!tpu.dma_semaphore, #tpu.memory_space<semaphore_mem>>)
      %dma_wait3A_128 = tpu.memref_slice %arg3[%multiple_of3A_121] : memref<6400000xi32, #tpu.memory_space<hbm>> -> memref<4000xi32, #tpu.memory_space<hbm>>
      %dma_wait3A_129 = tpu.memref_slice %arg3[%multiple_of3A_121] : memref<6400000xi32, #tpu.memory_space<hbm>> -> memref<4000xi32, #tpu.memory_space<hbm>>
      tpu.wait_dma2 semaphore(%arg15 : memref<!tpu.dma_semaphore, #tpu.memory_space<semaphore_mem>>) src(%dma_wait3A_129 : memref<4000xi32, #tpu.memory_space<hbm>>) dst(%arg8 : memref<4000xi32, #tpu.memory_space<vmem>>)
      %dma_wait3A_130 = tpu.memref_slice %arg4[%multiple_of3A_121] : memref<6400000xi32, #tpu.memory_space<hbm>> -> memref<4000xi32, #tpu.memory_space<hbm>>
      %dma_wait3A_131 = tpu.memref_slice %arg4[%multiple_of3A_121] : memref<6400000xi32, #tpu.memory_space<hbm>> -> memref<4000xi32, #tpu.memory_space<hbm>>
      tpu.wait_dma2 semaphore(%arg15 : memref<!tpu.dma_semaphore, #tpu.memory_space<semaphore_mem>>) src(%dma_wait3A_131 : memref<4000xi32, #tpu.memory_space<hbm>>) dst(%arg11 : memref<4000xi32, #tpu.memory_space<vmem>>)
      %dma_wait3A_132 = tpu.memref_slice %arg5[%multiple_of3A_121] : memref<6400000xf32, #tpu.memory_space<hbm>> -> memref<4000xf32, #tpu.memory_space<hbm>>
      %dma_wait3A_133 = tpu.memref_slice %arg5[%multiple_of3A_121] : memref<6400000xf32, #tpu.memory_space<hbm>> -> memref<4000xf32, #tpu.memory_space<hbm>>
      tpu.wait_dma2 semaphore(%arg15 : memref<!tpu.dma_semaphore, #tpu.memory_space<semaphore_mem>>) src(%dma_wait3A_133 : memref<4000xf32, #tpu.memory_space<hbm>>) dst(%arg9 : memref<4000xf32, #tpu.memory_space<vmem>>)
      %scan3A_134 = arith.constant 0 : i32
      %scan3A_135 = arith.constant 0 : i32
      %scan3A_136 = arith.constant 250 : i32
      %scan3A_137 = arith.addi %scan3A_135, %scan3A_136 : i32
      %scan3A_138 = arith.constant 1 : i32
      %scan3A_139 = scf.for %scan3A_144 = %scan3A_135 to %scan3A_137 step %scan3A_138 iter_args(%scan3A_145 = %scan3A_134) -> (i32)  : i32 {
        %mul3A_146 = arith.constant 16 : i32
        %mul3A_147 = arith.muli %scan3A_144, %mul3A_146 : i32
        %multiple_of3A_148 = tpu.assume_multiple %mul3A_147, 16 : i32
        %get3A = arith.index_cast %multiple_of3A_148 : i32 to index
        %get3A_149 = tpu.vector_load %arg8[%get3A] {strides = array<i32>} : memref<4000xi32, #tpu.memory_space<vmem>>, vector<16xi32>,
        %gather3A = tpu.vector_load_idx %arg7[%get3A_149] : memref<100000xf32, #tpu.memory_space<vmem>>[vector<16xi32>], vector<16xf32>,
        %get3A_150 = arith.index_cast %multiple_of3A_148 : i32 to index
        %get3A_151 = tpu.vector_load %arg9[%get3A_150] {strides = array<i32>} : memref<4000xf32, #tpu.memory_space<vmem>>, vector<16xf32>,
        %mul3A_152 = arith.mulf %get3A_151, %gather3A : vector<16xf32>
        %swap3A = arith.index_cast %multiple_of3A_148 : i32 to index
        %swap3A_153 = tpu.vector_load %arg13[%swap3A] {strides = array<i32>} : memref<4000xf32, #tpu.memory_space<vmem>>, vector<16xf32>,
        tpu.vector_store %arg13[%swap3A], %mul3A_152 {strides = array<i32>} : memref<4000xf32, #tpu.memory_space<vmem>>, vector<16xf32>,
        %scan3A_154 = arith.constant 0 : i32
        scf.yield %scan3A_154 : i32
      }
      %scan3A_140 = arith.constant 250 : i32
      %dma_start3A_141 = arith.constant 0 : i32
      %dma_start3A_142 = tpu.memref_slice %arg14[%dma_start3A_141] : memref<100352xf32, #tpu.memory_space<vmem_shared>> -> memref<100352xf32, #tpu.memory_space<vmem_shared>>
      tpu.enqueue_indirect_dma source(%arg13 : memref<4000xf32, #tpu.memory_space<vmem>>) target(%dma_start3A_142 : memref<100352xf32, #tpu.memory_space<vmem_shared>>) offsets(%arg11 : memref<4000xi32, #tpu.memory_space<vmem>>) semaphore(%arg17 : memref<!tpu.dma_semaphore, #tpu.memory_space<semaphore_mem>>) {add = true}
      %scan3A_143 = arith.constant 0 : i32
      scf.yield %scan3A_143 : i32
    }
    %scan3A_69 = arith.constant 24 : i32
    %dma_wait3A_70 = arith.constant 0 : i32
    %dma_wait3A_71 = tpu.memref_slice %arg14[%dma_wait3A_70] : memref<100352xf32, #tpu.memory_space<vmem_shared>> -> memref<100352xf32, #tpu.memory_space<vmem_shared>>
    tpu.wait_indirect_dma semaphore(%arg16 : memref<!tpu.dma_semaphore, #tpu.memory_space<semaphore_mem>>) src(%arg12 : memref<4000xf32, #tpu.memory_space<vmem>>) dst(%dma_wait3A_71 : memref<100352xf32, #tpu.memory_space<vmem_shared>>)
    %dma_wait3A_72 = arith.constant 0 : i32
    %dma_wait3A_73 = tpu.memref_slice %arg14[%dma_wait3A_72] : memref<100352xf32, #tpu.memory_space<vmem_shared>> -> memref<100352xf32, #tpu.memory_space<vmem_shared>>
    tpu.wait_indirect_dma semaphore(%arg17 : memref<!tpu.dma_semaphore, #tpu.memory_space<semaphore_mem>>) src(%arg13 : memref<4000xf32, #tpu.memory_space<vmem>>) dst(%dma_wait3A_73 : memref<100352xf32, #tpu.memory_space<vmem_shared>>)
    %barrier3A_74 = arith.constant 0 : index
    tpu.barrier barrier_id(%barrier3A_74)
    "tpu.region"() ({
      %run_scoped3A = tpu.sem_alloc : memref<!tpu.dma_semaphore, #tpu.memory_space<semaphore_mem>>
      %dma_start3A_75 = tpu.memref_slice %arg6[%arg0, %multiple_of3A] : memref<2x100352xf32, #tpu.memory_space<hbm>> -> memref<1x6272xf32, #tpu.memory_space<hbm>>
      %dma_start3A_76 = tpu.memref_squeeze %dma_start3A_75 : memref<1x6272xf32, #tpu.memory_space<hbm>> -> memref<6272xf32, #tpu.memory_space<hbm>>
      %dma_start3A_77 = tpu.memref_slice %arg14[%multiple_of3A] : memref<100352xf32, #tpu.memory_space<vmem_shared>> -> memref<6272xf32, #tpu.memory_space<vmem_shared>>
      tpu.enqueue_dma source(%dma_start3A_77 : memref<6272xf32, #tpu.memory_space<vmem_shared>>) target(%dma_start3A_76 : memref<6272xf32, #tpu.memory_space<hbm>>) target_semaphore(%run_scoped3A : memref<!tpu.dma_semaphore, #tpu.memory_space<semaphore_mem>>)
      %dma_wait3A_78 = tpu.memref_slice %arg6[%arg0, %multiple_of3A] : memref<2x100352xf32, #tpu.memory_space<hbm>> -> memref<1x6272xf32, #tpu.memory_space<hbm>>
      %dma_wait3A_79 = tpu.memref_squeeze %dma_wait3A_78 : memref<1x6272xf32, #tpu.memory_space<hbm>> -> memref<6272xf32, #tpu.memory_space<hbm>>
      %dma_wait3A_80 = tpu.memref_slice %arg14[%multiple_of3A] : memref<100352xf32, #tpu.memory_space<vmem_shared>> -> memref<6272xf32, #tpu.memory_space<vmem_shared>>
      tpu.wait_dma2 semaphore(%run_scoped3A : memref<!tpu.dma_semaphore, #tpu.memory_space<semaphore_mem>>) src(%dma_wait3A_80 : memref<6272xf32, #tpu.memory_space<vmem_shared>>) dst(%dma_wait3A_79 : memref<6272xf32, #tpu.memory_space<hbm>>)
      tpu.yield
    }) : () -> ()
    return
  }
}

#map = affine_map<(d0, d1) -> (0)>
#map1 = affine_map<(d0, d1) -> (0, 0)>
module attributes {stable_mosaic.version = 14 : i64} {
  func.func @_seg_body(%arg0: i32, %arg1: i32, %arg2: memref<100352xf32, #tpu.memory_space<hbm>>, %arg3: memref<6400000xi32, #tpu.memory_space<hbm>>, %arg4: memref<6400000xi32, #tpu.memory_space<hbm>>, %arg5: memref<6400000xf32, #tpu.memory_space<hbm>>, %arg6: memref<2x100352xf32, #tpu.memory_space<hbm>>, %arg7: memref<100000xf32, #tpu.memory_space<vmem>>, %arg8: memref<4000xi32, #tpu.memory_space<vmem>>, %arg9: memref<4000xf32, #tpu.memory_space<vmem>>, %arg10: memref<4000xi32, #tpu.memory_space<vmem>>, %arg11: memref<4000xi32, #tpu.memory_space<vmem>>, %arg12: memref<4000xf32, #tpu.memory_space<vmem>>, %arg13: memref<4000xf32, #tpu.memory_space<vmem>>, %arg14: memref<100352xf32, #tpu.memory_space<vmem_shared>>, %arg15: memref<!tpu.dma_semaphore, #tpu.memory_space<semaphore_mem>>, %arg16: memref<!tpu.dma_semaphore, #tpu.memory_space<semaphore_mem>>, %arg17: memref<!tpu.dma_semaphore, #tpu.memory_space<semaphore_mem>>) attributes {dimension_semantics = [#tpu.dimension_semantics<core_parallel>, #tpu.dimension_semantics<subcore_parallel>], iteration_bounds = array<i64: 2, 16>, scalar_prefetch = 0 : i64, scratch_operands = 11 : i64, tpu.core_type = #tpu.core_type<sc_vector_subcore>, window_params = [{transform_indices = #map}, {transform_indices = #map}, {transform_indices = #map}, {transform_indices = #map}, {transform_indices = #map1}]} {
    %mul3A = arith.constant 16 : i32
    %mul3A_0 = arith.muli %arg0, %mul3A : i32
    %add3A = arith.addi %mul3A_0, %arg1 : i32
    %scan3A = arith.constant 0 : i32
    %scan3A_1 = arith.constant 0 : i32
    %scan3A_2 = arith.constant 250 : i32
    %scan3A_3 = arith.addi %scan3A_1, %scan3A_2 : i32
    %scan3A_4 = arith.constant 1 : i32
    %scan3A_5 = scf.for %scan3A_75 = %scan3A_1 to %scan3A_3 step %scan3A_4 iter_args(%scan3A_76 = %scan3A) -> (i32)  : i32 {
      %broadcast_in_dim3A = arith.constant 0.000000e+00 : f32
      %broadcast_in_dim3A_77 = vector.broadcast %broadcast_in_dim3A : f32 to vector<16xf32>
      %mul3A_78 = arith.constant 16 : i32
      %mul3A_79 = arith.muli %scan3A_75, %mul3A_78 : i32
      %swap3A = arith.index_cast %mul3A_79 : i32 to index
      %swap3A_80 = tpu.vector_load %arg12[%swap3A] {strides = array<i32>} : memref<4000xf32, #tpu.memory_space<vmem>>, vector<16xf32>,
      tpu.vector_store %arg12[%swap3A], %broadcast_in_dim3A_77 {strides = array<i32>} : memref<4000xf32, #tpu.memory_space<vmem>>, vector<16xf32>,
      %scan3A_81 = arith.constant 0 : i32
      scf.yield %scan3A_81 : i32
    }
    %scan3A_6 = arith.constant 250 : i32
    %mul3A_7 = arith.constant 6272 : i32
    %mul3A_8 = arith.muli %arg1, %mul3A_7 : i32
    %multiple_of3A = tpu.assume_multiple %mul3A_8, 8 : i32
    %add3A_9 = arith.constant 0 : i32
    %add3A_10 = arith.addi %multiple_of3A, %add3A_9 : i32
    "tpu.region"() ({
      %run_scoped3A = tpu.sem_alloc : memref<!tpu.dma_semaphore, #tpu.memory_space<semaphore_mem>>
      %dma_start3A_75 = arith.constant 0 : i32
      %dma_start3A_76 = tpu.memref_slice %arg12[%dma_start3A_75] : memref<4000xf32, #tpu.memory_space<vmem>> -> memref<4000xf32, #tpu.memory_space<vmem>>
      %dma_start3A_77 = tpu.memref_slice %arg14[%add3A_10] : memref<100352xf32, #tpu.memory_space<vmem_shared>> -> memref<4000xf32, #tpu.memory_space<vmem_shared>>
      %dma_start3A_78 = tpu.memref_slice %arg14[%add3A_10] : memref<100352xf32, #tpu.memory_space<vmem_shared>> -> memref<4000xf32, #tpu.memory_space<vmem_shared>>
      %dma_start3A_79 = arith.constant 0 : i32
      %dma_start3A_80 = tpu.memref_slice %arg12[%dma_start3A_79] : memref<4000xf32, #tpu.memory_space<vmem>> -> memref<4000xf32, #tpu.memory_space<vmem>>
      tpu.enqueue_dma source(%dma_start3A_80 : memref<4000xf32, #tpu.memory_space<vmem>>) target(%dma_start3A_78 : memref<4000xf32, #tpu.memory_space<vmem_shared>>) target_semaphore(%run_scoped3A : memref<!tpu.dma_semaphore, #tpu.memory_space<semaphore_mem>>)
      %dma_wait3A_81 = arith.constant 0 : i32
      %dma_wait3A_82 = tpu.memref_slice %arg12[%dma_wait3A_81] : memref<4000xf32, #tpu.memory_space<vmem>> -> memref<4000xf32, #tpu.memory_space<vmem>>
      %dma_wait3A_83 = tpu.memref_slice %arg14[%add3A_10] : memref<100352xf32, #tpu.memory_space<vmem_shared>> -> memref<4000xf32, #tpu.memory_space<vmem_shared>>
      %dma_wait3A_84 = tpu.memref_slice %arg14[%add3A_10] : memref<100352xf32, #tpu.memory_space<vmem_shared>> -> memref<4000xf32, #tpu.memory_space<vmem_shared>>
      %dma_wait3A_85 = arith.constant 0 : i32
      %dma_wait3A_86 = tpu.memref_slice %arg12[%dma_wait3A_85] : memref<4000xf32, #tpu.memory_space<vmem>> -> memref<4000xf32, #tpu.memory_space<vmem>>
      tpu.wait_dma2 semaphore(%run_scoped3A : memref<!tpu.dma_semaphore, #tpu.memory_space<semaphore_mem>>) src(%dma_wait3A_86 : memref<4000xf32, #tpu.memory_space<vmem>>) dst(%dma_wait3A_84 : memref<4000xf32, #tpu.memory_space<vmem_shared>>)
      tpu.yield
    }) : () -> ()
    %add3A_11 = arith.constant 4000 : i32
    %add3A_12 = arith.addi %multiple_of3A, %add3A_11 : i32
    "tpu.region"() ({
      %run_scoped3A = tpu.sem_alloc : memref<!tpu.dma_semaphore, #tpu.memory_space<semaphore_mem>>
      %dma_start3A_75 = arith.constant 0 : i32
      %dma_start3A_76 = tpu.memref_slice %arg12[%dma_start3A_75] : memref<4000xf32, #tpu.memory_space<vmem>> -> memref<2272xf32, #tpu.memory_space<vmem>>
      %dma_start3A_77 = tpu.memref_slice %arg14[%add3A_12] : memref<100352xf32, #tpu.memory_space<vmem_shared>> -> memref<2272xf32, #tpu.memory_space<vmem_shared>>
      %dma_start3A_78 = tpu.memref_slice %arg14[%add3A_12] : memref<100352xf32, #tpu.memory_space<vmem_shared>> -> memref<2272xf32, #tpu.memory_space<vmem_shared>>
      %dma_start3A_79 = arith.constant 0 : i32
      %dma_start3A_80 = tpu.memref_slice %arg12[%dma_start3A_79] : memref<4000xf32, #tpu.memory_space<vmem>> -> memref<2272xf32, #tpu.memory_space<vmem>>
      tpu.enqueue_dma source(%dma_start3A_80 : memref<2272xf32, #tpu.memory_space<vmem>>) target(%dma_start3A_78 : memref<2272xf32, #tpu.memory_space<vmem_shared>>) target_semaphore(%run_scoped3A : memref<!tpu.dma_semaphore, #tpu.memory_space<semaphore_mem>>)
      %dma_wait3A_81 = arith.constant 0 : i32
      %dma_wait3A_82 = tpu.memref_slice %arg12[%dma_wait3A_81] : memref<4000xf32, #tpu.memory_space<vmem>> -> memref<2272xf32, #tpu.memory_space<vmem>>
      %dma_wait3A_83 = tpu.memref_slice %arg14[%add3A_12] : memref<100352xf32, #tpu.memory_space<vmem_shared>> -> memref<2272xf32, #tpu.memory_space<vmem_shared>>
      %dma_wait3A_84 = tpu.memref_slice %arg14[%add3A_12] : memref<100352xf32, #tpu.memory_space<vmem_shared>> -> memref<2272xf32, #tpu.memory_space<vmem_shared>>
      %dma_wait3A_85 = arith.constant 0 : i32
      %dma_wait3A_86 = tpu.memref_slice %arg12[%dma_wait3A_85] : memref<4000xf32, #tpu.memory_space<vmem>> -> memref<2272xf32, #tpu.memory_space<vmem>>
      tpu.wait_dma2 semaphore(%run_scoped3A : memref<!tpu.dma_semaphore, #tpu.memory_space<semaphore_mem>>) src(%dma_wait3A_86 : memref<2272xf32, #tpu.memory_space<vmem>>) dst(%dma_wait3A_84 : memref<2272xf32, #tpu.memory_space<vmem_shared>>)
      tpu.yield
    }) : () -> ()
    "tpu.region"() ({
      %run_scoped3A = tpu.sem_alloc : memref<!tpu.dma_semaphore, #tpu.memory_space<semaphore_mem>>
      %dma_start3A_75 = arith.constant 0 : i32
      %dma_start3A_76 = tpu.memref_slice %arg2[%dma_start3A_75] : memref<100352xf32, #tpu.memory_space<hbm>> -> memref<100000xf32, #tpu.memory_space<hbm>>
      %dma_start3A_77 = arith.constant 0 : i32
      %dma_start3A_78 = tpu.memref_slice %arg2[%dma_start3A_77] : memref<100352xf32, #tpu.memory_space<hbm>> -> memref<100000xf32, #tpu.memory_space<hbm>>
      tpu.enqueue_dma source(%dma_start3A_78 : memref<100000xf32, #tpu.memory_space<hbm>>) target(%arg7 : memref<100000xf32, #tpu.memory_space<vmem>>) target_semaphore(%run_scoped3A : memref<!tpu.dma_semaphore, #tpu.memory_space<semaphore_mem>>)
      %dma_wait3A_79 = arith.constant 0 : i32
      %dma_wait3A_80 = tpu.memref_slice %arg2[%dma_wait3A_79] : memref<100352xf32, #tpu.memory_space<hbm>> -> memref<100000xf32, #tpu.memory_space<hbm>>
      %dma_wait3A_81 = arith.constant 0 : i32
      %dma_wait3A_82 = tpu.memref_slice %arg2[%dma_wait3A_81] : memref<100352xf32, #tpu.memory_space<hbm>> -> memref<100000xf32, #tpu.memory_space<hbm>>
      tpu.wait_dma2 semaphore(%run_scoped3A : memref<!tpu.dma_semaphore, #tpu.memory_space<semaphore_mem>>) src(%dma_wait3A_82 : memref<100000xf32, #tpu.memory_space<hbm>>) dst(%arg7 : memref<100000xf32, #tpu.memory_space<vmem>>)
      tpu.yield
    }) : () -> ()
    %barrier3A = arith.constant 0 : index
    tpu.barrier barrier_id(%barrier3A)
    %mul3A_13 = arith.constant 200000 : i32
    %mul3A_14 = arith.muli %add3A, %mul3A_13 : i32
    %add3A_15 = arith.constant 0 : i32
    %add3A_16 = arith.addi %mul3A_14, %add3A_15 : i32
    %multiple_of3A_17 = tpu.assume_multiple %add3A_16, 8 : i32
    %dma_start3A = tpu.memref_slice %arg3[%multiple_of3A_17] : memref<6400000xi32, #tpu.memory_space<hbm>> -> memref<4000xi32, #tpu.memory_space<hbm>>
    %dma_start3A_18 = tpu.memref_slice %arg3[%multiple_of3A_17] : memref<6400000xi32, #tpu.memory_space<hbm>> -> memref<4000xi32, #tpu.memory_space<hbm>>
    tpu.enqueue_dma source(%dma_start3A_18 : memref<4000xi32, #tpu.memory_space<hbm>>) target(%arg8 : memref<4000xi32, #tpu.memory_space<vmem>>) target_semaphore(%arg15 : memref<!tpu.dma_semaphore, #tpu.memory_space<semaphore_mem>>)
    %dma_start3A_19 = tpu.memref_slice %arg4[%multiple_of3A_17] : memref<6400000xi32, #tpu.memory_space<hbm>> -> memref<4000xi32, #tpu.memory_space<hbm>>
    %dma_start3A_20 = tpu.memref_slice %arg4[%multiple_of3A_17] : memref<6400000xi32, #tpu.memory_space<hbm>> -> memref<4000xi32, #tpu.memory_space<hbm>>
    tpu.enqueue_dma source(%dma_start3A_20 : memref<4000xi32, #tpu.memory_space<hbm>>) target(%arg10 : memref<4000xi32, #tpu.memory_space<vmem>>) target_semaphore(%arg15 : memref<!tpu.dma_semaphore, #tpu.memory_space<semaphore_mem>>)
    %dma_start3A_21 = tpu.memref_slice %arg5[%multiple_of3A_17] : memref<6400000xf32, #tpu.memory_space<hbm>> -> memref<4000xf32, #tpu.memory_space<hbm>>
    %dma_start3A_22 = tpu.memref_slice %arg5[%multiple_of3A_17] : memref<6400000xf32, #tpu.memory_space<hbm>> -> memref<4000xf32, #tpu.memory_space<hbm>>
    tpu.enqueue_dma source(%dma_start3A_22 : memref<4000xf32, #tpu.memory_space<hbm>>) target(%arg9 : memref<4000xf32, #tpu.memory_space<vmem>>) target_semaphore(%arg15 : memref<!tpu.dma_semaphore, #tpu.memory_space<semaphore_mem>>)
    %dma_wait3A = tpu.memref_slice %arg3[%multiple_of3A_17] : memref<6400000xi32, #tpu.memory_space<hbm>> -> memref<4000xi32, #tpu.memory_space<hbm>>
    %dma_wait3A_23 = tpu.memref_slice %arg3[%multiple_of3A_17] : memref<6400000xi32, #tpu.memory_space<hbm>> -> memref<4000xi32, #tpu.memory_space<hbm>>
    tpu.wait_dma2 semaphore(%arg15 : memref<!tpu.dma_semaphore, #tpu.memory_space<semaphore_mem>>) src(%dma_wait3A_23 : memref<4000xi32, #tpu.memory_space<hbm>>) dst(%arg8 : memref<4000xi32, #tpu.memory_space<vmem>>)
    %dma_wait3A_24 = tpu.memref_slice %arg4[%multiple_of3A_17] : memref<6400000xi32, #tpu.memory_space<hbm>> -> memref<4000xi32, #tpu.memory_space<hbm>>
    %dma_wait3A_25 = tpu.memref_slice %arg4[%multiple_of3A_17] : memref<6400000xi32, #tpu.memory_space<hbm>> -> memref<4000xi32, #tpu.memory_space<hbm>>
    tpu.wait_dma2 semaphore(%arg15 : memref<!tpu.dma_semaphore, #tpu.memory_space<semaphore_mem>>) src(%dma_wait3A_25 : memref<4000xi32, #tpu.memory_space<hbm>>) dst(%arg10 : memref<4000xi32, #tpu.memory_space<vmem>>)
    %dma_wait3A_26 = tpu.memref_slice %arg5[%multiple_of3A_17] : memref<6400000xf32, #tpu.memory_space<hbm>> -> memref<4000xf32, #tpu.memory_space<hbm>>
    %dma_wait3A_27 = tpu.memref_slice %arg5[%multiple_of3A_17] : memref<6400000xf32, #tpu.memory_space<hbm>> -> memref<4000xf32, #tpu.memory_space<hbm>>
    tpu.wait_dma2 semaphore(%arg15 : memref<!tpu.dma_semaphore, #tpu.memory_space<semaphore_mem>>) src(%dma_wait3A_27 : memref<4000xf32, #tpu.memory_space<hbm>>) dst(%arg9 : memref<4000xf32, #tpu.memory_space<vmem>>)
    %scan3A_28 = arith.constant 0 : i32
    %scan3A_29 = arith.constant 0 : i32
    %scan3A_30 = arith.constant 250 : i32
    %scan3A_31 = arith.addi %scan3A_29, %scan3A_30 : i32
    %scan3A_32 = arith.constant 1 : i32
    %scan3A_33 = scf.for %scan3A_75 = %scan3A_29 to %scan3A_31 step %scan3A_32 iter_args(%scan3A_76 = %scan3A_28) -> (i32)  : i32 {
      %mul3A_77 = arith.constant 16 : i32
      %mul3A_78 = arith.muli %scan3A_75, %mul3A_77 : i32
      %multiple_of3A_79 = tpu.assume_multiple %mul3A_78, 16 : i32
      %get3A = arith.index_cast %multiple_of3A_79 : i32 to index
      %get3A_80 = tpu.vector_load %arg8[%get3A] {strides = array<i32>} : memref<4000xi32, #tpu.memory_space<vmem>>, vector<16xi32>,
      %gather3A = tpu.vector_load_idx %arg7[%get3A_80] : memref<100000xf32, #tpu.memory_space<vmem>>[vector<16xi32>], vector<16xf32>,
      %get3A_81 = arith.index_cast %multiple_of3A_79 : i32 to index
      %get3A_82 = tpu.vector_load %arg9[%get3A_81] {strides = array<i32>} : memref<4000xf32, #tpu.memory_space<vmem>>, vector<16xf32>,
      %mul3A_83 = arith.mulf %get3A_82, %gather3A : vector<16xf32>
      %swap3A = arith.index_cast %multiple_of3A_79 : i32 to index
      %swap3A_84 = tpu.vector_load %arg12[%swap3A] {strides = array<i32>} : memref<4000xf32, #tpu.memory_space<vmem>>, vector<16xf32>,
      tpu.vector_store %arg12[%swap3A], %mul3A_83 {strides = array<i32>} : memref<4000xf32, #tpu.memory_space<vmem>>, vector<16xf32>,
      %scan3A_85 = arith.constant 0 : i32
      scf.yield %scan3A_85 : i32
    }
    %scan3A_34 = arith.constant 250 : i32
    %dma_start3A_35 = arith.constant 0 : i32
    %dma_start3A_36 = tpu.memref_slice %arg14[%dma_start3A_35] : memref<100352xf32, #tpu.memory_space<vmem_shared>> -> memref<100352xf32, #tpu.memory_space<vmem_shared>>
    tpu.enqueue_indirect_dma source(%arg12 : memref<4000xf32, #tpu.memory_space<vmem>>) target(%dma_start3A_36 : memref<100352xf32, #tpu.memory_space<vmem_shared>>) offsets(%arg10 : memref<4000xi32, #tpu.memory_space<vmem>>) semaphore(%arg16 : memref<!tpu.dma_semaphore, #tpu.memory_space<semaphore_mem>>) {add = true}
    %mul3A_37 = arith.constant 200000 : i32
    %mul3A_38 = arith.muli %add3A, %mul3A_37 : i32
    %add3A_39 = arith.constant 4000 : i32
    %add3A_40 = arith.addi %mul3A_38, %add3A_39 : i32
    %multiple_of3A_41 = tpu.assume_multiple %add3A_40, 8 : i32
    %dma_start3A_42 = tpu.memref_slice %arg3[%multiple_of3A_41] : memref<6400000xi32, #tpu.memory_space<hbm>> -> memref<4000xi32, #tpu.memory_space<hbm>>
    %dma_start3A_43 = tpu.memref_slice %arg3[%multiple_of3A_41] : memref<6400000xi32, #tpu.memory_space<hbm>> -> memref<4000xi32, #tpu.memory_space<hbm>>
    tpu.enqueue_dma source(%dma_start3A_43 : memref<4000xi32, #tpu.memory_space<hbm>>) target(%arg8 : memref<4000xi32, #tpu.memory_space<vmem>>) target_semaphore(%arg15 : memref<!tpu.dma_semaphore, #tpu.memory_space<semaphore_mem>>)
    %dma_start3A_44 = tpu.memref_slice %arg4[%multiple_of3A_41] : memref<6400000xi32, #tpu.memory_space<hbm>> -> memref<4000xi32, #tpu.memory_space<hbm>>
    %dma_start3A_45 = tpu.memref_slice %arg4[%multiple_of3A_41] : memref<6400000xi32, #tpu.memory_space<hbm>> -> memref<4000xi32, #tpu.memory_space<hbm>>
    tpu.enqueue_dma source(%dma_start3A_45 : memref<4000xi32, #tpu.memory_space<hbm>>) target(%arg11 : memref<4000xi32, #tpu.memory_space<vmem>>) target_semaphore(%arg15 : memref<!tpu.dma_semaphore, #tpu.memory_space<semaphore_mem>>)
    %dma_start3A_46 = tpu.memref_slice %arg5[%multiple_of3A_41] : memref<6400000xf32, #tpu.memory_space<hbm>> -> memref<4000xf32, #tpu.memory_space<hbm>>
    %dma_start3A_47 = tpu.memref_slice %arg5[%multiple_of3A_41] : memref<6400000xf32, #tpu.memory_space<hbm>> -> memref<4000xf32, #tpu.memory_space<hbm>>
    tpu.enqueue_dma source(%dma_start3A_47 : memref<4000xf32, #tpu.memory_space<hbm>>) target(%arg9 : memref<4000xf32, #tpu.memory_space<vmem>>) target_semaphore(%arg15 : memref<!tpu.dma_semaphore, #tpu.memory_space<semaphore_mem>>)
    %dma_wait3A_48 = tpu.memref_slice %arg3[%multiple_of3A_41] : memref<6400000xi32, #tpu.memory_space<hbm>> -> memref<4000xi32, #tpu.memory_space<hbm>>
    %dma_wait3A_49 = tpu.memref_slice %arg3[%multiple_of3A_41] : memref<6400000xi32, #tpu.memory_space<hbm>> -> memref<4000xi32, #tpu.memory_space<hbm>>
    tpu.wait_dma2 semaphore(%arg15 : memref<!tpu.dma_semaphore, #tpu.memory_space<semaphore_mem>>) src(%dma_wait3A_49 : memref<4000xi32, #tpu.memory_space<hbm>>) dst(%arg8 : memref<4000xi32, #tpu.memory_space<vmem>>)
    %dma_wait3A_50 = tpu.memref_slice %arg4[%multiple_of3A_41] : memref<6400000xi32, #tpu.memory_space<hbm>> -> memref<4000xi32, #tpu.memory_space<hbm>>
    %dma_wait3A_51 = tpu.memref_slice %arg4[%multiple_of3A_41] : memref<6400000xi32, #tpu.memory_space<hbm>> -> memref<4000xi32, #tpu.memory_space<hbm>>
    tpu.wait_dma2 semaphore(%arg15 : memref<!tpu.dma_semaphore, #tpu.memory_space<semaphore_mem>>) src(%dma_wait3A_51 : memref<4000xi32, #tpu.memory_space<hbm>>) dst(%arg11 : memref<4000xi32, #tpu.memory_space<vmem>>)
    %dma_wait3A_52 = tpu.memref_slice %arg5[%multiple_of3A_41] : memref<6400000xf32, #tpu.memory_space<hbm>> -> memref<4000xf32, #tpu.memory_space<hbm>>
    %dma_wait3A_53 = tpu.memref_slice %arg5[%multiple_of3A_41] : memref<6400000xf32, #tpu.memory_space<hbm>> -> memref<4000xf32, #tpu.memory_space<hbm>>
    tpu.wait_dma2 semaphore(%arg15 : memref<!tpu.dma_semaphore, #tpu.memory_space<semaphore_mem>>) src(%dma_wait3A_53 : memref<4000xf32, #tpu.memory_space<hbm>>) dst(%arg9 : memref<4000xf32, #tpu.memory_space<vmem>>)
    %scan3A_54 = arith.constant 0 : i32
    %scan3A_55 = arith.constant 0 : i32
    %scan3A_56 = arith.constant 250 : i32
    %scan3A_57 = arith.addi %scan3A_55, %scan3A_56 : i32
    %scan3A_58 = arith.constant 1 : i32
    %scan3A_59 = scf.for %scan3A_75 = %scan3A_55 to %scan3A_57 step %scan3A_58 iter_args(%scan3A_76 = %scan3A_54) -> (i32)  : i32 {
      %mul3A_77 = arith.constant 16 : i32
      %mul3A_78 = arith.muli %scan3A_75, %mul3A_77 : i32
      %multiple_of3A_79 = tpu.assume_multiple %mul3A_78, 16 : i32
      %get3A = arith.index_cast %multiple_of3A_79 : i32 to index
      %get3A_80 = tpu.vector_load %arg8[%get3A] {strides = array<i32>} : memref<4000xi32, #tpu.memory_space<vmem>>, vector<16xi32>,
      %gather3A = tpu.vector_load_idx %arg7[%get3A_80] : memref<100000xf32, #tpu.memory_space<vmem>>[vector<16xi32>], vector<16xf32>,
      %get3A_81 = arith.index_cast %multiple_of3A_79 : i32 to index
      %get3A_82 = tpu.vector_load %arg9[%get3A_81] {strides = array<i32>} : memref<4000xf32, #tpu.memory_space<vmem>>, vector<16xf32>,
      %mul3A_83 = arith.mulf %get3A_82, %gather3A : vector<16xf32>
      %swap3A = arith.index_cast %multiple_of3A_79 : i32 to index
      %swap3A_84 = tpu.vector_load %arg13[%swap3A] {strides = array<i32>} : memref<4000xf32, #tpu.memory_space<vmem>>, vector<16xf32>,
      tpu.vector_store %arg13[%swap3A], %mul3A_83 {strides = array<i32>} : memref<4000xf32, #tpu.memory_space<vmem>>, vector<16xf32>,
      %scan3A_85 = arith.constant 0 : i32
      scf.yield %scan3A_85 : i32
    }
    %scan3A_60 = arith.constant 250 : i32
    %dma_start3A_61 = arith.constant 0 : i32
    %dma_start3A_62 = tpu.memref_slice %arg14[%dma_start3A_61] : memref<100352xf32, #tpu.memory_space<vmem_shared>> -> memref<100352xf32, #tpu.memory_space<vmem_shared>>
    tpu.enqueue_indirect_dma source(%arg13 : memref<4000xf32, #tpu.memory_space<vmem>>) target(%dma_start3A_62 : memref<100352xf32, #tpu.memory_space<vmem_shared>>) offsets(%arg11 : memref<4000xi32, #tpu.memory_space<vmem>>) semaphore(%arg17 : memref<!tpu.dma_semaphore, #tpu.memory_space<semaphore_mem>>) {add = true}
    %scan3A_63 = arith.constant 0 : i32
    %scan3A_64 = arith.constant 1 : i32
    %scan3A_65 = arith.constant 24 : i32
    %scan3A_66 = arith.addi %scan3A_64, %scan3A_65 : i32
    %scan3A_67 = arith.constant 1 : i32
    %scan3A_68 = scf.for %scan3A_75 = %scan3A_64 to %scan3A_66 step %scan3A_67 iter_args(%scan3A_76 = %scan3A_63) -> (i32)  : i32 {
      %dma_wait3A_77 = arith.constant 0 : i32
      %dma_wait3A_78 = tpu.memref_slice %arg14[%dma_wait3A_77] : memref<100352xf32, #tpu.memory_space<vmem_shared>> -> memref<100352xf32, #tpu.memory_space<vmem_shared>>
      tpu.wait_indirect_dma semaphore(%arg16 : memref<!tpu.dma_semaphore, #tpu.memory_space<semaphore_mem>>) src(%arg12 : memref<4000xf32, #tpu.memory_space<vmem>>) dst(%dma_wait3A_78 : memref<100352xf32, #tpu.memory_space<vmem_shared>>)
      %mul3A_79 = arith.constant 2 : i32
      %mul3A_80 = arith.muli %mul3A_79, %scan3A_75 : i32
      %add3A_81 = arith.constant 0 : i32
      %add3A_82 = arith.addi %mul3A_80, %add3A_81 : i32
      %mul3A_83 = arith.constant 200000 : i32
      %mul3A_84 = arith.muli %add3A, %mul3A_83 : i32
      %mul3A_85 = arith.constant 4000 : i32
      %mul3A_86 = arith.muli %add3A_82, %mul3A_85 : i32
      %add3A_87 = arith.addi %mul3A_84, %mul3A_86 : i32
      %multiple_of3A_88 = tpu.assume_multiple %add3A_87, 8 : i32
      %dma_start3A_89 = tpu.memref_slice %arg3[%multiple_of3A_88] : memref<6400000xi32, #tpu.memory_space<hbm>> -> memref<4000xi32, #tpu.memory_space<hbm>>
      %dma_start3A_90 = tpu.memref_slice %arg3[%multiple_of3A_88] : memref<6400000xi32, #tpu.memory_space<hbm>> -> memref<4000xi32, #tpu.memory_space<hbm>>
      tpu.enqueue_dma source(%dma_start3A_90 : memref<4000xi32, #tpu.memory_space<hbm>>) target(%arg8 : memref<4000xi32, #tpu.memory_space<vmem>>) target_semaphore(%arg15 : memref<!tpu.dma_semaphore, #tpu.memory_space<semaphore_mem>>)
      %dma_start3A_91 = tpu.memref_slice %arg4[%multiple_of3A_88] : memref<6400000xi32, #tpu.memory_space<hbm>> -> memref<4000xi32, #tpu.memory_space<hbm>>
      %dma_start3A_92 = tpu.memref_slice %arg4[%multiple_of3A_88] : memref<6400000xi32, #tpu.memory_space<hbm>> -> memref<4000xi32, #tpu.memory_space<hbm>>
      tpu.enqueue_dma source(%dma_start3A_92 : memref<4000xi32, #tpu.memory_space<hbm>>) target(%arg10 : memref<4000xi32, #tpu.memory_space<vmem>>) target_semaphore(%arg15 : memref<!tpu.dma_semaphore, #tpu.memory_space<semaphore_mem>>)
      %dma_start3A_93 = tpu.memref_slice %arg5[%multiple_of3A_88] : memref<6400000xf32, #tpu.memory_space<hbm>> -> memref<4000xf32, #tpu.memory_space<hbm>>
      %dma_start3A_94 = tpu.memref_slice %arg5[%multiple_of3A_88] : memref<6400000xf32, #tpu.memory_space<hbm>> -> memref<4000xf32, #tpu.memory_space<hbm>>
      tpu.enqueue_dma source(%dma_start3A_94 : memref<4000xf32, #tpu.memory_space<hbm>>) target(%arg9 : memref<4000xf32, #tpu.memory_space<vmem>>) target_semaphore(%arg15 : memref<!tpu.dma_semaphore, #tpu.memory_space<semaphore_mem>>)
      %dma_wait3A_95 = tpu.memref_slice %arg3[%multiple_of3A_88] : memref<6400000xi32, #tpu.memory_space<hbm>> -> memref<4000xi32, #tpu.memory_space<hbm>>
      %dma_wait3A_96 = tpu.memref_slice %arg3[%multiple_of3A_88] : memref<6400000xi32, #tpu.memory_space<hbm>> -> memref<4000xi32, #tpu.memory_space<hbm>>
      tpu.wait_dma2 semaphore(%arg15 : memref<!tpu.dma_semaphore, #tpu.memory_space<semaphore_mem>>) src(%dma_wait3A_96 : memref<4000xi32, #tpu.memory_space<hbm>>) dst(%arg8 : memref<4000xi32, #tpu.memory_space<vmem>>)
      %dma_wait3A_97 = tpu.memref_slice %arg4[%multiple_of3A_88] : memref<6400000xi32, #tpu.memory_space<hbm>> -> memref<4000xi32, #tpu.memory_space<hbm>>
      %dma_wait3A_98 = tpu.memref_slice %arg4[%multiple_of3A_88] : memref<6400000xi32, #tpu.memory_space<hbm>> -> memref<4000xi32, #tpu.memory_space<hbm>>
      tpu.wait_dma2 semaphore(%arg15 : memref<!tpu.dma_semaphore, #tpu.memory_space<semaphore_mem>>) src(%dma_wait3A_98 : memref<4000xi32, #tpu.memory_space<hbm>>) dst(%arg10 : memref<4000xi32, #tpu.memory_space<vmem>>)
      %dma_wait3A_99 = tpu.memref_slice %arg5[%multiple_of3A_88] : memref<6400000xf32, #tpu.memory_space<hbm>> -> memref<4000xf32, #tpu.memory_space<hbm>>
      %dma_wait3A_100 = tpu.memref_slice %arg5[%multiple_of3A_88] : memref<6400000xf32, #tpu.memory_space<hbm>> -> memref<4000xf32, #tpu.memory_space<hbm>>
      tpu.wait_dma2 semaphore(%arg15 : memref<!tpu.dma_semaphore, #tpu.memory_space<semaphore_mem>>) src(%dma_wait3A_100 : memref<4000xf32, #tpu.memory_space<hbm>>) dst(%arg9 : memref<4000xf32, #tpu.memory_space<vmem>>)
      %scan3A_101 = arith.constant 0 : i32
      %scan3A_102 = arith.constant 0 : i32
      %scan3A_103 = arith.constant 250 : i32
      %scan3A_104 = arith.addi %scan3A_102, %scan3A_103 : i32
      %scan3A_105 = arith.constant 1 : i32
      %scan3A_106 = scf.for %scan3A_144 = %scan3A_102 to %scan3A_104 step %scan3A_105 iter_args(%scan3A_145 = %scan3A_101) -> (i32)  : i32 {
        %mul3A_146 = arith.constant 16 : i32
        %mul3A_147 = arith.muli %scan3A_144, %mul3A_146 : i32
        %multiple_of3A_148 = tpu.assume_multiple %mul3A_147, 16 : i32
        %get3A = arith.index_cast %multiple_of3A_148 : i32 to index
        %get3A_149 = tpu.vector_load %arg8[%get3A] {strides = array<i32>} : memref<4000xi32, #tpu.memory_space<vmem>>, vector<16xi32>,
        %gather3A = tpu.vector_load_idx %arg7[%get3A_149] : memref<100000xf32, #tpu.memory_space<vmem>>[vector<16xi32>], vector<16xf32>,
        %get3A_150 = arith.index_cast %multiple_of3A_148 : i32 to index
        %get3A_151 = tpu.vector_load %arg9[%get3A_150] {strides = array<i32>} : memref<4000xf32, #tpu.memory_space<vmem>>, vector<16xf32>,
        %mul3A_152 = arith.mulf %get3A_151, %gather3A : vector<16xf32>
        %swap3A = arith.index_cast %multiple_of3A_148 : i32 to index
        %swap3A_153 = tpu.vector_load %arg12[%swap3A] {strides = array<i32>} : memref<4000xf32, #tpu.memory_space<vmem>>, vector<16xf32>,
        tpu.vector_store %arg12[%swap3A], %mul3A_152 {strides = array<i32>} : memref<4000xf32, #tpu.memory_space<vmem>>, vector<16xf32>,
        %scan3A_154 = arith.constant 0 : i32
        scf.yield %scan3A_154 : i32
      }
      %scan3A_107 = arith.constant 250 : i32
      %dma_start3A_108 = arith.constant 0 : i32
      %dma_start3A_109 = tpu.memref_slice %arg14[%dma_start3A_108] : memref<100352xf32, #tpu.memory_space<vmem_shared>> -> memref<100352xf32, #tpu.memory_space<vmem_shared>>
      tpu.enqueue_indirect_dma source(%arg12 : memref<4000xf32, #tpu.memory_space<vmem>>) target(%dma_start3A_109 : memref<100352xf32, #tpu.memory_space<vmem_shared>>) offsets(%arg10 : memref<4000xi32, #tpu.memory_space<vmem>>) semaphore(%arg16 : memref<!tpu.dma_semaphore, #tpu.memory_space<semaphore_mem>>) {add = true}
      %dma_wait3A_110 = arith.constant 0 : i32
      %dma_wait3A_111 = tpu.memref_slice %arg14[%dma_wait3A_110] : memref<100352xf32, #tpu.memory_space<vmem_shared>> -> memref<100352xf32, #tpu.memory_space<vmem_shared>>
      tpu.wait_indirect_dma semaphore(%arg17 : memref<!tpu.dma_semaphore, #tpu.memory_space<semaphore_mem>>) src(%arg13 : memref<4000xf32, #tpu.memory_space<vmem>>) dst(%dma_wait3A_111 : memref<100352xf32, #tpu.memory_space<vmem_shared>>)
      %mul3A_112 = arith.constant 2 : i32
      %mul3A_113 = arith.muli %mul3A_112, %scan3A_75 : i32
      %add3A_114 = arith.constant 1 : i32
      %add3A_115 = arith.addi %mul3A_113, %add3A_114 : i32
      %mul3A_116 = arith.constant 200000 : i32
      %mul3A_117 = arith.muli %add3A, %mul3A_116 : i32
      %mul3A_118 = arith.constant 4000 : i32
      %mul3A_119 = arith.muli %add3A_115, %mul3A_118 : i32
      %add3A_120 = arith.addi %mul3A_117, %mul3A_119 : i32
      %multiple_of3A_121 = tpu.assume_multiple %add3A_120, 8 : i32
      %dma_start3A_122 = tpu.memref_slice %arg3[%multiple_of3A_121] : memref<6400000xi32, #tpu.memory_space<hbm>> -> memref<4000xi32, #tpu.memory_space<hbm>>
      %dma_start3A_123 = tpu.memref_slice %arg3[%multiple_of3A_121] : memref<6400000xi32, #tpu.memory_space<hbm>> -> memref<4000xi32, #tpu.memory_space<hbm>>
      tpu.enqueue_dma source(%dma_start3A_123 : memref<4000xi32, #tpu.memory_space<hbm>>) target(%arg8 : memref<4000xi32, #tpu.memory_space<vmem>>) target_semaphore(%arg15 : memref<!tpu.dma_semaphore, #tpu.memory_space<semaphore_mem>>)
      %dma_start3A_124 = tpu.memref_slice %arg4[%multiple_of3A_121] : memref<6400000xi32, #tpu.memory_space<hbm>> -> memref<4000xi32, #tpu.memory_space<hbm>>
      %dma_start3A_125 = tpu.memref_slice %arg4[%multiple_of3A_121] : memref<6400000xi32, #tpu.memory_space<hbm>> -> memref<4000xi32, #tpu.memory_space<hbm>>
      tpu.enqueue_dma source(%dma_start3A_125 : memref<4000xi32, #tpu.memory_space<hbm>>) target(%arg11 : memref<4000xi32, #tpu.memory_space<vmem>>) target_semaphore(%arg15 : memref<!tpu.dma_semaphore, #tpu.memory_space<semaphore_mem>>)
      %dma_start3A_126 = tpu.memref_slice %arg5[%multiple_of3A_121] : memref<6400000xf32, #tpu.memory_space<hbm>> -> memref<4000xf32, #tpu.memory_space<hbm>>
      %dma_start3A_127 = tpu.memref_slice %arg5[%multiple_of3A_121] : memref<6400000xf32, #tpu.memory_space<hbm>> -> memref<4000xf32, #tpu.memory_space<hbm>>
      tpu.enqueue_dma source(%dma_start3A_127 : memref<4000xf32, #tpu.memory_space<hbm>>) target(%arg9 : memref<4000xf32, #tpu.memory_space<vmem>>) target_semaphore(%arg15 : memref<!tpu.dma_semaphore, #tpu.memory_space<semaphore_mem>>)
      %dma_wait3A_128 = tpu.memref_slice %arg3[%multiple_of3A_121] : memref<6400000xi32, #tpu.memory_space<hbm>> -> memref<4000xi32, #tpu.memory_space<hbm>>
      %dma_wait3A_129 = tpu.memref_slice %arg3[%multiple_of3A_121] : memref<6400000xi32, #tpu.memory_space<hbm>> -> memref<4000xi32, #tpu.memory_space<hbm>>
      tpu.wait_dma2 semaphore(%arg15 : memref<!tpu.dma_semaphore, #tpu.memory_space<semaphore_mem>>) src(%dma_wait3A_129 : memref<4000xi32, #tpu.memory_space<hbm>>) dst(%arg8 : memref<4000xi32, #tpu.memory_space<vmem>>)
      %dma_wait3A_130 = tpu.memref_slice %arg4[%multiple_of3A_121] : memref<6400000xi32, #tpu.memory_space<hbm>> -> memref<4000xi32, #tpu.memory_space<hbm>>
      %dma_wait3A_131 = tpu.memref_slice %arg4[%multiple_of3A_121] : memref<6400000xi32, #tpu.memory_space<hbm>> -> memref<4000xi32, #tpu.memory_space<hbm>>
      tpu.wait_dma2 semaphore(%arg15 : memref<!tpu.dma_semaphore, #tpu.memory_space<semaphore_mem>>) src(%dma_wait3A_131 : memref<4000xi32, #tpu.memory_space<hbm>>) dst(%arg11 : memref<4000xi32, #tpu.memory_space<vmem>>)
      %dma_wait3A_132 = tpu.memref_slice %arg5[%multiple_of3A_121] : memref<6400000xf32, #tpu.memory_space<hbm>> -> memref<4000xf32, #tpu.memory_space<hbm>>
      %dma_wait3A_133 = tpu.memref_slice %arg5[%multiple_of3A_121] : memref<6400000xf32, #tpu.memory_space<hbm>> -> memref<4000xf32, #tpu.memory_space<hbm>>
      tpu.wait_dma2 semaphore(%arg15 : memref<!tpu.dma_semaphore, #tpu.memory_space<semaphore_mem>>) src(%dma_wait3A_133 : memref<4000xf32, #tpu.memory_space<hbm>>) dst(%arg9 : memref<4000xf32, #tpu.memory_space<vmem>>)
      %scan3A_134 = arith.constant 0 : i32
      %scan3A_135 = arith.constant 0 : i32
      %scan3A_136 = arith.constant 250 : i32
      %scan3A_137 = arith.addi %scan3A_135, %scan3A_136 : i32
      %scan3A_138 = arith.constant 1 : i32
      %scan3A_139 = scf.for %scan3A_144 = %scan3A_135 to %scan3A_137 step %scan3A_138 iter_args(%scan3A_145 = %scan3A_134) -> (i32)  : i32 {
        %mul3A_146 = arith.constant 16 : i32
        %mul3A_147 = arith.muli %scan3A_144, %mul3A_146 : i32
        %multiple_of3A_148 = tpu.assume_multiple %mul3A_147, 16 : i32
        %get3A = arith.index_cast %multiple_of3A_148 : i32 to index
        %get3A_149 = tpu.vector_load %arg8[%get3A] {strides = array<i32>} : memref<4000xi32, #tpu.memory_space<vmem>>, vector<16xi32>,
        %gather3A = tpu.vector_load_idx %arg7[%get3A_149] : memref<100000xf32, #tpu.memory_space<vmem>>[vector<16xi32>], vector<16xf32>,
        %get3A_150 = arith.index_cast %multiple_of3A_148 : i32 to index
        %get3A_151 = tpu.vector_load %arg9[%get3A_150] {strides = array<i32>} : memref<4000xf32, #tpu.memory_space<vmem>>, vector<16xf32>,
        %mul3A_152 = arith.mulf %get3A_151, %gather3A : vector<16xf32>
        %swap3A = arith.index_cast %multiple_of3A_148 : i32 to index
        %swap3A_153 = tpu.vector_load %arg13[%swap3A] {strides = array<i32>} : memref<4000xf32, #tpu.memory_space<vmem>>, vector<16xf32>,
        tpu.vector_store %arg13[%swap3A], %mul3A_152 {strides = array<i32>} : memref<4000xf32, #tpu.memory_space<vmem>>, vector<16xf32>,
        %scan3A_154 = arith.constant 0 : i32
        scf.yield %scan3A_154 : i32
      }
      %scan3A_140 = arith.constant 250 : i32
      %dma_start3A_141 = arith.constant 0 : i32
      %dma_start3A_142 = tpu.memref_slice %arg14[%dma_start3A_141] : memref<100352xf32, #tpu.memory_space<vmem_shared>> -> memref<100352xf32, #tpu.memory_space<vmem_shared>>
      tpu.enqueue_indirect_dma source(%arg13 : memref<4000xf32, #tpu.memory_space<vmem>>) target(%dma_start3A_142 : memref<100352xf32, #tpu.memory_space<vmem_shared>>) offsets(%arg11 : memref<4000xi32, #tpu.memory_space<vmem>>) semaphore(%arg17 : memref<!tpu.dma_semaphore, #tpu.memory_space<semaphore_mem>>) {add = true}
      %scan3A_143 = arith.constant 0 : i32
      scf.yield %scan3A_143 : i32
    }
    %scan3A_69 = arith.constant 24 : i32
    %dma_wait3A_70 = arith.constant 0 : i32
    %dma_wait3A_71 = tpu.memref_slice %arg14[%dma_wait3A_70] : memref<100352xf32, #tpu.memory_space<vmem_shared>> -> memref<100352xf32, #tpu.memory_space<vmem_shared>>
    tpu.wait_indirect_dma semaphore(%arg16 : memref<!tpu.dma_semaphore, #tpu.memory_space<semaphore_mem>>) src(%arg12 : memref<4000xf32, #tpu.memory_space<vmem>>) dst(%dma_wait3A_71 : memref<100352xf32, #tpu.memory_space<vmem_shared>>)
    %dma_wait3A_72 = arith.constant 0 : i32
    %dma_wait3A_73 = tpu.memref_slice %arg14[%dma_wait3A_72] : memref<100352xf32, #tpu.memory_space<vmem_shared>> -> memref<100352xf32, #tpu.memory_space<vmem_shared>>
    tpu.wait_indirect_dma semaphore(%arg17 : memref<!tpu.dma_semaphore, #tpu.memory_space<semaphore_mem>>) src(%arg13 : memref<4000xf32, #tpu.memory_space<vmem>>) dst(%dma_wait3A_73 : memref<100352xf32, #tpu.memory_space<vmem_shared>>)
    %barrier3A_74 = arith.constant 0 : index
    tpu.barrier barrier_id(%barrier3A_74)
    "tpu.region"() ({
      %run_scoped3A = tpu.sem_alloc : memref<!tpu.dma_semaphore, #tpu.memory_space<semaphore_mem>>
      %dma_start3A_75 = tpu.memref_slice %arg6[%arg0, %multiple_of3A] : memref<2x100352xf32, #tpu.memory_space<hbm>> -> memref<1x6272xf32, #tpu.memory_space<hbm>>
      %dma_start3A_76 = tpu.memref_squeeze %dma_start3A_75 : memref<1x6272xf32, #tpu.memory_space<hbm>> -> memref<6272xf32, #tpu.memory_space<hbm>>
      %dma_start3A_77 = tpu.memref_slice %arg14[%multiple_of3A] : memref<100352xf32, #tpu.memory_space<vmem_shared>> -> memref<6272xf32, #tpu.memory_space<vmem_shared>>
      tpu.enqueue_dma source(%dma_start3A_77 : memref<6272xf32, #tpu.memory_space<vmem_shared>>) target(%dma_start3A_76 : memref<6272xf32, #tpu.memory_space<hbm>>) target_semaphore(%run_scoped3A : memref<!tpu.dma_semaphore, #tpu.memory_space<semaphore_mem>>)
      %dma_wait3A_78 = tpu.memref_slice %arg6[%arg0, %multiple_of3A] : memref<2x100352xf32, #tpu.memory_space<hbm>> -> memref<1x6272xf32, #tpu.memory_space<hbm>>
      %dma_wait3A_79 = tpu.memref_squeeze %dma_wait3A_78 : memref<1x6272xf32, #tpu.memory_space<hbm>> -> memref<6272xf32, #tpu.memory_space<hbm>>
      %dma_wait3A_80 = tpu.memref_slice %arg14[%multiple_of3A] : memref<100352xf32, #tpu.memory_space<vmem_shared>> -> memref<6272xf32, #tpu.memory_space<vmem_shared>>
      tpu.wait_dma2 semaphore(%run_scoped3A : memref<!tpu.dma_semaphore, #tpu.memory_space<semaphore_mem>>) src(%dma_wait3A_80 : memref<6272xf32, #tpu.memory_space<vmem_shared>>) dst(%dma_wait3A_79 : memref<6272xf32, #tpu.memory_space<hbm>>)
      tpu.yield
    }) : () -> ()
    return
  }
}

#map = affine_map<(d0, d1) -> (0)>
#map1 = affine_map<(d0, d1) -> (0, 0)>
module attributes {stable_mosaic.version = 14 : i64} {
  func.func @_seg_body(%arg0: i32, %arg1: i32, %arg2: memref<100352xf32, #tpu.memory_space<hbm>>, %arg3: memref<6400000xi32, #tpu.memory_space<hbm>>, %arg4: memref<6400000xi32, #tpu.memory_space<hbm>>, %arg5: memref<6400000xf32, #tpu.memory_space<hbm>>, %arg6: memref<2x100352xf32, #tpu.memory_space<hbm>>, %arg7: memref<100000xf32, #tpu.memory_space<vmem>>, %arg8: memref<4000xi32, #tpu.memory_space<vmem>>, %arg9: memref<4000xf32, #tpu.memory_space<vmem>>, %arg10: memref<4000xi32, #tpu.memory_space<vmem>>, %arg11: memref<4000xi32, #tpu.memory_space<vmem>>, %arg12: memref<4000xf32, #tpu.memory_space<vmem>>, %arg13: memref<4000xf32, #tpu.memory_space<vmem>>, %arg14: memref<100352xf32, #tpu.memory_space<vmem_shared>>, %arg15: memref<!tpu.dma_semaphore, #tpu.memory_space<semaphore_mem>>, %arg16: memref<!tpu.dma_semaphore, #tpu.memory_space<semaphore_mem>>, %arg17: memref<!tpu.dma_semaphore, #tpu.memory_space<semaphore_mem>>) attributes {dimension_semantics = [#tpu.dimension_semantics<core_parallel>, #tpu.dimension_semantics<subcore_parallel>], iteration_bounds = array<i64: 2, 16>, scalar_prefetch = 0 : i64, scratch_operands = 11 : i64, tpu.core_type = #tpu.core_type<sc_vector_subcore>, window_params = [{transform_indices = #map}, {transform_indices = #map}, {transform_indices = #map}, {transform_indices = #map}, {transform_indices = #map1}]} {
    %mul3A = arith.constant 16 : i32
    %mul3A_0 = arith.muli %arg0, %mul3A : i32
    %add3A = arith.addi %mul3A_0, %arg1 : i32
    %scan3A = arith.constant 0 : i32
    %scan3A_1 = arith.constant 0 : i32
    %scan3A_2 = arith.constant 250 : i32
    %scan3A_3 = arith.addi %scan3A_1, %scan3A_2 : i32
    %scan3A_4 = arith.constant 1 : i32
    %scan3A_5 = scf.for %scan3A_75 = %scan3A_1 to %scan3A_3 step %scan3A_4 iter_args(%scan3A_76 = %scan3A) -> (i32)  : i32 {
      %broadcast_in_dim3A = arith.constant 0.000000e+00 : f32
      %broadcast_in_dim3A_77 = vector.broadcast %broadcast_in_dim3A : f32 to vector<16xf32>
      %mul3A_78 = arith.constant 16 : i32
      %mul3A_79 = arith.muli %scan3A_75, %mul3A_78 : i32
      %swap3A = arith.index_cast %mul3A_79 : i32 to index
      %swap3A_80 = tpu.vector_load %arg12[%swap3A] {strides = array<i32>} : memref<4000xf32, #tpu.memory_space<vmem>>, vector<16xf32>,
      tpu.vector_store %arg12[%swap3A], %broadcast_in_dim3A_77 {strides = array<i32>} : memref<4000xf32, #tpu.memory_space<vmem>>, vector<16xf32>,
      %scan3A_81 = arith.constant 0 : i32
      scf.yield %scan3A_81 : i32
    }
    %scan3A_6 = arith.constant 250 : i32
    %mul3A_7 = arith.constant 6272 : i32
    %mul3A_8 = arith.muli %arg1, %mul3A_7 : i32
    %multiple_of3A = tpu.assume_multiple %mul3A_8, 8 : i32
    %add3A_9 = arith.constant 0 : i32
    %add3A_10 = arith.addi %multiple_of3A, %add3A_9 : i32
    "tpu.region"() ({
      %run_scoped3A = tpu.sem_alloc : memref<!tpu.dma_semaphore, #tpu.memory_space<semaphore_mem>>
      %dma_start3A_75 = arith.constant 0 : i32
      %dma_start3A_76 = tpu.memref_slice %arg12[%dma_start3A_75] : memref<4000xf32, #tpu.memory_space<vmem>> -> memref<4000xf32, #tpu.memory_space<vmem>>
      %dma_start3A_77 = tpu.memref_slice %arg14[%add3A_10] : memref<100352xf32, #tpu.memory_space<vmem_shared>> -> memref<4000xf32, #tpu.memory_space<vmem_shared>>
      %dma_start3A_78 = tpu.memref_slice %arg14[%add3A_10] : memref<100352xf32, #tpu.memory_space<vmem_shared>> -> memref<4000xf32, #tpu.memory_space<vmem_shared>>
      %dma_start3A_79 = arith.constant 0 : i32
      %dma_start3A_80 = tpu.memref_slice %arg12[%dma_start3A_79] : memref<4000xf32, #tpu.memory_space<vmem>> -> memref<4000xf32, #tpu.memory_space<vmem>>
      tpu.enqueue_dma source(%dma_start3A_80 : memref<4000xf32, #tpu.memory_space<vmem>>) target(%dma_start3A_78 : memref<4000xf32, #tpu.memory_space<vmem_shared>>) target_semaphore(%run_scoped3A : memref<!tpu.dma_semaphore, #tpu.memory_space<semaphore_mem>>)
      %dma_wait3A_81 = arith.constant 0 : i32
      %dma_wait3A_82 = tpu.memref_slice %arg12[%dma_wait3A_81] : memref<4000xf32, #tpu.memory_space<vmem>> -> memref<4000xf32, #tpu.memory_space<vmem>>
      %dma_wait3A_83 = tpu.memref_slice %arg14[%add3A_10] : memref<100352xf32, #tpu.memory_space<vmem_shared>> -> memref<4000xf32, #tpu.memory_space<vmem_shared>>
      %dma_wait3A_84 = tpu.memref_slice %arg14[%add3A_10] : memref<100352xf32, #tpu.memory_space<vmem_shared>> -> memref<4000xf32, #tpu.memory_space<vmem_shared>>
      %dma_wait3A_85 = arith.constant 0 : i32
      %dma_wait3A_86 = tpu.memref_slice %arg12[%dma_wait3A_85] : memref<4000xf32, #tpu.memory_space<vmem>> -> memref<4000xf32, #tpu.memory_space<vmem>>
      tpu.wait_dma2 semaphore(%run_scoped3A : memref<!tpu.dma_semaphore, #tpu.memory_space<semaphore_mem>>) src(%dma_wait3A_86 : memref<4000xf32, #tpu.memory_space<vmem>>) dst(%dma_wait3A_84 : memref<4000xf32, #tpu.memory_space<vmem_shared>>)
      tpu.yield
    }) : () -> ()
    %add3A_11 = arith.constant 4000 : i32
    %add3A_12 = arith.addi %multiple_of3A, %add3A_11 : i32
    "tpu.region"() ({
      %run_scoped3A = tpu.sem_alloc : memref<!tpu.dma_semaphore, #tpu.memory_space<semaphore_mem>>
      %dma_start3A_75 = arith.constant 0 : i32
      %dma_start3A_76 = tpu.memref_slice %arg12[%dma_start3A_75] : memref<4000xf32, #tpu.memory_space<vmem>> -> memref<2272xf32, #tpu.memory_space<vmem>>
      %dma_start3A_77 = tpu.memref_slice %arg14[%add3A_12] : memref<100352xf32, #tpu.memory_space<vmem_shared>> -> memref<2272xf32, #tpu.memory_space<vmem_shared>>
      %dma_start3A_78 = tpu.memref_slice %arg14[%add3A_12] : memref<100352xf32, #tpu.memory_space<vmem_shared>> -> memref<2272xf32, #tpu.memory_space<vmem_shared>>
      %dma_start3A_79 = arith.constant 0 : i32
      %dma_start3A_80 = tpu.memref_slice %arg12[%dma_start3A_79] : memref<4000xf32, #tpu.memory_space<vmem>> -> memref<2272xf32, #tpu.memory_space<vmem>>
      tpu.enqueue_dma source(%dma_start3A_80 : memref<2272xf32, #tpu.memory_space<vmem>>) target(%dma_start3A_78 : memref<2272xf32, #tpu.memory_space<vmem_shared>>) target_semaphore(%run_scoped3A : memref<!tpu.dma_semaphore, #tpu.memory_space<semaphore_mem>>)
      %dma_wait3A_81 = arith.constant 0 : i32
      %dma_wait3A_82 = tpu.memref_slice %arg12[%dma_wait3A_81] : memref<4000xf32, #tpu.memory_space<vmem>> -> memref<2272xf32, #tpu.memory_space<vmem>>
      %dma_wait3A_83 = tpu.memref_slice %arg14[%add3A_12] : memref<100352xf32, #tpu.memory_space<vmem_shared>> -> memref<2272xf32, #tpu.memory_space<vmem_shared>>
      %dma_wait3A_84 = tpu.memref_slice %arg14[%add3A_12] : memref<100352xf32, #tpu.memory_space<vmem_shared>> -> memref<2272xf32, #tpu.memory_space<vmem_shared>>
      %dma_wait3A_85 = arith.constant 0 : i32
      %dma_wait3A_86 = tpu.memref_slice %arg12[%dma_wait3A_85] : memref<4000xf32, #tpu.memory_space<vmem>> -> memref<2272xf32, #tpu.memory_space<vmem>>
      tpu.wait_dma2 semaphore(%run_scoped3A : memref<!tpu.dma_semaphore, #tpu.memory_space<semaphore_mem>>) src(%dma_wait3A_86 : memref<2272xf32, #tpu.memory_space<vmem>>) dst(%dma_wait3A_84 : memref<2272xf32, #tpu.memory_space<vmem_shared>>)
      tpu.yield
    }) : () -> ()
    "tpu.region"() ({
      %run_scoped3A = tpu.sem_alloc : memref<!tpu.dma_semaphore, #tpu.memory_space<semaphore_mem>>
      %dma_start3A_75 = arith.constant 0 : i32
      %dma_start3A_76 = tpu.memref_slice %arg2[%dma_start3A_75] : memref<100352xf32, #tpu.memory_space<hbm>> -> memref<100000xf32, #tpu.memory_space<hbm>>
      %dma_start3A_77 = arith.constant 0 : i32
      %dma_start3A_78 = tpu.memref_slice %arg2[%dma_start3A_77] : memref<100352xf32, #tpu.memory_space<hbm>> -> memref<100000xf32, #tpu.memory_space<hbm>>
      tpu.enqueue_dma source(%dma_start3A_78 : memref<100000xf32, #tpu.memory_space<hbm>>) target(%arg7 : memref<100000xf32, #tpu.memory_space<vmem>>) target_semaphore(%run_scoped3A : memref<!tpu.dma_semaphore, #tpu.memory_space<semaphore_mem>>)
      %dma_wait3A_79 = arith.constant 0 : i32
      %dma_wait3A_80 = tpu.memref_slice %arg2[%dma_wait3A_79] : memref<100352xf32, #tpu.memory_space<hbm>> -> memref<100000xf32, #tpu.memory_space<hbm>>
      %dma_wait3A_81 = arith.constant 0 : i32
      %dma_wait3A_82 = tpu.memref_slice %arg2[%dma_wait3A_81] : memref<100352xf32, #tpu.memory_space<hbm>> -> memref<100000xf32, #tpu.memory_space<hbm>>
      tpu.wait_dma2 semaphore(%run_scoped3A : memref<!tpu.dma_semaphore, #tpu.memory_space<semaphore_mem>>) src(%dma_wait3A_82 : memref<100000xf32, #tpu.memory_space<hbm>>) dst(%arg7 : memref<100000xf32, #tpu.memory_space<vmem>>)
      tpu.yield
    }) : () -> ()
    %barrier3A = arith.constant 0 : index
    tpu.barrier barrier_id(%barrier3A)
    %mul3A_13 = arith.constant 200000 : i32
    %mul3A_14 = arith.muli %add3A, %mul3A_13 : i32
    %add3A_15 = arith.constant 0 : i32
    %add3A_16 = arith.addi %mul3A_14, %add3A_15 : i32
    %multiple_of3A_17 = tpu.assume_multiple %add3A_16, 8 : i32
    %dma_start3A = tpu.memref_slice %arg3[%multiple_of3A_17] : memref<6400000xi32, #tpu.memory_space<hbm>> -> memref<4000xi32, #tpu.memory_space<hbm>>
    %dma_start3A_18 = tpu.memref_slice %arg3[%multiple_of3A_17] : memref<6400000xi32, #tpu.memory_space<hbm>> -> memref<4000xi32, #tpu.memory_space<hbm>>
    tpu.enqueue_dma source(%dma_start3A_18 : memref<4000xi32, #tpu.memory_space<hbm>>) target(%arg8 : memref<4000xi32, #tpu.memory_space<vmem>>) target_semaphore(%arg15 : memref<!tpu.dma_semaphore, #tpu.memory_space<semaphore_mem>>)
    %dma_start3A_19 = tpu.memref_slice %arg4[%multiple_of3A_17] : memref<6400000xi32, #tpu.memory_space<hbm>> -> memref<4000xi32, #tpu.memory_space<hbm>>
    %dma_start3A_20 = tpu.memref_slice %arg4[%multiple_of3A_17] : memref<6400000xi32, #tpu.memory_space<hbm>> -> memref<4000xi32, #tpu.memory_space<hbm>>
    tpu.enqueue_dma source(%dma_start3A_20 : memref<4000xi32, #tpu.memory_space<hbm>>) target(%arg10 : memref<4000xi32, #tpu.memory_space<vmem>>) target_semaphore(%arg15 : memref<!tpu.dma_semaphore, #tpu.memory_space<semaphore_mem>>)
    %dma_start3A_21 = tpu.memref_slice %arg5[%multiple_of3A_17] : memref<6400000xf32, #tpu.memory_space<hbm>> -> memref<4000xf32, #tpu.memory_space<hbm>>
    %dma_start3A_22 = tpu.memref_slice %arg5[%multiple_of3A_17] : memref<6400000xf32, #tpu.memory_space<hbm>> -> memref<4000xf32, #tpu.memory_space<hbm>>
    tpu.enqueue_dma source(%dma_start3A_22 : memref<4000xf32, #tpu.memory_space<hbm>>) target(%arg9 : memref<4000xf32, #tpu.memory_space<vmem>>) target_semaphore(%arg15 : memref<!tpu.dma_semaphore, #tpu.memory_space<semaphore_mem>>)
    %dma_wait3A = tpu.memref_slice %arg3[%multiple_of3A_17] : memref<6400000xi32, #tpu.memory_space<hbm>> -> memref<4000xi32, #tpu.memory_space<hbm>>
    %dma_wait3A_23 = tpu.memref_slice %arg3[%multiple_of3A_17] : memref<6400000xi32, #tpu.memory_space<hbm>> -> memref<4000xi32, #tpu.memory_space<hbm>>
    tpu.wait_dma2 semaphore(%arg15 : memref<!tpu.dma_semaphore, #tpu.memory_space<semaphore_mem>>) src(%dma_wait3A_23 : memref<4000xi32, #tpu.memory_space<hbm>>) dst(%arg8 : memref<4000xi32, #tpu.memory_space<vmem>>)
    %dma_wait3A_24 = tpu.memref_slice %arg4[%multiple_of3A_17] : memref<6400000xi32, #tpu.memory_space<hbm>> -> memref<4000xi32, #tpu.memory_space<hbm>>
    %dma_wait3A_25 = tpu.memref_slice %arg4[%multiple_of3A_17] : memref<6400000xi32, #tpu.memory_space<hbm>> -> memref<4000xi32, #tpu.memory_space<hbm>>
    tpu.wait_dma2 semaphore(%arg15 : memref<!tpu.dma_semaphore, #tpu.memory_space<semaphore_mem>>) src(%dma_wait3A_25 : memref<4000xi32, #tpu.memory_space<hbm>>) dst(%arg10 : memref<4000xi32, #tpu.memory_space<vmem>>)
    %dma_wait3A_26 = tpu.memref_slice %arg5[%multiple_of3A_17] : memref<6400000xf32, #tpu.memory_space<hbm>> -> memref<4000xf32, #tpu.memory_space<hbm>>
    %dma_wait3A_27 = tpu.memref_slice %arg5[%multiple_of3A_17] : memref<6400000xf32, #tpu.memory_space<hbm>> -> memref<4000xf32, #tpu.memory_space<hbm>>
    tpu.wait_dma2 semaphore(%arg15 : memref<!tpu.dma_semaphore, #tpu.memory_space<semaphore_mem>>) src(%dma_wait3A_27 : memref<4000xf32, #tpu.memory_space<hbm>>) dst(%arg9 : memref<4000xf32, #tpu.memory_space<vmem>>)
    %scan3A_28 = arith.constant 0 : i32
    %scan3A_29 = arith.constant 0 : i32
    %scan3A_30 = arith.constant 250 : i32
    %scan3A_31 = arith.addi %scan3A_29, %scan3A_30 : i32
    %scan3A_32 = arith.constant 1 : i32
    %scan3A_33 = scf.for %scan3A_75 = %scan3A_29 to %scan3A_31 step %scan3A_32 iter_args(%scan3A_76 = %scan3A_28) -> (i32)  : i32 {
      %mul3A_77 = arith.constant 16 : i32
      %mul3A_78 = arith.muli %scan3A_75, %mul3A_77 : i32
      %multiple_of3A_79 = tpu.assume_multiple %mul3A_78, 16 : i32
      %get3A = arith.index_cast %multiple_of3A_79 : i32 to index
      %get3A_80 = tpu.vector_load %arg8[%get3A] {strides = array<i32>} : memref<4000xi32, #tpu.memory_space<vmem>>, vector<16xi32>,
      %gather3A = tpu.vector_load_idx %arg7[%get3A_80] : memref<100000xf32, #tpu.memory_space<vmem>>[vector<16xi32>], vector<16xf32>,
      %get3A_81 = arith.index_cast %multiple_of3A_79 : i32 to index
      %get3A_82 = tpu.vector_load %arg9[%get3A_81] {strides = array<i32>} : memref<4000xf32, #tpu.memory_space<vmem>>, vector<16xf32>,
      %mul3A_83 = arith.mulf %get3A_82, %gather3A : vector<16xf32>
      %swap3A = arith.index_cast %multiple_of3A_79 : i32 to index
      %swap3A_84 = tpu.vector_load %arg12[%swap3A] {strides = array<i32>} : memref<4000xf32, #tpu.memory_space<vmem>>, vector<16xf32>,
      tpu.vector_store %arg12[%swap3A], %mul3A_83 {strides = array<i32>} : memref<4000xf32, #tpu.memory_space<vmem>>, vector<16xf32>,
      %scan3A_85 = arith.constant 0 : i32
      scf.yield %scan3A_85 : i32
    }
    %scan3A_34 = arith.constant 250 : i32
    %dma_start3A_35 = arith.constant 0 : i32
    %dma_start3A_36 = tpu.memref_slice %arg14[%dma_start3A_35] : memref<100352xf32, #tpu.memory_space<vmem_shared>> -> memref<100352xf32, #tpu.memory_space<vmem_shared>>
    tpu.enqueue_indirect_dma source(%arg12 : memref<4000xf32, #tpu.memory_space<vmem>>) target(%dma_start3A_36 : memref<100352xf32, #tpu.memory_space<vmem_shared>>) offsets(%arg10 : memref<4000xi32, #tpu.memory_space<vmem>>) semaphore(%arg16 : memref<!tpu.dma_semaphore, #tpu.memory_space<semaphore_mem>>) {add = true}
    %mul3A_37 = arith.constant 200000 : i32
    %mul3A_38 = arith.muli %add3A, %mul3A_37 : i32
    %add3A_39 = arith.constant 4000 : i32
    %add3A_40 = arith.addi %mul3A_38, %add3A_39 : i32
    %multiple_of3A_41 = tpu.assume_multiple %add3A_40, 8 : i32
    %dma_start3A_42 = tpu.memref_slice %arg3[%multiple_of3A_41] : memref<6400000xi32, #tpu.memory_space<hbm>> -> memref<4000xi32, #tpu.memory_space<hbm>>
    %dma_start3A_43 = tpu.memref_slice %arg3[%multiple_of3A_41] : memref<6400000xi32, #tpu.memory_space<hbm>> -> memref<4000xi32, #tpu.memory_space<hbm>>
    tpu.enqueue_dma source(%dma_start3A_43 : memref<4000xi32, #tpu.memory_space<hbm>>) target(%arg8 : memref<4000xi32, #tpu.memory_space<vmem>>) target_semaphore(%arg15 : memref<!tpu.dma_semaphore, #tpu.memory_space<semaphore_mem>>)
    %dma_start3A_44 = tpu.memref_slice %arg4[%multiple_of3A_41] : memref<6400000xi32, #tpu.memory_space<hbm>> -> memref<4000xi32, #tpu.memory_space<hbm>>
    %dma_start3A_45 = tpu.memref_slice %arg4[%multiple_of3A_41] : memref<6400000xi32, #tpu.memory_space<hbm>> -> memref<4000xi32, #tpu.memory_space<hbm>>
    tpu.enqueue_dma source(%dma_start3A_45 : memref<4000xi32, #tpu.memory_space<hbm>>) target(%arg11 : memref<4000xi32, #tpu.memory_space<vmem>>) target_semaphore(%arg15 : memref<!tpu.dma_semaphore, #tpu.memory_space<semaphore_mem>>)
    %dma_start3A_46 = tpu.memref_slice %arg5[%multiple_of3A_41] : memref<6400000xf32, #tpu.memory_space<hbm>> -> memref<4000xf32, #tpu.memory_space<hbm>>
    %dma_start3A_47 = tpu.memref_slice %arg5[%multiple_of3A_41] : memref<6400000xf32, #tpu.memory_space<hbm>> -> memref<4000xf32, #tpu.memory_space<hbm>>
    tpu.enqueue_dma source(%dma_start3A_47 : memref<4000xf32, #tpu.memory_space<hbm>>) target(%arg9 : memref<4000xf32, #tpu.memory_space<vmem>>) target_semaphore(%arg15 : memref<!tpu.dma_semaphore, #tpu.memory_space<semaphore_mem>>)
    %dma_wait3A_48 = tpu.memref_slice %arg3[%multiple_of3A_41] : memref<6400000xi32, #tpu.memory_space<hbm>> -> memref<4000xi32, #tpu.memory_space<hbm>>
    %dma_wait3A_49 = tpu.memref_slice %arg3[%multiple_of3A_41] : memref<6400000xi32, #tpu.memory_space<hbm>> -> memref<4000xi32, #tpu.memory_space<hbm>>
    tpu.wait_dma2 semaphore(%arg15 : memref<!tpu.dma_semaphore, #tpu.memory_space<semaphore_mem>>) src(%dma_wait3A_49 : memref<4000xi32, #tpu.memory_space<hbm>>) dst(%arg8 : memref<4000xi32, #tpu.memory_space<vmem>>)
    %dma_wait3A_50 = tpu.memref_slice %arg4[%multiple_of3A_41] : memref<6400000xi32, #tpu.memory_space<hbm>> -> memref<4000xi32, #tpu.memory_space<hbm>>
    %dma_wait3A_51 = tpu.memref_slice %arg4[%multiple_of3A_41] : memref<6400000xi32, #tpu.memory_space<hbm>> -> memref<4000xi32, #tpu.memory_space<hbm>>
    tpu.wait_dma2 semaphore(%arg15 : memref<!tpu.dma_semaphore, #tpu.memory_space<semaphore_mem>>) src(%dma_wait3A_51 : memref<4000xi32, #tpu.memory_space<hbm>>) dst(%arg11 : memref<4000xi32, #tpu.memory_space<vmem>>)
    %dma_wait3A_52 = tpu.memref_slice %arg5[%multiple_of3A_41] : memref<6400000xf32, #tpu.memory_space<hbm>> -> memref<4000xf32, #tpu.memory_space<hbm>>
    %dma_wait3A_53 = tpu.memref_slice %arg5[%multiple_of3A_41] : memref<6400000xf32, #tpu.memory_space<hbm>> -> memref<4000xf32, #tpu.memory_space<hbm>>
    tpu.wait_dma2 semaphore(%arg15 : memref<!tpu.dma_semaphore, #tpu.memory_space<semaphore_mem>>) src(%dma_wait3A_53 : memref<4000xf32, #tpu.memory_space<hbm>>) dst(%arg9 : memref<4000xf32, #tpu.memory_space<vmem>>)
    %scan3A_54 = arith.constant 0 : i32
    %scan3A_55 = arith.constant 0 : i32
    %scan3A_56 = arith.constant 250 : i32
    %scan3A_57 = arith.addi %scan3A_55, %scan3A_56 : i32
    %scan3A_58 = arith.constant 1 : i32
    %scan3A_59 = scf.for %scan3A_75 = %scan3A_55 to %scan3A_57 step %scan3A_58 iter_args(%scan3A_76 = %scan3A_54) -> (i32)  : i32 {
      %mul3A_77 = arith.constant 16 : i32
      %mul3A_78 = arith.muli %scan3A_75, %mul3A_77 : i32
      %multiple_of3A_79 = tpu.assume_multiple %mul3A_78, 16 : i32
      %get3A = arith.index_cast %multiple_of3A_79 : i32 to index
      %get3A_80 = tpu.vector_load %arg8[%get3A] {strides = array<i32>} : memref<4000xi32, #tpu.memory_space<vmem>>, vector<16xi32>,
      %gather3A = tpu.vector_load_idx %arg7[%get3A_80] : memref<100000xf32, #tpu.memory_space<vmem>>[vector<16xi32>], vector<16xf32>,
      %get3A_81 = arith.index_cast %multiple_of3A_79 : i32 to index
      %get3A_82 = tpu.vector_load %arg9[%get3A_81] {strides = array<i32>} : memref<4000xf32, #tpu.memory_space<vmem>>, vector<16xf32>,
      %mul3A_83 = arith.mulf %get3A_82, %gather3A : vector<16xf32>
      %swap3A = arith.index_cast %multiple_of3A_79 : i32 to index
      %swap3A_84 = tpu.vector_load %arg13[%swap3A] {strides = array<i32>} : memref<4000xf32, #tpu.memory_space<vmem>>, vector<16xf32>,
      tpu.vector_store %arg13[%swap3A], %mul3A_83 {strides = array<i32>} : memref<4000xf32, #tpu.memory_space<vmem>>, vector<16xf32>,
      %scan3A_85 = arith.constant 0 : i32
      scf.yield %scan3A_85 : i32
    }
    %scan3A_60 = arith.constant 250 : i32
    %dma_start3A_61 = arith.constant 0 : i32
    %dma_start3A_62 = tpu.memref_slice %arg14[%dma_start3A_61] : memref<100352xf32, #tpu.memory_space<vmem_shared>> -> memref<100352xf32, #tpu.memory_space<vmem_shared>>
    tpu.enqueue_indirect_dma source(%arg13 : memref<4000xf32, #tpu.memory_space<vmem>>) target(%dma_start3A_62 : memref<100352xf32, #tpu.memory_space<vmem_shared>>) offsets(%arg11 : memref<4000xi32, #tpu.memory_space<vmem>>) semaphore(%arg17 : memref<!tpu.dma_semaphore, #tpu.memory_space<semaphore_mem>>) {add = true}
    %scan3A_63 = arith.constant 0 : i32
    %scan3A_64 = arith.constant 1 : i32
    %scan3A_65 = arith.constant 24 : i32
    %scan3A_66 = arith.addi %scan3A_64, %scan3A_65 : i32
    %scan3A_67 = arith.constant 1 : i32
    %scan3A_68 = scf.for %scan3A_75 = %scan3A_64 to %scan3A_66 step %scan3A_67 iter_args(%scan3A_76 = %scan3A_63) -> (i32)  : i32 {
      %dma_wait3A_77 = arith.constant 0 : i32
      %dma_wait3A_78 = tpu.memref_slice %arg14[%dma_wait3A_77] : memref<100352xf32, #tpu.memory_space<vmem_shared>> -> memref<100352xf32, #tpu.memory_space<vmem_shared>>
      tpu.wait_indirect_dma semaphore(%arg16 : memref<!tpu.dma_semaphore, #tpu.memory_space<semaphore_mem>>) src(%arg12 : memref<4000xf32, #tpu.memory_space<vmem>>) dst(%dma_wait3A_78 : memref<100352xf32, #tpu.memory_space<vmem_shared>>)
      %mul3A_79 = arith.constant 2 : i32
      %mul3A_80 = arith.muli %mul3A_79, %scan3A_75 : i32
      %add3A_81 = arith.constant 0 : i32
      %add3A_82 = arith.addi %mul3A_80, %add3A_81 : i32
      %mul3A_83 = arith.constant 200000 : i32
      %mul3A_84 = arith.muli %add3A, %mul3A_83 : i32
      %mul3A_85 = arith.constant 4000 : i32
      %mul3A_86 = arith.muli %add3A_82, %mul3A_85 : i32
      %add3A_87 = arith.addi %mul3A_84, %mul3A_86 : i32
      %multiple_of3A_88 = tpu.assume_multiple %add3A_87, 8 : i32
      %dma_start3A_89 = tpu.memref_slice %arg3[%multiple_of3A_88] : memref<6400000xi32, #tpu.memory_space<hbm>> -> memref<4000xi32, #tpu.memory_space<hbm>>
      %dma_start3A_90 = tpu.memref_slice %arg3[%multiple_of3A_88] : memref<6400000xi32, #tpu.memory_space<hbm>> -> memref<4000xi32, #tpu.memory_space<hbm>>
      tpu.enqueue_dma source(%dma_start3A_90 : memref<4000xi32, #tpu.memory_space<hbm>>) target(%arg8 : memref<4000xi32, #tpu.memory_space<vmem>>) target_semaphore(%arg15 : memref<!tpu.dma_semaphore, #tpu.memory_space<semaphore_mem>>)
      %dma_start3A_91 = tpu.memref_slice %arg4[%multiple_of3A_88] : memref<6400000xi32, #tpu.memory_space<hbm>> -> memref<4000xi32, #tpu.memory_space<hbm>>
      %dma_start3A_92 = tpu.memref_slice %arg4[%multiple_of3A_88] : memref<6400000xi32, #tpu.memory_space<hbm>> -> memref<4000xi32, #tpu.memory_space<hbm>>
      tpu.enqueue_dma source(%dma_start3A_92 : memref<4000xi32, #tpu.memory_space<hbm>>) target(%arg10 : memref<4000xi32, #tpu.memory_space<vmem>>) target_semaphore(%arg15 : memref<!tpu.dma_semaphore, #tpu.memory_space<semaphore_mem>>)
      %dma_start3A_93 = tpu.memref_slice %arg5[%multiple_of3A_88] : memref<6400000xf32, #tpu.memory_space<hbm>> -> memref<4000xf32, #tpu.memory_space<hbm>>
      %dma_start3A_94 = tpu.memref_slice %arg5[%multiple_of3A_88] : memref<6400000xf32, #tpu.memory_space<hbm>> -> memref<4000xf32, #tpu.memory_space<hbm>>
      tpu.enqueue_dma source(%dma_start3A_94 : memref<4000xf32, #tpu.memory_space<hbm>>) target(%arg9 : memref<4000xf32, #tpu.memory_space<vmem>>) target_semaphore(%arg15 : memref<!tpu.dma_semaphore, #tpu.memory_space<semaphore_mem>>)
      %dma_wait3A_95 = tpu.memref_slice %arg3[%multiple_of3A_88] : memref<6400000xi32, #tpu.memory_space<hbm>> -> memref<4000xi32, #tpu.memory_space<hbm>>
      %dma_wait3A_96 = tpu.memref_slice %arg3[%multiple_of3A_88] : memref<6400000xi32, #tpu.memory_space<hbm>> -> memref<4000xi32, #tpu.memory_space<hbm>>
      tpu.wait_dma2 semaphore(%arg15 : memref<!tpu.dma_semaphore, #tpu.memory_space<semaphore_mem>>) src(%dma_wait3A_96 : memref<4000xi32, #tpu.memory_space<hbm>>) dst(%arg8 : memref<4000xi32, #tpu.memory_space<vmem>>)
      %dma_wait3A_97 = tpu.memref_slice %arg4[%multiple_of3A_88] : memref<6400000xi32, #tpu.memory_space<hbm>> -> memref<4000xi32, #tpu.memory_space<hbm>>
      %dma_wait3A_98 = tpu.memref_slice %arg4[%multiple_of3A_88] : memref<6400000xi32, #tpu.memory_space<hbm>> -> memref<4000xi32, #tpu.memory_space<hbm>>
      tpu.wait_dma2 semaphore(%arg15 : memref<!tpu.dma_semaphore, #tpu.memory_space<semaphore_mem>>) src(%dma_wait3A_98 : memref<4000xi32, #tpu.memory_space<hbm>>) dst(%arg10 : memref<4000xi32, #tpu.memory_space<vmem>>)
      %dma_wait3A_99 = tpu.memref_slice %arg5[%multiple_of3A_88] : memref<6400000xf32, #tpu.memory_space<hbm>> -> memref<4000xf32, #tpu.memory_space<hbm>>
      %dma_wait3A_100 = tpu.memref_slice %arg5[%multiple_of3A_88] : memref<6400000xf32, #tpu.memory_space<hbm>> -> memref<4000xf32, #tpu.memory_space<hbm>>
      tpu.wait_dma2 semaphore(%arg15 : memref<!tpu.dma_semaphore, #tpu.memory_space<semaphore_mem>>) src(%dma_wait3A_100 : memref<4000xf32, #tpu.memory_space<hbm>>) dst(%arg9 : memref<4000xf32, #tpu.memory_space<vmem>>)
      %scan3A_101 = arith.constant 0 : i32
      %scan3A_102 = arith.constant 0 : i32
      %scan3A_103 = arith.constant 250 : i32
      %scan3A_104 = arith.addi %scan3A_102, %scan3A_103 : i32
      %scan3A_105 = arith.constant 1 : i32
      %scan3A_106 = scf.for %scan3A_144 = %scan3A_102 to %scan3A_104 step %scan3A_105 iter_args(%scan3A_145 = %scan3A_101) -> (i32)  : i32 {
        %mul3A_146 = arith.constant 16 : i32
        %mul3A_147 = arith.muli %scan3A_144, %mul3A_146 : i32
        %multiple_of3A_148 = tpu.assume_multiple %mul3A_147, 16 : i32
        %get3A = arith.index_cast %multiple_of3A_148 : i32 to index
        %get3A_149 = tpu.vector_load %arg8[%get3A] {strides = array<i32>} : memref<4000xi32, #tpu.memory_space<vmem>>, vector<16xi32>,
        %gather3A = tpu.vector_load_idx %arg7[%get3A_149] : memref<100000xf32, #tpu.memory_space<vmem>>[vector<16xi32>], vector<16xf32>,
        %get3A_150 = arith.index_cast %multiple_of3A_148 : i32 to index
        %get3A_151 = tpu.vector_load %arg9[%get3A_150] {strides = array<i32>} : memref<4000xf32, #tpu.memory_space<vmem>>, vector<16xf32>,
        %mul3A_152 = arith.mulf %get3A_151, %gather3A : vector<16xf32>
        %swap3A = arith.index_cast %multiple_of3A_148 : i32 to index
        %swap3A_153 = tpu.vector_load %arg12[%swap3A] {strides = array<i32>} : memref<4000xf32, #tpu.memory_space<vmem>>, vector<16xf32>,
        tpu.vector_store %arg12[%swap3A], %mul3A_152 {strides = array<i32>} : memref<4000xf32, #tpu.memory_space<vmem>>, vector<16xf32>,
        %scan3A_154 = arith.constant 0 : i32
        scf.yield %scan3A_154 : i32
      }
      %scan3A_107 = arith.constant 250 : i32
      %dma_start3A_108 = arith.constant 0 : i32
      %dma_start3A_109 = tpu.memref_slice %arg14[%dma_start3A_108] : memref<100352xf32, #tpu.memory_space<vmem_shared>> -> memref<100352xf32, #tpu.memory_space<vmem_shared>>
      tpu.enqueue_indirect_dma source(%arg12 : memref<4000xf32, #tpu.memory_space<vmem>>) target(%dma_start3A_109 : memref<100352xf32, #tpu.memory_space<vmem_shared>>) offsets(%arg10 : memref<4000xi32, #tpu.memory_space<vmem>>) semaphore(%arg16 : memref<!tpu.dma_semaphore, #tpu.memory_space<semaphore_mem>>) {add = true}
      %dma_wait3A_110 = arith.constant 0 : i32
      %dma_wait3A_111 = tpu.memref_slice %arg14[%dma_wait3A_110] : memref<100352xf32, #tpu.memory_space<vmem_shared>> -> memref<100352xf32, #tpu.memory_space<vmem_shared>>
      tpu.wait_indirect_dma semaphore(%arg17 : memref<!tpu.dma_semaphore, #tpu.memory_space<semaphore_mem>>) src(%arg13 : memref<4000xf32, #tpu.memory_space<vmem>>) dst(%dma_wait3A_111 : memref<100352xf32, #tpu.memory_space<vmem_shared>>)
      %mul3A_112 = arith.constant 2 : i32
      %mul3A_113 = arith.muli %mul3A_112, %scan3A_75 : i32
      %add3A_114 = arith.constant 1 : i32
      %add3A_115 = arith.addi %mul3A_113, %add3A_114 : i32
      %mul3A_116 = arith.constant 200000 : i32
      %mul3A_117 = arith.muli %add3A, %mul3A_116 : i32
      %mul3A_118 = arith.constant 4000 : i32
      %mul3A_119 = arith.muli %add3A_115, %mul3A_118 : i32
      %add3A_120 = arith.addi %mul3A_117, %mul3A_119 : i32
      %multiple_of3A_121 = tpu.assume_multiple %add3A_120, 8 : i32
      %dma_start3A_122 = tpu.memref_slice %arg3[%multiple_of3A_121] : memref<6400000xi32, #tpu.memory_space<hbm>> -> memref<4000xi32, #tpu.memory_space<hbm>>
      %dma_start3A_123 = tpu.memref_slice %arg3[%multiple_of3A_121] : memref<6400000xi32, #tpu.memory_space<hbm>> -> memref<4000xi32, #tpu.memory_space<hbm>>
      tpu.enqueue_dma source(%dma_start3A_123 : memref<4000xi32, #tpu.memory_space<hbm>>) target(%arg8 : memref<4000xi32, #tpu.memory_space<vmem>>) target_semaphore(%arg15 : memref<!tpu.dma_semaphore, #tpu.memory_space<semaphore_mem>>)
      %dma_start3A_124 = tpu.memref_slice %arg4[%multiple_of3A_121] : memref<6400000xi32, #tpu.memory_space<hbm>> -> memref<4000xi32, #tpu.memory_space<hbm>>
      %dma_start3A_125 = tpu.memref_slice %arg4[%multiple_of3A_121] : memref<6400000xi32, #tpu.memory_space<hbm>> -> memref<4000xi32, #tpu.memory_space<hbm>>
      tpu.enqueue_dma source(%dma_start3A_125 : memref<4000xi32, #tpu.memory_space<hbm>>) target(%arg11 : memref<4000xi32, #tpu.memory_space<vmem>>) target_semaphore(%arg15 : memref<!tpu.dma_semaphore, #tpu.memory_space<semaphore_mem>>)
      %dma_start3A_126 = tpu.memref_slice %arg5[%multiple_of3A_121] : memref<6400000xf32, #tpu.memory_space<hbm>> -> memref<4000xf32, #tpu.memory_space<hbm>>
      %dma_start3A_127 = tpu.memref_slice %arg5[%multiple_of3A_121] : memref<6400000xf32, #tpu.memory_space<hbm>> -> memref<4000xf32, #tpu.memory_space<hbm>>
      tpu.enqueue_dma source(%dma_start3A_127 : memref<4000xf32, #tpu.memory_space<hbm>>) target(%arg9 : memref<4000xf32, #tpu.memory_space<vmem>>) target_semaphore(%arg15 : memref<!tpu.dma_semaphore, #tpu.memory_space<semaphore_mem>>)
      %dma_wait3A_128 = tpu.memref_slice %arg3[%multiple_of3A_121] : memref<6400000xi32, #tpu.memory_space<hbm>> -> memref<4000xi32, #tpu.memory_space<hbm>>
      %dma_wait3A_129 = tpu.memref_slice %arg3[%multiple_of3A_121] : memref<6400000xi32, #tpu.memory_space<hbm>> -> memref<4000xi32, #tpu.memory_space<hbm>>
      tpu.wait_dma2 semaphore(%arg15 : memref<!tpu.dma_semaphore, #tpu.memory_space<semaphore_mem>>) src(%dma_wait3A_129 : memref<4000xi32, #tpu.memory_space<hbm>>) dst(%arg8 : memref<4000xi32, #tpu.memory_space<vmem>>)
      %dma_wait3A_130 = tpu.memref_slice %arg4[%multiple_of3A_121] : memref<6400000xi32, #tpu.memory_space<hbm>> -> memref<4000xi32, #tpu.memory_space<hbm>>
      %dma_wait3A_131 = tpu.memref_slice %arg4[%multiple_of3A_121] : memref<6400000xi32, #tpu.memory_space<hbm>> -> memref<4000xi32, #tpu.memory_space<hbm>>
      tpu.wait_dma2 semaphore(%arg15 : memref<!tpu.dma_semaphore, #tpu.memory_space<semaphore_mem>>) src(%dma_wait3A_131 : memref<4000xi32, #tpu.memory_space<hbm>>) dst(%arg11 : memref<4000xi32, #tpu.memory_space<vmem>>)
      %dma_wait3A_132 = tpu.memref_slice %arg5[%multiple_of3A_121] : memref<6400000xf32, #tpu.memory_space<hbm>> -> memref<4000xf32, #tpu.memory_space<hbm>>
      %dma_wait3A_133 = tpu.memref_slice %arg5[%multiple_of3A_121] : memref<6400000xf32, #tpu.memory_space<hbm>> -> memref<4000xf32, #tpu.memory_space<hbm>>
      tpu.wait_dma2 semaphore(%arg15 : memref<!tpu.dma_semaphore, #tpu.memory_space<semaphore_mem>>) src(%dma_wait3A_133 : memref<4000xf32, #tpu.memory_space<hbm>>) dst(%arg9 : memref<4000xf32, #tpu.memory_space<vmem>>)
      %scan3A_134 = arith.constant 0 : i32
      %scan3A_135 = arith.constant 0 : i32
      %scan3A_136 = arith.constant 250 : i32
      %scan3A_137 = arith.addi %scan3A_135, %scan3A_136 : i32
      %scan3A_138 = arith.constant 1 : i32
      %scan3A_139 = scf.for %scan3A_144 = %scan3A_135 to %scan3A_137 step %scan3A_138 iter_args(%scan3A_145 = %scan3A_134) -> (i32)  : i32 {
        %mul3A_146 = arith.constant 16 : i32
        %mul3A_147 = arith.muli %scan3A_144, %mul3A_146 : i32
        %multiple_of3A_148 = tpu.assume_multiple %mul3A_147, 16 : i32
        %get3A = arith.index_cast %multiple_of3A_148 : i32 to index
        %get3A_149 = tpu.vector_load %arg8[%get3A] {strides = array<i32>} : memref<4000xi32, #tpu.memory_space<vmem>>, vector<16xi32>,
        %gather3A = tpu.vector_load_idx %arg7[%get3A_149] : memref<100000xf32, #tpu.memory_space<vmem>>[vector<16xi32>], vector<16xf32>,
        %get3A_150 = arith.index_cast %multiple_of3A_148 : i32 to index
        %get3A_151 = tpu.vector_load %arg9[%get3A_150] {strides = array<i32>} : memref<4000xf32, #tpu.memory_space<vmem>>, vector<16xf32>,
        %mul3A_152 = arith.mulf %get3A_151, %gather3A : vector<16xf32>
        %swap3A = arith.index_cast %multiple_of3A_148 : i32 to index
        %swap3A_153 = tpu.vector_load %arg13[%swap3A] {strides = array<i32>} : memref<4000xf32, #tpu.memory_space<vmem>>, vector<16xf32>,
        tpu.vector_store %arg13[%swap3A], %mul3A_152 {strides = array<i32>} : memref<4000xf32, #tpu.memory_space<vmem>>, vector<16xf32>,
        %scan3A_154 = arith.constant 0 : i32
        scf.yield %scan3A_154 : i32
      }
      %scan3A_140 = arith.constant 250 : i32
      %dma_start3A_141 = arith.constant 0 : i32
      %dma_start3A_142 = tpu.memref_slice %arg14[%dma_start3A_141] : memref<100352xf32, #tpu.memory_space<vmem_shared>> -> memref<100352xf32, #tpu.memory_space<vmem_shared>>
      tpu.enqueue_indirect_dma source(%arg13 : memref<4000xf32, #tpu.memory_space<vmem>>) target(%dma_start3A_142 : memref<100352xf32, #tpu.memory_space<vmem_shared>>) offsets(%arg11 : memref<4000xi32, #tpu.memory_space<vmem>>) semaphore(%arg17 : memref<!tpu.dma_semaphore, #tpu.memory_space<semaphore_mem>>) {add = true}
      %scan3A_143 = arith.constant 0 : i32
      scf.yield %scan3A_143 : i32
    }
    %scan3A_69 = arith.constant 24 : i32
    %dma_wait3A_70 = arith.constant 0 : i32
    %dma_wait3A_71 = tpu.memref_slice %arg14[%dma_wait3A_70] : memref<100352xf32, #tpu.memory_space<vmem_shared>> -> memref<100352xf32, #tpu.memory_space<vmem_shared>>
    tpu.wait_indirect_dma semaphore(%arg16 : memref<!tpu.dma_semaphore, #tpu.memory_space<semaphore_mem>>) src(%arg12 : memref<4000xf32, #tpu.memory_space<vmem>>) dst(%dma_wait3A_71 : memref<100352xf32, #tpu.memory_space<vmem_shared>>)
    %dma_wait3A_72 = arith.constant 0 : i32
    %dma_wait3A_73 = tpu.memref_slice %arg14[%dma_wait3A_72] : memref<100352xf32, #tpu.memory_space<vmem_shared>> -> memref<100352xf32, #tpu.memory_space<vmem_shared>>
    tpu.wait_indirect_dma semaphore(%arg17 : memref<!tpu.dma_semaphore, #tpu.memory_space<semaphore_mem>>) src(%arg13 : memref<4000xf32, #tpu.memory_space<vmem>>) dst(%dma_wait3A_73 : memref<100352xf32, #tpu.memory_space<vmem_shared>>)
    %barrier3A_74 = arith.constant 0 : index
    tpu.barrier barrier_id(%barrier3A_74)
    "tpu.region"() ({
      %run_scoped3A = tpu.sem_alloc : memref<!tpu.dma_semaphore, #tpu.memory_space<semaphore_mem>>
      %dma_start3A_75 = tpu.memref_slice %arg6[%arg0, %multiple_of3A] : memref<2x100352xf32, #tpu.memory_space<hbm>> -> memref<1x6272xf32, #tpu.memory_space<hbm>>
      %dma_start3A_76 = tpu.memref_squeeze %dma_start3A_75 : memref<1x6272xf32, #tpu.memory_space<hbm>> -> memref<6272xf32, #tpu.memory_space<hbm>>
      %dma_start3A_77 = tpu.memref_slice %arg14[%multiple_of3A] : memref<100352xf32, #tpu.memory_space<vmem_shared>> -> memref<6272xf32, #tpu.memory_space<vmem_shared>>
      tpu.enqueue_dma source(%dma_start3A_77 : memref<6272xf32, #tpu.memory_space<vmem_shared>>) target(%dma_start3A_76 : memref<6272xf32, #tpu.memory_space<hbm>>) target_semaphore(%run_scoped3A : memref<!tpu.dma_semaphore, #tpu.memory_space<semaphore_mem>>)
      %dma_wait3A_78 = tpu.memref_slice %arg6[%arg0, %multiple_of3A] : memref<2x100352xf32, #tpu.memory_space<hbm>> -> memref<1x6272xf32, #tpu.memory_space<hbm>>
      %dma_wait3A_79 = tpu.memref_squeeze %dma_wait3A_78 : memref<1x6272xf32, #tpu.memory_space<hbm>> -> memref<6272xf32, #tpu.memory_space<hbm>>
      %dma_wait3A_80 = tpu.memref_slice %arg14[%multiple_of3A] : memref<100352xf32, #tpu.memory_space<vmem_shared>> -> memref<6272xf32, #tpu.memory_space<vmem_shared>>
      tpu.wait_dma2 semaphore(%run_scoped3A : memref<!tpu.dma_semaphore, #tpu.memory_space<semaphore_mem>>) src(%dma_wait3A_80 : memref<6272xf32, #tpu.memory_space<vmem_shared>>) dst(%dma_wait3A_79 : memref<6272xf32, #tpu.memory_space<hbm>>)
      tpu.yield
    }) : () -> ()
    return
  }
}

#map = affine_map<(d0, d1) -> (0)>
#map1 = affine_map<(d0, d1) -> (0, 0)>
module attributes {stable_mosaic.version = 14 : i64} {
  func.func @_seg_body(%arg0: i32, %arg1: i32, %arg2: memref<100352xf32, #tpu.memory_space<hbm>>, %arg3: memref<6400000xi32, #tpu.memory_space<hbm>>, %arg4: memref<6400000xi32, #tpu.memory_space<hbm>>, %arg5: memref<6400000xf32, #tpu.memory_space<hbm>>, %arg6: memref<2x100352xf32, #tpu.memory_space<hbm>>, %arg7: memref<100000xf32, #tpu.memory_space<vmem>>, %arg8: memref<4000xi32, #tpu.memory_space<vmem>>, %arg9: memref<4000xf32, #tpu.memory_space<vmem>>, %arg10: memref<4000xi32, #tpu.memory_space<vmem>>, %arg11: memref<4000xi32, #tpu.memory_space<vmem>>, %arg12: memref<4000xf32, #tpu.memory_space<vmem>>, %arg13: memref<4000xf32, #tpu.memory_space<vmem>>, %arg14: memref<100352xf32, #tpu.memory_space<vmem_shared>>, %arg15: memref<!tpu.dma_semaphore, #tpu.memory_space<semaphore_mem>>, %arg16: memref<!tpu.dma_semaphore, #tpu.memory_space<semaphore_mem>>, %arg17: memref<!tpu.dma_semaphore, #tpu.memory_space<semaphore_mem>>) attributes {dimension_semantics = [#tpu.dimension_semantics<core_parallel>, #tpu.dimension_semantics<subcore_parallel>], iteration_bounds = array<i64: 2, 16>, scalar_prefetch = 0 : i64, scratch_operands = 11 : i64, tpu.core_type = #tpu.core_type<sc_vector_subcore>, window_params = [{transform_indices = #map}, {transform_indices = #map}, {transform_indices = #map}, {transform_indices = #map}, {transform_indices = #map1}]} {
    %mul3A = arith.constant 16 : i32
    %mul3A_0 = arith.muli %arg0, %mul3A : i32
    %add3A = arith.addi %mul3A_0, %arg1 : i32
    %scan3A = arith.constant 0 : i32
    %scan3A_1 = arith.constant 0 : i32
    %scan3A_2 = arith.constant 250 : i32
    %scan3A_3 = arith.addi %scan3A_1, %scan3A_2 : i32
    %scan3A_4 = arith.constant 1 : i32
    %scan3A_5 = scf.for %scan3A_75 = %scan3A_1 to %scan3A_3 step %scan3A_4 iter_args(%scan3A_76 = %scan3A) -> (i32)  : i32 {
      %broadcast_in_dim3A = arith.constant 0.000000e+00 : f32
      %broadcast_in_dim3A_77 = vector.broadcast %broadcast_in_dim3A : f32 to vector<16xf32>
      %mul3A_78 = arith.constant 16 : i32
      %mul3A_79 = arith.muli %scan3A_75, %mul3A_78 : i32
      %swap3A = arith.index_cast %mul3A_79 : i32 to index
      %swap3A_80 = tpu.vector_load %arg12[%swap3A] {strides = array<i32>} : memref<4000xf32, #tpu.memory_space<vmem>>, vector<16xf32>,
      tpu.vector_store %arg12[%swap3A], %broadcast_in_dim3A_77 {strides = array<i32>} : memref<4000xf32, #tpu.memory_space<vmem>>, vector<16xf32>,
      %scan3A_81 = arith.constant 0 : i32
      scf.yield %scan3A_81 : i32
    }
    %scan3A_6 = arith.constant 250 : i32
    %mul3A_7 = arith.constant 6272 : i32
    %mul3A_8 = arith.muli %arg1, %mul3A_7 : i32
    %multiple_of3A = tpu.assume_multiple %mul3A_8, 8 : i32
    %add3A_9 = arith.constant 0 : i32
    %add3A_10 = arith.addi %multiple_of3A, %add3A_9 : i32
    "tpu.region"() ({
      %run_scoped3A = tpu.sem_alloc : memref<!tpu.dma_semaphore, #tpu.memory_space<semaphore_mem>>
      %dma_start3A_75 = arith.constant 0 : i32
      %dma_start3A_76 = tpu.memref_slice %arg12[%dma_start3A_75] : memref<4000xf32, #tpu.memory_space<vmem>> -> memref<4000xf32, #tpu.memory_space<vmem>>
      %dma_start3A_77 = tpu.memref_slice %arg14[%add3A_10] : memref<100352xf32, #tpu.memory_space<vmem_shared>> -> memref<4000xf32, #tpu.memory_space<vmem_shared>>
      %dma_start3A_78 = tpu.memref_slice %arg14[%add3A_10] : memref<100352xf32, #tpu.memory_space<vmem_shared>> -> memref<4000xf32, #tpu.memory_space<vmem_shared>>
      %dma_start3A_79 = arith.constant 0 : i32
      %dma_start3A_80 = tpu.memref_slice %arg12[%dma_start3A_79] : memref<4000xf32, #tpu.memory_space<vmem>> -> memref<4000xf32, #tpu.memory_space<vmem>>
      tpu.enqueue_dma source(%dma_start3A_80 : memref<4000xf32, #tpu.memory_space<vmem>>) target(%dma_start3A_78 : memref<4000xf32, #tpu.memory_space<vmem_shared>>) target_semaphore(%run_scoped3A : memref<!tpu.dma_semaphore, #tpu.memory_space<semaphore_mem>>)
      %dma_wait3A_81 = arith.constant 0 : i32
      %dma_wait3A_82 = tpu.memref_slice %arg12[%dma_wait3A_81] : memref<4000xf32, #tpu.memory_space<vmem>> -> memref<4000xf32, #tpu.memory_space<vmem>>
      %dma_wait3A_83 = tpu.memref_slice %arg14[%add3A_10] : memref<100352xf32, #tpu.memory_space<vmem_shared>> -> memref<4000xf32, #tpu.memory_space<vmem_shared>>
      %dma_wait3A_84 = tpu.memref_slice %arg14[%add3A_10] : memref<100352xf32, #tpu.memory_space<vmem_shared>> -> memref<4000xf32, #tpu.memory_space<vmem_shared>>
      %dma_wait3A_85 = arith.constant 0 : i32
      %dma_wait3A_86 = tpu.memref_slice %arg12[%dma_wait3A_85] : memref<4000xf32, #tpu.memory_space<vmem>> -> memref<4000xf32, #tpu.memory_space<vmem>>
      tpu.wait_dma2 semaphore(%run_scoped3A : memref<!tpu.dma_semaphore, #tpu.memory_space<semaphore_mem>>) src(%dma_wait3A_86 : memref<4000xf32, #tpu.memory_space<vmem>>) dst(%dma_wait3A_84 : memref<4000xf32, #tpu.memory_space<vmem_shared>>)
      tpu.yield
    }) : () -> ()
    %add3A_11 = arith.constant 4000 : i32
    %add3A_12 = arith.addi %multiple_of3A, %add3A_11 : i32
    "tpu.region"() ({
      %run_scoped3A = tpu.sem_alloc : memref<!tpu.dma_semaphore, #tpu.memory_space<semaphore_mem>>
      %dma_start3A_75 = arith.constant 0 : i32
      %dma_start3A_76 = tpu.memref_slice %arg12[%dma_start3A_75] : memref<4000xf32, #tpu.memory_space<vmem>> -> memref<2272xf32, #tpu.memory_space<vmem>>
      %dma_start3A_77 = tpu.memref_slice %arg14[%add3A_12] : memref<100352xf32, #tpu.memory_space<vmem_shared>> -> memref<2272xf32, #tpu.memory_space<vmem_shared>>
      %dma_start3A_78 = tpu.memref_slice %arg14[%add3A_12] : memref<100352xf32, #tpu.memory_space<vmem_shared>> -> memref<2272xf32, #tpu.memory_space<vmem_shared>>
      %dma_start3A_79 = arith.constant 0 : i32
      %dma_start3A_80 = tpu.memref_slice %arg12[%dma_start3A_79] : memref<4000xf32, #tpu.memory_space<vmem>> -> memref<2272xf32, #tpu.memory_space<vmem>>
      tpu.enqueue_dma source(%dma_start3A_80 : memref<2272xf32, #tpu.memory_space<vmem>>) target(%dma_start3A_78 : memref<2272xf32, #tpu.memory_space<vmem_shared>>) target_semaphore(%run_scoped3A : memref<!tpu.dma_semaphore, #tpu.memory_space<semaphore_mem>>)
      %dma_wait3A_81 = arith.constant 0 : i32
      %dma_wait3A_82 = tpu.memref_slice %arg12[%dma_wait3A_81] : memref<4000xf32, #tpu.memory_space<vmem>> -> memref<2272xf32, #tpu.memory_space<vmem>>
      %dma_wait3A_83 = tpu.memref_slice %arg14[%add3A_12] : memref<100352xf32, #tpu.memory_space<vmem_shared>> -> memref<2272xf32, #tpu.memory_space<vmem_shared>>
      %dma_wait3A_84 = tpu.memref_slice %arg14[%add3A_12] : memref<100352xf32, #tpu.memory_space<vmem_shared>> -> memref<2272xf32, #tpu.memory_space<vmem_shared>>
      %dma_wait3A_85 = arith.constant 0 : i32
      %dma_wait3A_86 = tpu.memref_slice %arg12[%dma_wait3A_85] : memref<4000xf32, #tpu.memory_space<vmem>> -> memref<2272xf32, #tpu.memory_space<vmem>>
      tpu.wait_dma2 semaphore(%run_scoped3A : memref<!tpu.dma_semaphore, #tpu.memory_space<semaphore_mem>>) src(%dma_wait3A_86 : memref<2272xf32, #tpu.memory_space<vmem>>) dst(%dma_wait3A_84 : memref<2272xf32, #tpu.memory_space<vmem_shared>>)
      tpu.yield
    }) : () -> ()
    "tpu.region"() ({
      %run_scoped3A = tpu.sem_alloc : memref<!tpu.dma_semaphore, #tpu.memory_space<semaphore_mem>>
      %dma_start3A_75 = arith.constant 0 : i32
      %dma_start3A_76 = tpu.memref_slice %arg2[%dma_start3A_75] : memref<100352xf32, #tpu.memory_space<hbm>> -> memref<100000xf32, #tpu.memory_space<hbm>>
      %dma_start3A_77 = arith.constant 0 : i32
      %dma_start3A_78 = tpu.memref_slice %arg2[%dma_start3A_77] : memref<100352xf32, #tpu.memory_space<hbm>> -> memref<100000xf32, #tpu.memory_space<hbm>>
      tpu.enqueue_dma source(%dma_start3A_78 : memref<100000xf32, #tpu.memory_space<hbm>>) target(%arg7 : memref<100000xf32, #tpu.memory_space<vmem>>) target_semaphore(%run_scoped3A : memref<!tpu.dma_semaphore, #tpu.memory_space<semaphore_mem>>)
      %dma_wait3A_79 = arith.constant 0 : i32
      %dma_wait3A_80 = tpu.memref_slice %arg2[%dma_wait3A_79] : memref<100352xf32, #tpu.memory_space<hbm>> -> memref<100000xf32, #tpu.memory_space<hbm>>
      %dma_wait3A_81 = arith.constant 0 : i32
      %dma_wait3A_82 = tpu.memref_slice %arg2[%dma_wait3A_81] : memref<100352xf32, #tpu.memory_space<hbm>> -> memref<100000xf32, #tpu.memory_space<hbm>>
      tpu.wait_dma2 semaphore(%run_scoped3A : memref<!tpu.dma_semaphore, #tpu.memory_space<semaphore_mem>>) src(%dma_wait3A_82 : memref<100000xf32, #tpu.memory_space<hbm>>) dst(%arg7 : memref<100000xf32, #tpu.memory_space<vmem>>)
      tpu.yield
    }) : () -> ()
    %barrier3A = arith.constant 0 : index
    tpu.barrier barrier_id(%barrier3A)
    %mul3A_13 = arith.constant 200000 : i32
    %mul3A_14 = arith.muli %add3A, %mul3A_13 : i32
    %add3A_15 = arith.constant 0 : i32
    %add3A_16 = arith.addi %mul3A_14, %add3A_15 : i32
    %multiple_of3A_17 = tpu.assume_multiple %add3A_16, 8 : i32
    %dma_start3A = tpu.memref_slice %arg3[%multiple_of3A_17] : memref<6400000xi32, #tpu.memory_space<hbm>> -> memref<4000xi32, #tpu.memory_space<hbm>>
    %dma_start3A_18 = tpu.memref_slice %arg3[%multiple_of3A_17] : memref<6400000xi32, #tpu.memory_space<hbm>> -> memref<4000xi32, #tpu.memory_space<hbm>>
    tpu.enqueue_dma source(%dma_start3A_18 : memref<4000xi32, #tpu.memory_space<hbm>>) target(%arg8 : memref<4000xi32, #tpu.memory_space<vmem>>) target_semaphore(%arg15 : memref<!tpu.dma_semaphore, #tpu.memory_space<semaphore_mem>>)
    %dma_start3A_19 = tpu.memref_slice %arg4[%multiple_of3A_17] : memref<6400000xi32, #tpu.memory_space<hbm>> -> memref<4000xi32, #tpu.memory_space<hbm>>
    %dma_start3A_20 = tpu.memref_slice %arg4[%multiple_of3A_17] : memref<6400000xi32, #tpu.memory_space<hbm>> -> memref<4000xi32, #tpu.memory_space<hbm>>
    tpu.enqueue_dma source(%dma_start3A_20 : memref<4000xi32, #tpu.memory_space<hbm>>) target(%arg10 : memref<4000xi32, #tpu.memory_space<vmem>>) target_semaphore(%arg15 : memref<!tpu.dma_semaphore, #tpu.memory_space<semaphore_mem>>)
    %dma_start3A_21 = tpu.memref_slice %arg5[%multiple_of3A_17] : memref<6400000xf32, #tpu.memory_space<hbm>> -> memref<4000xf32, #tpu.memory_space<hbm>>
    %dma_start3A_22 = tpu.memref_slice %arg5[%multiple_of3A_17] : memref<6400000xf32, #tpu.memory_space<hbm>> -> memref<4000xf32, #tpu.memory_space<hbm>>
    tpu.enqueue_dma source(%dma_start3A_22 : memref<4000xf32, #tpu.memory_space<hbm>>) target(%arg9 : memref<4000xf32, #tpu.memory_space<vmem>>) target_semaphore(%arg15 : memref<!tpu.dma_semaphore, #tpu.memory_space<semaphore_mem>>)
    %dma_wait3A = tpu.memref_slice %arg3[%multiple_of3A_17] : memref<6400000xi32, #tpu.memory_space<hbm>> -> memref<4000xi32, #tpu.memory_space<hbm>>
    %dma_wait3A_23 = tpu.memref_slice %arg3[%multiple_of3A_17] : memref<6400000xi32, #tpu.memory_space<hbm>> -> memref<4000xi32, #tpu.memory_space<hbm>>
    tpu.wait_dma2 semaphore(%arg15 : memref<!tpu.dma_semaphore, #tpu.memory_space<semaphore_mem>>) src(%dma_wait3A_23 : memref<4000xi32, #tpu.memory_space<hbm>>) dst(%arg8 : memref<4000xi32, #tpu.memory_space<vmem>>)
    %dma_wait3A_24 = tpu.memref_slice %arg4[%multiple_of3A_17] : memref<6400000xi32, #tpu.memory_space<hbm>> -> memref<4000xi32, #tpu.memory_space<hbm>>
    %dma_wait3A_25 = tpu.memref_slice %arg4[%multiple_of3A_17] : memref<6400000xi32, #tpu.memory_space<hbm>> -> memref<4000xi32, #tpu.memory_space<hbm>>
    tpu.wait_dma2 semaphore(%arg15 : memref<!tpu.dma_semaphore, #tpu.memory_space<semaphore_mem>>) src(%dma_wait3A_25 : memref<4000xi32, #tpu.memory_space<hbm>>) dst(%arg10 : memref<4000xi32, #tpu.memory_space<vmem>>)
    %dma_wait3A_26 = tpu.memref_slice %arg5[%multiple_of3A_17] : memref<6400000xf32, #tpu.memory_space<hbm>> -> memref<4000xf32, #tpu.memory_space<hbm>>
    %dma_wait3A_27 = tpu.memref_slice %arg5[%multiple_of3A_17] : memref<6400000xf32, #tpu.memory_space<hbm>> -> memref<4000xf32, #tpu.memory_space<hbm>>
    tpu.wait_dma2 semaphore(%arg15 : memref<!tpu.dma_semaphore, #tpu.memory_space<semaphore_mem>>) src(%dma_wait3A_27 : memref<4000xf32, #tpu.memory_space<hbm>>) dst(%arg9 : memref<4000xf32, #tpu.memory_space<vmem>>)
    %scan3A_28 = arith.constant 0 : i32
    %scan3A_29 = arith.constant 0 : i32
    %scan3A_30 = arith.constant 250 : i32
    %scan3A_31 = arith.addi %scan3A_29, %scan3A_30 : i32
    %scan3A_32 = arith.constant 1 : i32
    %scan3A_33 = scf.for %scan3A_75 = %scan3A_29 to %scan3A_31 step %scan3A_32 iter_args(%scan3A_76 = %scan3A_28) -> (i32)  : i32 {
      %mul3A_77 = arith.constant 16 : i32
      %mul3A_78 = arith.muli %scan3A_75, %mul3A_77 : i32
      %multiple_of3A_79 = tpu.assume_multiple %mul3A_78, 16 : i32
      %get3A = arith.index_cast %multiple_of3A_79 : i32 to index
      %get3A_80 = tpu.vector_load %arg8[%get3A] {strides = array<i32>} : memref<4000xi32, #tpu.memory_space<vmem>>, vector<16xi32>,
      %gather3A = tpu.vector_load_idx %arg7[%get3A_80] : memref<100000xf32, #tpu.memory_space<vmem>>[vector<16xi32>], vector<16xf32>,
      %get3A_81 = arith.index_cast %multiple_of3A_79 : i32 to index
      %get3A_82 = tpu.vector_load %arg9[%get3A_81] {strides = array<i32>} : memref<4000xf32, #tpu.memory_space<vmem>>, vector<16xf32>,
      %mul3A_83 = arith.mulf %get3A_82, %gather3A : vector<16xf32>
      %swap3A = arith.index_cast %multiple_of3A_79 : i32 to index
      %swap3A_84 = tpu.vector_load %arg12[%swap3A] {strides = array<i32>} : memref<4000xf32, #tpu.memory_space<vmem>>, vector<16xf32>,
      tpu.vector_store %arg12[%swap3A], %mul3A_83 {strides = array<i32>} : memref<4000xf32, #tpu.memory_space<vmem>>, vector<16xf32>,
      %scan3A_85 = arith.constant 0 : i32
      scf.yield %scan3A_85 : i32
    }
    %scan3A_34 = arith.constant 250 : i32
    %dma_start3A_35 = arith.constant 0 : i32
    %dma_start3A_36 = tpu.memref_slice %arg14[%dma_start3A_35] : memref<100352xf32, #tpu.memory_space<vmem_shared>> -> memref<100352xf32, #tpu.memory_space<vmem_shared>>
    tpu.enqueue_indirect_dma source(%arg12 : memref<4000xf32, #tpu.memory_space<vmem>>) target(%dma_start3A_36 : memref<100352xf32, #tpu.memory_space<vmem_shared>>) offsets(%arg10 : memref<4000xi32, #tpu.memory_space<vmem>>) semaphore(%arg16 : memref<!tpu.dma_semaphore, #tpu.memory_space<semaphore_mem>>) {add = true}
    %mul3A_37 = arith.constant 200000 : i32
    %mul3A_38 = arith.muli %add3A, %mul3A_37 : i32
    %add3A_39 = arith.constant 4000 : i32
    %add3A_40 = arith.addi %mul3A_38, %add3A_39 : i32
    %multiple_of3A_41 = tpu.assume_multiple %add3A_40, 8 : i32
    %dma_start3A_42 = tpu.memref_slice %arg3[%multiple_of3A_41] : memref<6400000xi32, #tpu.memory_space<hbm>> -> memref<4000xi32, #tpu.memory_space<hbm>>
    %dma_start3A_43 = tpu.memref_slice %arg3[%multiple_of3A_41] : memref<6400000xi32, #tpu.memory_space<hbm>> -> memref<4000xi32, #tpu.memory_space<hbm>>
    tpu.enqueue_dma source(%dma_start3A_43 : memref<4000xi32, #tpu.memory_space<hbm>>) target(%arg8 : memref<4000xi32, #tpu.memory_space<vmem>>) target_semaphore(%arg15 : memref<!tpu.dma_semaphore, #tpu.memory_space<semaphore_mem>>)
    %dma_start3A_44 = tpu.memref_slice %arg4[%multiple_of3A_41] : memref<6400000xi32, #tpu.memory_space<hbm>> -> memref<4000xi32, #tpu.memory_space<hbm>>
    %dma_start3A_45 = tpu.memref_slice %arg4[%multiple_of3A_41] : memref<6400000xi32, #tpu.memory_space<hbm>> -> memref<4000xi32, #tpu.memory_space<hbm>>
    tpu.enqueue_dma source(%dma_start3A_45 : memref<4000xi32, #tpu.memory_space<hbm>>) target(%arg11 : memref<4000xi32, #tpu.memory_space<vmem>>) target_semaphore(%arg15 : memref<!tpu.dma_semaphore, #tpu.memory_space<semaphore_mem>>)
    %dma_start3A_46 = tpu.memref_slice %arg5[%multiple_of3A_41] : memref<6400000xf32, #tpu.memory_space<hbm>> -> memref<4000xf32, #tpu.memory_space<hbm>>
    %dma_start3A_47 = tpu.memref_slice %arg5[%multiple_of3A_41] : memref<6400000xf32, #tpu.memory_space<hbm>> -> memref<4000xf32, #tpu.memory_space<hbm>>
    tpu.enqueue_dma source(%dma_start3A_47 : memref<4000xf32, #tpu.memory_space<hbm>>) target(%arg9 : memref<4000xf32, #tpu.memory_space<vmem>>) target_semaphore(%arg15 : memref<!tpu.dma_semaphore, #tpu.memory_space<semaphore_mem>>)
    %dma_wait3A_48 = tpu.memref_slice %arg3[%multiple_of3A_41] : memref<6400000xi32, #tpu.memory_space<hbm>> -> memref<4000xi32, #tpu.memory_space<hbm>>
    %dma_wait3A_49 = tpu.memref_slice %arg3[%multiple_of3A_41] : memref<6400000xi32, #tpu.memory_space<hbm>> -> memref<4000xi32, #tpu.memory_space<hbm>>
    tpu.wait_dma2 semaphore(%arg15 : memref<!tpu.dma_semaphore, #tpu.memory_space<semaphore_mem>>) src(%dma_wait3A_49 : memref<4000xi32, #tpu.memory_space<hbm>>) dst(%arg8 : memref<4000xi32, #tpu.memory_space<vmem>>)
    %dma_wait3A_50 = tpu.memref_slice %arg4[%multiple_of3A_41] : memref<6400000xi32, #tpu.memory_space<hbm>> -> memref<4000xi32, #tpu.memory_space<hbm>>
    %dma_wait3A_51 = tpu.memref_slice %arg4[%multiple_of3A_41] : memref<6400000xi32, #tpu.memory_space<hbm>> -> memref<4000xi32, #tpu.memory_space<hbm>>
    tpu.wait_dma2 semaphore(%arg15 : memref<!tpu.dma_semaphore, #tpu.memory_space<semaphore_mem>>) src(%dma_wait3A_51 : memref<4000xi32, #tpu.memory_space<hbm>>) dst(%arg11 : memref<4000xi32, #tpu.memory_space<vmem>>)
    %dma_wait3A_52 = tpu.memref_slice %arg5[%multiple_of3A_41] : memref<6400000xf32, #tpu.memory_space<hbm>> -> memref<4000xf32, #tpu.memory_space<hbm>>
    %dma_wait3A_53 = tpu.memref_slice %arg5[%multiple_of3A_41] : memref<6400000xf32, #tpu.memory_space<hbm>> -> memref<4000xf32, #tpu.memory_space<hbm>>
    tpu.wait_dma2 semaphore(%arg15 : memref<!tpu.dma_semaphore, #tpu.memory_space<semaphore_mem>>) src(%dma_wait3A_53 : memref<4000xf32, #tpu.memory_space<hbm>>) dst(%arg9 : memref<4000xf32, #tpu.memory_space<vmem>>)
    %scan3A_54 = arith.constant 0 : i32
    %scan3A_55 = arith.constant 0 : i32
    %scan3A_56 = arith.constant 250 : i32
    %scan3A_57 = arith.addi %scan3A_55, %scan3A_56 : i32
    %scan3A_58 = arith.constant 1 : i32
    %scan3A_59 = scf.for %scan3A_75 = %scan3A_55 to %scan3A_57 step %scan3A_58 iter_args(%scan3A_76 = %scan3A_54) -> (i32)  : i32 {
      %mul3A_77 = arith.constant 16 : i32
      %mul3A_78 = arith.muli %scan3A_75, %mul3A_77 : i32
      %multiple_of3A_79 = tpu.assume_multiple %mul3A_78, 16 : i32
      %get3A = arith.index_cast %multiple_of3A_79 : i32 to index
      %get3A_80 = tpu.vector_load %arg8[%get3A] {strides = array<i32>} : memref<4000xi32, #tpu.memory_space<vmem>>, vector<16xi32>,
      %gather3A = tpu.vector_load_idx %arg7[%get3A_80] : memref<100000xf32, #tpu.memory_space<vmem>>[vector<16xi32>], vector<16xf32>,
      %get3A_81 = arith.index_cast %multiple_of3A_79 : i32 to index
      %get3A_82 = tpu.vector_load %arg9[%get3A_81] {strides = array<i32>} : memref<4000xf32, #tpu.memory_space<vmem>>, vector<16xf32>,
      %mul3A_83 = arith.mulf %get3A_82, %gather3A : vector<16xf32>
      %swap3A = arith.index_cast %multiple_of3A_79 : i32 to index
      %swap3A_84 = tpu.vector_load %arg13[%swap3A] {strides = array<i32>} : memref<4000xf32, #tpu.memory_space<vmem>>, vector<16xf32>,
      tpu.vector_store %arg13[%swap3A], %mul3A_83 {strides = array<i32>} : memref<4000xf32, #tpu.memory_space<vmem>>, vector<16xf32>,
      %scan3A_85 = arith.constant 0 : i32
      scf.yield %scan3A_85 : i32
    }
    %scan3A_60 = arith.constant 250 : i32
    %dma_start3A_61 = arith.constant 0 : i32
    %dma_start3A_62 = tpu.memref_slice %arg14[%dma_start3A_61] : memref<100352xf32, #tpu.memory_space<vmem_shared>> -> memref<100352xf32, #tpu.memory_space<vmem_shared>>
    tpu.enqueue_indirect_dma source(%arg13 : memref<4000xf32, #tpu.memory_space<vmem>>) target(%dma_start3A_62 : memref<100352xf32, #tpu.memory_space<vmem_shared>>) offsets(%arg11 : memref<4000xi32, #tpu.memory_space<vmem>>) semaphore(%arg17 : memref<!tpu.dma_semaphore, #tpu.memory_space<semaphore_mem>>) {add = true}
    %scan3A_63 = arith.constant 0 : i32
    %scan3A_64 = arith.constant 1 : i32
    %scan3A_65 = arith.constant 24 : i32
    %scan3A_66 = arith.addi %scan3A_64, %scan3A_65 : i32
    %scan3A_67 = arith.constant 1 : i32
    %scan3A_68 = scf.for %scan3A_75 = %scan3A_64 to %scan3A_66 step %scan3A_67 iter_args(%scan3A_76 = %scan3A_63) -> (i32)  : i32 {
      %dma_wait3A_77 = arith.constant 0 : i32
      %dma_wait3A_78 = tpu.memref_slice %arg14[%dma_wait3A_77] : memref<100352xf32, #tpu.memory_space<vmem_shared>> -> memref<100352xf32, #tpu.memory_space<vmem_shared>>
      tpu.wait_indirect_dma semaphore(%arg16 : memref<!tpu.dma_semaphore, #tpu.memory_space<semaphore_mem>>) src(%arg12 : memref<4000xf32, #tpu.memory_space<vmem>>) dst(%dma_wait3A_78 : memref<100352xf32, #tpu.memory_space<vmem_shared>>)
      %mul3A_79 = arith.constant 2 : i32
      %mul3A_80 = arith.muli %mul3A_79, %scan3A_75 : i32
      %add3A_81 = arith.constant 0 : i32
      %add3A_82 = arith.addi %mul3A_80, %add3A_81 : i32
      %mul3A_83 = arith.constant 200000 : i32
      %mul3A_84 = arith.muli %add3A, %mul3A_83 : i32
      %mul3A_85 = arith.constant 4000 : i32
      %mul3A_86 = arith.muli %add3A_82, %mul3A_85 : i32
      %add3A_87 = arith.addi %mul3A_84, %mul3A_86 : i32
      %multiple_of3A_88 = tpu.assume_multiple %add3A_87, 8 : i32
      %dma_start3A_89 = tpu.memref_slice %arg3[%multiple_of3A_88] : memref<6400000xi32, #tpu.memory_space<hbm>> -> memref<4000xi32, #tpu.memory_space<hbm>>
      %dma_start3A_90 = tpu.memref_slice %arg3[%multiple_of3A_88] : memref<6400000xi32, #tpu.memory_space<hbm>> -> memref<4000xi32, #tpu.memory_space<hbm>>
      tpu.enqueue_dma source(%dma_start3A_90 : memref<4000xi32, #tpu.memory_space<hbm>>) target(%arg8 : memref<4000xi32, #tpu.memory_space<vmem>>) target_semaphore(%arg15 : memref<!tpu.dma_semaphore, #tpu.memory_space<semaphore_mem>>)
      %dma_start3A_91 = tpu.memref_slice %arg4[%multiple_of3A_88] : memref<6400000xi32, #tpu.memory_space<hbm>> -> memref<4000xi32, #tpu.memory_space<hbm>>
      %dma_start3A_92 = tpu.memref_slice %arg4[%multiple_of3A_88] : memref<6400000xi32, #tpu.memory_space<hbm>> -> memref<4000xi32, #tpu.memory_space<hbm>>
      tpu.enqueue_dma source(%dma_start3A_92 : memref<4000xi32, #tpu.memory_space<hbm>>) target(%arg10 : memref<4000xi32, #tpu.memory_space<vmem>>) target_semaphore(%arg15 : memref<!tpu.dma_semaphore, #tpu.memory_space<semaphore_mem>>)
      %dma_start3A_93 = tpu.memref_slice %arg5[%multiple_of3A_88] : memref<6400000xf32, #tpu.memory_space<hbm>> -> memref<4000xf32, #tpu.memory_space<hbm>>
      %dma_start3A_94 = tpu.memref_slice %arg5[%multiple_of3A_88] : memref<6400000xf32, #tpu.memory_space<hbm>> -> memref<4000xf32, #tpu.memory_space<hbm>>
      tpu.enqueue_dma source(%dma_start3A_94 : memref<4000xf32, #tpu.memory_space<hbm>>) target(%arg9 : memref<4000xf32, #tpu.memory_space<vmem>>) target_semaphore(%arg15 : memref<!tpu.dma_semaphore, #tpu.memory_space<semaphore_mem>>)
      %dma_wait3A_95 = tpu.memref_slice %arg3[%multiple_of3A_88] : memref<6400000xi32, #tpu.memory_space<hbm>> -> memref<4000xi32, #tpu.memory_space<hbm>>
      %dma_wait3A_96 = tpu.memref_slice %arg3[%multiple_of3A_88] : memref<6400000xi32, #tpu.memory_space<hbm>> -> memref<4000xi32, #tpu.memory_space<hbm>>
      tpu.wait_dma2 semaphore(%arg15 : memref<!tpu.dma_semaphore, #tpu.memory_space<semaphore_mem>>) src(%dma_wait3A_96 : memref<4000xi32, #tpu.memory_space<hbm>>) dst(%arg8 : memref<4000xi32, #tpu.memory_space<vmem>>)
      %dma_wait3A_97 = tpu.memref_slice %arg4[%multiple_of3A_88] : memref<6400000xi32, #tpu.memory_space<hbm>> -> memref<4000xi32, #tpu.memory_space<hbm>>
      %dma_wait3A_98 = tpu.memref_slice %arg4[%multiple_of3A_88] : memref<6400000xi32, #tpu.memory_space<hbm>> -> memref<4000xi32, #tpu.memory_space<hbm>>
      tpu.wait_dma2 semaphore(%arg15 : memref<!tpu.dma_semaphore, #tpu.memory_space<semaphore_mem>>) src(%dma_wait3A_98 : memref<4000xi32, #tpu.memory_space<hbm>>) dst(%arg10 : memref<4000xi32, #tpu.memory_space<vmem>>)
      %dma_wait3A_99 = tpu.memref_slice %arg5[%multiple_of3A_88] : memref<6400000xf32, #tpu.memory_space<hbm>> -> memref<4000xf32, #tpu.memory_space<hbm>>
      %dma_wait3A_100 = tpu.memref_slice %arg5[%multiple_of3A_88] : memref<6400000xf32, #tpu.memory_space<hbm>> -> memref<4000xf32, #tpu.memory_space<hbm>>
      tpu.wait_dma2 semaphore(%arg15 : memref<!tpu.dma_semaphore, #tpu.memory_space<semaphore_mem>>) src(%dma_wait3A_100 : memref<4000xf32, #tpu.memory_space<hbm>>) dst(%arg9 : memref<4000xf32, #tpu.memory_space<vmem>>)
      %scan3A_101 = arith.constant 0 : i32
      %scan3A_102 = arith.constant 0 : i32
      %scan3A_103 = arith.constant 250 : i32
      %scan3A_104 = arith.addi %scan3A_102, %scan3A_103 : i32
      %scan3A_105 = arith.constant 1 : i32
      %scan3A_106 = scf.for %scan3A_144 = %scan3A_102 to %scan3A_104 step %scan3A_105 iter_args(%scan3A_145 = %scan3A_101) -> (i32)  : i32 {
        %mul3A_146 = arith.constant 16 : i32
        %mul3A_147 = arith.muli %scan3A_144, %mul3A_146 : i32
        %multiple_of3A_148 = tpu.assume_multiple %mul3A_147, 16 : i32
        %get3A = arith.index_cast %multiple_of3A_148 : i32 to index
        %get3A_149 = tpu.vector_load %arg8[%get3A] {strides = array<i32>} : memref<4000xi32, #tpu.memory_space<vmem>>, vector<16xi32>,
        %gather3A = tpu.vector_load_idx %arg7[%get3A_149] : memref<100000xf32, #tpu.memory_space<vmem>>[vector<16xi32>], vector<16xf32>,
        %get3A_150 = arith.index_cast %multiple_of3A_148 : i32 to index
        %get3A_151 = tpu.vector_load %arg9[%get3A_150] {strides = array<i32>} : memref<4000xf32, #tpu.memory_space<vmem>>, vector<16xf32>,
        %mul3A_152 = arith.mulf %get3A_151, %gather3A : vector<16xf32>
        %swap3A = arith.index_cast %multiple_of3A_148 : i32 to index
        %swap3A_153 = tpu.vector_load %arg12[%swap3A] {strides = array<i32>} : memref<4000xf32, #tpu.memory_space<vmem>>, vector<16xf32>,
        tpu.vector_store %arg12[%swap3A], %mul3A_152 {strides = array<i32>} : memref<4000xf32, #tpu.memory_space<vmem>>, vector<16xf32>,
        %scan3A_154 = arith.constant 0 : i32
        scf.yield %scan3A_154 : i32
      }
      %scan3A_107 = arith.constant 250 : i32
      %dma_start3A_108 = arith.constant 0 : i32
      %dma_start3A_109 = tpu.memref_slice %arg14[%dma_start3A_108] : memref<100352xf32, #tpu.memory_space<vmem_shared>> -> memref<100352xf32, #tpu.memory_space<vmem_shared>>
      tpu.enqueue_indirect_dma source(%arg12 : memref<4000xf32, #tpu.memory_space<vmem>>) target(%dma_start3A_109 : memref<100352xf32, #tpu.memory_space<vmem_shared>>) offsets(%arg10 : memref<4000xi32, #tpu.memory_space<vmem>>) semaphore(%arg16 : memref<!tpu.dma_semaphore, #tpu.memory_space<semaphore_mem>>) {add = true}
      %dma_wait3A_110 = arith.constant 0 : i32
      %dma_wait3A_111 = tpu.memref_slice %arg14[%dma_wait3A_110] : memref<100352xf32, #tpu.memory_space<vmem_shared>> -> memref<100352xf32, #tpu.memory_space<vmem_shared>>
      tpu.wait_indirect_dma semaphore(%arg17 : memref<!tpu.dma_semaphore, #tpu.memory_space<semaphore_mem>>) src(%arg13 : memref<4000xf32, #tpu.memory_space<vmem>>) dst(%dma_wait3A_111 : memref<100352xf32, #tpu.memory_space<vmem_shared>>)
      %mul3A_112 = arith.constant 2 : i32
      %mul3A_113 = arith.muli %mul3A_112, %scan3A_75 : i32
      %add3A_114 = arith.constant 1 : i32
      %add3A_115 = arith.addi %mul3A_113, %add3A_114 : i32
      %mul3A_116 = arith.constant 200000 : i32
      %mul3A_117 = arith.muli %add3A, %mul3A_116 : i32
      %mul3A_118 = arith.constant 4000 : i32
      %mul3A_119 = arith.muli %add3A_115, %mul3A_118 : i32
      %add3A_120 = arith.addi %mul3A_117, %mul3A_119 : i32
      %multiple_of3A_121 = tpu.assume_multiple %add3A_120, 8 : i32
      %dma_start3A_122 = tpu.memref_slice %arg3[%multiple_of3A_121] : memref<6400000xi32, #tpu.memory_space<hbm>> -> memref<4000xi32, #tpu.memory_space<hbm>>
      %dma_start3A_123 = tpu.memref_slice %arg3[%multiple_of3A_121] : memref<6400000xi32, #tpu.memory_space<hbm>> -> memref<4000xi32, #tpu.memory_space<hbm>>
      tpu.enqueue_dma source(%dma_start3A_123 : memref<4000xi32, #tpu.memory_space<hbm>>) target(%arg8 : memref<4000xi32, #tpu.memory_space<vmem>>) target_semaphore(%arg15 : memref<!tpu.dma_semaphore, #tpu.memory_space<semaphore_mem>>)
      %dma_start3A_124 = tpu.memref_slice %arg4[%multiple_of3A_121] : memref<6400000xi32, #tpu.memory_space<hbm>> -> memref<4000xi32, #tpu.memory_space<hbm>>
      %dma_start3A_125 = tpu.memref_slice %arg4[%multiple_of3A_121] : memref<6400000xi32, #tpu.memory_space<hbm>> -> memref<4000xi32, #tpu.memory_space<hbm>>
      tpu.enqueue_dma source(%dma_start3A_125 : memref<4000xi32, #tpu.memory_space<hbm>>) target(%arg11 : memref<4000xi32, #tpu.memory_space<vmem>>) target_semaphore(%arg15 : memref<!tpu.dma_semaphore, #tpu.memory_space<semaphore_mem>>)
      %dma_start3A_126 = tpu.memref_slice %arg5[%multiple_of3A_121] : memref<6400000xf32, #tpu.memory_space<hbm>> -> memref<4000xf32, #tpu.memory_space<hbm>>
      %dma_start3A_127 = tpu.memref_slice %arg5[%multiple_of3A_121] : memref<6400000xf32, #tpu.memory_space<hbm>> -> memref<4000xf32, #tpu.memory_space<hbm>>
      tpu.enqueue_dma source(%dma_start3A_127 : memref<4000xf32, #tpu.memory_space<hbm>>) target(%arg9 : memref<4000xf32, #tpu.memory_space<vmem>>) target_semaphore(%arg15 : memref<!tpu.dma_semaphore, #tpu.memory_space<semaphore_mem>>)
      %dma_wait3A_128 = tpu.memref_slice %arg3[%multiple_of3A_121] : memref<6400000xi32, #tpu.memory_space<hbm>> -> memref<4000xi32, #tpu.memory_space<hbm>>
      %dma_wait3A_129 = tpu.memref_slice %arg3[%multiple_of3A_121] : memref<6400000xi32, #tpu.memory_space<hbm>> -> memref<4000xi32, #tpu.memory_space<hbm>>
      tpu.wait_dma2 semaphore(%arg15 : memref<!tpu.dma_semaphore, #tpu.memory_space<semaphore_mem>>) src(%dma_wait3A_129 : memref<4000xi32, #tpu.memory_space<hbm>>) dst(%arg8 : memref<4000xi32, #tpu.memory_space<vmem>>)
      %dma_wait3A_130 = tpu.memref_slice %arg4[%multiple_of3A_121] : memref<6400000xi32, #tpu.memory_space<hbm>> -> memref<4000xi32, #tpu.memory_space<hbm>>
      %dma_wait3A_131 = tpu.memref_slice %arg4[%multiple_of3A_121] : memref<6400000xi32, #tpu.memory_space<hbm>> -> memref<4000xi32, #tpu.memory_space<hbm>>
      tpu.wait_dma2 semaphore(%arg15 : memref<!tpu.dma_semaphore, #tpu.memory_space<semaphore_mem>>) src(%dma_wait3A_131 : memref<4000xi32, #tpu.memory_space<hbm>>) dst(%arg11 : memref<4000xi32, #tpu.memory_space<vmem>>)
      %dma_wait3A_132 = tpu.memref_slice %arg5[%multiple_of3A_121] : memref<6400000xf32, #tpu.memory_space<hbm>> -> memref<4000xf32, #tpu.memory_space<hbm>>
      %dma_wait3A_133 = tpu.memref_slice %arg5[%multiple_of3A_121] : memref<6400000xf32, #tpu.memory_space<hbm>> -> memref<4000xf32, #tpu.memory_space<hbm>>
      tpu.wait_dma2 semaphore(%arg15 : memref<!tpu.dma_semaphore, #tpu.memory_space<semaphore_mem>>) src(%dma_wait3A_133 : memref<4000xf32, #tpu.memory_space<hbm>>) dst(%arg9 : memref<4000xf32, #tpu.memory_space<vmem>>)
      %scan3A_134 = arith.constant 0 : i32
      %scan3A_135 = arith.constant 0 : i32
      %scan3A_136 = arith.constant 250 : i32
      %scan3A_137 = arith.addi %scan3A_135, %scan3A_136 : i32
      %scan3A_138 = arith.constant 1 : i32
      %scan3A_139 = scf.for %scan3A_144 = %scan3A_135 to %scan3A_137 step %scan3A_138 iter_args(%scan3A_145 = %scan3A_134) -> (i32)  : i32 {
        %mul3A_146 = arith.constant 16 : i32
        %mul3A_147 = arith.muli %scan3A_144, %mul3A_146 : i32
        %multiple_of3A_148 = tpu.assume_multiple %mul3A_147, 16 : i32
        %get3A = arith.index_cast %multiple_of3A_148 : i32 to index
        %get3A_149 = tpu.vector_load %arg8[%get3A] {strides = array<i32>} : memref<4000xi32, #tpu.memory_space<vmem>>, vector<16xi32>,
        %gather3A = tpu.vector_load_idx %arg7[%get3A_149] : memref<100000xf32, #tpu.memory_space<vmem>>[vector<16xi32>], vector<16xf32>,
        %get3A_150 = arith.index_cast %multiple_of3A_148 : i32 to index
        %get3A_151 = tpu.vector_load %arg9[%get3A_150] {strides = array<i32>} : memref<4000xf32, #tpu.memory_space<vmem>>, vector<16xf32>,
        %mul3A_152 = arith.mulf %get3A_151, %gather3A : vector<16xf32>
        %swap3A = arith.index_cast %multiple_of3A_148 : i32 to index
        %swap3A_153 = tpu.vector_load %arg13[%swap3A] {strides = array<i32>} : memref<4000xf32, #tpu.memory_space<vmem>>, vector<16xf32>,
        tpu.vector_store %arg13[%swap3A], %mul3A_152 {strides = array<i32>} : memref<4000xf32, #tpu.memory_space<vmem>>, vector<16xf32>,
        %scan3A_154 = arith.constant 0 : i32
        scf.yield %scan3A_154 : i32
      }
      %scan3A_140 = arith.constant 250 : i32
      %dma_start3A_141 = arith.constant 0 : i32
      %dma_start3A_142 = tpu.memref_slice %arg14[%dma_start3A_141] : memref<100352xf32, #tpu.memory_space<vmem_shared>> -> memref<100352xf32, #tpu.memory_space<vmem_shared>>
      tpu.enqueue_indirect_dma source(%arg13 : memref<4000xf32, #tpu.memory_space<vmem>>) target(%dma_start3A_142 : memref<100352xf32, #tpu.memory_space<vmem_shared>>) offsets(%arg11 : memref<4000xi32, #tpu.memory_space<vmem>>) semaphore(%arg17 : memref<!tpu.dma_semaphore, #tpu.memory_space<semaphore_mem>>) {add = true}
      %scan3A_143 = arith.constant 0 : i32
      scf.yield %scan3A_143 : i32
    }
    %scan3A_69 = arith.constant 24 : i32
    %dma_wait3A_70 = arith.constant 0 : i32
    %dma_wait3A_71 = tpu.memref_slice %arg14[%dma_wait3A_70] : memref<100352xf32, #tpu.memory_space<vmem_shared>> -> memref<100352xf32, #tpu.memory_space<vmem_shared>>
    tpu.wait_indirect_dma semaphore(%arg16 : memref<!tpu.dma_semaphore, #tpu.memory_space<semaphore_mem>>) src(%arg12 : memref<4000xf32, #tpu.memory_space<vmem>>) dst(%dma_wait3A_71 : memref<100352xf32, #tpu.memory_space<vmem_shared>>)
    %dma_wait3A_72 = arith.constant 0 : i32
    %dma_wait3A_73 = tpu.memref_slice %arg14[%dma_wait3A_72] : memref<100352xf32, #tpu.memory_space<vmem_shared>> -> memref<100352xf32, #tpu.memory_space<vmem_shared>>
    tpu.wait_indirect_dma semaphore(%arg17 : memref<!tpu.dma_semaphore, #tpu.memory_space<semaphore_mem>>) src(%arg13 : memref<4000xf32, #tpu.memory_space<vmem>>) dst(%dma_wait3A_73 : memref<100352xf32, #tpu.memory_space<vmem_shared>>)
    %barrier3A_74 = arith.constant 0 : index
    tpu.barrier barrier_id(%barrier3A_74)
    "tpu.region"() ({
      %run_scoped3A = tpu.sem_alloc : memref<!tpu.dma_semaphore, #tpu.memory_space<semaphore_mem>>
      %dma_start3A_75 = tpu.memref_slice %arg6[%arg0, %multiple_of3A] : memref<2x100352xf32, #tpu.memory_space<hbm>> -> memref<1x6272xf32, #tpu.memory_space<hbm>>
      %dma_start3A_76 = tpu.memref_squeeze %dma_start3A_75 : memref<1x6272xf32, #tpu.memory_space<hbm>> -> memref<6272xf32, #tpu.memory_space<hbm>>
      %dma_start3A_77 = tpu.memref_slice %arg14[%multiple_of3A] : memref<100352xf32, #tpu.memory_space<vmem_shared>> -> memref<6272xf32, #tpu.memory_space<vmem_shared>>
      tpu.enqueue_dma source(%dma_start3A_77 : memref<6272xf32, #tpu.memory_space<vmem_shared>>) target(%dma_start3A_76 : memref<6272xf32, #tpu.memory_space<hbm>>) target_semaphore(%run_scoped3A : memref<!tpu.dma_semaphore, #tpu.memory_space<semaphore_mem>>)
      %dma_wait3A_78 = tpu.memref_slice %arg6[%arg0, %multiple_of3A] : memref<2x100352xf32, #tpu.memory_space<hbm>> -> memref<1x6272xf32, #tpu.memory_space<hbm>>
      %dma_wait3A_79 = tpu.memref_squeeze %dma_wait3A_78 : memref<1x6272xf32, #tpu.memory_space<hbm>> -> memref<6272xf32, #tpu.memory_space<hbm>>
      %dma_wait3A_80 = tpu.memref_slice %arg14[%multiple_of3A] : memref<100352xf32, #tpu.memory_space<vmem_shared>> -> memref<6272xf32, #tpu.memory_space<vmem_shared>>
      tpu.wait_dma2 semaphore(%run_scoped3A : memref<!tpu.dma_semaphore, #tpu.memory_space<semaphore_mem>>) src(%dma_wait3A_80 : memref<6272xf32, #tpu.memory_space<vmem_shared>>) dst(%dma_wait3A_79 : memref<6272xf32, #tpu.memory_space<hbm>>)
      tpu.yield
    }) : () -> ()
    return
  }
}

#map = affine_map<(d0, d1) -> (0)>
#map1 = affine_map<(d0, d1) -> (0, 0)>
module attributes {stable_mosaic.version = 14 : i64} {
  func.func @_seg_body(%arg0: i32, %arg1: i32, %arg2: memref<100352xf32, #tpu.memory_space<hbm>>, %arg3: memref<6400000xi32, #tpu.memory_space<hbm>>, %arg4: memref<6400000xi32, #tpu.memory_space<hbm>>, %arg5: memref<6400000xf32, #tpu.memory_space<hbm>>, %arg6: memref<2x100352xf32, #tpu.memory_space<hbm>>, %arg7: memref<100000xf32, #tpu.memory_space<vmem>>, %arg8: memref<4000xi32, #tpu.memory_space<vmem>>, %arg9: memref<4000xf32, #tpu.memory_space<vmem>>, %arg10: memref<4000xi32, #tpu.memory_space<vmem>>, %arg11: memref<4000xi32, #tpu.memory_space<vmem>>, %arg12: memref<4000xf32, #tpu.memory_space<vmem>>, %arg13: memref<4000xf32, #tpu.memory_space<vmem>>, %arg14: memref<100352xf32, #tpu.memory_space<vmem_shared>>, %arg15: memref<!tpu.dma_semaphore, #tpu.memory_space<semaphore_mem>>, %arg16: memref<!tpu.dma_semaphore, #tpu.memory_space<semaphore_mem>>, %arg17: memref<!tpu.dma_semaphore, #tpu.memory_space<semaphore_mem>>) attributes {dimension_semantics = [#tpu.dimension_semantics<core_parallel>, #tpu.dimension_semantics<subcore_parallel>], iteration_bounds = array<i64: 2, 16>, scalar_prefetch = 0 : i64, scratch_operands = 11 : i64, tpu.core_type = #tpu.core_type<sc_vector_subcore>, window_params = [{transform_indices = #map}, {transform_indices = #map}, {transform_indices = #map}, {transform_indices = #map}, {transform_indices = #map1}]} {
    %mul3A = arith.constant 16 : i32
    %mul3A_0 = arith.muli %arg0, %mul3A : i32
    %add3A = arith.addi %mul3A_0, %arg1 : i32
    %scan3A = arith.constant 0 : i32
    %scan3A_1 = arith.constant 0 : i32
    %scan3A_2 = arith.constant 250 : i32
    %scan3A_3 = arith.addi %scan3A_1, %scan3A_2 : i32
    %scan3A_4 = arith.constant 1 : i32
    %scan3A_5 = scf.for %scan3A_75 = %scan3A_1 to %scan3A_3 step %scan3A_4 iter_args(%scan3A_76 = %scan3A) -> (i32)  : i32 {
      %broadcast_in_dim3A = arith.constant 0.000000e+00 : f32
      %broadcast_in_dim3A_77 = vector.broadcast %broadcast_in_dim3A : f32 to vector<16xf32>
      %mul3A_78 = arith.constant 16 : i32
      %mul3A_79 = arith.muli %scan3A_75, %mul3A_78 : i32
      %swap3A = arith.index_cast %mul3A_79 : i32 to index
      %swap3A_80 = tpu.vector_load %arg12[%swap3A] {strides = array<i32>} : memref<4000xf32, #tpu.memory_space<vmem>>, vector<16xf32>,
      tpu.vector_store %arg12[%swap3A], %broadcast_in_dim3A_77 {strides = array<i32>} : memref<4000xf32, #tpu.memory_space<vmem>>, vector<16xf32>,
      %scan3A_81 = arith.constant 0 : i32
      scf.yield %scan3A_81 : i32
    }
    %scan3A_6 = arith.constant 250 : i32
    %mul3A_7 = arith.constant 6272 : i32
    %mul3A_8 = arith.muli %arg1, %mul3A_7 : i32
    %multiple_of3A = tpu.assume_multiple %mul3A_8, 8 : i32
    %add3A_9 = arith.constant 0 : i32
    %add3A_10 = arith.addi %multiple_of3A, %add3A_9 : i32
    "tpu.region"() ({
      %run_scoped3A = tpu.sem_alloc : memref<!tpu.dma_semaphore, #tpu.memory_space<semaphore_mem>>
      %dma_start3A_75 = arith.constant 0 : i32
      %dma_start3A_76 = tpu.memref_slice %arg12[%dma_start3A_75] : memref<4000xf32, #tpu.memory_space<vmem>> -> memref<4000xf32, #tpu.memory_space<vmem>>
      %dma_start3A_77 = tpu.memref_slice %arg14[%add3A_10] : memref<100352xf32, #tpu.memory_space<vmem_shared>> -> memref<4000xf32, #tpu.memory_space<vmem_shared>>
      %dma_start3A_78 = tpu.memref_slice %arg14[%add3A_10] : memref<100352xf32, #tpu.memory_space<vmem_shared>> -> memref<4000xf32, #tpu.memory_space<vmem_shared>>
      %dma_start3A_79 = arith.constant 0 : i32
      %dma_start3A_80 = tpu.memref_slice %arg12[%dma_start3A_79] : memref<4000xf32, #tpu.memory_space<vmem>> -> memref<4000xf32, #tpu.memory_space<vmem>>
      tpu.enqueue_dma source(%dma_start3A_80 : memref<4000xf32, #tpu.memory_space<vmem>>) target(%dma_start3A_78 : memref<4000xf32, #tpu.memory_space<vmem_shared>>) target_semaphore(%run_scoped3A : memref<!tpu.dma_semaphore, #tpu.memory_space<semaphore_mem>>)
      %dma_wait3A_81 = arith.constant 0 : i32
      %dma_wait3A_82 = tpu.memref_slice %arg12[%dma_wait3A_81] : memref<4000xf32, #tpu.memory_space<vmem>> -> memref<4000xf32, #tpu.memory_space<vmem>>
      %dma_wait3A_83 = tpu.memref_slice %arg14[%add3A_10] : memref<100352xf32, #tpu.memory_space<vmem_shared>> -> memref<4000xf32, #tpu.memory_space<vmem_shared>>
      %dma_wait3A_84 = tpu.memref_slice %arg14[%add3A_10] : memref<100352xf32, #tpu.memory_space<vmem_shared>> -> memref<4000xf32, #tpu.memory_space<vmem_shared>>
      %dma_wait3A_85 = arith.constant 0 : i32
      %dma_wait3A_86 = tpu.memref_slice %arg12[%dma_wait3A_85] : memref<4000xf32, #tpu.memory_space<vmem>> -> memref<4000xf32, #tpu.memory_space<vmem>>
      tpu.wait_dma2 semaphore(%run_scoped3A : memref<!tpu.dma_semaphore, #tpu.memory_space<semaphore_mem>>) src(%dma_wait3A_86 : memref<4000xf32, #tpu.memory_space<vmem>>) dst(%dma_wait3A_84 : memref<4000xf32, #tpu.memory_space<vmem_shared>>)
      tpu.yield
    }) : () -> ()
    %add3A_11 = arith.constant 4000 : i32
    %add3A_12 = arith.addi %multiple_of3A, %add3A_11 : i32
    "tpu.region"() ({
      %run_scoped3A = tpu.sem_alloc : memref<!tpu.dma_semaphore, #tpu.memory_space<semaphore_mem>>
      %dma_start3A_75 = arith.constant 0 : i32
      %dma_start3A_76 = tpu.memref_slice %arg12[%dma_start3A_75] : memref<4000xf32, #tpu.memory_space<vmem>> -> memref<2272xf32, #tpu.memory_space<vmem>>
      %dma_start3A_77 = tpu.memref_slice %arg14[%add3A_12] : memref<100352xf32, #tpu.memory_space<vmem_shared>> -> memref<2272xf32, #tpu.memory_space<vmem_shared>>
      %dma_start3A_78 = tpu.memref_slice %arg14[%add3A_12] : memref<100352xf32, #tpu.memory_space<vmem_shared>> -> memref<2272xf32, #tpu.memory_space<vmem_shared>>
      %dma_start3A_79 = arith.constant 0 : i32
      %dma_start3A_80 = tpu.memref_slice %arg12[%dma_start3A_79] : memref<4000xf32, #tpu.memory_space<vmem>> -> memref<2272xf32, #tpu.memory_space<vmem>>
      tpu.enqueue_dma source(%dma_start3A_80 : memref<2272xf32, #tpu.memory_space<vmem>>) target(%dma_start3A_78 : memref<2272xf32, #tpu.memory_space<vmem_shared>>) target_semaphore(%run_scoped3A : memref<!tpu.dma_semaphore, #tpu.memory_space<semaphore_mem>>)
      %dma_wait3A_81 = arith.constant 0 : i32
      %dma_wait3A_82 = tpu.memref_slice %arg12[%dma_wait3A_81] : memref<4000xf32, #tpu.memory_space<vmem>> -> memref<2272xf32, #tpu.memory_space<vmem>>
      %dma_wait3A_83 = tpu.memref_slice %arg14[%add3A_12] : memref<100352xf32, #tpu.memory_space<vmem_shared>> -> memref<2272xf32, #tpu.memory_space<vmem_shared>>
      %dma_wait3A_84 = tpu.memref_slice %arg14[%add3A_12] : memref<100352xf32, #tpu.memory_space<vmem_shared>> -> memref<2272xf32, #tpu.memory_space<vmem_shared>>
      %dma_wait3A_85 = arith.constant 0 : i32
      %dma_wait3A_86 = tpu.memref_slice %arg12[%dma_wait3A_85] : memref<4000xf32, #tpu.memory_space<vmem>> -> memref<2272xf32, #tpu.memory_space<vmem>>
      tpu.wait_dma2 semaphore(%run_scoped3A : memref<!tpu.dma_semaphore, #tpu.memory_space<semaphore_mem>>) src(%dma_wait3A_86 : memref<2272xf32, #tpu.memory_space<vmem>>) dst(%dma_wait3A_84 : memref<2272xf32, #tpu.memory_space<vmem_shared>>)
      tpu.yield
    }) : () -> ()
    "tpu.region"() ({
      %run_scoped3A = tpu.sem_alloc : memref<!tpu.dma_semaphore, #tpu.memory_space<semaphore_mem>>
      %dma_start3A_75 = arith.constant 0 : i32
      %dma_start3A_76 = tpu.memref_slice %arg2[%dma_start3A_75] : memref<100352xf32, #tpu.memory_space<hbm>> -> memref<100000xf32, #tpu.memory_space<hbm>>
      %dma_start3A_77 = arith.constant 0 : i32
      %dma_start3A_78 = tpu.memref_slice %arg2[%dma_start3A_77] : memref<100352xf32, #tpu.memory_space<hbm>> -> memref<100000xf32, #tpu.memory_space<hbm>>
      tpu.enqueue_dma source(%dma_start3A_78 : memref<100000xf32, #tpu.memory_space<hbm>>) target(%arg7 : memref<100000xf32, #tpu.memory_space<vmem>>) target_semaphore(%run_scoped3A : memref<!tpu.dma_semaphore, #tpu.memory_space<semaphore_mem>>)
      %dma_wait3A_79 = arith.constant 0 : i32
      %dma_wait3A_80 = tpu.memref_slice %arg2[%dma_wait3A_79] : memref<100352xf32, #tpu.memory_space<hbm>> -> memref<100000xf32, #tpu.memory_space<hbm>>
      %dma_wait3A_81 = arith.constant 0 : i32
      %dma_wait3A_82 = tpu.memref_slice %arg2[%dma_wait3A_81] : memref<100352xf32, #tpu.memory_space<hbm>> -> memref<100000xf32, #tpu.memory_space<hbm>>
      tpu.wait_dma2 semaphore(%run_scoped3A : memref<!tpu.dma_semaphore, #tpu.memory_space<semaphore_mem>>) src(%dma_wait3A_82 : memref<100000xf32, #tpu.memory_space<hbm>>) dst(%arg7 : memref<100000xf32, #tpu.memory_space<vmem>>)
      tpu.yield
    }) : () -> ()
    %barrier3A = arith.constant 0 : index
    tpu.barrier barrier_id(%barrier3A)
    %mul3A_13 = arith.constant 200000 : i32
    %mul3A_14 = arith.muli %add3A, %mul3A_13 : i32
    %add3A_15 = arith.constant 0 : i32
    %add3A_16 = arith.addi %mul3A_14, %add3A_15 : i32
    %multiple_of3A_17 = tpu.assume_multiple %add3A_16, 8 : i32
    %dma_start3A = tpu.memref_slice %arg3[%multiple_of3A_17] : memref<6400000xi32, #tpu.memory_space<hbm>> -> memref<4000xi32, #tpu.memory_space<hbm>>
    %dma_start3A_18 = tpu.memref_slice %arg3[%multiple_of3A_17] : memref<6400000xi32, #tpu.memory_space<hbm>> -> memref<4000xi32, #tpu.memory_space<hbm>>
    tpu.enqueue_dma source(%dma_start3A_18 : memref<4000xi32, #tpu.memory_space<hbm>>) target(%arg8 : memref<4000xi32, #tpu.memory_space<vmem>>) target_semaphore(%arg15 : memref<!tpu.dma_semaphore, #tpu.memory_space<semaphore_mem>>)
    %dma_start3A_19 = tpu.memref_slice %arg4[%multiple_of3A_17] : memref<6400000xi32, #tpu.memory_space<hbm>> -> memref<4000xi32, #tpu.memory_space<hbm>>
    %dma_start3A_20 = tpu.memref_slice %arg4[%multiple_of3A_17] : memref<6400000xi32, #tpu.memory_space<hbm>> -> memref<4000xi32, #tpu.memory_space<hbm>>
    tpu.enqueue_dma source(%dma_start3A_20 : memref<4000xi32, #tpu.memory_space<hbm>>) target(%arg10 : memref<4000xi32, #tpu.memory_space<vmem>>) target_semaphore(%arg15 : memref<!tpu.dma_semaphore, #tpu.memory_space<semaphore_mem>>)
    %dma_start3A_21 = tpu.memref_slice %arg5[%multiple_of3A_17] : memref<6400000xf32, #tpu.memory_space<hbm>> -> memref<4000xf32, #tpu.memory_space<hbm>>
    %dma_start3A_22 = tpu.memref_slice %arg5[%multiple_of3A_17] : memref<6400000xf32, #tpu.memory_space<hbm>> -> memref<4000xf32, #tpu.memory_space<hbm>>
    tpu.enqueue_dma source(%dma_start3A_22 : memref<4000xf32, #tpu.memory_space<hbm>>) target(%arg9 : memref<4000xf32, #tpu.memory_space<vmem>>) target_semaphore(%arg15 : memref<!tpu.dma_semaphore, #tpu.memory_space<semaphore_mem>>)
    %dma_wait3A = tpu.memref_slice %arg3[%multiple_of3A_17] : memref<6400000xi32, #tpu.memory_space<hbm>> -> memref<4000xi32, #tpu.memory_space<hbm>>
    %dma_wait3A_23 = tpu.memref_slice %arg3[%multiple_of3A_17] : memref<6400000xi32, #tpu.memory_space<hbm>> -> memref<4000xi32, #tpu.memory_space<hbm>>
    tpu.wait_dma2 semaphore(%arg15 : memref<!tpu.dma_semaphore, #tpu.memory_space<semaphore_mem>>) src(%dma_wait3A_23 : memref<4000xi32, #tpu.memory_space<hbm>>) dst(%arg8 : memref<4000xi32, #tpu.memory_space<vmem>>)
    %dma_wait3A_24 = tpu.memref_slice %arg4[%multiple_of3A_17] : memref<6400000xi32, #tpu.memory_space<hbm>> -> memref<4000xi32, #tpu.memory_space<hbm>>
    %dma_wait3A_25 = tpu.memref_slice %arg4[%multiple_of3A_17] : memref<6400000xi32, #tpu.memory_space<hbm>> -> memref<4000xi32, #tpu.memory_space<hbm>>
    tpu.wait_dma2 semaphore(%arg15 : memref<!tpu.dma_semaphore, #tpu.memory_space<semaphore_mem>>) src(%dma_wait3A_25 : memref<4000xi32, #tpu.memory_space<hbm>>) dst(%arg10 : memref<4000xi32, #tpu.memory_space<vmem>>)
    %dma_wait3A_26 = tpu.memref_slice %arg5[%multiple_of3A_17] : memref<6400000xf32, #tpu.memory_space<hbm>> -> memref<4000xf32, #tpu.memory_space<hbm>>
    %dma_wait3A_27 = tpu.memref_slice %arg5[%multiple_of3A_17] : memref<6400000xf32, #tpu.memory_space<hbm>> -> memref<4000xf32, #tpu.memory_space<hbm>>
    tpu.wait_dma2 semaphore(%arg15 : memref<!tpu.dma_semaphore, #tpu.memory_space<semaphore_mem>>) src(%dma_wait3A_27 : memref<4000xf32, #tpu.memory_space<hbm>>) dst(%arg9 : memref<4000xf32, #tpu.memory_space<vmem>>)
    %scan3A_28 = arith.constant 0 : i32
    %scan3A_29 = arith.constant 0 : i32
    %scan3A_30 = arith.constant 250 : i32
    %scan3A_31 = arith.addi %scan3A_29, %scan3A_30 : i32
    %scan3A_32 = arith.constant 1 : i32
    %scan3A_33 = scf.for %scan3A_75 = %scan3A_29 to %scan3A_31 step %scan3A_32 iter_args(%scan3A_76 = %scan3A_28) -> (i32)  : i32 {
      %mul3A_77 = arith.constant 16 : i32
      %mul3A_78 = arith.muli %scan3A_75, %mul3A_77 : i32
      %multiple_of3A_79 = tpu.assume_multiple %mul3A_78, 16 : i32
      %get3A = arith.index_cast %multiple_of3A_79 : i32 to index
      %get3A_80 = tpu.vector_load %arg8[%get3A] {strides = array<i32>} : memref<4000xi32, #tpu.memory_space<vmem>>, vector<16xi32>,
      %gather3A = tpu.vector_load_idx %arg7[%get3A_80] : memref<100000xf32, #tpu.memory_space<vmem>>[vector<16xi32>], vector<16xf32>,
      %get3A_81 = arith.index_cast %multiple_of3A_79 : i32 to index
      %get3A_82 = tpu.vector_load %arg9[%get3A_81] {strides = array<i32>} : memref<4000xf32, #tpu.memory_space<vmem>>, vector<16xf32>,
      %mul3A_83 = arith.mulf %get3A_82, %gather3A : vector<16xf32>
      %swap3A = arith.index_cast %multiple_of3A_79 : i32 to index
      %swap3A_84 = tpu.vector_load %arg12[%swap3A] {strides = array<i32>} : memref<4000xf32, #tpu.memory_space<vmem>>, vector<16xf32>,
      tpu.vector_store %arg12[%swap3A], %mul3A_83 {strides = array<i32>} : memref<4000xf32, #tpu.memory_space<vmem>>, vector<16xf32>,
      %scan3A_85 = arith.constant 0 : i32
      scf.yield %scan3A_85 : i32
    }
    %scan3A_34 = arith.constant 250 : i32
    %dma_start3A_35 = arith.constant 0 : i32
    %dma_start3A_36 = tpu.memref_slice %arg14[%dma_start3A_35] : memref<100352xf32, #tpu.memory_space<vmem_shared>> -> memref<100352xf32, #tpu.memory_space<vmem_shared>>
    tpu.enqueue_indirect_dma source(%arg12 : memref<4000xf32, #tpu.memory_space<vmem>>) target(%dma_start3A_36 : memref<100352xf32, #tpu.memory_space<vmem_shared>>) offsets(%arg10 : memref<4000xi32, #tpu.memory_space<vmem>>) semaphore(%arg16 : memref<!tpu.dma_semaphore, #tpu.memory_space<semaphore_mem>>) {add = true}
    %mul3A_37 = arith.constant 200000 : i32
    %mul3A_38 = arith.muli %add3A, %mul3A_37 : i32
    %add3A_39 = arith.constant 4000 : i32
    %add3A_40 = arith.addi %mul3A_38, %add3A_39 : i32
    %multiple_of3A_41 = tpu.assume_multiple %add3A_40, 8 : i32
    %dma_start3A_42 = tpu.memref_slice %arg3[%multiple_of3A_41] : memref<6400000xi32, #tpu.memory_space<hbm>> -> memref<4000xi32, #tpu.memory_space<hbm>>
    %dma_start3A_43 = tpu.memref_slice %arg3[%multiple_of3A_41] : memref<6400000xi32, #tpu.memory_space<hbm>> -> memref<4000xi32, #tpu.memory_space<hbm>>
    tpu.enqueue_dma source(%dma_start3A_43 : memref<4000xi32, #tpu.memory_space<hbm>>) target(%arg8 : memref<4000xi32, #tpu.memory_space<vmem>>) target_semaphore(%arg15 : memref<!tpu.dma_semaphore, #tpu.memory_space<semaphore_mem>>)
    %dma_start3A_44 = tpu.memref_slice %arg4[%multiple_of3A_41] : memref<6400000xi32, #tpu.memory_space<hbm>> -> memref<4000xi32, #tpu.memory_space<hbm>>
    %dma_start3A_45 = tpu.memref_slice %arg4[%multiple_of3A_41] : memref<6400000xi32, #tpu.memory_space<hbm>> -> memref<4000xi32, #tpu.memory_space<hbm>>
    tpu.enqueue_dma source(%dma_start3A_45 : memref<4000xi32, #tpu.memory_space<hbm>>) target(%arg11 : memref<4000xi32, #tpu.memory_space<vmem>>) target_semaphore(%arg15 : memref<!tpu.dma_semaphore, #tpu.memory_space<semaphore_mem>>)
    %dma_start3A_46 = tpu.memref_slice %arg5[%multiple_of3A_41] : memref<6400000xf32, #tpu.memory_space<hbm>> -> memref<4000xf32, #tpu.memory_space<hbm>>
    %dma_start3A_47 = tpu.memref_slice %arg5[%multiple_of3A_41] : memref<6400000xf32, #tpu.memory_space<hbm>> -> memref<4000xf32, #tpu.memory_space<hbm>>
    tpu.enqueue_dma source(%dma_start3A_47 : memref<4000xf32, #tpu.memory_space<hbm>>) target(%arg9 : memref<4000xf32, #tpu.memory_space<vmem>>) target_semaphore(%arg15 : memref<!tpu.dma_semaphore, #tpu.memory_space<semaphore_mem>>)
    %dma_wait3A_48 = tpu.memref_slice %arg3[%multiple_of3A_41] : memref<6400000xi32, #tpu.memory_space<hbm>> -> memref<4000xi32, #tpu.memory_space<hbm>>
    %dma_wait3A_49 = tpu.memref_slice %arg3[%multiple_of3A_41] : memref<6400000xi32, #tpu.memory_space<hbm>> -> memref<4000xi32, #tpu.memory_space<hbm>>
    tpu.wait_dma2 semaphore(%arg15 : memref<!tpu.dma_semaphore, #tpu.memory_space<semaphore_mem>>) src(%dma_wait3A_49 : memref<4000xi32, #tpu.memory_space<hbm>>) dst(%arg8 : memref<4000xi32, #tpu.memory_space<vmem>>)
    %dma_wait3A_50 = tpu.memref_slice %arg4[%multiple_of3A_41] : memref<6400000xi32, #tpu.memory_space<hbm>> -> memref<4000xi32, #tpu.memory_space<hbm>>
    %dma_wait3A_51 = tpu.memref_slice %arg4[%multiple_of3A_41] : memref<6400000xi32, #tpu.memory_space<hbm>> -> memref<4000xi32, #tpu.memory_space<hbm>>
    tpu.wait_dma2 semaphore(%arg15 : memref<!tpu.dma_semaphore, #tpu.memory_space<semaphore_mem>>) src(%dma_wait3A_51 : memref<4000xi32, #tpu.memory_space<hbm>>) dst(%arg11 : memref<4000xi32, #tpu.memory_space<vmem>>)
    %dma_wait3A_52 = tpu.memref_slice %arg5[%multiple_of3A_41] : memref<6400000xf32, #tpu.memory_space<hbm>> -> memref<4000xf32, #tpu.memory_space<hbm>>
    %dma_wait3A_53 = tpu.memref_slice %arg5[%multiple_of3A_41] : memref<6400000xf32, #tpu.memory_space<hbm>> -> memref<4000xf32, #tpu.memory_space<hbm>>
    tpu.wait_dma2 semaphore(%arg15 : memref<!tpu.dma_semaphore, #tpu.memory_space<semaphore_mem>>) src(%dma_wait3A_53 : memref<4000xf32, #tpu.memory_space<hbm>>) dst(%arg9 : memref<4000xf32, #tpu.memory_space<vmem>>)
    %scan3A_54 = arith.constant 0 : i32
    %scan3A_55 = arith.constant 0 : i32
    %scan3A_56 = arith.constant 250 : i32
    %scan3A_57 = arith.addi %scan3A_55, %scan3A_56 : i32
    %scan3A_58 = arith.constant 1 : i32
    %scan3A_59 = scf.for %scan3A_75 = %scan3A_55 to %scan3A_57 step %scan3A_58 iter_args(%scan3A_76 = %scan3A_54) -> (i32)  : i32 {
      %mul3A_77 = arith.constant 16 : i32
      %mul3A_78 = arith.muli %scan3A_75, %mul3A_77 : i32
      %multiple_of3A_79 = tpu.assume_multiple %mul3A_78, 16 : i32
      %get3A = arith.index_cast %multiple_of3A_79 : i32 to index
      %get3A_80 = tpu.vector_load %arg8[%get3A] {strides = array<i32>} : memref<4000xi32, #tpu.memory_space<vmem>>, vector<16xi32>,
      %gather3A = tpu.vector_load_idx %arg7[%get3A_80] : memref<100000xf32, #tpu.memory_space<vmem>>[vector<16xi32>], vector<16xf32>,
      %get3A_81 = arith.index_cast %multiple_of3A_79 : i32 to index
      %get3A_82 = tpu.vector_load %arg9[%get3A_81] {strides = array<i32>} : memref<4000xf32, #tpu.memory_space<vmem>>, vector<16xf32>,
      %mul3A_83 = arith.mulf %get3A_82, %gather3A : vector<16xf32>
      %swap3A = arith.index_cast %multiple_of3A_79 : i32 to index
      %swap3A_84 = tpu.vector_load %arg13[%swap3A] {strides = array<i32>} : memref<4000xf32, #tpu.memory_space<vmem>>, vector<16xf32>,
      tpu.vector_store %arg13[%swap3A], %mul3A_83 {strides = array<i32>} : memref<4000xf32, #tpu.memory_space<vmem>>, vector<16xf32>,
      %scan3A_85 = arith.constant 0 : i32
      scf.yield %scan3A_85 : i32
    }
    %scan3A_60 = arith.constant 250 : i32
    %dma_start3A_61 = arith.constant 0 : i32
    %dma_start3A_62 = tpu.memref_slice %arg14[%dma_start3A_61] : memref<100352xf32, #tpu.memory_space<vmem_shared>> -> memref<100352xf32, #tpu.memory_space<vmem_shared>>
    tpu.enqueue_indirect_dma source(%arg13 : memref<4000xf32, #tpu.memory_space<vmem>>) target(%dma_start3A_62 : memref<100352xf32, #tpu.memory_space<vmem_shared>>) offsets(%arg11 : memref<4000xi32, #tpu.memory_space<vmem>>) semaphore(%arg17 : memref<!tpu.dma_semaphore, #tpu.memory_space<semaphore_mem>>) {add = true}
    %scan3A_63 = arith.constant 0 : i32
    %scan3A_64 = arith.constant 1 : i32
    %scan3A_65 = arith.constant 24 : i32
    %scan3A_66 = arith.addi %scan3A_64, %scan3A_65 : i32
    %scan3A_67 = arith.constant 1 : i32
    %scan3A_68 = scf.for %scan3A_75 = %scan3A_64 to %scan3A_66 step %scan3A_67 iter_args(%scan3A_76 = %scan3A_63) -> (i32)  : i32 {
      %dma_wait3A_77 = arith.constant 0 : i32
      %dma_wait3A_78 = tpu.memref_slice %arg14[%dma_wait3A_77] : memref<100352xf32, #tpu.memory_space<vmem_shared>> -> memref<100352xf32, #tpu.memory_space<vmem_shared>>
      tpu.wait_indirect_dma semaphore(%arg16 : memref<!tpu.dma_semaphore, #tpu.memory_space<semaphore_mem>>) src(%arg12 : memref<4000xf32, #tpu.memory_space<vmem>>) dst(%dma_wait3A_78 : memref<100352xf32, #tpu.memory_space<vmem_shared>>)
      %mul3A_79 = arith.constant 2 : i32
      %mul3A_80 = arith.muli %mul3A_79, %scan3A_75 : i32
      %add3A_81 = arith.constant 0 : i32
      %add3A_82 = arith.addi %mul3A_80, %add3A_81 : i32
      %mul3A_83 = arith.constant 200000 : i32
      %mul3A_84 = arith.muli %add3A, %mul3A_83 : i32
      %mul3A_85 = arith.constant 4000 : i32
      %mul3A_86 = arith.muli %add3A_82, %mul3A_85 : i32
      %add3A_87 = arith.addi %mul3A_84, %mul3A_86 : i32
      %multiple_of3A_88 = tpu.assume_multiple %add3A_87, 8 : i32
      %dma_start3A_89 = tpu.memref_slice %arg3[%multiple_of3A_88] : memref<6400000xi32, #tpu.memory_space<hbm>> -> memref<4000xi32, #tpu.memory_space<hbm>>
      %dma_start3A_90 = tpu.memref_slice %arg3[%multiple_of3A_88] : memref<6400000xi32, #tpu.memory_space<hbm>> -> memref<4000xi32, #tpu.memory_space<hbm>>
      tpu.enqueue_dma source(%dma_start3A_90 : memref<4000xi32, #tpu.memory_space<hbm>>) target(%arg8 : memref<4000xi32, #tpu.memory_space<vmem>>) target_semaphore(%arg15 : memref<!tpu.dma_semaphore, #tpu.memory_space<semaphore_mem>>)
      %dma_start3A_91 = tpu.memref_slice %arg4[%multiple_of3A_88] : memref<6400000xi32, #tpu.memory_space<hbm>> -> memref<4000xi32, #tpu.memory_space<hbm>>
      %dma_start3A_92 = tpu.memref_slice %arg4[%multiple_of3A_88] : memref<6400000xi32, #tpu.memory_space<hbm>> -> memref<4000xi32, #tpu.memory_space<hbm>>
      tpu.enqueue_dma source(%dma_start3A_92 : memref<4000xi32, #tpu.memory_space<hbm>>) target(%arg10 : memref<4000xi32, #tpu.memory_space<vmem>>) target_semaphore(%arg15 : memref<!tpu.dma_semaphore, #tpu.memory_space<semaphore_mem>>)
      %dma_start3A_93 = tpu.memref_slice %arg5[%multiple_of3A_88] : memref<6400000xf32, #tpu.memory_space<hbm>> -> memref<4000xf32, #tpu.memory_space<hbm>>
      %dma_start3A_94 = tpu.memref_slice %arg5[%multiple_of3A_88] : memref<6400000xf32, #tpu.memory_space<hbm>> -> memref<4000xf32, #tpu.memory_space<hbm>>
      tpu.enqueue_dma source(%dma_start3A_94 : memref<4000xf32, #tpu.memory_space<hbm>>) target(%arg9 : memref<4000xf32, #tpu.memory_space<vmem>>) target_semaphore(%arg15 : memref<!tpu.dma_semaphore, #tpu.memory_space<semaphore_mem>>)
      %dma_wait3A_95 = tpu.memref_slice %arg3[%multiple_of3A_88] : memref<6400000xi32, #tpu.memory_space<hbm>> -> memref<4000xi32, #tpu.memory_space<hbm>>
      %dma_wait3A_96 = tpu.memref_slice %arg3[%multiple_of3A_88] : memref<6400000xi32, #tpu.memory_space<hbm>> -> memref<4000xi32, #tpu.memory_space<hbm>>
      tpu.wait_dma2 semaphore(%arg15 : memref<!tpu.dma_semaphore, #tpu.memory_space<semaphore_mem>>) src(%dma_wait3A_96 : memref<4000xi32, #tpu.memory_space<hbm>>) dst(%arg8 : memref<4000xi32, #tpu.memory_space<vmem>>)
      %dma_wait3A_97 = tpu.memref_slice %arg4[%multiple_of3A_88] : memref<6400000xi32, #tpu.memory_space<hbm>> -> memref<4000xi32, #tpu.memory_space<hbm>>
      %dma_wait3A_98 = tpu.memref_slice %arg4[%multiple_of3A_88] : memref<6400000xi32, #tpu.memory_space<hbm>> -> memref<4000xi32, #tpu.memory_space<hbm>>
      tpu.wait_dma2 semaphore(%arg15 : memref<!tpu.dma_semaphore, #tpu.memory_space<semaphore_mem>>) src(%dma_wait3A_98 : memref<4000xi32, #tpu.memory_space<hbm>>) dst(%arg10 : memref<4000xi32, #tpu.memory_space<vmem>>)
      %dma_wait3A_99 = tpu.memref_slice %arg5[%multiple_of3A_88] : memref<6400000xf32, #tpu.memory_space<hbm>> -> memref<4000xf32, #tpu.memory_space<hbm>>
      %dma_wait3A_100 = tpu.memref_slice %arg5[%multiple_of3A_88] : memref<6400000xf32, #tpu.memory_space<hbm>> -> memref<4000xf32, #tpu.memory_space<hbm>>
      tpu.wait_dma2 semaphore(%arg15 : memref<!tpu.dma_semaphore, #tpu.memory_space<semaphore_mem>>) src(%dma_wait3A_100 : memref<4000xf32, #tpu.memory_space<hbm>>) dst(%arg9 : memref<4000xf32, #tpu.memory_space<vmem>>)
      %scan3A_101 = arith.constant 0 : i32
      %scan3A_102 = arith.constant 0 : i32
      %scan3A_103 = arith.constant 250 : i32
      %scan3A_104 = arith.addi %scan3A_102, %scan3A_103 : i32
      %scan3A_105 = arith.constant 1 : i32
      %scan3A_106 = scf.for %scan3A_144 = %scan3A_102 to %scan3A_104 step %scan3A_105 iter_args(%scan3A_145 = %scan3A_101) -> (i32)  : i32 {
        %mul3A_146 = arith.constant 16 : i32
        %mul3A_147 = arith.muli %scan3A_144, %mul3A_146 : i32
        %multiple_of3A_148 = tpu.assume_multiple %mul3A_147, 16 : i32
        %get3A = arith.index_cast %multiple_of3A_148 : i32 to index
        %get3A_149 = tpu.vector_load %arg8[%get3A] {strides = array<i32>} : memref<4000xi32, #tpu.memory_space<vmem>>, vector<16xi32>,
        %gather3A = tpu.vector_load_idx %arg7[%get3A_149] : memref<100000xf32, #tpu.memory_space<vmem>>[vector<16xi32>], vector<16xf32>,
        %get3A_150 = arith.index_cast %multiple_of3A_148 : i32 to index
        %get3A_151 = tpu.vector_load %arg9[%get3A_150] {strides = array<i32>} : memref<4000xf32, #tpu.memory_space<vmem>>, vector<16xf32>,
        %mul3A_152 = arith.mulf %get3A_151, %gather3A : vector<16xf32>
        %swap3A = arith.index_cast %multiple_of3A_148 : i32 to index
        %swap3A_153 = tpu.vector_load %arg12[%swap3A] {strides = array<i32>} : memref<4000xf32, #tpu.memory_space<vmem>>, vector<16xf32>,
        tpu.vector_store %arg12[%swap3A], %mul3A_152 {strides = array<i32>} : memref<4000xf32, #tpu.memory_space<vmem>>, vector<16xf32>,
        %scan3A_154 = arith.constant 0 : i32
        scf.yield %scan3A_154 : i32
      }
      %scan3A_107 = arith.constant 250 : i32
      %dma_start3A_108 = arith.constant 0 : i32
      %dma_start3A_109 = tpu.memref_slice %arg14[%dma_start3A_108] : memref<100352xf32, #tpu.memory_space<vmem_shared>> -> memref<100352xf32, #tpu.memory_space<vmem_shared>>
      tpu.enqueue_indirect_dma source(%arg12 : memref<4000xf32, #tpu.memory_space<vmem>>) target(%dma_start3A_109 : memref<100352xf32, #tpu.memory_space<vmem_shared>>) offsets(%arg10 : memref<4000xi32, #tpu.memory_space<vmem>>) semaphore(%arg16 : memref<!tpu.dma_semaphore, #tpu.memory_space<semaphore_mem>>) {add = true}
      %dma_wait3A_110 = arith.constant 0 : i32
      %dma_wait3A_111 = tpu.memref_slice %arg14[%dma_wait3A_110] : memref<100352xf32, #tpu.memory_space<vmem_shared>> -> memref<100352xf32, #tpu.memory_space<vmem_shared>>
      tpu.wait_indirect_dma semaphore(%arg17 : memref<!tpu.dma_semaphore, #tpu.memory_space<semaphore_mem>>) src(%arg13 : memref<4000xf32, #tpu.memory_space<vmem>>) dst(%dma_wait3A_111 : memref<100352xf32, #tpu.memory_space<vmem_shared>>)
      %mul3A_112 = arith.constant 2 : i32
      %mul3A_113 = arith.muli %mul3A_112, %scan3A_75 : i32
      %add3A_114 = arith.constant 1 : i32
      %add3A_115 = arith.addi %mul3A_113, %add3A_114 : i32
      %mul3A_116 = arith.constant 200000 : i32
      %mul3A_117 = arith.muli %add3A, %mul3A_116 : i32
      %mul3A_118 = arith.constant 4000 : i32
      %mul3A_119 = arith.muli %add3A_115, %mul3A_118 : i32
      %add3A_120 = arith.addi %mul3A_117, %mul3A_119 : i32
      %multiple_of3A_121 = tpu.assume_multiple %add3A_120, 8 : i32
      %dma_start3A_122 = tpu.memref_slice %arg3[%multiple_of3A_121] : memref<6400000xi32, #tpu.memory_space<hbm>> -> memref<4000xi32, #tpu.memory_space<hbm>>
      %dma_start3A_123 = tpu.memref_slice %arg3[%multiple_of3A_121] : memref<6400000xi32, #tpu.memory_space<hbm>> -> memref<4000xi32, #tpu.memory_space<hbm>>
      tpu.enqueue_dma source(%dma_start3A_123 : memref<4000xi32, #tpu.memory_space<hbm>>) target(%arg8 : memref<4000xi32, #tpu.memory_space<vmem>>) target_semaphore(%arg15 : memref<!tpu.dma_semaphore, #tpu.memory_space<semaphore_mem>>)
      %dma_start3A_124 = tpu.memref_slice %arg4[%multiple_of3A_121] : memref<6400000xi32, #tpu.memory_space<hbm>> -> memref<4000xi32, #tpu.memory_space<hbm>>
      %dma_start3A_125 = tpu.memref_slice %arg4[%multiple_of3A_121] : memref<6400000xi32, #tpu.memory_space<hbm>> -> memref<4000xi32, #tpu.memory_space<hbm>>
      tpu.enqueue_dma source(%dma_start3A_125 : memref<4000xi32, #tpu.memory_space<hbm>>) target(%arg11 : memref<4000xi32, #tpu.memory_space<vmem>>) target_semaphore(%arg15 : memref<!tpu.dma_semaphore, #tpu.memory_space<semaphore_mem>>)
      %dma_start3A_126 = tpu.memref_slice %arg5[%multiple_of3A_121] : memref<6400000xf32, #tpu.memory_space<hbm>> -> memref<4000xf32, #tpu.memory_space<hbm>>
      %dma_start3A_127 = tpu.memref_slice %arg5[%multiple_of3A_121] : memref<6400000xf32, #tpu.memory_space<hbm>> -> memref<4000xf32, #tpu.memory_space<hbm>>
      tpu.enqueue_dma source(%dma_start3A_127 : memref<4000xf32, #tpu.memory_space<hbm>>) target(%arg9 : memref<4000xf32, #tpu.memory_space<vmem>>) target_semaphore(%arg15 : memref<!tpu.dma_semaphore, #tpu.memory_space<semaphore_mem>>)
      %dma_wait3A_128 = tpu.memref_slice %arg3[%multiple_of3A_121] : memref<6400000xi32, #tpu.memory_space<hbm>> -> memref<4000xi32, #tpu.memory_space<hbm>>
      %dma_wait3A_129 = tpu.memref_slice %arg3[%multiple_of3A_121] : memref<6400000xi32, #tpu.memory_space<hbm>> -> memref<4000xi32, #tpu.memory_space<hbm>>
      tpu.wait_dma2 semaphore(%arg15 : memref<!tpu.dma_semaphore, #tpu.memory_space<semaphore_mem>>) src(%dma_wait3A_129 : memref<4000xi32, #tpu.memory_space<hbm>>) dst(%arg8 : memref<4000xi32, #tpu.memory_space<vmem>>)
      %dma_wait3A_130 = tpu.memref_slice %arg4[%multiple_of3A_121] : memref<6400000xi32, #tpu.memory_space<hbm>> -> memref<4000xi32, #tpu.memory_space<hbm>>
      %dma_wait3A_131 = tpu.memref_slice %arg4[%multiple_of3A_121] : memref<6400000xi32, #tpu.memory_space<hbm>> -> memref<4000xi32, #tpu.memory_space<hbm>>
      tpu.wait_dma2 semaphore(%arg15 : memref<!tpu.dma_semaphore, #tpu.memory_space<semaphore_mem>>) src(%dma_wait3A_131 : memref<4000xi32, #tpu.memory_space<hbm>>) dst(%arg11 : memref<4000xi32, #tpu.memory_space<vmem>>)
      %dma_wait3A_132 = tpu.memref_slice %arg5[%multiple_of3A_121] : memref<6400000xf32, #tpu.memory_space<hbm>> -> memref<4000xf32, #tpu.memory_space<hbm>>
      %dma_wait3A_133 = tpu.memref_slice %arg5[%multiple_of3A_121] : memref<6400000xf32, #tpu.memory_space<hbm>> -> memref<4000xf32, #tpu.memory_space<hbm>>
      tpu.wait_dma2 semaphore(%arg15 : memref<!tpu.dma_semaphore, #tpu.memory_space<semaphore_mem>>) src(%dma_wait3A_133 : memref<4000xf32, #tpu.memory_space<hbm>>) dst(%arg9 : memref<4000xf32, #tpu.memory_space<vmem>>)
      %scan3A_134 = arith.constant 0 : i32
      %scan3A_135 = arith.constant 0 : i32
      %scan3A_136 = arith.constant 250 : i32
      %scan3A_137 = arith.addi %scan3A_135, %scan3A_136 : i32
      %scan3A_138 = arith.constant 1 : i32
      %scan3A_139 = scf.for %scan3A_144 = %scan3A_135 to %scan3A_137 step %scan3A_138 iter_args(%scan3A_145 = %scan3A_134) -> (i32)  : i32 {
        %mul3A_146 = arith.constant 16 : i32
        %mul3A_147 = arith.muli %scan3A_144, %mul3A_146 : i32
        %multiple_of3A_148 = tpu.assume_multiple %mul3A_147, 16 : i32
        %get3A = arith.index_cast %multiple_of3A_148 : i32 to index
        %get3A_149 = tpu.vector_load %arg8[%get3A] {strides = array<i32>} : memref<4000xi32, #tpu.memory_space<vmem>>, vector<16xi32>,
        %gather3A = tpu.vector_load_idx %arg7[%get3A_149] : memref<100000xf32, #tpu.memory_space<vmem>>[vector<16xi32>], vector<16xf32>,
        %get3A_150 = arith.index_cast %multiple_of3A_148 : i32 to index
        %get3A_151 = tpu.vector_load %arg9[%get3A_150] {strides = array<i32>} : memref<4000xf32, #tpu.memory_space<vmem>>, vector<16xf32>,
        %mul3A_152 = arith.mulf %get3A_151, %gather3A : vector<16xf32>
        %swap3A = arith.index_cast %multiple_of3A_148 : i32 to index
        %swap3A_153 = tpu.vector_load %arg13[%swap3A] {strides = array<i32>} : memref<4000xf32, #tpu.memory_space<vmem>>, vector<16xf32>,
        tpu.vector_store %arg13[%swap3A], %mul3A_152 {strides = array<i32>} : memref<4000xf32, #tpu.memory_space<vmem>>, vector<16xf32>,
        %scan3A_154 = arith.constant 0 : i32
        scf.yield %scan3A_154 : i32
      }
      %scan3A_140 = arith.constant 250 : i32
      %dma_start3A_141 = arith.constant 0 : i32
      %dma_start3A_142 = tpu.memref_slice %arg14[%dma_start3A_141] : memref<100352xf32, #tpu.memory_space<vmem_shared>> -> memref<100352xf32, #tpu.memory_space<vmem_shared>>
      tpu.enqueue_indirect_dma source(%arg13 : memref<4000xf32, #tpu.memory_space<vmem>>) target(%dma_start3A_142 : memref<100352xf32, #tpu.memory_space<vmem_shared>>) offsets(%arg11 : memref<4000xi32, #tpu.memory_space<vmem>>) semaphore(%arg17 : memref<!tpu.dma_semaphore, #tpu.memory_space<semaphore_mem>>) {add = true}
      %scan3A_143 = arith.constant 0 : i32
      scf.yield %scan3A_143 : i32
    }
    %scan3A_69 = arith.constant 24 : i32
    %dma_wait3A_70 = arith.constant 0 : i32
    %dma_wait3A_71 = tpu.memref_slice %arg14[%dma_wait3A_70] : memref<100352xf32, #tpu.memory_space<vmem_shared>> -> memref<100352xf32, #tpu.memory_space<vmem_shared>>
    tpu.wait_indirect_dma semaphore(%arg16 : memref<!tpu.dma_semaphore, #tpu.memory_space<semaphore_mem>>) src(%arg12 : memref<4000xf32, #tpu.memory_space<vmem>>) dst(%dma_wait3A_71 : memref<100352xf32, #tpu.memory_space<vmem_shared>>)
    %dma_wait3A_72 = arith.constant 0 : i32
    %dma_wait3A_73 = tpu.memref_slice %arg14[%dma_wait3A_72] : memref<100352xf32, #tpu.memory_space<vmem_shared>> -> memref<100352xf32, #tpu.memory_space<vmem_shared>>
    tpu.wait_indirect_dma semaphore(%arg17 : memref<!tpu.dma_semaphore, #tpu.memory_space<semaphore_mem>>) src(%arg13 : memref<4000xf32, #tpu.memory_space<vmem>>) dst(%dma_wait3A_73 : memref<100352xf32, #tpu.memory_space<vmem_shared>>)
    %barrier3A_74 = arith.constant 0 : index
    tpu.barrier barrier_id(%barrier3A_74)
    "tpu.region"() ({
      %run_scoped3A = tpu.sem_alloc : memref<!tpu.dma_semaphore, #tpu.memory_space<semaphore_mem>>
      %dma_start3A_75 = tpu.memref_slice %arg6[%arg0, %multiple_of3A] : memref<2x100352xf32, #tpu.memory_space<hbm>> -> memref<1x6272xf32, #tpu.memory_space<hbm>>
      %dma_start3A_76 = tpu.memref_squeeze %dma_start3A_75 : memref<1x6272xf32, #tpu.memory_space<hbm>> -> memref<6272xf32, #tpu.memory_space<hbm>>
      %dma_start3A_77 = tpu.memref_slice %arg14[%multiple_of3A] : memref<100352xf32, #tpu.memory_space<vmem_shared>> -> memref<6272xf32, #tpu.memory_space<vmem_shared>>
      tpu.enqueue_dma source(%dma_start3A_77 : memref<6272xf32, #tpu.memory_space<vmem_shared>>) target(%dma_start3A_76 : memref<6272xf32, #tpu.memory_space<hbm>>) target_semaphore(%run_scoped3A : memref<!tpu.dma_semaphore, #tpu.memory_space<semaphore_mem>>)
      %dma_wait3A_78 = tpu.memref_slice %arg6[%arg0, %multiple_of3A] : memref<2x100352xf32, #tpu.memory_space<hbm>> -> memref<1x6272xf32, #tpu.memory_space<hbm>>
      %dma_wait3A_79 = tpu.memref_squeeze %dma_wait3A_78 : memref<1x6272xf32, #tpu.memory_space<hbm>> -> memref<6272xf32, #tpu.memory_space<hbm>>
      %dma_wait3A_80 = tpu.memref_slice %arg14[%multiple_of3A] : memref<100352xf32, #tpu.memory_space<vmem_shared>> -> memref<6272xf32, #tpu.memory_space<vmem_shared>>
      tpu.wait_dma2 semaphore(%run_scoped3A : memref<!tpu.dma_semaphore, #tpu.memory_space<semaphore_mem>>) src(%dma_wait3A_80 : memref<6272xf32, #tpu.memory_space<vmem_shared>>) dst(%dma_wait3A_79 : memref<6272xf32, #tpu.memory_space<hbm>>)
      tpu.yield
    }) : () -> ()
    return
  }
}

module attributes {stable_mosaic.version = 14 : i64} {
  func.func @_tanh_body(%arg0: memref<784x128xf32, #tpu.memory_space<vmem>>, %arg1: memref<784x128xf32, #tpu.memory_space<vmem>>) attributes {dimension_semantics = [], scalar_prefetch = 0 : i64, scratch_operands = 0 : i64, tpu.core_type = #tpu.core_type<tc>} {
    %get3A = arith.constant 0 : index
    %get3A_0 = arith.constant 0 : index
    %get3A_1 = vector.load %arg0[%get3A, %get3A_0] : memref<784x128xf32, #tpu.memory_space<vmem>>, vector<784x128xf32>
    %tanh3A = math.tanh %get3A_1 : vector<784x128xf32>
    %swap3A = arith.constant 0 : index
    %swap3A_2 = arith.constant 0 : index
    %swap3A_3 = vector.load %arg1[%swap3A, %swap3A_2] : memref<784x128xf32, #tpu.memory_space<vmem>>, vector<784x128xf32>
    tpu.vector_store %arg1[%swap3A, %swap3A_2], %tanh3A {strides = array<i32>} : memref<784x128xf32, #tpu.memory_space<vmem>>, vector<784x128xf32>,
    return
  }
}

module attributes {stable_mosaic.version = 14 : i64} {
  func.func @_err_body(%arg0: memref<784x128xf32, #tpu.memory_space<vmem>>, %arg1: memref<2x784x128xf32, #tpu.memory_space<vmem>>, %arg2: memref<784x128xf32, #tpu.memory_space<vmem>>) attributes {dimension_semantics = [], scalar_prefetch = 0 : i64, scratch_operands = 0 : i64, tpu.core_type = #tpu.core_type<tc>} {
    %get3A = arith.constant 0 : index
    %get3A_0 = arith.constant 0 : index
    %get3A_1 = vector.load %arg0[%get3A, %get3A_0] : memref<784x128xf32, #tpu.memory_space<vmem>>, vector<784x128xf32>
    %get3A_2 = arith.constant 0 : index
    %get3A_3 = arith.constant 0 : index
    %get3A_4 = arith.constant 0 : index
    %get3A_5 = vector.load %arg1[%get3A_2, %get3A_3, %get3A_4] : memref<2x784x128xf32, #tpu.memory_space<vmem>>, vector<1x784x128xf32>
    %get3A_6 = vector.shape_cast %get3A_5 : vector<1x784x128xf32> to vector<784x128xf32>
    %sub3A = arith.subf %get3A_1, %get3A_6 : vector<784x128xf32>
    %get3A_7 = arith.constant 1 : index
    %get3A_8 = arith.constant 0 : index
    %get3A_9 = arith.constant 0 : index
    %get3A_10 = vector.load %arg1[%get3A_7, %get3A_8, %get3A_9] : memref<2x784x128xf32, #tpu.memory_space<vmem>>, vector<1x784x128xf32>
    %get3A_11 = vector.shape_cast %get3A_10 : vector<1x784x128xf32> to vector<784x128xf32>
    %sub3A_12 = arith.subf %sub3A, %get3A_11 : vector<784x128xf32>
    %swap3A = arith.constant 0 : index
    %swap3A_13 = arith.constant 0 : index
    %swap3A_14 = vector.load %arg2[%swap3A, %swap3A_13] : memref<784x128xf32, #tpu.memory_space<vmem>>, vector<784x128xf32>
    tpu.vector_store %arg2[%swap3A, %swap3A_13], %sub3A_12 {strides = array<i32>} : memref<784x128xf32, #tpu.memory_space<vmem>>, vector<784x128xf32>,
    return
  }
}

module attributes {stable_mosaic.version = 14 : i64} {
  func.func @_upd_body(%arg0: memref<784x128xf32, #tpu.memory_space<vmem>>, %arg1: memref<784x128xf32, #tpu.memory_space<vmem>>, %arg2: memref<784x128xf32, #tpu.memory_space<vmem>>, %arg3: memref<2x784x128xf32, #tpu.memory_space<vmem>>, %arg4: memref<784x128xf32, #tpu.memory_space<vmem>>, %arg5: memref<784x128xf32, #tpu.memory_space<vmem>>) attributes {dimension_semantics = [], scalar_prefetch = 0 : i64, scratch_operands = 0 : i64, tpu.core_type = #tpu.core_type<tc>} {
    %iota3A = tpu.iota {dimensions = array<i32: 0>} : vector<784x128xi32>
    %mul3A = arith.constant 128 : i32
    %mul3A_0 = vector.broadcast %mul3A : i32 to vector<784x128xi32>
    %mul3A_1 = arith.muli %iota3A, %mul3A_0 : vector<784x128xi32>
    %iota3A_2 = tpu.iota {dimensions = array<i32: 1>} : vector<784x128xi32>
    %add3A = arith.addi %mul3A_1, %iota3A_2 : vector<784x128xi32>
    %ge3A = arith.constant 784 : i32
    %ge3A_3 = vector.broadcast %ge3A : i32 to vector<784x128xi32>
    %ge3A_4 = arith.cmpi sge, %add3A, %ge3A_3 : vector<784x128xi32>
    %convert_element_type3A = arith.extui %ge3A_4 : vector<784x128xi1> to vector<784x128xi32>
    %convert_element_type3A_5 = arith.sitofp %convert_element_type3A : vector<784x128xi32> to vector<784x128xf32>
    %get3A = arith.constant 0 : index
    %get3A_6 = arith.constant 0 : index
    %get3A_7 = vector.load %arg1[%get3A, %get3A_6] : memref<784x128xf32, #tpu.memory_space<vmem>>, vector<784x128xf32>
    %get3A_8 = arith.constant 0 : index
    %get3A_9 = arith.constant 0 : index
    %get3A_10 = arith.constant 0 : index
    %get3A_11 = vector.load %arg3[%get3A_8, %get3A_9, %get3A_10] : memref<2x784x128xf32, #tpu.memory_space<vmem>>, vector<1x784x128xf32>
    %get3A_12 = vector.shape_cast %get3A_11 : vector<1x784x128xf32> to vector<784x128xf32>
    %get3A_13 = arith.constant 1 : index
    %get3A_14 = arith.constant 0 : index
    %get3A_15 = arith.constant 0 : index
    %get3A_16 = vector.load %arg3[%get3A_13, %get3A_14, %get3A_15] : memref<2x784x128xf32, #tpu.memory_space<vmem>>, vector<1x784x128xf32>
    %get3A_17 = vector.shape_cast %get3A_16 : vector<1x784x128xf32> to vector<784x128xf32>
    %add3A_18 = arith.addf %get3A_12, %get3A_17 : vector<784x128xf32>
    %get3A_19 = arith.constant 0 : index
    %get3A_20 = arith.constant 0 : index
    %get3A_21 = vector.load %arg2[%get3A_19, %get3A_20] : memref<784x128xf32, #tpu.memory_space<vmem>>, vector<784x128xf32>
    %mul3A_22 = arith.mulf %get3A_7, %get3A_7 : vector<784x128xf32>
    %sub3A = arith.constant 1.000000e+00 : f32
    %sub3A_23 = vector.broadcast %sub3A : f32 to vector<784x128xf32>
    %sub3A_24 = arith.subf %sub3A_23, %mul3A_22 : vector<784x128xf32>
    %mul3A_25 = arith.mulf %sub3A_24, %add3A_18 : vector<784x128xf32>
    %sub3A_26 = arith.subf %get3A_21, %mul3A_25 : vector<784x128xf32>
    %get3A_27 = arith.constant 0 : index
    %get3A_28 = arith.constant 0 : index
    %get3A_29 = vector.load %arg0[%get3A_27, %get3A_28] : memref<784x128xf32, #tpu.memory_space<vmem>>, vector<784x128xf32>
    %mul3A_30 = arith.constant 1.000000e-01 : f32
    %mul3A_31 = vector.broadcast %mul3A_30 : f32 to vector<784x128xf32>
    %mul3A_32 = arith.mulf %mul3A_31, %convert_element_type3A_5 : vector<784x128xf32>
    %mul3A_33 = arith.mulf %mul3A_32, %sub3A_26 : vector<784x128xf32>
    %sub3A_34 = arith.subf %get3A_29, %mul3A_33 : vector<784x128xf32>
    %swap3A = arith.constant 0 : index
    %swap3A_35 = arith.constant 0 : index
    %swap3A_36 = vector.load %arg4[%swap3A, %swap3A_35] : memref<784x128xf32, #tpu.memory_space<vmem>>, vector<784x128xf32>
    tpu.vector_store %arg4[%swap3A, %swap3A_35], %sub3A_34 {strides = array<i32>} : memref<784x128xf32, #tpu.memory_space<vmem>>, vector<784x128xf32>,
    %tanh3A = math.tanh %sub3A_34 : vector<784x128xf32>
    %swap3A_37 = arith.constant 0 : index
    %swap3A_38 = arith.constant 0 : index
    %swap3A_39 = vector.load %arg5[%swap3A_37, %swap3A_38] : memref<784x128xf32, #tpu.memory_space<vmem>>, vector<784x128xf32>
    tpu.vector_store %arg5[%swap3A_37, %swap3A_38], %tanh3A {strides = array<i32>} : memref<784x128xf32, #tpu.memory_space<vmem>>, vector<784x128xf32>,
    return
  }
}

module attributes {stable_mosaic.version = 14 : i64} {
  func.func @_upd_body(%arg0: memref<784x128xf32, #tpu.memory_space<vmem>>, %arg1: memref<784x128xf32, #tpu.memory_space<vmem>>, %arg2: memref<784x128xf32, #tpu.memory_space<vmem>>, %arg3: memref<2x784x128xf32, #tpu.memory_space<vmem>>, %arg4: memref<784x128xf32, #tpu.memory_space<vmem>>, %arg5: memref<784x128xf32, #tpu.memory_space<vmem>>) attributes {dimension_semantics = [], scalar_prefetch = 0 : i64, scratch_operands = 0 : i64, tpu.core_type = #tpu.core_type<tc>} {
    %iota3A = tpu.iota {dimensions = array<i32: 0>} : vector<784x128xi32>
    %mul3A = arith.constant 128 : i32
    %mul3A_0 = vector.broadcast %mul3A : i32 to vector<784x128xi32>
    %mul3A_1 = arith.muli %iota3A, %mul3A_0 : vector<784x128xi32>
    %iota3A_2 = tpu.iota {dimensions = array<i32: 1>} : vector<784x128xi32>
    %add3A = arith.addi %mul3A_1, %iota3A_2 : vector<784x128xi32>
    %ge3A = arith.constant 784 : i32
    %ge3A_3 = vector.broadcast %ge3A : i32 to vector<784x128xi32>
    %ge3A_4 = arith.cmpi sge, %add3A, %ge3A_3 : vector<784x128xi32>
    %convert_element_type3A = arith.extui %ge3A_4 : vector<784x128xi1> to vector<784x128xi32>
    %convert_element_type3A_5 = arith.sitofp %convert_element_type3A : vector<784x128xi32> to vector<784x128xf32>
    %get3A = arith.constant 0 : index
    %get3A_6 = arith.constant 0 : index
    %get3A_7 = vector.load %arg1[%get3A, %get3A_6] : memref<784x128xf32, #tpu.memory_space<vmem>>, vector<784x128xf32>
    %get3A_8 = arith.constant 0 : index
    %get3A_9 = arith.constant 0 : index
    %get3A_10 = arith.constant 0 : index
    %get3A_11 = vector.load %arg3[%get3A_8, %get3A_9, %get3A_10] : memref<2x784x128xf32, #tpu.memory_space<vmem>>, vector<1x784x128xf32>
    %get3A_12 = vector.shape_cast %get3A_11 : vector<1x784x128xf32> to vector<784x128xf32>
    %get3A_13 = arith.constant 1 : index
    %get3A_14 = arith.constant 0 : index
    %get3A_15 = arith.constant 0 : index
    %get3A_16 = vector.load %arg3[%get3A_13, %get3A_14, %get3A_15] : memref<2x784x128xf32, #tpu.memory_space<vmem>>, vector<1x784x128xf32>
    %get3A_17 = vector.shape_cast %get3A_16 : vector<1x784x128xf32> to vector<784x128xf32>
    %add3A_18 = arith.addf %get3A_12, %get3A_17 : vector<784x128xf32>
    %get3A_19 = arith.constant 0 : index
    %get3A_20 = arith.constant 0 : index
    %get3A_21 = vector.load %arg2[%get3A_19, %get3A_20] : memref<784x128xf32, #tpu.memory_space<vmem>>, vector<784x128xf32>
    %mul3A_22 = arith.mulf %get3A_7, %get3A_7 : vector<784x128xf32>
    %sub3A = arith.constant 1.000000e+00 : f32
    %sub3A_23 = vector.broadcast %sub3A : f32 to vector<784x128xf32>
    %sub3A_24 = arith.subf %sub3A_23, %mul3A_22 : vector<784x128xf32>
    %mul3A_25 = arith.mulf %sub3A_24, %add3A_18 : vector<784x128xf32>
    %sub3A_26 = arith.subf %get3A_21, %mul3A_25 : vector<784x128xf32>
    %get3A_27 = arith.constant 0 : index
    %get3A_28 = arith.constant 0 : index
    %get3A_29 = vector.load %arg0[%get3A_27, %get3A_28] : memref<784x128xf32, #tpu.memory_space<vmem>>, vector<784x128xf32>
    %mul3A_30 = arith.constant 1.000000e-01 : f32
    %mul3A_31 = vector.broadcast %mul3A_30 : f32 to vector<784x128xf32>
    %mul3A_32 = arith.mulf %mul3A_31, %convert_element_type3A_5 : vector<784x128xf32>
    %mul3A_33 = arith.mulf %mul3A_32, %sub3A_26 : vector<784x128xf32>
    %sub3A_34 = arith.subf %get3A_29, %mul3A_33 : vector<784x128xf32>
    %swap3A = arith.constant 0 : index
    %swap3A_35 = arith.constant 0 : index
    %swap3A_36 = vector.load %arg4[%swap3A, %swap3A_35] : memref<784x128xf32, #tpu.memory_space<vmem>>, vector<784x128xf32>
    tpu.vector_store %arg4[%swap3A, %swap3A_35], %sub3A_34 {strides = array<i32>} : memref<784x128xf32, #tpu.memory_space<vmem>>, vector<784x128xf32>,
    %tanh3A = math.tanh %sub3A_34 : vector<784x128xf32>
    %swap3A_37 = arith.constant 0 : index
    %swap3A_38 = arith.constant 0 : index
    %swap3A_39 = vector.load %arg5[%swap3A_37, %swap3A_38] : memref<784x128xf32, #tpu.memory_space<vmem>>, vector<784x128xf32>
    tpu.vector_store %arg5[%swap3A_37, %swap3A_38], %tanh3A {strides = array<i32>} : memref<784x128xf32, #tpu.memory_space<vmem>>, vector<784x128xf32>,
    return
  }
}

</mosaic_0001>

<sc_bundles>
// kernel: kernel.15.cloned.1.call-start
scs
__scs_entry_jumppad:
0x0: {  	(pc) =	sbr.rel $0x88, $3  }
0x1: {  	(tag) =	ssettag $0x0;
	lr =	simm.s32 $0x1  }
0x2: {  	[smem:$0x3F9E] =	sst lr;
	_ =	strace $0xD0000000  }
0x3: {  	_ = 	snop  }
0x4: {  	_ = 	snop  }
0x5: {  	_ = 	snop  }
0x6: {  	_ = 	snop  }
0x7: {  	_ = 	snop  }
__scs_overlays_trampoline_lowered:
0x8: {  	[smem:$0x3FAD] =	sst s0  }
0x9: {  	[smem:$0x3FAE] =	sst s1  }
0xa: {  	[smem:$0x3FAF] =	sst s2  }
0xb: {  	[smem:$0x3FB0] =	sst s3  }
0xc: {  	[smem:$0x3FB1] =	sst s4  }
0xd: {  	[smem:$0x3FB2] =	sst s5  }
0xe: {  	[smem:$0x3FB3] =	sst s6  }
0xf: {  	[smem:$0x3FB4] =	sst s7  }
0x10: {  	[smem:$0x3FB5] =	sst s8  }
0x11: {  	[smem:$0x3FB6] =	sst s9;
	s0 =	simm.s32 @!p0 $0x0  }
0x12: {  	s1 =	sld [smem:$0x3F9C];
	s0 =	simm.s32 @p0 $0x1  }
0x13: {  	[smem:$0x3FB7] =	sst s0;
	s0 =	simm.s32 @!p1 $0x0  }
0x14: {  	s2 =	sld [smem:$0x3F9B];
	s0 =	simm.s32 @p1 $0x1  }
0x15: {  	[smem:$0x3FB8] =	sst s0;
	s0 =	simm.s32 @!p2 $0x0  }
0x16: {  	s3 =	sld [smem:$0x3FDB];
	s0 =	simm.s32 @p2 $0x1  }
0x17: {  	s4 =	simm.s32 $0x1BF5;
	[smem:$0x3FBA] =	sst s0  }
0x18: {  	s0 =	sld [smem:$0x3F9D];
	_ =	swait.ge [sflag:s4], $0x0  }
0x19: {  	s7 =	sld [smem:$0x3F9E]  }
0x1a: {  	s8 =	sadd.s32 $0xFFFFE003, lr  }
0x1b: {  	s9 =	sadd.s32 $0xFFFFFEF7, lr;
	s5 =	simm.s32 $0xFFFFFFFF;
	p2 =	slt.u32 s8, $0xFFFFF086  }
0x1c: {  	p1 =	slt.u32 s9, $0xF7A;
	s5 =	simm.s32 @!p2 $0x0  }
0x1d: {  	s5 =	simm.s32 @p1 $0x1;
	p0 =	seq.s32 s7, s2  }
0x1e: {  	s7 =	smul.u32 @!p0 $0xF7A, s2;
	p2 =	seq.s32 @!p0 s5, $0x0  }
0x1f: {  	s9 =	smul.u32 $0xF7A, s1;
	s8 =	simm.s32 @!p0 $0x1BF5;
	p2 =	por !p2, p0  }
0x20: {  	[sflag:s8] =	ssyncset.s32 @!p0 $0xFFFFF086;
	s6 =	sadd.s32 @!p0 s3, s7;
	s7 =	simm.s32 @!p0 $0x108  }
0x21: {  	s3 =	sadd.s32 s3, s9;
	s6 =	sadd.s32 @!p0 $0x88, s6;
	s7 =	simm.s32 @p2 $0x1082  }
0x22: {  	[simem:s7], [sflag:s8] =	dma.local @!p0 [hbm:s6], $0xF7A  }
0x23: {  	s9 =	sor.u32 $0xD0000000, s2;
	s6 =	simm.s32 $0x108;
	_ =	swait.ge @!p0 [sflag:s8], $0x0  }
0x24: {  	s3 =	sadd.s32 $0x88, s3;
	s6 =	simm.s32 @!p1 $0x1082;
	[sflag:s4] =	ssyncset.s32 $0xFFFFF086  }
0x25: {  	[simem:s6], [sflag:s4] =	dma.local [hbm:s3], $0xF7A  }
0x26: {  	[smem:$0x3F9E] =	sst s1;
	(tag) =	ssettag s2;
	_ =	strace s9  }
0x27: {  	s1 =	sld [smem:$0x3FAE]  }
0x28: {  	s2 =	sld [smem:$0x3FAF]  }
0x29: {  	s4 =	sld [smem:$0x3FB1]  }
0x2a: {  	p0 =	seq.s32 s5, $0x0;
	s5 =	sld [smem:$0x3FB2]  }
0x2b: {  	s6 =	sld [smem:$0x3FB3]  }
0x2c: {  	s7 =	sld [smem:$0x3FB4]  }
0x2d: {  	s3 =	simm.s32 $0x108;
	s8 =	sld [smem:$0x3FB5]  }
0x2e: {  	s3 =	simm.s32 @!p0 $0x1082;
	s9 =	sld [smem:$0x3FB6]  }
0x2f: {  	lr =	sadd.s32 s0, s3;
	s0 =	sld [smem:$0x3FAD]  }
0x30: {  	s3 =	sld [smem:$0x3FB0]  }
0x31: {  	[smem:$0x3FB9] =	sst s10  }
0x32: {  	s10 =	sld [smem:$0x3FB7];
	_ =	sdelay $0x3  }
0x33: {  	p0 =	seq.s32 s10, $0x1;
	s10 =	sld [smem:$0x3FB9];
	_ =	sdelay $0x3  }
0x34: {  	[smem:$0x3FB9] =	sst s10  }
0x35: {  	s10 =	sld [smem:$0x3FB8];
	_ =	sdelay $0x3  }
0x36: {  	p1 =	seq.s32 s10, $0x1;
	s10 =	sld [smem:$0x3FB9];
	_ =	sdelay $0x3  }
0x37: {  	[smem:$0x3FB9] =	sst s10  }
0x38: {  	s10 =	sld [smem:$0x3FBA]  }
0x39: {  	_ = 	snop;
	(pc) =	sbr.ind lr, $3  }
0x3a: {  	_ = 	snop  }
0x3b: {  	_ = 	snop  }
0x3c: {  	p2 =	seq.s32 s10, $0x1;
	s10 =	sld [smem:$0x3FB9]  }
0x3d: {  	_ =	shalt  }
0x3e: {  	_ =	shalt  }
0x3f: {  	_ =	shalt  }
0x40: {  	_ =	shalt  }
0x41: {  	_ =	shalt  }
0x42: {  	_ =	shalt  }
0x43: {  	_ =	shalt  }
0x44: {  	_ =	shalt  }
0x45: {  	_ =	shalt  }
0x46: {  	_ =	shalt  }
0x47: {  	_ =	shalt  }
0x48: {  	_ =	shalt  }
0x49: {  	_ =	shalt  }
0x4a: {  	_ =	shalt  }
0x4b: {  	_ =	shalt  }
0x4c: {  	_ =	shalt  }
0x4d: {  	_ =	shalt  }
0x4e: {  	_ =	shalt  }
0x4f: {  	_ =	shalt  }
0x50: {  	_ =	shalt  }
0x51: {  	_ =	shalt  }
0x52: {  	_ =	shalt  }
0x53: {  	_ =	shalt  }
0x54: {  	_ =	shalt  }
0x55: {  	_ =	shalt  }
0x56: {  	_ =	shalt  }
0x57: {  	_ =	shalt  }
0x58: {  	_ =	shalt  }
0x59: {  	_ =	shalt  }
0x5a: {  	_ =	shalt  }
0x5b: {  	_ =	shalt  }
0x5c: {  	_ =	shalt  }
0x5d: {  	_ =	shalt  }
0x5e: {  	_ =	shalt  }
0x5f: {  	_ =	shalt  }
0x60: {  	_ =	shalt  }
0x61: {  	_ =	shalt  }
0x62: {  	_ =	shalt  }
0x63: {  	_ =	shalt  }
0x64: {  	_ =	shalt  }
0x65: {  	_ =	shalt  }
0x66: {  	_ =	shalt  }
0x67: {  	_ =	shalt  }
0x68: {  	_ =	shalt  }
0x69: {  	_ =	shalt  }
0x6a: {  	_ =	shalt  }
0x6b: {  	_ =	shalt  }
0x6c: {  	_ =	shalt  }
0x6d: {  	_ =	shalt  }
0x6e: {  	_ =	shalt  }
0x6f: {  	_ =	shalt  }
0x70: {  	_ =	shalt  }
0x71: {  	_ =	shalt  }
0x72: {  	_ =	shalt  }
0x73: {  	_ =	shalt  }
0x74: {  	_ =	shalt  }
0x75: {  	_ =	shalt  }
0x76: {  	_ =	shalt  }
0x77: {  	_ =	shalt  }
0x78: {  	_ =	shalt  }
0x79: {  	_ =	shalt  }
0x7a: {  	_ =	shalt  }
0x7b: {  	_ =	shalt  }
0x7c: {  	_ =	shalt  }
0x7d: {  	_ =	shalt  }
0x7e: {  	_ =	shalt  }
0x7f: {  	_ =	shalt  }
0x80: {  	_ =	shalt  }
0x81: {  	_ =	shalt  }
0x82: {  	_ =	shalt  }
0x83: {  	_ =	shalt  }
0x84: {  	_ =	shalt  }
0x85: {  	_ =	shalt  }
0x86: {  	_ =	shalt  }
0x87: {  	_ =	shalt  }
.Lfunc_end0:
.L_simem_size_0:
called_computation_lowered:
.L_overlay_start_0:
0x88: {  	s2 =	sld [smem:$0x3FD9]  }
0x89: {  	s3 =	sld [smem:$0x3FFE];
	_ =	sdelay $0x1  }
0x8a: {  	s1 =	srdreg.scid  }
0x8b: {  	s0 =	sand.u32 $0x1, s1  }
0x8c: {  	s17 =	sshll.u32 s0, $0xA;
	s2 =	sadd.s32 s3, s2  }
0x8d: {  	s2 =	sadd.s32 s2, s17  }
0x8e: {  	[smem:$0x3FC5] =	sst s2  }
0x8f: {  	_ = 	snop  }
0x90: {  	s2 =	sld [smem:$0x3FC7]  }
0x91: {  	s18 =	sld [smem:$0x3FD0];
	(tm) =	ssettm $0x1  }
0x92: {  	s4 =	sld [smem:$0x3FFB];
	_ =	sdelay $0x3  }
0x93: {  	_ =	strace s4  }
0x94: {  	s4 =	sld [smem:$0x3FFC];
	_ =	sdelay $0x3  }
0x95: {  	_ =	strace s4  }
0x96: {  	s4 =	sld [smem:$0x3FFD];
	_ =	sdelay $0x3  }
0x97: {  	_ =	strace s4  }
0x98: {  	_ =	strace $0x8FFFFFFF  }
0x99: {  	s19 =	sld [smem:$0x3FDB];
	_ =	sdelay $0x1  }
0x9a: {  	s5 =	simm.s32 $_scs_section_size  }
0x9b: {  	s6 =	simm.s32 $_size__tile_overlayer_lowered;
	s7 =	simm.s32 $_tile_overlayer_lowered  }
0x9c: {  	s22 =	simm.s32 $0x1BFF;
	s21 =	sshll.u32 s7, $0x1;
	s4 =	sadd.s32 s5, s19  }
0x9d: {  	s8 =	simm.s32 $0x0;
	s20 =	sshll.u32 s6, $0x1;
	s6 =	sadd.s32 s21, s4  }
0x9e: {  	[timem:s8], [sflag:s22] =	dma.local [hbm:s6], s20  }
0x9f: {  	_ =	swait.ge [sflag:s22], s20  }
0xa0: {  	s5 =	ssub.s32 $0x0, s20;
	[sflag:s22] =	ssyncset.done $0x0  }
0xa1: {  	[sflag:s22] =	ssyncadd.s32 s5;
	_ =	sdelay $0x1  }
0xa2: {  	s23 =	simm.s32 $0x1B8B  }
0xa3: {  	_ =	swait.ge [sflag:s23], $0x1  }
0xa4: {  	[sflag:s23] =	ssyncset.done $0x0  }
0xa5: {  	s25 =	simm.s32 $0x1B8E;
	s24 =	sld [smem:$0x3FFE];
	[sflag:s23] =	ssyncadd.s32 $0xFFFFFFFF  }
0xa6: {  	s26 =	simm.s32 $execute0_lowered;
	[smem:$0x3FD2] =	sst s25  }
0xa7: {  	s6 =	sshll.u32 s26, $0x1;
	_ =	strace $0x80000046;
	[dreg:$0x1] =	wrdreg $0xFFFFFFFF  }
0xa8: {  	s28 =	simm.s32 $_size_execute0_lowered;
	s4 =	sadd.s32 s4, s6;
	[dreg:$0x0] =	wrdreg $0x0  }
0xa9: {  	s6 =	sshll.u32 s28, $0x1;
	[dreg:$0x2] =	wrdreg s4  }
0xaa: {  	[dreg:$0x3] =	wrdreg s6  }
0xab: {  	[dreg:$0x4] =	wrdreg $0xC0  }
0xac: {  	_ =	task [dreg:s8], $0x5FFFF  }
0xad: {  	[dreg:$0x1] =	wrdreg $0xFFFFFFFF  }
0xae: {  	[dreg:$0x0] =	wrdreg $0x60  }
0xaf: {  	[dreg:$0x2] =	wrdreg s18  }
0xb0: {  	[dreg:$0x3] =	wrdreg s24  }
0xb1: {  	[dreg:$0x4] =	wrdreg s2  }
0xb2: {  	[dreg:$0x5] =	wrdreg $0x1E7000  }
0xb3: {  	[dreg:$0x6] =	wrdreg $0x9  }
0xb4: {  	_ =	task.clear_ibuf [dreg:s8], $0x7FFFF;
	_ =	strace $0x90000046  }
0xb5: {  	s29 =	simm.s32 $0x9;
	_ =	strace $0x80000048  }
0xb6: {  	_ =	swait.ge [sflag:s29], $0x1  }
0xb7: {  	[sflag:s29] =	ssyncadd.s32 $0xFFFFFFFF  }
0xb8: {  	_ =	strace $0x90000048  }
0xb9: {  	_ =	sfence  }
0xba: {  	s30 =	sld [smem:$0x0];
	_ =	sdelay $0x2  }
0xbb: {  	s31 =	sshll.u32 s1, $0xD;
	s1 =	sshrl.u32 s1, $0x2  }
0xbc: {  	s3 =	sand.u32 $0x4000, s31;
	s1 =	sadd.s32 s1, s30  }
0xbd: {  	s0 =	sor.u32 s3, s0;
	s1 =	sshll.u32 s1, $0x11  }
0xbe: {  	s0 =	sor.u32 s1, s0  }
0xbf: {  	s0 =	sadd.s32 $0x8F2B, s0  }
0xc0: {  	[sflag:s0] =	ssyncadd.remote.s32 $0x1  }
0xc1: {  	_ =	sfence.sel $0xFFFF  }
0xc2: {  	[dreg:$0x0] =	wrdreg $0xFFFFFFFF;
	(pc) =	sbr.abs _section_cstart, $3  }
0xc3: {  	[dreg:$0x1] =	wrdreg $0xFFFFFFFF  }
0xc4: {  	_ =	task.clear_ibuf [dreg:s8], $0x2FFFF;
	_ =	strace $0x9FFFFFFF  }
0xc5: {  	(tm) =	ssettm $0x7FFFFFFF  }
tec
execute0_lowered:
.L_overlay_start_1:
0x0: {  	(tag) =	ssettag $0x1  }
0x1: {  	s0 =	rddreg [dreg:$0x1]  }
0x2: {  	s2 =	rddreg [dreg:$0x2]  }
0x3: {  	s4 =	rddreg [dreg:$0x3];
	s5 =	simm.s32 $0x0  }
0x4: {  	s1 =	srdreg.scid;
	s9 =	stileid.u32;
	s20 =	simm.s32 $0x1C700  }
0x5: {  	s21 =	simm.s32 $0x4;
	s28 =	simm.s32 $0x1B700;
	s29 =	simm.s32 $0x1D700  }
0x6: {  	s30 =	simm.s32 $0x2;
	s31 =	simm.s32 $0x3;
	[smem:$0x7FF] =	sst s5  }
0x7: {  	s1 =	sand.u32 $0x1, s1;
	s3 =	smul.u32 $0x3100, s9;
	s6 =	sadd.s32 $0xC6E00, s0  }
0x8: {  	s7 =	sadd.s32 $0x3800, s0;
	_ =	strace $0x80000047;
	s8 =	sshll.u32 s1, $0x7  }
0x9: {  	s22 =	sshll.u32 s1, $0x4;
	s1 =	ssub.s32 $0x2, s1;
	s3 =	sor.u32 s8, s3  }
0xa: {  	s8 =	sor.u32 s9, s22;
	s9 =	smul.u32 $0x6200, s9;
	s10 =	sshrl.u32 s1, $0x1  }
0xb: {  	s22 =	simm.s32 $0x18700;
	s3 =	sshrl.u32 s3, $0x3;
	s8 =	smul.u32 $0x30D40, s8  }
0xc: {  	s1 =	ssub.s32 s1, s10;
	s0 =	sadd.s32 s3, s0;
	s23 =	sshrl.u32 s9, $0x2  }
0xd: {  	s19 =	smax.u32 s1, $0x1;
	s3 =	simm.s32 $0x0;
	s9 =	sadd.s32 s23, s4  }
0xe: {  	s24 =	sshrl.u32 s8, $0x3;
	s10 =	sadd.s32 $0xFA0, s8;
	s18 =	sadd.s32 $0x18A400, s0  }
0xf: {  	s23 =	simm.s32 $0x1A700;
	s11 =	sadd.s32 $0xFA0, s9;
	s25 =	sadd.s32 s6, s24  }
0x10: {  	s26 =	sshrl.u32 s10, $0x3;
	s12 =	sadd.s32 s7, s24;
	[dreg:$0x5] =	wrdreg s11  }
0x11: {  	s14 =	sadd.s32 s2, s24;
	s24 =	simm.s32 $0x19700;
	[dreg:$0x6] =	wrdreg s25  }
0x12: {  	[dreg:$0x7] =	wrdreg s12;
	s15 =	sadd.s32 s6, s26;
	s16 =	sadd.s32 s7, s26  }
0x13: {  	v0 =	vimm.f32 $0.0e+00;
	s17 =	sadd.s32 s2, s26;
	s25 =	simm.s32 $0x1;
	s26 =	simm.s32 $0xFA0  }
.LBB2_1:
0x14: {  	s0 =	simm.s32 $0x40;
	s1 =	simm.s32 $0x0  }
.LBB2_2:
0x15: {  	p0 =	sne.s32 s0, $0x3E40;
	[tilespmem:s1+$0x1C700] =	vst v0;
	s1 =	smov.u32 s0;
	s0 =	sadd.s32 $0x40, s0  }
.Ltmp0:
0x16: {  	(pc) =	sbr.rel @p0 .LBB2_2-.Ltmp0, $2  }
0x17: {  	_ =	sdelay $0x2  }
0x18: {  	s1 =	sshra.s32 s1, $0x2  }
0x19: {  	[tilespmem:s1+$0x1C700] =	vst v0  }
0x1a: {  	[spmem:s9] =	stream.linear.scatter [tilespmem:s20], [sflag:$0x4], $0xFA0, $0x38;
	[tilespmem:$0x1FF80] =	vst v63  }
0x1b: {  	_ =	swait.ge [sflag:s21], $0xFA0  }
0x1c: {  	[sflag:s21] =	ssyncset.done $0x0  }
0x1d: {  	s0 =	rddreg [dreg:$0x5];
	[sflag:s21] =	ssyncadd.s32 $0xFFFFF060  }
0x1e: {  	[spmem:s0] =	stream.linear.scatter [tilespmem:s20], [sflag:$0x4], $0x8E0, $0x38;
	[tilespmem:$0x1FF80] =	vst v63  }
0x1f: {  	_ =	swait.ge [sflag:s21], $0x8E0  }
0x20: {  	[sflag:s21] =	ssyncset.done $0x0  }
0x21: {  	[sflag:s21] =	ssyncadd.s32 $0xFFFFF720  }
0x22: {  	s0 =	simm.s32 $0x0;
	s11 =	rddreg [dreg:$0x0]  }
0x23: {  	[tilespmem:s0], [sflag:$0x4] =	stream.linear.gather [hbm4b:s11+s0], $0x186A0, $0x38;
	[tilespmem:$0x1FF80] =	vst v63  }
0x24: {  	_ =	swait.ge [sflag:s21], $0x186A0  }
0x25: {  	[sflag:s21] =	ssyncset.done $0x0  }
0x26: {  	[sflag:s21] =	ssyncadd.s32 $0xFFFE7960  }
0x27: {  	[bflag:$0x0] =	sbarrier.arrive $0xFFFF  }
0x28: {  	s12 =	rddreg [dreg:$0x6]  }
0x29: {  	[tilespmem:s22], [sflag:$0x1] =	stream.linear.gather [hbm4b:s12+s0], $0xFA0, $0x38;
	[tilespmem:$0x1FF80] =	vst v63  }
0x2a: {  	s13 =	rddreg [dreg:$0x7]  }
0x2b: {  	[tilespmem:s23], [sflag:$0x1] =	stream.linear.gather [hbm4b:s13+s0], $0xFA0, $0x38;
	[tilespmem:$0x1FF80] =	vst v63  }
0x2c: {  	_ = 	snop  }
0x2d: {  	[tilespmem:s24], [sflag:$0x1] =	stream.linear.gather [hbm4b:s14+s0], $0xFA0, $0x38;
	[tilespmem:$0x1FF80] =	vst v63  }
0x2e: {  	_ =	swait.ge [sflag:s25], $0xFA0  }
0x2f: {  	[sflag:s25] =	ssyncset.done $0x0  }
0x30: {  	[sflag:s25] =	ssyncadd.s32 $0xFFFFF060  }
0x31: {  	_ =	swait.ge [sflag:s25], $0xFA0  }
0x32: {  	[sflag:s25] =	ssyncset.done $0x0  }
0x33: {  	[sflag:s25] =	ssyncadd.s32 $0xFFFFF060  }
0x34: {  	_ =	swait.ge [sflag:s25], $0xFA0  }
0x35: {  	[sflag:s25] =	ssyncset.done $0x0  }
0x36: {  	s0 =	simm.s32 $0x0;
	[sflag:s25] =	ssyncadd.s32 $0xFFFFF060  }
0x37: {  	v2 =	vld [tilespmem:s0+$0x18700];
	_ =	sdelay $0x6  }
0x38: {  	v1 =	vld [tilespmem:s0+$0x19700]  }
0x39: {  	s1 =	simm.s32 $0x10;
	s11 =	simm.s32 $0x80;
	v2 =	vld.idx.msk [tilespmem:v2+s5+$0x0], $0xffff  }
.LBB2_4:
0x3a: {  	p0 =	sne.s32 s11, $0x3E40;
	v3 =	vld [tilespmem:s1+$0x18700];
	_ =	sdelay $0x3  }
.Ltmp1:
0x3b: {  	(pc) =	sbr.rel @p0 .LBB2_4-.Ltmp1, $3  }
0x3c: {  	v2 =	vmul.f32 v1, v2;
	_ =	sdelay $0x1  }
0x3d: {  	v1 =	vld [tilespmem:s1+$0x19700];
	[tilespmem:s0+$0x1C700] =	vst v2;
	s0 =	smov.u32 s1  }
0x3e: {  	s1 =	sshra.s32 s11, $0x2;
	s11 =	sadd.s32 $0x40, s11;
	v2 =	vld.idx.msk [tilespmem:v3+s5+$0x0], $0xffff  }
0x3f: {  	v3 =	vld [tilespmem:s1+$0x18700];
	_ =	sdelay $0x4  }
0x40: {  	v1 =	vmul.f32 v1, v2;
	_ =	sdelay $0x1  }
0x41: {  	v2 =	vld [tilespmem:s1+$0x19700];
	[tilespmem:s0+$0x1C700] =	vst v1  }
0x42: {  	v1 =	vld.idx.msk [tilespmem:v3+s5+$0x0], $0xffff;
	_ =	sdelay $0x4  }
0x43: {  	v1 =	vmul.f32 v2, v1;
	_ =	sdelay $0x1  }
0x44: {  	[tilespmem:s1+$0x1C700] =	vst v1  }
0x45: {  	[spmem:s4] =	stream.indirect.scatter.add.f32 [tilespmem:s20], [sflag:$0x2], $0x1, s23, s26, $0xb8;
	[tilespmem:$0x1FF80] =	vst v63  }
0x46: {  	s13 =	simm.s32 $0x0  }
0x47: {  	[tilespmem:s22], [sflag:$0x1] =	stream.linear.gather [hbm4b:s15+s13], $0xFA0, $0x38;
	[tilespmem:$0x1FF80] =	vst v63  }
0x48: {  	_ = 	snop  }
0x49: {  	[tilespmem:s28], [sflag:$0x1] =	stream.linear.gather [hbm4b:s16+s13], $0xFA0, $0x38;
	[tilespmem:$0x1FF80] =	vst v63  }
0x4a: {  	_ = 	snop  }
0x4b: {  	[tilespmem:s24], [sflag:$0x1] =	stream.linear.gather [hbm4b:s17+s13], $0xFA0, $0x38;
	[tilespmem:$0x1FF80] =	vst v63  }
0x4c: {  	_ =	swait.ge [sflag:s25], $0xFA0  }
0x4d: {  	[sflag:s25] =	ssyncset.done $0x0  }
0x4e: {  	[sflag:s25] =	ssyncadd.s32 $0xFFFFF060  }
0x4f: {  	_ =	swait.ge [sflag:s25], $0xFA0  }
0x50: {  	[sflag:s25] =	ssyncset.done $0x0  }
0x51: {  	[sflag:s25] =	ssyncadd.s32 $0xFFFFF060  }
0x52: {  	_ =	swait.ge [sflag:s25], $0xFA0  }
0x53: {  	[sflag:s25] =	ssyncset.done $0x0  }
0x54: {  	s0 =	simm.s32 $0x0;
	[sflag:s25] =	ssyncadd.s32 $0xFFFFF060  }
0x55: {  	v2 =	vld [tilespmem:s0+$0x18700];
	_ =	sdelay $0x6  }
0x56: {  	v1 =	vld [tilespmem:s0+$0x19700]  }
0x57: {  	s11 =	simm.s32 $0x80;
	s1 =	simm.s32 $0x10;
	v2 =	vld.idx.msk [tilespmem:v2+s5+$0x0], $0xffff  }
.LBB2_6:
0x58: {  	p0 =	sne.s32 s11, $0x3E40;
	v3 =	vld [tilespmem:s1+$0x18700];
	_ =	sdelay $0x3  }
.Ltmp2:
0x59: {  	(pc) =	sbr.rel @p0 .LBB2_6-.Ltmp2, $3  }
0x5a: {  	v2 =	vmul.f32 v1, v2;
	_ =	sdelay $0x1  }
0x5b: {  	v1 =	vld [tilespmem:s1+$0x19700];
	[tilespmem:s0+$0x1D700] =	vst v2;
	s0 =	smov.u32 s1  }
0x5c: {  	s1 =	sshra.s32 s11, $0x2;
	s11 =	sadd.s32 $0x40, s11;
	v2 =	vld.idx.msk [tilespmem:v3+s5+$0x0], $0xffff  }
0x5d: {  	v3 =	vld [tilespmem:s1+$0x18700];
	_ =	sdelay $0x4  }
0x5e: {  	v1 =	vmul.f32 v1, v2;
	_ =	sdelay $0x1  }
0x5f: {  	v2 =	vld [tilespmem:s1+$0x19700];
	[tilespmem:s0+$0x1D700] =	vst v1  }
0x60: {  	v1 =	vld.idx.msk [tilespmem:v3+s5+$0x0], $0xffff;
	_ =	sdelay $0x4  }
0x61: {  	v1 =	vmul.f32 v2, v1;
	_ =	sdelay $0x1  }
0x62: {  	s0 =	simm.s32 $0x1;
	[tilespmem:s1+$0x1D700] =	vst v1  }
0x63: {  	[spmem:s4] =	stream.indirect.scatter.add.f32 [tilespmem:s29], [sflag:$0x3], $0x1, s28, s26, $0xb8;
	[tilespmem:$0x1FF80] =	vst v63  }
.LBB2_8:
0x64: {  	s1 =	smul.u32 $0x1F40, s0;
	_ =	sdelay $0x1  }
0x65: {  	_ =	swait.ge [sflag:s30], $0xFA0;
	s11 =	sadd.s32 s8, s1  }
0x66: {  	[sflag:s30] =	ssyncset.done $0x0;
	s11 =	sshrl.u32 s11, $0x3  }
0x67: {  	s13 =	simm.s32 $0x0;
	[sflag:s30] =	ssyncadd.s32 $0xFFFFF060;
	s12 =	sadd.s32 s6, s11  }
0x68: {  	[tilespmem:s22], [sflag:$0x1] =	stream.linear.gather [hbm4b:s12+s13], $0xFA0, $0x38;
	[tilespmem:$0x1FF80] =	vst v63  }
0x69: {  	s12 =	sadd.s32 s7, s11  }
0x6a: {  	[tilespmem:s23], [sflag:$0x1] =	stream.linear.gather [hbm4b:s12+s13], $0xFA0, $0x38;
	[tilespmem:$0x1FF80] =	vst v63  }
0x6b: {  	s11 =	sadd.s32 s2, s11  }
0x6c: {  	[tilespmem:s24], [sflag:$0x1] =	stream.linear.gather [hbm4b:s11+s13], $0xFA0, $0x38;
	[tilespmem:$0x1FF80] =	vst v63  }
0x6d: {  	_ =	swait.ge [sflag:s25], $0xFA0  }
0x6e: {  	[sflag:s25] =	ssyncset.done $0x0  }
0x6f: {  	[sflag:s25] =	ssyncadd.s32 $0xFFFFF060  }
0x70: {  	_ =	swait.ge [sflag:s25], $0xFA0  }
0x71: {  	[sflag:s25] =	ssyncset.done $0x0  }
0x72: {  	[sflag:s25] =	ssyncadd.s32 $0xFFFFF060  }
0x73: {  	_ =	swait.ge [sflag:s25], $0xFA0  }
0x74: {  	[sflag:s25] =	ssyncset.done $0x0  }
0x75: {  	s11 =	simm.s32 $0x0;
	[sflag:s25] =	ssyncadd.s32 $0xFFFFF060  }
0x76: {  	v2 =	vld [tilespmem:s11+$0x18700];
	_ =	sdelay $0x6  }
0x77: {  	v1 =	vld [tilespmem:s11+$0x19700]  }
0x78: {  	s12 =	simm.s32 $0x10;
	s13 =	simm.s32 $0x80;
	v2 =	vld.idx.msk [tilespmem:v2+s5+$0x0], $0xffff  }
.LBB2_9:
0x79: {  	p0 =	sne.s32 s13, $0x3E40;
	v3 =	vld [tilespmem:s12+$0x18700];
	_ =	sdelay $0x3  }
.Ltmp3:
0x7a: {  	(pc) =	sbr.rel @p0 .LBB2_9-.Ltmp3, $3  }
0x7b: {  	v2 =	vmul.f32 v1, v2;
	_ =	sdelay $0x1  }
0x7c: {  	v1 =	vld [tilespmem:s12+$0x19700];
	[tilespmem:s11+$0x1C700] =	vst v2;
	s11 =	smov.u32 s12  }
0x7d: {  	s12 =	sshra.s32 s13, $0x2;
	s13 =	sadd.s32 $0x40, s13;
	v2 =	vld.idx.msk [tilespmem:v3+s5+$0x0], $0xffff  }
0x7e: {  	v3 =	vld [tilespmem:s12+$0x18700];
	_ =	sdelay $0x4  }
0x7f: {  	v1 =	vmul.f32 v1, v2;
	_ =	sdelay $0x1  }
0x80: {  	v2 =	vld [tilespmem:s12+$0x19700];
	[tilespmem:s11+$0x1C700] =	vst v1  }
0x81: {  	v1 =	vld.idx.msk [tilespmem:v3+s5+$0x0], $0xffff;
	_ =	sdelay $0x4  }
0x82: {  	v1 =	vmul.f32 v2, v1;
	_ =	sdelay $0x1  }
0x83: {  	[tilespmem:s12+$0x1C700] =	vst v1  }
0x84: {  	[spmem:s4] =	stream.indirect.scatter.add.f32 [tilespmem:s20], [sflag:$0x2], $0x1, s23, s26, $0xb8;
	[tilespmem:$0x1FF80] =	vst v63  }
0x85: {  	s1 =	sadd.s32 s1, s10;
	_ =	swait.ge [sflag:s31], $0xFA0  }
0x86: {  	s1 =	sshrl.u32 s1, $0x3;
	[sflag:s31] =	ssyncset.done $0x0  }
0x87: {  	s13 =	sadd.s32 s6, s1;
	s12 =	simm.s32 $0x0;
	[sflag:s31] =	ssyncadd.s32 $0xFFFFF060  }
0x88: {  	[tilespmem:s22], [sflag:$0x1] =	stream.linear.gather [hbm4b:s13+s12], $0xFA0, $0x38;
	[tilespmem:$0x1FF80] =	vst v63  }
0x89: {  	s13 =	sadd.s32 s7, s1  }
0x8a: {  	[tilespmem:s28], [sflag:$0x1] =	stream.linear.gather [hbm4b:s13+s12], $0xFA0, $0x38;
	[tilespmem:$0x1FF80] =	vst v63  }
0x8b: {  	s1 =	sadd.s32 s2, s1  }
0x8c: {  	[tilespmem:s24], [sflag:$0x1] =	stream.linear.gather [hbm4b:s1+s12], $0xFA0, $0x38;
	[tilespmem:$0x1FF80] =	vst v63  }
0x8d: {  	_ =	swait.ge [sflag:s25], $0xFA0  }
0x8e: {  	[sflag:s25] =	ssyncset.done $0x0  }
0x8f: {  	[sflag:s25] =	ssyncadd.s32 $0xFFFFF060  }
0x90: {  	_ =	swait.ge [sflag:s25], $0xFA0  }
0x91: {  	[sflag:s25] =	ssyncset.done $0x0  }
0x92: {  	[sflag:s25] =	ssyncadd.s32 $0xFFFFF060  }
0x93: {  	_ =	swait.ge [sflag:s25], $0xFA0  }
0x94: {  	[sflag:s25] =	ssyncset.done $0x0  }
0x95: {  	s1 =	simm.s32 $0x0;
	[sflag:s25] =	ssyncadd.s32 $0xFFFFF060  }
0x96: {  	v2 =	vld [tilespmem:s1+$0x18700];
	_ =	sdelay $0x6  }
0x97: {  	v1 =	vld [tilespmem:s1+$0x19700]  }
0x98: {  	s11 =	simm.s32 $0x10;
	s12 =	simm.s32 $0x80;
	v2 =	vld.idx.msk [tilespmem:v2+s5+$0x0], $0xffff  }
.LBB2_11:
0x99: {  	p0 =	sne.s32 s12, $0x3E40;
	v3 =	vld [tilespmem:s11+$0x18700];
	_ =	sdelay $0x3  }
.Ltmp4:
0x9a: {  	(pc) =	sbr.rel @p0 .LBB2_11-.Ltmp4, $3  }
0x9b: {  	v2 =	vmul.f32 v1, v2;
	_ =	sdelay $0x1  }
0x9c: {  	v1 =	vld [tilespmem:s11+$0x19700];
	[tilespmem:s1+$0x1D700] =	vst v2;
	s1 =	smov.u32 s11  }
0x9d: {  	s11 =	sshra.s32 s12, $0x2;
	s12 =	sadd.s32 $0x40, s12;
	v2 =	vld.idx.msk [tilespmem:v3+s5+$0x0], $0xffff  }
0x9e: {  	v3 =	vld [tilespmem:s11+$0x18700];
	_ =	sdelay $0x4  }
0x9f: {  	v1 =	vmul.f32 v1, v2;
	_ =	sdelay $0x1  }
0xa0: {  	v2 =	vld [tilespmem:s11+$0x19700];
	[tilespmem:s1+$0x1D700] =	vst v1  }
0xa1: {  	v1 =	vld.idx.msk [tilespmem:v3+s5+$0x0], $0xffff;
	_ =	sdelay $0x1  }
0xa2: {  	s0 =	sadd.s32 $0x1, s0  }
0xa3: {  	p0 =	sne.s32 s0, $0x19  }
.Ltmp5:
0xa4: {  	_ = 	snop;
	(pc) =	sbr.rel @p0 .LBB2_8-.Ltmp5, $3  }
0xa5: {  	v1 =	vmul.f32 v2, v1;
	_ =	sdelay $0x1  }
0xa6: {  	[tilespmem:s11+$0x1D700] =	vst v1  }
0xa7: {  	[spmem:s4] =	stream.indirect.scatter.add.f32 [tilespmem:s29], [sflag:$0x3], $0x1, s28, s26, $0xb8;
	[tilespmem:$0x1FF80] =	vst v63  }
0xa8: {  	_ =	swait.ge [sflag:s30], $0xFA0  }
0xa9: {  	[sflag:s30] =	ssyncset.done $0x0  }
0xaa: {  	s0 =	stileid.u32;
	[sflag:s30] =	ssyncadd.s32 $0xFFFFF060  }
0xab: {  	s1 =	sshrl.u32 s9, $0x3;
	s11 =	simm.s32 $0x20;
	_ =	swait.ge [sflag:s31], $0xFA0  }
0xac: {  	s12 =	simm.s32 $0x10;
	s3 =	sadd.s32 $0x1, s3;
	[sflag:s31] =	ssyncset.done $0x0  }
0xad: {  	s0 =	sshll.u32 s0, $0x6;
	p0 =	sne.s32 s3, s19;
	[sflag:s31] =	ssyncadd.s32 $0xFFFFF060  }
.Ltmp6:
0xae: {  	s0 =	sor.u32 $0x1C04, s0;
	[bflag:$0x0] =	sbarrier.arrive $0xFFFF;
	(pc) =	sbr.rel @p0 .LBB2_1-.Ltmp6, $4  }
0xaf: {  	[hbm:s18@s11], [sflag:s0] =	dma.strided [spmem:s1@s12], $0x310, s25, $0x10   }
0xb0: {  	_ =	swait.ge [sflag:s21], $0x310  }
0xb1: {  	[sflag:s21] =	ssyncset.done $0x0  }
0xb2: {  	[sflag:s21] =	ssyncadd.s32 $0xFFFFFCF0  }
0xb3: {  	_ =	sfence.sel $0x180000  }
0xb4: {  	[bflag:$0x0] =	sbarrier.arrive $0xFFFF  }
0xb5: {  	_ =	strace $0x90000047  }
0xb6: {  	s0 =	stileid.u32;
	[bflag:$0x2] =	sbarrier.arrive $0xFFFF  }
0xb7: {  	p0 =	sne.s32 s0, $0x0;
	s0 =	rddreg [dreg:$0x4]  }
0xb8: {  	s0 =	sadd.s32 @!p0 $0x100000, s0  }
0xb9: {  	[sflag:s0] =	ssyncadd.tile.s32 @!p0 $0x1;
	_ =	shalt  }
.Lfunc_end2:
_tile_overlayer_lowered:
.L_overlay_start_2:
0xba: {  	(tag) =	ssettag $0x2  }
0xbb: {  	s0 =	rddreg [dreg:$0x0];
	s2 =	stileid.u32  }
0xbc: {  	s1 =	rddreg [dreg:$0x1];
	p0 =	sne.s32 s2, $0x0  }
0xbd: {  	s3 =	rddreg [dreg:$0x2];
	[bflag:$0x3] =	sbarrier.arrive $0xFFFF;
	s2 =	simm.s32 @!p0 $0x1C04  }
0xbe: {  	[timem:s3], [sflag:s2] =	dma.local @!p0 [hbm:s0], s1  }
0xbf: {  	s0 =	simm.s32 @!p0 $0x4  }
0xc0: {  	_ =	swait.ge @!p0 [sflag:s0], s1  }
0xc1: {  	s1 =	ssub.s32 @!p0 $0x0, s1;
	[sflag:s0] =	ssyncset.done @!p0 $0x0  }
0xc2: {  	[sflag:s0] =	ssyncadd.s32 @!p0 s1  }
0xc3: {  	[bflag:$0x3] =	sbarrier.arrive $0xFFFF  }
0xc4: {  	_ =	shalt  }

// kernel: kernel.18.cloned.1.call-start
scs
__scs_entry_jumppad:
0x0: {  	(pc) =	sbr.rel $0x88, $3  }
0x1: {  	(tag) =	ssettag $0x0;
	lr =	simm.s32 $0x1  }
0x2: {  	[smem:$0x3F9E] =	sst lr;
	_ =	strace $0xD0000000  }
0x3: {  	_ = 	snop  }
0x4: {  	_ = 	snop  }
0x5: {  	_ = 	snop  }
0x6: {  	_ = 	snop  }
0x7: {  	_ = 	snop  }
__scs_overlays_trampoline_lowered:
0x8: {  	[smem:$0x3FAD] =	sst s0  }
0x9: {  	[smem:$0x3FAE] =	sst s1  }
0xa: {  	[smem:$0x3FAF] =	sst s2  }
0xb: {  	[smem:$0x3FB0] =	sst s3  }
0xc: {  	[smem:$0x3FB1] =	sst s4  }
0xd: {  	[smem:$0x3FB2] =	sst s5  }
0xe: {  	[smem:$0x3FB3] =	sst s6  }
0xf: {  	[smem:$0x3FB4] =	sst s7  }
0x10: {  	[smem:$0x3FB5] =	sst s8  }
0x11: {  	[smem:$0x3FB6] =	sst s9;
	s0 =	simm.s32 @!p0 $0x0  }
0x12: {  	s1 =	sld [smem:$0x3F9C];
	s0 =	simm.s32 @p0 $0x1  }
0x13: {  	[smem:$0x3FB7] =	sst s0;
	s0 =	simm.s32 @!p1 $0x0  }
0x14: {  	s2 =	sld [smem:$0x3F9B];
	s0 =	simm.s32 @p1 $0x1  }
0x15: {  	[smem:$0x3FB8] =	sst s0;
	s0 =	simm.s32 @!p2 $0x0  }
0x16: {  	s3 =	sld [smem:$0x3FDB];
	s0 =	simm.s32 @p2 $0x1  }
0x17: {  	s4 =	simm.s32 $0x1BF5;
	[smem:$0x3FBA] =	sst s0  }
0x18: {  	s0 =	sld [smem:$0x3F9D];
	_ =	swait.ge [sflag:s4], $0x0  }
0x19: {  	s7 =	sld [smem:$0x3F9E]  }
0x1a: {  	s8 =	sadd.s32 $0xFFFFE003, lr  }
0x1b: {  	s9 =	sadd.s32 $0xFFFFFEF7, lr;
	s5 =	simm.s32 $0xFFFFFFFF;
	p2 =	slt.u32 s8, $0xFFFFF086  }
0x1c: {  	p1 =	slt.u32 s9, $0xF7A;
	s5 =	simm.s32 @!p2 $0x0  }
0x1d: {  	s5 =	simm.s32 @p1 $0x1;
	p0 =	seq.s32 s7, s2  }
0x1e: {  	s7 =	smul.u32 @!p0 $0xF7A, s2;
	p2 =	seq.s32 @!p0 s5, $0x0  }
0x1f: {  	s9 =	smul.u32 $0xF7A, s1;
	s8 =	simm.s32 @!p0 $0x1BF5;
	p2 =	por !p2, p0  }
0x20: {  	[sflag:s8] =	ssyncset.s32 @!p0 $0xFFFFF086;
	s6 =	sadd.s32 @!p0 s3, s7;
	s7 =	simm.s32 @!p0 $0x108  }
0x21: {  	s3 =	sadd.s32 s3, s9;
	s6 =	sadd.s32 @!p0 $0x88, s6;
	s7 =	simm.s32 @p2 $0x1082  }
0x22: {  	[simem:s7], [sflag:s8] =	dma.local @!p0 [hbm:s6], $0xF7A  }
0x23: {  	s9 =	sor.u32 $0xD0000000, s2;
	s6 =	simm.s32 $0x108;
	_ =	swait.ge @!p0 [sflag:s8], $0x0  }
0x24: {  	s3 =	sadd.s32 $0x88, s3;
	s6 =	simm.s32 @!p1 $0x1082;
	[sflag:s4] =	ssyncset.s32 $0xFFFFF086  }
0x25: {  	[simem:s6], [sflag:s4] =	dma.local [hbm:s3], $0xF7A  }
0x26: {  	[smem:$0x3F9E] =	sst s1;
	(tag) =	ssettag s2;
	_ =	strace s9  }
0x27: {  	s1 =	sld [smem:$0x3FAE]  }
0x28: {  	s2 =	sld [smem:$0x3FAF]  }
0x29: {  	s4 =	sld [smem:$0x3FB1]  }
0x2a: {  	p0 =	seq.s32 s5, $0x0;
	s5 =	sld [smem:$0x3FB2]  }
0x2b: {  	s6 =	sld [smem:$0x3FB3]  }
0x2c: {  	s7 =	sld [smem:$0x3FB4]  }
0x2d: {  	s3 =	simm.s32 $0x108;
	s8 =	sld [smem:$0x3FB5]  }
0x2e: {  	s3 =	simm.s32 @!p0 $0x1082;
	s9 =	sld [smem:$0x3FB6]  }
0x2f: {  	lr =	sadd.s32 s0, s3;
	s0 =	sld [smem:$0x3FAD]  }
0x30: {  	s3 =	sld [smem:$0x3FB0]  }
0x31: {  	[smem:$0x3FB9] =	sst s10  }
0x32: {  	s10 =	sld [smem:$0x3FB7];
	_ =	sdelay $0x3  }
0x33: {  	p0 =	seq.s32 s10, $0x1;
	s10 =	sld [smem:$0x3FB9];
	_ =	sdelay $0x3  }
0x34: {  	[smem:$0x3FB9] =	sst s10  }
0x35: {  	s10 =	sld [smem:$0x3FB8];
	_ =	sdelay $0x3  }
0x36: {  	p1 =	seq.s32 s10, $0x1;
	s10 =	sld [smem:$0x3FB9];
	_ =	sdelay $0x3  }
0x37: {  	[smem:$0x3FB9] =	sst s10  }
0x38: {  	s10 =	sld [smem:$0x3FBA]  }
0x39: {  	_ = 	snop;
	(pc) =	sbr.ind lr, $3  }
0x3a: {  	_ = 	snop  }
0x3b: {  	_ = 	snop  }
0x3c: {  	p2 =	seq.s32 s10, $0x1;
	s10 =	sld [smem:$0x3FB9]  }
0x3d: {  	_ =	shalt  }
0x3e: {  	_ =	shalt  }
0x3f: {  	_ =	shalt  }
0x40: {  	_ =	shalt  }
0x41: {  	_ =	shalt  }
0x42: {  	_ =	shalt  }
0x43: {  	_ =	shalt  }
0x44: {  	_ =	shalt  }
0x45: {  	_ =	shalt  }
0x46: {  	_ =	shalt  }
0x47: {  	_ =	shalt  }
0x48: {  	_ =	shalt  }
0x49: {  	_ =	shalt  }
0x4a: {  	_ =	shalt  }
0x4b: {  	_ =	shalt  }
0x4c: {  	_ =	shalt  }
0x4d: {  	_ =	shalt  }
0x4e: {  	_ =	shalt  }
0x4f: {  	_ =	shalt  }
0x50: {  	_ =	shalt  }
0x51: {  	_ =	shalt  }
0x52: {  	_ =	shalt  }
0x53: {  	_ =	shalt  }
0x54: {  	_ =	shalt  }
0x55: {  	_ =	shalt  }
0x56: {  	_ =	shalt  }
0x57: {  	_ =	shalt  }
0x58: {  	_ =	shalt  }
0x59: {  	_ =	shalt  }
0x5a: {  	_ =	shalt  }
0x5b: {  	_ =	shalt  }
0x5c: {  	_ =	shalt  }
0x5d: {  	_ =	shalt  }
0x5e: {  	_ =	shalt  }
0x5f: {  	_ =	shalt  }
0x60: {  	_ =	shalt  }
0x61: {  	_ =	shalt  }
0x62: {  	_ =	shalt  }
0x63: {  	_ =	shalt  }
0x64: {  	_ =	shalt  }
0x65: {  	_ =	shalt  }
0x66: {  	_ =	shalt  }
0x67: {  	_ =	shalt  }
0x68: {  	_ =	shalt  }
0x69: {  	_ =	shalt  }
0x6a: {  	_ =	shalt  }
0x6b: {  	_ =	shalt  }
0x6c: {  	_ =	shalt  }
0x6d: {  	_ =	shalt  }
0x6e: {  	_ =	shalt  }
0x6f: {  	_ =	shalt  }
0x70: {  	_ =	shalt  }
0x71: {  	_ =	shalt  }
0x72: {  	_ =	shalt  }
0x73: {  	_ =	shalt  }
0x74: {  	_ =	shalt  }
0x75: {  	_ =	shalt  }
0x76: {  	_ =	shalt  }
0x77: {  	_ =	shalt  }
0x78: {  	_ =	shalt  }
0x79: {  	_ =	shalt  }
0x7a: {  	_ =	shalt  }
0x7b: {  	_ =	shalt  }
0x7c: {  	_ =	shalt  }
0x7d: {  	_ =	shalt  }
0x7e: {  	_ =	shalt  }
0x7f: {  	_ =	shalt  }
0x80: {  	_ =	shalt  }
0x81: {  	_ =	shalt  }
0x82: {  	_ =	shalt  }
0x83: {  	_ =	shalt  }
0x84: {  	_ =	shalt  }
0x85: {  	_ =	shalt  }
0x86: {  	_ =	shalt  }
0x87: {  	_ =	shalt  }
.Lfunc_end0:
.L_simem_size_0:
called_computation.1_lowered:
.L_overlay_start_0:
0x88: {  	s2 =	sld [smem:$0x3FD9]  }
0x89: {  	s3 =	sld [smem:$0x3FFE];
	_ =	sdelay $0x1  }
0x8a: {  	s1 =	srdreg.scid  }
0x8b: {  	s0 =	sand.u32 $0x1, s1  }
0x8c: {  	s17 =	sshll.u32 s0, $0xA;
	s2 =	sadd.s32 s3, s2  }
0x8d: {  	s2 =	sadd.s32 s2, s17  }
0x8e: {  	[smem:$0x3FC5] =	sst s2  }
0x8f: {  	_ = 	snop  }
0x90: {  	s2 =	sld [smem:$0x3FC7];
	(tm) =	ssettm $0x1  }
0x91: {  	s18 =	sld [smem:$0x3FFB];
	_ =	sdelay $0x3  }
0x92: {  	_ =	strace s18  }
0x93: {  	s3 =	sld [smem:$0x3FFC];
	_ =	sdelay $0x3  }
0x94: {  	_ =	strace s3  }
0x95: {  	s3 =	sld [smem:$0x3FFD];
	_ =	sdelay $0x3  }
0x96: {  	_ =	strace s3  }
0x97: {  	_ =	strace $0x8FFFFFFF  }
0x98: {  	s19 =	sld [smem:$0x3FDB];
	_ =	sdelay $0x1  }
0x99: {  	s4 =	simm.s32 $_scs_section_size  }
0x9a: {  	s5 =	simm.s32 $_size__tile_overlayer_lowered;
	s6 =	simm.s32 $_tile_overlayer_lowered  }
0x9b: {  	s22 =	simm.s32 $0x1BFF;
	s21 =	sshll.u32 s6, $0x1;
	s3 =	sadd.s32 s4, s19  }
0x9c: {  	s7 =	simm.s32 $0x0;
	s20 =	sshll.u32 s5, $0x1;
	s5 =	sadd.s32 s21, s3  }
0x9d: {  	[timem:s7], [sflag:s22] =	dma.local [hbm:s5], s20  }
0x9e: {  	_ =	swait.ge [sflag:s22], s20  }
0x9f: {  	s4 =	ssub.s32 $0x0, s20;
	[sflag:s22] =	ssyncset.done $0x0  }
0xa0: {  	[sflag:s22] =	ssyncadd.s32 s4;
	_ =	sdelay $0x1  }
0xa1: {  	s23 =	simm.s32 $0x1B8B  }
0xa2: {  	_ =	swait.ge [sflag:s23], $0x1  }
0xa3: {  	[sflag:s23] =	ssyncset.done $0x0  }
0xa4: {  	s25 =	simm.s32 $0x1B8E;
	s24 =	sld [smem:$0x3FFE];
	[sflag:s23] =	ssyncadd.s32 $0xFFFFFFFF  }
0xa5: {  	s26 =	simm.s32 $execute0_lowered;
	[smem:$0x3FD2] =	sst s25  }
0xa6: {  	s5 =	sshll.u32 s26, $0x1;
	_ =	strace $0x80000049;
	[dreg:$0x1] =	wrdreg $0xFFFFFFFF  }
0xa7: {  	s28 =	simm.s32 $_size_execute0_lowered;
	s3 =	sadd.s32 s3, s5;
	[dreg:$0x0] =	wrdreg $0x0  }
0xa8: {  	s5 =	sshll.u32 s28, $0x1;
	[dreg:$0x2] =	wrdreg s3  }
0xa9: {  	[dreg:$0x3] =	wrdreg s5  }
0xaa: {  	[dreg:$0x4] =	wrdreg $0xC0  }
0xab: {  	_ =	task [dreg:s7], $0x5FFFF  }
0xac: {  	[dreg:$0x1] =	wrdreg $0xFFFFFFFF  }
0xad: {  	[dreg:$0x0] =	wrdreg $0x60  }
0xae: {  	[dreg:$0x2] =	wrdreg s24  }
0xaf: {  	[dreg:$0x3] =	wrdreg s2  }
0xb0: {  	[dreg:$0x4] =	wrdreg $0x1E7000  }
0xb1: {  	[dreg:$0x5] =	wrdreg $0x9  }
0xb2: {  	_ =	task.clear_ibuf [dreg:s7], $0x6FFFF;
	_ =	strace $0x90000049  }
0xb3: {  	s29 =	simm.s32 $0x9;
	_ =	strace $0x8000004B  }
0xb4: {  	_ =	swait.ge [sflag:s29], $0x1  }
0xb5: {  	[sflag:s29] =	ssyncadd.s32 $0xFFFFFFFF  }
0xb6: {  	_ =	strace $0x9000004B  }
0xb7: {  	_ =	sfence  }
0xb8: {  	s30 =	sld [smem:$0x0];
	_ =	sdelay $0x2  }
0xb9: {  	s31 =	sshll.u32 s1, $0xD;
	s1 =	sshrl.u32 s1, $0x2  }
0xba: {  	s3 =	sand.u32 $0x4000, s31;
	s1 =	sadd.s32 s1, s30  }
0xbb: {  	s0 =	sor.u32 s3, s0;
	s1 =	sshll.u32 s1, $0x11  }
0xbc: {  	s0 =	sor.u32 s1, s0  }
0xbd: {  	s0 =	sadd.s32 $0x8F2B, s0  }
0xbe: {  	[sflag:s0] =	ssyncadd.remote.s32 $0x1  }
0xbf: {  	_ =	sfence.sel $0xFFFF  }
0xc0: {  	[dreg:$0x0] =	wrdreg $0xFFFFFFFF;
	(pc) =	sbr.abs _section_cstart, $3  }
0xc1: {  	[dreg:$0x1] =	wrdreg $0xFFFFFFFF  }
0xc2: {  	_ =	task.clear_ibuf [dreg:s7], $0x2FFFF;
	_ =	strace $0x9FFFFFFF  }
0xc3: {  	(tm) =	ssettm $0x7FFFFFFF  }
tec
execute0_lowered:
.L_overlay_start_1:
0x0: {  	(tag) =	ssettag $0x1  }
0x1: {  	s0 =	rddreg [dreg:$0x0]  }
0x2: {  	s1 =	rddreg [dreg:$0x1]  }
0x3: {  	s2 =	rddreg [dreg:$0x2]  }
0x4: {  	s4 =	simm.s32 $0x0;
	s3 =	srdreg.scid;
	s9 =	stileid.u32  }
0x5: {  	s20 =	simm.s32 $0x1C700;
	s21 =	simm.s32 $0x4;
	s28 =	simm.s32 $0x1B700  }
0x6: {  	s29 =	simm.s32 $0x1D700;
	s30 =	simm.s32 $0x2;
	s31 =	simm.s32 $0x3  }
0x7: {  	[smem:$0x7FF] =	sst s4;
	s3 =	sand.u32 $0x1, s3;
	s6 =	sadd.s32 $0x18A400, s0  }
0x8: {  	s5 =	smul.u32 $0x3100, s9;
	s7 =	sadd.s32 $0xC6E00, s0;
	_ =	strace $0x8000004A  }
0x9: {  	[dreg:$0x4] =	wrdreg s6;
	s6 =	sadd.s32 $0x3800, s0;
	s8 =	sshll.u32 s3, $0x7  }
0xa: {  	s22 =	sshll.u32 s3, $0x4;
	s3 =	ssub.s32 $0x2, s3;
	s5 =	sor.u32 s8, s5  }
0xb: {  	s8 =	sor.u32 s9, s22;
	s9 =	smul.u32 $0x6200, s9;
	s10 =	sshrl.u32 s3, $0x1  }
0xc: {  	s22 =	simm.s32 $0x18700;
	s5 =	sshrl.u32 s5, $0x3;
	s8 =	smul.u32 $0x30D40, s8  }
0xd: {  	s3 =	ssub.s32 s3, s10;
	s0 =	sadd.s32 s5, s0;
	s23 =	sshrl.u32 s9, $0x2  }
0xe: {  	s19 =	smax.u32 s3, $0x1;
	s9 =	sadd.s32 s23, s2;
	s24 =	sshrl.u32 s8, $0x3  }
0xf: {  	s10 =	sadd.s32 $0xFA0, s8;
	s18 =	sadd.s32 $0x18D600, s0;
	s23 =	simm.s32 $0x1A700  }
0x10: {  	s0 =	simm.s32 $0x0;
	s11 =	sadd.s32 $0xFA0, s9;
	s25 =	sadd.s32 s6, s24  }
0x11: {  	s26 =	sshrl.u32 s10, $0x3;
	s12 =	sadd.s32 s7, s24;
	[dreg:$0x5] =	wrdreg s11  }
0x12: {  	s14 =	sadd.s32 s1, s24;
	s24 =	simm.s32 $0x19700;
	[dreg:$0x6] =	wrdreg s25  }
0x13: {  	[dreg:$0x7] =	wrdreg s12;
	s15 =	sadd.s32 s6, s26;
	s16 =	sadd.s32 s7, s26  }
0x14: {  	v0 =	vimm.f32 $0.0e+00;
	s17 =	sadd.s32 s1, s26;
	s25 =	simm.s32 $0x1;
	s26 =	simm.s32 $0xFA0  }
.LBB2_1:
0x15: {  	s3 =	simm.s32 $0x40;
	s5 =	simm.s32 $0x0  }
.LBB2_2:
0x16: {  	p0 =	sne.s32 s3, $0x3E40;
	[tilespmem:s5+$0x1C700] =	vst v0;
	s5 =	smov.u32 s3;
	s3 =	sadd.s32 $0x40, s3  }
.Ltmp0:
0x17: {  	(pc) =	sbr.rel @p0 .LBB2_2-.Ltmp0, $2  }
0x18: {  	_ =	sdelay $0x2  }
0x19: {  	s5 =	sshra.s32 s5, $0x2  }
0x1a: {  	[tilespmem:s5+$0x1C700] =	vst v0  }
0x1b: {  	[spmem:s9] =	stream.linear.scatter [tilespmem:s20], [sflag:$0x4], $0xFA0, $0x38;
	[tilespmem:$0x1FF80] =	vst v63  }
0x1c: {  	_ =	swait.ge [sflag:s21], $0xFA0  }
0x1d: {  	[sflag:s21] =	ssyncset.done $0x0  }
0x1e: {  	s3 =	rddreg [dreg:$0x5];
	[sflag:s21] =	ssyncadd.s32 $0xFFFFF060  }
0x1f: {  	[spmem:s3] =	stream.linear.scatter [tilespmem:s20], [sflag:$0x4], $0x8E0, $0x38;
	[tilespmem:$0x1FF80] =	vst v63  }
0x20: {  	_ =	swait.ge [sflag:s21], $0x8E0  }
0x21: {  	[sflag:s21] =	ssyncset.done $0x0  }
0x22: {  	s3 =	simm.s32 $0x0;
	s11 =	rddreg [dreg:$0x4];
	[sflag:s21] =	ssyncadd.s32 $0xFFFFF720  }
0x23: {  	[tilespmem:s3], [sflag:$0x4] =	stream.linear.gather [hbm4b:s11+s3], $0x186A0, $0x38;
	[tilespmem:$0x1FF80] =	vst v63  }
0x24: {  	_ =	swait.ge [sflag:s21], $0x186A0  }
0x25: {  	[sflag:s21] =	ssyncset.done $0x0  }
0x26: {  	[sflag:s21] =	ssyncadd.s32 $0xFFFE7960  }
0x27: {  	[bflag:$0x0] =	sbarrier.arrive $0xFFFF  }
0x28: {  	s12 =	rddreg [dreg:$0x6]  }
0x29: {  	[tilespmem:s22], [sflag:$0x1] =	stream.linear.gather [hbm4b:s12+s3], $0xFA0, $0x38;
	[tilespmem:$0x1FF80] =	vst v63  }
0x2a: {  	s13 =	rddreg [dreg:$0x7]  }
0x2b: {  	[tilespmem:s23], [sflag:$0x1] =	stream.linear.gather [hbm4b:s13+s3], $0xFA0, $0x38;
	[tilespmem:$0x1FF80] =	vst v63  }
0x2c: {  	_ = 	snop  }
0x2d: {  	[tilespmem:s24], [sflag:$0x1] =	stream.linear.gather [hbm4b:s14+s3], $0xFA0, $0x38;
	[tilespmem:$0x1FF80] =	vst v63  }
0x2e: {  	_ =	swait.ge [sflag:s25], $0xFA0  }
0x2f: {  	[sflag:s25] =	ssyncset.done $0x0  }
0x30: {  	[sflag:s25] =	ssyncadd.s32 $0xFFFFF060  }
0x31: {  	_ =	swait.ge [sflag:s25], $0xFA0  }
0x32: {  	[sflag:s25] =	ssyncset.done $0x0  }
0x33: {  	[sflag:s25] =	ssyncadd.s32 $0xFFFFF060  }
0x34: {  	_ =	swait.ge [sflag:s25], $0xFA0  }
0x35: {  	[sflag:s25] =	ssyncset.done $0x0  }
0x36: {  	s3 =	simm.s32 $0x0;
	[sflag:s25] =	ssyncadd.s32 $0xFFFFF060  }
0x37: {  	v2 =	vld [tilespmem:s3+$0x18700];
	_ =	sdelay $0x6  }
0x38: {  	v1 =	vld [tilespmem:s3+$0x19700]  }
0x39: {  	s5 =	simm.s32 $0x10;
	s11 =	simm.s32 $0x80;
	v2 =	vld.idx.msk [tilespmem:v2+s4+$0x0], $0xffff  }
.LBB2_4:
0x3a: {  	p0 =	sne.s32 s11, $0x3E40;
	v3 =	vld [tilespmem:s5+$0x18700];
	_ =	sdelay $0x3  }
.Ltmp1:
0x3b: {  	(pc) =	sbr.rel @p0 .LBB2_4-.Ltmp1, $3  }
0x3c: {  	v2 =	vmul.f32 v1, v2;
	_ =	sdelay $0x1  }
0x3d: {  	v1 =	vld [tilespmem:s5+$0x19700];
	[tilespmem:s3+$0x1C700] =	vst v2;
	s3 =	smov.u32 s5  }
0x3e: {  	s5 =	sshra.s32 s11, $0x2;
	s11 =	sadd.s32 $0x40, s11;
	v2 =	vld.idx.msk [tilespmem:v3+s4+$0x0], $0xffff  }
0x3f: {  	v3 =	vld [tilespmem:s5+$0x18700];
	_ =	sdelay $0x4  }
0x40: {  	v1 =	vmul.f32 v1, v2;
	_ =	sdelay $0x1  }
0x41: {  	v2 =	vld [tilespmem:s5+$0x19700];
	[tilespmem:s3+$0x1C700] =	vst v1  }
0x42: {  	v1 =	vld.idx.msk [tilespmem:v3+s4+$0x0], $0xffff;
	_ =	sdelay $0x4  }
0x43: {  	v1 =	vmul.f32 v2, v1;
	_ =	sdelay $0x1  }
0x44: {  	[tilespmem:s5+$0x1C700] =	vst v1  }
0x45: {  	[spmem:s2] =	stream.indirect.scatter.add.f32 [tilespmem:s20], [sflag:$0x2], $0x1, s23, s26, $0xb8;
	[tilespmem:$0x1FF80] =	vst v63  }
0x46: {  	s13 =	simm.s32 $0x0  }
0x47: {  	[tilespmem:s22], [sflag:$0x1] =	stream.linear.gather [hbm4b:s15+s13], $0xFA0, $0x38;
	[tilespmem:$0x1FF80] =	vst v63  }
0x48: {  	_ = 	snop  }
0x49: {  	[tilespmem:s28], [sflag:$0x1] =	stream.linear.gather [hbm4b:s16+s13], $0xFA0, $0x38;
	[tilespmem:$0x1FF80] =	vst v63  }
0x4a: {  	_ = 	snop  }
0x4b: {  	[tilespmem:s24], [sflag:$0x1] =	stream.linear.gather [hbm4b:s17+s13], $0xFA0, $0x38;
	[tilespmem:$0x1FF80] =	vst v63  }
0x4c: {  	_ =	swait.ge [sflag:s25], $0xFA0  }
0x4d: {  	[sflag:s25] =	ssyncset.done $0x0  }
0x4e: {  	[sflag:s25] =	ssyncadd.s32 $0xFFFFF060  }
0x4f: {  	_ =	swait.ge [sflag:s25], $0xFA0  }
0x50: {  	[sflag:s25] =	ssyncset.done $0x0  }
0x51: {  	[sflag:s25] =	ssyncadd.s32 $0xFFFFF060  }
0x52: {  	_ =	swait.ge [sflag:s25], $0xFA0  }
0x53: {  	[sflag:s25] =	ssyncset.done $0x0  }
0x54: {  	s3 =	simm.s32 $0x0;
	[sflag:s25] =	ssyncadd.s32 $0xFFFFF060  }
0x55: {  	v2 =	vld [tilespmem:s3+$0x18700];
	_ =	sdelay $0x6  }
0x56: {  	v1 =	vld [tilespmem:s3+$0x19700]  }
0x57: {  	s11 =	simm.s32 $0x80;
	s5 =	simm.s32 $0x10;
	v2 =	vld.idx.msk [tilespmem:v2+s4+$0x0], $0xffff  }
.LBB2_6:
0x58: {  	p0 =	sne.s32 s11, $0x3E40;
	v3 =	vld [tilespmem:s5+$0x18700];
	_ =	sdelay $0x3  }
.Ltmp2:
0x59: {  	(pc) =	sbr.rel @p0 .LBB2_6-.Ltmp2, $3  }
0x5a: {  	v2 =	vmul.f32 v1, v2;
	_ =	sdelay $0x1  }
0x5b: {  	v1 =	vld [tilespmem:s5+$0x19700];
	[tilespmem:s3+$0x1D700] =	vst v2;
	s3 =	smov.u32 s5  }
0x5c: {  	s5 =	sshra.s32 s11, $0x2;
	s11 =	sadd.s32 $0x40, s11;
	v2 =	vld.idx.msk [tilespmem:v3+s4+$0x0], $0xffff  }
0x5d: {  	v3 =	vld [tilespmem:s5+$0x18700];
	_ =	sdelay $0x4  }
0x5e: {  	v1 =	vmul.f32 v1, v2;
	_ =	sdelay $0x1  }
0x5f: {  	v2 =	vld [tilespmem:s5+$0x19700];
	[tilespmem:s3+$0x1D700] =	vst v1  }
0x60: {  	v1 =	vld.idx.msk [tilespmem:v3+s4+$0x0], $0xffff;
	_ =	sdelay $0x4  }
0x61: {  	v1 =	vmul.f32 v2, v1;
	_ =	sdelay $0x1  }
0x62: {  	s3 =	simm.s32 $0x1;
	[tilespmem:s5+$0x1D700] =	vst v1  }
0x63: {  	[spmem:s2] =	stream.indirect.scatter.add.f32 [tilespmem:s29], [sflag:$0x3], $0x1, s28, s26, $0xb8;
	[tilespmem:$0x1FF80] =	vst v63  }
.LBB2_8:
0x64: {  	s5 =	smul.u32 $0x1F40, s3;
	_ =	sdelay $0x1  }
0x65: {  	_ =	swait.ge [sflag:s30], $0xFA0;
	s11 =	sadd.s32 s8, s5  }
0x66: {  	[sflag:s30] =	ssyncset.done $0x0;
	s11 =	sshrl.u32 s11, $0x3  }
0x67: {  	s13 =	simm.s32 $0x0;
	[sflag:s30] =	ssyncadd.s32 $0xFFFFF060;
	s12 =	sadd.s32 s6, s11  }
0x68: {  	[tilespmem:s22], [sflag:$0x1] =	stream.linear.gather [hbm4b:s12+s13], $0xFA0, $0x38;
	[tilespmem:$0x1FF80] =	vst v63  }
0x69: {  	s12 =	sadd.s32 s7, s11  }
0x6a: {  	[tilespmem:s23], [sflag:$0x1] =	stream.linear.gather [hbm4b:s12+s13], $0xFA0, $0x38;
	[tilespmem:$0x1FF80] =	vst v63  }
0x6b: {  	s11 =	sadd.s32 s1, s11  }
0x6c: {  	[tilespmem:s24], [sflag:$0x1] =	stream.linear.gather [hbm4b:s11+s13], $0xFA0, $0x38;
	[tilespmem:$0x1FF80] =	vst v63  }
0x6d: {  	_ =	swait.ge [sflag:s25], $0xFA0  }
0x6e: {  	[sflag:s25] =	ssyncset.done $0x0  }
0x6f: {  	[sflag:s25] =	ssyncadd.s32 $0xFFFFF060  }
0x70: {  	_ =	swait.ge [sflag:s25], $0xFA0  }
0x71: {  	[sflag:s25] =	ssyncset.done $0x0  }
0x72: {  	[sflag:s25] =	ssyncadd.s32 $0xFFFFF060  }
0x73: {  	_ =	swait.ge [sflag:s25], $0xFA0  }
0x74: {  	[sflag:s25] =	ssyncset.done $0x0  }
0x75: {  	s11 =	simm.s32 $0x0;
	[sflag:s25] =	ssyncadd.s32 $0xFFFFF060  }
0x76: {  	v2 =	vld [tilespmem:s11+$0x18700];
	_ =	sdelay $0x6  }
0x77: {  	v1 =	vld [tilespmem:s11+$0x19700]  }
0x78: {  	s12 =	simm.s32 $0x10;
	s13 =	simm.s32 $0x80;
	v2 =	vld.idx.msk [tilespmem:v2+s4+$0x0], $0xffff  }
.LBB2_9:
0x79: {  	p0 =	sne.s32 s13, $0x3E40;
	v3 =	vld [tilespmem:s12+$0x18700];
	_ =	sdelay $0x3  }
.Ltmp3:
0x7a: {  	(pc) =	sbr.rel @p0 .LBB2_9-.Ltmp3, $3  }
0x7b: {  	v2 =	vmul.f32 v1, v2;
	_ =	sdelay $0x1  }
0x7c: {  	v1 =	vld [tilespmem:s12+$0x19700];
	[tilespmem:s11+$0x1C700] =	vst v2;
	s11 =	smov.u32 s12  }
0x7d: {  	s12 =	sshra.s32 s13, $0x2;
	s13 =	sadd.s32 $0x40, s13;
	v2 =	vld.idx.msk [tilespmem:v3+s4+$0x0], $0xffff  }
0x7e: {  	v3 =	vld [tilespmem:s12+$0x18700];
	_ =	sdelay $0x4  }
0x7f: {  	v1 =	vmul.f32 v1, v2;
	_ =	sdelay $0x1  }
0x80: {  	v2 =	vld [tilespmem:s12+$0x19700];
	[tilespmem:s11+$0x1C700] =	vst v1  }
0x81: {  	v1 =	vld.idx.msk [tilespmem:v3+s4+$0x0], $0xffff;
	_ =	sdelay $0x4  }
0x82: {  	v1 =	vmul.f32 v2, v1;
	_ =	sdelay $0x1  }
0x83: {  	[tilespmem:s12+$0x1C700] =	vst v1  }
0x84: {  	[spmem:s2] =	stream.indirect.scatter.add.f32 [tilespmem:s20], [sflag:$0x2], $0x1, s23, s26, $0xb8;
	[tilespmem:$0x1FF80] =	vst v63  }
0x85: {  	s5 =	sadd.s32 s5, s10;
	_ =	swait.ge [sflag:s31], $0xFA0  }
0x86: {  	s5 =	sshrl.u32 s5, $0x3;
	[sflag:s31] =	ssyncset.done $0x0  }
0x87: {  	s13 =	sadd.s32 s6, s5;
	s12 =	simm.s32 $0x0;
	[sflag:s31] =	ssyncadd.s32 $0xFFFFF060  }
0x88: {  	[tilespmem:s22], [sflag:$0x1] =	stream.linear.gather [hbm4b:s13+s12], $0xFA0, $0x38;
	[tilespmem:$0x1FF80] =	vst v63  }
0x89: {  	s13 =	sadd.s32 s7, s5  }
0x8a: {  	[tilespmem:s28], [sflag:$0x1] =	stream.linear.gather [hbm4b:s13+s12], $0xFA0, $0x38;
	[tilespmem:$0x1FF80] =	vst v63  }
0x8b: {  	s5 =	sadd.s32 s1, s5  }
0x8c: {  	[tilespmem:s24], [sflag:$0x1] =	stream.linear.gather [hbm4b:s5+s12], $0xFA0, $0x38;
	[tilespmem:$0x1FF80] =	vst v63  }
0x8d: {  	_ =	swait.ge [sflag:s25], $0xFA0  }
0x8e: {  	[sflag:s25] =	ssyncset.done $0x0  }
0x8f: {  	[sflag:s25] =	ssyncadd.s32 $0xFFFFF060  }
0x90: {  	_ =	swait.ge [sflag:s25], $0xFA0  }
0x91: {  	[sflag:s25] =	ssyncset.done $0x0  }
0x92: {  	[sflag:s25] =	ssyncadd.s32 $0xFFFFF060  }
0x93: {  	_ =	swait.ge [sflag:s25], $0xFA0  }
0x94: {  	[sflag:s25] =	ssyncset.done $0x0  }
0x95: {  	s5 =	simm.s32 $0x0;
	[sflag:s25] =	ssyncadd.s32 $0xFFFFF060  }
0x96: {  	v2 =	vld [tilespmem:s5+$0x18700];
	_ =	sdelay $0x6  }
0x97: {  	v1 =	vld [tilespmem:s5+$0x19700]  }
0x98: {  	s11 =	simm.s32 $0x10;
	s12 =	simm.s32 $0x80;
	v2 =	vld.idx.msk [tilespmem:v2+s4+$0x0], $0xffff  }
.LBB2_11:
0x99: {  	p0 =	sne.s32 s12, $0x3E40;
	v3 =	vld [tilespmem:s11+$0x18700];
	_ =	sdelay $0x3  }
.Ltmp4:
0x9a: {  	(pc) =	sbr.rel @p0 .LBB2_11-.Ltmp4, $3  }
0x9b: {  	v2 =	vmul.f32 v1, v2;
	_ =	sdelay $0x1  }
0x9c: {  	v1 =	vld [tilespmem:s11+$0x19700];
	[tilespmem:s5+$0x1D700] =	vst v2;
	s5 =	smov.u32 s11  }
0x9d: {  	s11 =	sshra.s32 s12, $0x2;
	s12 =	sadd.s32 $0x40, s12;
	v2 =	vld.idx.msk [tilespmem:v3+s4+$0x0], $0xffff  }
0x9e: {  	v3 =	vld [tilespmem:s11+$0x18700];
	_ =	sdelay $0x4  }
0x9f: {  	v1 =	vmul.f32 v1, v2;
	_ =	sdelay $0x1  }
0xa0: {  	v2 =	vld [tilespmem:s11+$0x19700];
	[tilespmem:s5+$0x1D700] =	vst v1  }
0xa1: {  	v1 =	vld.idx.msk [tilespmem:v3+s4+$0x0], $0xffff;
	_ =	sdelay $0x1  }
0xa2: {  	s3 =	sadd.s32 $0x1, s3  }
0xa3: {  	p0 =	sne.s32 s3, $0x19  }
.Ltmp5:
0xa4: {  	_ = 	snop;
	(pc) =	sbr.rel @p0 .LBB2_8-.Ltmp5, $3  }
0xa5: {  	v1 =	vmul.f32 v2, v1;
	_ =	sdelay $0x1  }
0xa6: {  	[tilespmem:s11+$0x1D700] =	vst v1  }
0xa7: {  	[spmem:s2] =	stream.indirect.scatter.add.f32 [tilespmem:s29], [sflag:$0x3], $0x1, s28, s26, $0xb8;
	[tilespmem:$0x1FF80] =	vst v63  }
0xa8: {  	_ =	swait.ge [sflag:s30], $0xFA0  }
0xa9: {  	[sflag:s30] =	ssyncset.done $0x0  }
0xaa: {  	s3 =	stileid.u32;
	[sflag:s30] =	ssyncadd.s32 $0xFFFFF060  }
0xab: {  	s5 =	sshrl.u32 s9, $0x3;
	s11 =	simm.s32 $0x20;
	_ =	swait.ge [sflag:s31], $0xFA0  }
0xac: {  	s12 =	simm.s32 $0x10;
	s0 =	sadd.s32 $0x1, s0;
	[sflag:s31] =	ssyncset.done $0x0  }
0xad: {  	s3 =	sshll.u32 s3, $0x6;
	p0 =	sne.s32 s0, s19;
	[sflag:s31] =	ssyncadd.s32 $0xFFFFF060  }
.Ltmp6:
0xae: {  	s3 =	sor.u32 $0x1C04, s3;
	[bflag:$0x0] =	sbarrier.arrive $0xFFFF;
	(pc) =	sbr.rel @p0 .LBB2_1-.Ltmp6, $4  }
0xaf: {  	[hbm:s18@s11], [sflag:s3] =	dma.strided [spmem:s5@s12], $0x310, s25, $0x10   }
0xb0: {  	_ =	swait.ge [sflag:s21], $0x310  }
0xb1: {  	[sflag:s21] =	ssyncset.done $0x0  }
0xb2: {  	[sflag:s21] =	ssyncadd.s32 $0xFFFFFCF0  }
0xb3: {  	_ =	sfence.sel $0x180000  }
0xb4: {  	[bflag:$0x0] =	sbarrier.arrive $0xFFFF  }
0xb5: {  	_ =	strace $0x9000004A  }
0xb6: {  	s0 =	stileid.u32;
	[bflag:$0x2] =	sbarrier.arrive $0xFFFF  }
0xb7: {  	p0 =	sne.s32 s0, $0x0;
	s0 =	rddreg [dreg:$0x3]  }
0xb8: {  	s0 =	sadd.s32 @!p0 $0x100000, s0  }
0xb9: {  	[sflag:s0] =	ssyncadd.tile.s32 @!p0 $0x1;
	_ =	shalt  }
.Lfunc_end2:
_tile_overlayer_lowered:
.L_overlay_start_2:
0xba: {  	(tag) =	ssettag $0x2  }
0xbb: {  	s0 =	rddreg [dreg:$0x0];
	s2 =	stileid.u32  }
0xbc: {  	s1 =	rddreg [dreg:$0x1];
	p0 =	sne.s32 s2, $0x0  }
0xbd: {  	s3 =	rddreg [dreg:$0x2];
	[bflag:$0x3] =	sbarrier.arrive $0xFFFF;
	s2 =	simm.s32 @!p0 $0x1C04  }
0xbe: {  	[timem:s3], [sflag:s2] =	dma.local @!p0 [hbm:s0], s1  }
0xbf: {  	s0 =	simm.s32 @!p0 $0x4  }
0xc0: {  	_ =	swait.ge @!p0 [sflag:s0], s1  }
0xc1: {  	s1 =	ssub.s32 @!p0 $0x0, s1;
	[sflag:s0] =	ssyncset.done @!p0 $0x0  }
0xc2: {  	[sflag:s0] =	ssyncadd.s32 @!p0 s1  }
0xc3: {  	[bflag:$0x3] =	sbarrier.arrive $0xFFFF  }
0xc4: {  	_ =	shalt  }

// kernel: kernel.21.cloned.1.call-start
scs
__scs_entry_jumppad:
0x0: {  	(pc) =	sbr.rel $0x88, $3  }
0x1: {  	(tag) =	ssettag $0x0;
	lr =	simm.s32 $0x1  }
0x2: {  	[smem:$0x3F9E] =	sst lr;
	_ =	strace $0xD0000000  }
0x3: {  	_ = 	snop  }
0x4: {  	_ = 	snop  }
0x5: {  	_ = 	snop  }
0x6: {  	_ = 	snop  }
0x7: {  	_ = 	snop  }
__scs_overlays_trampoline_lowered:
0x8: {  	[smem:$0x3FAD] =	sst s0  }
0x9: {  	[smem:$0x3FAE] =	sst s1  }
0xa: {  	[smem:$0x3FAF] =	sst s2  }
0xb: {  	[smem:$0x3FB0] =	sst s3  }
0xc: {  	[smem:$0x3FB1] =	sst s4  }
0xd: {  	[smem:$0x3FB2] =	sst s5  }
0xe: {  	[smem:$0x3FB3] =	sst s6  }
0xf: {  	[smem:$0x3FB4] =	sst s7  }
0x10: {  	[smem:$0x3FB5] =	sst s8  }
0x11: {  	[smem:$0x3FB6] =	sst s9;
	s0 =	simm.s32 @!p0 $0x0  }
0x12: {  	s1 =	sld [smem:$0x3F9C];
	s0 =	simm.s32 @p0 $0x1  }
0x13: {  	[smem:$0x3FB7] =	sst s0;
	s0 =	simm.s32 @!p1 $0x0  }
0x14: {  	s2 =	sld [smem:$0x3F9B];
	s0 =	simm.s32 @p1 $0x1  }
0x15: {  	[smem:$0x3FB8] =	sst s0;
	s0 =	simm.s32 @!p2 $0x0  }
0x16: {  	s3 =	sld [smem:$0x3FDB];
	s0 =	simm.s32 @p2 $0x1  }
0x17: {  	s4 =	simm.s32 $0x1BF5;
	[smem:$0x3FBA] =	sst s0  }
0x18: {  	s0 =	sld [smem:$0x3F9D];
	_ =	swait.ge [sflag:s4], $0x0  }
0x19: {  	s7 =	sld [smem:$0x3F9E]  }
0x1a: {  	s8 =	sadd.s32 $0xFFFFE003, lr  }
0x1b: {  	s9 =	sadd.s32 $0xFFFFFEF7, lr;
	s5 =	simm.s32 $0xFFFFFFFF;
	p2 =	slt.u32 s8, $0xFFFFF086  }
0x1c: {  	p1 =	slt.u32 s9, $0xF7A;
	s5 =	simm.s32 @!p2 $0x0  }
0x1d: {  	s5 =	simm.s32 @p1 $0x1;
	p0 =	seq.s32 s7, s2  }
0x1e: {  	s7 =	smul.u32 @!p0 $0xF7A, s2;
	p2 =	seq.s32 @!p0 s5, $0x0  }
0x1f: {  	s9 =	smul.u32 $0xF7A, s1;
	s8 =	simm.s32 @!p0 $0x1BF5;
	p2 =	por !p2, p0  }
0x20: {  	[sflag:s8] =	ssyncset.s32 @!p0 $0xFFFFF086;
	s6 =	sadd.s32 @!p0 s3, s7;
	s7 =	simm.s32 @!p0 $0x108  }
0x21: {  	s3 =	sadd.s32 s3, s9;
	s6 =	sadd.s32 @!p0 $0x88, s6;
	s7 =	simm.s32 @p2 $0x1082  }
0x22: {  	[simem:s7], [sflag:s8] =	dma.local @!p0 [hbm:s6], $0xF7A  }
0x23: {  	s9 =	sor.u32 $0xD0000000, s2;
	s6 =	simm.s32 $0x108;
	_ =	swait.ge @!p0 [sflag:s8], $0x0  }
0x24: {  	s3 =	sadd.s32 $0x88, s3;
	s6 =	simm.s32 @!p1 $0x1082;
	[sflag:s4] =	ssyncset.s32 $0xFFFFF086  }
0x25: {  	[simem:s6], [sflag:s4] =	dma.local [hbm:s3], $0xF7A  }
0x26: {  	[smem:$0x3F9E] =	sst s1;
	(tag) =	ssettag s2;
	_ =	strace s9  }
0x27: {  	s1 =	sld [smem:$0x3FAE]  }
0x28: {  	s2 =	sld [smem:$0x3FAF]  }
0x29: {  	s4 =	sld [smem:$0x3FB1]  }
0x2a: {  	p0 =	seq.s32 s5, $0x0;
	s5 =	sld [smem:$0x3FB2]  }
0x2b: {  	s6 =	sld [smem:$0x3FB3]  }
0x2c: {  	s7 =	sld [smem:$0x3FB4]  }
0x2d: {  	s3 =	simm.s32 $0x108;
	s8 =	sld [smem:$0x3FB5]  }
0x2e: {  	s3 =	simm.s32 @!p0 $0x1082;
	s9 =	sld [smem:$0x3FB6]  }
0x2f: {  	lr =	sadd.s32 s0, s3;
	s0 =	sld [smem:$0x3FAD]  }
0x30: {  	s3 =	sld [smem:$0x3FB0]  }
0x31: {  	[smem:$0x3FB9] =	sst s10  }
0x32: {  	s10 =	sld [smem:$0x3FB7];
	_ =	sdelay $0x3  }
0x33: {  	p0 =	seq.s32 s10, $0x1;
	s10 =	sld [smem:$0x3FB9];
	_ =	sdelay $0x3  }
0x34: {  	[smem:$0x3FB9] =	sst s10  }
0x35: {  	s10 =	sld [smem:$0x3FB8];
	_ =	sdelay $0x3  }
0x36: {  	p1 =	seq.s32 s10, $0x1;
	s10 =	sld [smem:$0x3FB9];
	_ =	sdelay $0x3  }
0x37: {  	[smem:$0x3FB9] =	sst s10  }
0x38: {  	s10 =	sld [smem:$0x3FBA]  }
0x39: {  	_ = 	snop;
	(pc) =	sbr.ind lr, $3  }
0x3a: {  	_ = 	snop  }
0x3b: {  	_ = 	snop  }
0x3c: {  	p2 =	seq.s32 s10, $0x1;
	s10 =	sld [smem:$0x3FB9]  }
0x3d: {  	_ =	shalt  }
0x3e: {  	_ =	shalt  }
0x3f: {  	_ =	shalt  }
0x40: {  	_ =	shalt  }
0x41: {  	_ =	shalt  }
0x42: {  	_ =	shalt  }
0x43: {  	_ =	shalt  }
0x44: {  	_ =	shalt  }
0x45: {  	_ =	shalt  }
0x46: {  	_ =	shalt  }
0x47: {  	_ =	shalt  }
0x48: {  	_ =	shalt  }
0x49: {  	_ =	shalt  }
0x4a: {  	_ =	shalt  }
0x4b: {  	_ =	shalt  }
0x4c: {  	_ =	shalt  }
0x4d: {  	_ =	shalt  }
0x4e: {  	_ =	shalt  }
0x4f: {  	_ =	shalt  }
0x50: {  	_ =	shalt  }
0x51: {  	_ =	shalt  }
0x52: {  	_ =	shalt  }
0x53: {  	_ =	shalt  }
0x54: {  	_ =	shalt  }
0x55: {  	_ =	shalt  }
0x56: {  	_ =	shalt  }
0x57: {  	_ =	shalt  }
0x58: {  	_ =	shalt  }
0x59: {  	_ =	shalt  }
0x5a: {  	_ =	shalt  }
0x5b: {  	_ =	shalt  }
0x5c: {  	_ =	shalt  }
0x5d: {  	_ =	shalt  }
0x5e: {  	_ =	shalt  }
0x5f: {  	_ =	shalt  }
0x60: {  	_ =	shalt  }
0x61: {  	_ =	shalt  }
0x62: {  	_ =	shalt  }
0x63: {  	_ =	shalt  }
0x64: {  	_ =	shalt  }
0x65: {  	_ =	shalt  }
0x66: {  	_ =	shalt  }
0x67: {  	_ =	shalt  }
0x68: {  	_ =	shalt  }
0x69: {  	_ =	shalt  }
0x6a: {  	_ =	shalt  }
0x6b: {  	_ =	shalt  }
0x6c: {  	_ =	shalt  }
0x6d: {  	_ =	shalt  }
0x6e: {  	_ =	shalt  }
0x6f: {  	_ =	shalt  }
0x70: {  	_ =	shalt  }
0x71: {  	_ =	shalt  }
0x72: {  	_ =	shalt  }
0x73: {  	_ =	shalt  }
0x74: {  	_ =	shalt  }
0x75: {  	_ =	shalt  }
0x76: {  	_ =	shalt  }
0x77: {  	_ =	shalt  }
0x78: {  	_ =	shalt  }
0x79: {  	_ =	shalt  }
0x7a: {  	_ =	shalt  }
0x7b: {  	_ =	shalt  }
0x7c: {  	_ =	shalt  }
0x7d: {  	_ =	shalt  }
0x7e: {  	_ =	shalt  }
0x7f: {  	_ =	shalt  }
0x80: {  	_ =	shalt  }
0x81: {  	_ =	shalt  }
0x82: {  	_ =	shalt  }
0x83: {  	_ =	shalt  }
0x84: {  	_ =	shalt  }
0x85: {  	_ =	shalt  }
0x86: {  	_ =	shalt  }
0x87: {  	_ =	shalt  }
.Lfunc_end0:
.L_simem_size_0:
called_computation.2_lowered:
.L_overlay_start_0:
0x88: {  	s2 =	sld [smem:$0x3FD9]  }
0x89: {  	s3 =	sld [smem:$0x3FFE];
	_ =	sdelay $0x1  }
0x8a: {  	s1 =	srdreg.scid  }
0x8b: {  	s0 =	sand.u32 $0x1, s1  }
0x8c: {  	s17 =	sshll.u32 s0, $0xA;
	s2 =	sadd.s32 s3, s2  }
0x8d: {  	s2 =	sadd.s32 s2, s17  }
0x8e: {  	[smem:$0x3FC5] =	sst s2  }
0x8f: {  	_ = 	snop  }
0x90: {  	s2 =	sld [smem:$0x3FC7]  }
0x91: {  	s18 =	sld [smem:$0x3FD0];
	(tm) =	ssettm $0x1  }
0x92: {  	s4 =	sld [smem:$0x3FFB];
	_ =	sdelay $0x3  }
0x93: {  	_ =	strace s4  }
0x94: {  	s4 =	sld [smem:$0x3FFC];
	_ =	sdelay $0x3  }
0x95: {  	_ =	strace s4  }
0x96: {  	s4 =	sld [smem:$0x3FFD];
	_ =	sdelay $0x3  }
0x97: {  	_ =	strace s4  }
0x98: {  	_ =	strace $0x8FFFFFFF  }
0x99: {  	s19 =	sld [smem:$0x3FDB];
	_ =	sdelay $0x1  }
0x9a: {  	s5 =	simm.s32 $_scs_section_size  }
0x9b: {  	s6 =	simm.s32 $_size__tile_overlayer_lowered;
	s7 =	simm.s32 $_tile_overlayer_lowered  }
0x9c: {  	s22 =	simm.s32 $0x1BFF;
	s21 =	sshll.u32 s7, $0x1;
	s4 =	sadd.s32 s5, s19  }
0x9d: {  	s8 =	simm.s32 $0x0;
	s20 =	sshll.u32 s6, $0x1;
	s6 =	sadd.s32 s21, s4  }
0x9e: {  	[timem:s8], [sflag:s22] =	dma.local [hbm:s6], s20  }
0x9f: {  	_ =	swait.ge [sflag:s22], s20  }
0xa0: {  	s5 =	ssub.s32 $0x0, s20;
	[sflag:s22] =	ssyncset.done $0x0  }
0xa1: {  	[sflag:s22] =	ssyncadd.s32 s5;
	_ =	sdelay $0x1  }
0xa2: {  	s23 =	simm.s32 $0x1B8B  }
0xa3: {  	_ =	swait.ge [sflag:s23], $0x1  }
0xa4: {  	[sflag:s23] =	ssyncset.done $0x0  }
0xa5: {  	s25 =	simm.s32 $0x1B8E;
	s24 =	sld [smem:$0x3FFE];
	[sflag:s23] =	ssyncadd.s32 $0xFFFFFFFF  }
0xa6: {  	s26 =	simm.s32 $execute0_lowered;
	[smem:$0x3FD2] =	sst s25  }
0xa7: {  	s6 =	sshll.u32 s26, $0x1;
	_ =	strace $0x8000004C;
	[dreg:$0x1] =	wrdreg $0xFFFFFFFF  }
0xa8: {  	s28 =	simm.s32 $_size_execute0_lowered;
	s4 =	sadd.s32 s4, s6;
	[dreg:$0x0] =	wrdreg $0x0  }
0xa9: {  	s6 =	sshll.u32 s28, $0x1;
	[dreg:$0x2] =	wrdreg s4  }
0xaa: {  	[dreg:$0x3] =	wrdreg s6  }
0xab: {  	[dreg:$0x4] =	wrdreg $0xC0  }
0xac: {  	_ =	task [dreg:s8], $0x5FFFF  }
0xad: {  	[dreg:$0x1] =	wrdreg $0xFFFFFFFF  }
0xae: {  	[dreg:$0x0] =	wrdreg $0x60  }
0xaf: {  	[dreg:$0x2] =	wrdreg s18  }
0xb0: {  	[dreg:$0x3] =	wrdreg s24  }
0xb1: {  	[dreg:$0x4] =	wrdreg s2  }
0xb2: {  	[dreg:$0x5] =	wrdreg $0x1E7000  }
0xb3: {  	[dreg:$0x6] =	wrdreg $0x9  }
0xb4: {  	_ =	task.clear_ibuf [dreg:s8], $0x7FFFF;
	_ =	strace $0x9000004C  }
0xb5: {  	s29 =	simm.s32 $0x9;
	_ =	strace $0x8000004E  }
0xb6: {  	_ =	swait.ge [sflag:s29], $0x1  }
0xb7: {  	[sflag:s29] =	ssyncadd.s32 $0xFFFFFFFF  }
0xb8: {  	_ =	strace $0x9000004E  }
0xb9: {  	_ =	sfence  }
0xba: {  	s30 =	sld [smem:$0x0];
	_ =	sdelay $0x2  }
0xbb: {  	s31 =	sshll.u32 s1, $0xD;
	s1 =	sshrl.u32 s1, $0x2  }
0xbc: {  	s3 =	sand.u32 $0x4000, s31;
	s1 =	sadd.s32 s1, s30  }
0xbd: {  	s0 =	sor.u32 s3, s0;
	s1 =	sshll.u32 s1, $0x11  }
0xbe: {  	s0 =	sor.u32 s1, s0  }
0xbf: {  	s0 =	sadd.s32 $0x8F2B, s0  }
0xc0: {  	[sflag:s0] =	ssyncadd.remote.s32 $0x1  }
0xc1: {  	_ =	sfence.sel $0xFFFF  }
0xc2: {  	[dreg:$0x0] =	wrdreg $0xFFFFFFFF;
	(pc) =	sbr.abs _section_cstart, $3  }
0xc3: {  	[dreg:$0x1] =	wrdreg $0xFFFFFFFF  }
0xc4: {  	_ =	task.clear_ibuf [dreg:s8], $0x2FFFF;
	_ =	strace $0x9FFFFFFF  }
0xc5: {  	(tm) =	ssettm $0x7FFFFFFF  }
tec
execute0_lowered:
.L_overlay_start_1:
0x0: {  	(tag) =	ssettag $0x1  }
0x1: {  	s0 =	rddreg [dreg:$0x1]  }
0x2: {  	s2 =	rddreg [dreg:$0x2]  }
0x3: {  	s4 =	rddreg [dreg:$0x3];
	s5 =	simm.s32 $0x0  }
0x4: {  	s1 =	srdreg.scid;
	s9 =	stileid.u32;
	s20 =	simm.s32 $0x1C700  }
0x5: {  	s21 =	simm.s32 $0x4;
	s28 =	simm.s32 $0x1B700;
	s29 =	simm.s32 $0x1D700  }
0x6: {  	s30 =	simm.s32 $0x2;
	s31 =	simm.s32 $0x3;
	[smem:$0x7FF] =	sst s5  }
0x7: {  	s1 =	sand.u32 $0x1, s1;
	s3 =	smul.u32 $0x3100, s9;
	s6 =	sadd.s32 $0xC6E00, s0  }
0x8: {  	s7 =	sadd.s32 $0x3800, s0;
	_ =	strace $0x8000004D;
	s8 =	sshll.u32 s1, $0x7  }
0x9: {  	s22 =	sshll.u32 s1, $0x4;
	s1 =	ssub.s32 $0x2, s1;
	s3 =	sor.u32 s8, s3  }
0xa: {  	s8 =	sor.u32 s9, s22;
	s9 =	smul.u32 $0x6200, s9;
	s10 =	sshrl.u32 s1, $0x1  }
0xb: {  	s22 =	simm.s32 $0x18700;
	s3 =	sshrl.u32 s3, $0x3;
	s8 =	smul.u32 $0x30D40, s8  }
0xc: {  	s1 =	ssub.s32 s1, s10;
	s0 =	sadd.s32 s3, s0;
	s23 =	sshrl.u32 s9, $0x2  }
0xd: {  	s19 =	smax.u32 s1, $0x1;
	s3 =	simm.s32 $0x0;
	s9 =	sadd.s32 s23, s4  }
0xe: {  	s24 =	sshrl.u32 s8, $0x3;
	s10 =	sadd.s32 $0xFA0, s8;
	s18 =	sadd.s32 $0x18A400, s0  }
0xf: {  	s23 =	simm.s32 $0x1A700;
	s11 =	sadd.s32 $0xFA0, s9;
	s25 =	sadd.s32 s6, s24  }
0x10: {  	s26 =	sshrl.u32 s10, $0x3;
	s12 =	sadd.s32 s7, s24;
	[dreg:$0x5] =	wrdreg s11  }
0x11: {  	s14 =	sadd.s32 s2, s24;
	s24 =	simm.s32 $0x19700;
	[dreg:$0x6] =	wrdreg s25  }
0x12: {  	[dreg:$0x7] =	wrdreg s12;
	s15 =	sadd.s32 s6, s26;
	s16 =	sadd.s32 s7, s26  }
0x13: {  	v0 =	vimm.f32 $0.0e+00;
	s17 =	sadd.s32 s2, s26;
	s25 =	simm.s32 $0x1;
	s26 =	simm.s32 $0xFA0  }
.LBB2_1:
0x14: {  	s0 =	simm.s32 $0x40;
	s1 =	simm.s32 $0x0  }
.LBB2_2:
0x15: {  	p0 =	sne.s32 s0, $0x3E40;
	[tilespmem:s1+$0x1C700] =	vst v0;
	s1 =	smov.u32 s0;
	s0 =	sadd.s32 $0x40, s0  }
.Ltmp0:
0x16: {  	(pc) =	sbr.rel @p0 .LBB2_2-.Ltmp0, $2  }
0x17: {  	_ =	sdelay $0x2  }
0x18: {  	s1 =	sshra.s32 s1, $0x2  }
0x19: {  	[tilespmem:s1+$0x1C700] =	vst v0  }
0x1a: {  	[spmem:s9] =	stream.linear.scatter [tilespmem:s20], [sflag:$0x4], $0xFA0, $0x38;
	[tilespmem:$0x1FF80] =	vst v63  }
0x1b: {  	_ =	swait.ge [sflag:s21], $0xFA0  }
0x1c: {  	[sflag:s21] =	ssyncset.done $0x0  }
0x1d: {  	s0 =	rddreg [dreg:$0x5];
	[sflag:s21] =	ssyncadd.s32 $0xFFFFF060  }
0x1e: {  	[spmem:s0] =	stream.linear.scatter [tilespmem:s20], [sflag:$0x4], $0x8E0, $0x38;
	[tilespmem:$0x1FF80] =	vst v63  }
0x1f: {  	_ =	swait.ge [sflag:s21], $0x8E0  }
0x20: {  	[sflag:s21] =	ssyncset.done $0x0  }
0x21: {  	[sflag:s21] =	ssyncadd.s32 $0xFFFFF720  }
0x22: {  	s0 =	simm.s32 $0x0;
	s11 =	rddreg [dreg:$0x0]  }
0x23: {  	[tilespmem:s0], [sflag:$0x4] =	stream.linear.gather [hbm4b:s11+s0], $0x186A0, $0x38;
	[tilespmem:$0x1FF80] =	vst v63  }
0x24: {  	_ =	swait.ge [sflag:s21], $0x186A0  }
0x25: {  	[sflag:s21] =	ssyncset.done $0x0  }
0x26: {  	[sflag:s21] =	ssyncadd.s32 $0xFFFE7960  }
0x27: {  	[bflag:$0x0] =	sbarrier.arrive $0xFFFF  }
0x28: {  	s12 =	rddreg [dreg:$0x6]  }
0x29: {  	[tilespmem:s22], [sflag:$0x1] =	stream.linear.gather [hbm4b:s12+s0], $0xFA0, $0x38;
	[tilespmem:$0x1FF80] =	vst v63  }
0x2a: {  	s13 =	rddreg [dreg:$0x7]  }
0x2b: {  	[tilespmem:s23], [sflag:$0x1] =	stream.linear.gather [hbm4b:s13+s0], $0xFA0, $0x38;
	[tilespmem:$0x1FF80] =	vst v63  }
0x2c: {  	_ = 	snop  }
0x2d: {  	[tilespmem:s24], [sflag:$0x1] =	stream.linear.gather [hbm4b:s14+s0], $0xFA0, $0x38;
	[tilespmem:$0x1FF80] =	vst v63  }
0x2e: {  	_ =	swait.ge [sflag:s25], $0xFA0  }
0x2f: {  	[sflag:s25] =	ssyncset.done $0x0  }
0x30: {  	[sflag:s25] =	ssyncadd.s32 $0xFFFFF060  }
0x31: {  	_ =	swait.ge [sflag:s25], $0xFA0  }
0x32: {  	[sflag:s25] =	ssyncset.done $0x0  }
0x33: {  	[sflag:s25] =	ssyncadd.s32 $0xFFFFF060  }
0x34: {  	_ =	swait.ge [sflag:s25], $0xFA0  }
0x35: {  	[sflag:s25] =	ssyncset.done $0x0  }
0x36: {  	s0 =	simm.s32 $0x0;
	[sflag:s25] =	ssyncadd.s32 $0xFFFFF060  }
0x37: {  	v2 =	vld [tilespmem:s0+$0x18700];
	_ =	sdelay $0x6  }
0x38: {  	v1 =	vld [tilespmem:s0+$0x19700]  }
0x39: {  	s1 =	simm.s32 $0x10;
	s11 =	simm.s32 $0x80;
	v2 =	vld.idx.msk [tilespmem:v2+s5+$0x0], $0xffff  }
.LBB2_4:
0x3a: {  	p0 =	sne.s32 s11, $0x3E40;
	v3 =	vld [tilespmem:s1+$0x18700];
	_ =	sdelay $0x3  }
.Ltmp1:
0x3b: {  	(pc) =	sbr.rel @p0 .LBB2_4-.Ltmp1, $3  }
0x3c: {  	v2 =	vmul.f32 v1, v2;
	_ =	sdelay $0x1  }
0x3d: {  	v1 =	vld [tilespmem:s1+$0x19700];
	[tilespmem:s0+$0x1C700] =	vst v2;
	s0 =	smov.u32 s1  }
0x3e: {  	s1 =	sshra.s32 s11, $0x2;
	s11 =	sadd.s32 $0x40, s11;
	v2 =	vld.idx.msk [tilespmem:v3+s5+$0x0], $0xffff  }
0x3f: {  	v3 =	vld [tilespmem:s1+$0x18700];
	_ =	sdelay $0x4  }
0x40: {  	v1 =	vmul.f32 v1, v2;
	_ =	sdelay $0x1  }
0x41: {  	v2 =	vld [tilespmem:s1+$0x19700];
	[tilespmem:s0+$0x1C700] =	vst v1  }
0x42: {  	v1 =	vld.idx.msk [tilespmem:v3+s5+$0x0], $0xffff;
	_ =	sdelay $0x4  }
0x43: {  	v1 =	vmul.f32 v2, v1;
	_ =	sdelay $0x1  }
0x44: {  	[tilespmem:s1+$0x1C700] =	vst v1  }
0x45: {  	[spmem:s4] =	stream.indirect.scatter.add.f32 [tilespmem:s20], [sflag:$0x2], $0x1, s23, s26, $0xb8;
	[tilespmem:$0x1FF80] =	vst v63  }
0x46: {  	s13 =	simm.s32 $0x0  }
0x47: {  	[tilespmem:s22], [sflag:$0x1] =	stream.linear.gather [hbm4b:s15+s13], $0xFA0, $0x38;
	[tilespmem:$0x1FF80] =	vst v63  }
0x48: {  	_ = 	snop  }
0x49: {  	[tilespmem:s28], [sflag:$0x1] =	stream.linear.gather [hbm4b:s16+s13], $0xFA0, $0x38;
	[tilespmem:$0x1FF80] =	vst v63  }
0x4a: {  	_ = 	snop  }
0x4b: {  	[tilespmem:s24], [sflag:$0x1] =	stream.linear.gather [hbm4b:s17+s13], $0xFA0, $0x38;
	[tilespmem:$0x1FF80] =	vst v63  }
0x4c: {  	_ =	swait.ge [sflag:s25], $0xFA0  }
0x4d: {  	[sflag:s25] =	ssyncset.done $0x0  }
0x4e: {  	[sflag:s25] =	ssyncadd.s32 $0xFFFFF060  }
0x4f: {  	_ =	swait.ge [sflag:s25], $0xFA0  }
0x50: {  	[sflag:s25] =	ssyncset.done $0x0  }
0x51: {  	[sflag:s25] =	ssyncadd.s32 $0xFFFFF060  }
0x52: {  	_ =	swait.ge [sflag:s25], $0xFA0  }
0x53: {  	[sflag:s25] =	ssyncset.done $0x0  }
0x54: {  	s0 =	simm.s32 $0x0;
	[sflag:s25] =	ssyncadd.s32 $0xFFFFF060  }
0x55: {  	v2 =	vld [tilespmem:s0+$0x18700];
	_ =	sdelay $0x6  }
0x56: {  	v1 =	vld [tilespmem:s0+$0x19700]  }
0x57: {  	s11 =	simm.s32 $0x80;
	s1 =	simm.s32 $0x10;
	v2 =	vld.idx.msk [tilespmem:v2+s5+$0x0], $0xffff  }
.LBB2_6:
0x58: {  	p0 =	sne.s32 s11, $0x3E40;
	v3 =	vld [tilespmem:s1+$0x18700];
	_ =	sdelay $0x3  }
.Ltmp2:
0x59: {  	(pc) =	sbr.rel @p0 .LBB2_6-.Ltmp2, $3  }
0x5a: {  	v2 =	vmul.f32 v1, v2;
	_ =	sdelay $0x1  }
0x5b: {  	v1 =	vld [tilespmem:s1+$0x19700];
	[tilespmem:s0+$0x1D700] =	vst v2;
	s0 =	smov.u32 s1  }
0x5c: {  	s1 =	sshra.s32 s11, $0x2;
	s11 =	sadd.s32 $0x40, s11;
	v2 =	vld.idx.msk [tilespmem:v3+s5+$0x0], $0xffff  }
0x5d: {  	v3 =	vld [tilespmem:s1+$0x18700];
	_ =	sdelay $0x4  }
0x5e: {  	v1 =	vmul.f32 v1, v2;
	_ =	sdelay $0x1  }
0x5f: {  	v2 =	vld [tilespmem:s1+$0x19700];
	[tilespmem:s0+$0x1D700] =	vst v1  }
0x60: {  	v1 =	vld.idx.msk [tilespmem:v3+s5+$0x0], $0xffff;
	_ =	sdelay $0x4  }
0x61: {  	v1 =	vmul.f32 v2, v1;
	_ =	sdelay $0x1  }
0x62: {  	s0 =	simm.s32 $0x1;
	[tilespmem:s1+$0x1D700] =	vst v1  }
0x63: {  	[spmem:s4] =	stream.indirect.scatter.add.f32 [tilespmem:s29], [sflag:$0x3], $0x1, s28, s26, $0xb8;
	[tilespmem:$0x1FF80] =	vst v63  }
.LBB2_8:
0x64: {  	s1 =	smul.u32 $0x1F40, s0;
	_ =	sdelay $0x1  }
0x65: {  	_ =	swait.ge [sflag:s30], $0xFA0;
	s11 =	sadd.s32 s8, s1  }
0x66: {  	[sflag:s30] =	ssyncset.done $0x0;
	s11 =	sshrl.u32 s11, $0x3  }
0x67: {  	s13 =	simm.s32 $0x0;
	[sflag:s30] =	ssyncadd.s32 $0xFFFFF060;
	s12 =	sadd.s32 s6, s11  }
0x68: {  	[tilespmem:s22], [sflag:$0x1] =	stream.linear.gather [hbm4b:s12+s13], $0xFA0, $0x38;
	[tilespmem:$0x1FF80] =	vst v63  }
0x69: {  	s12 =	sadd.s32 s7, s11  }
0x6a: {  	[tilespmem:s23], [sflag:$0x1] =	stream.linear.gather [hbm4b:s12+s13], $0xFA0, $0x38;
	[tilespmem:$0x1FF80] =	vst v63  }
0x6b: {  	s11 =	sadd.s32 s2, s11  }
0x6c: {  	[tilespmem:s24], [sflag:$0x1] =	stream.linear.gather [hbm4b:s11+s13], $0xFA0, $0x38;
	[tilespmem:$0x1FF80] =	vst v63  }
0x6d: {  	_ =	swait.ge [sflag:s25], $0xFA0  }
0x6e: {  	[sflag:s25] =	ssyncset.done $0x0  }
0x6f: {  	[sflag:s25] =	ssyncadd.s32 $0xFFFFF060  }
0x70: {  	_ =	swait.ge [sflag:s25], $0xFA0  }
0x71: {  	[sflag:s25] =	ssyncset.done $0x0  }
0x72: {  	[sflag:s25] =	ssyncadd.s32 $0xFFFFF060  }
0x73: {  	_ =	swait.ge [sflag:s25], $0xFA0  }
0x74: {  	[sflag:s25] =	ssyncset.done $0x0  }
0x75: {  	s11 =	simm.s32 $0x0;
	[sflag:s25] =	ssyncadd.s32 $0xFFFFF060  }
0x76: {  	v2 =	vld [tilespmem:s11+$0x18700];
	_ =	sdelay $0x6  }
0x77: {  	v1 =	vld [tilespmem:s11+$0x19700]  }
0x78: {  	s12 =	simm.s32 $0x10;
	s13 =	simm.s32 $0x80;
	v2 =	vld.idx.msk [tilespmem:v2+s5+$0x0], $0xffff  }
.LBB2_9:
0x79: {  	p0 =	sne.s32 s13, $0x3E40;
	v3 =	vld [tilespmem:s12+$0x18700];
	_ =	sdelay $0x3  }
.Ltmp3:
0x7a: {  	(pc) =	sbr.rel @p0 .LBB2_9-.Ltmp3, $3  }
0x7b: {  	v2 =	vmul.f32 v1, v2;
	_ =	sdelay $0x1  }
0x7c: {  	v1 =	vld [tilespmem:s12+$0x19700];
	[tilespmem:s11+$0x1C700] =	vst v2;
	s11 =	smov.u32 s12  }
0x7d: {  	s12 =	sshra.s32 s13, $0x2;
	s13 =	sadd.s32 $0x40, s13;
	v2 =	vld.idx.msk [tilespmem:v3+s5+$0x0], $0xffff  }
0x7e: {  	v3 =	vld [tilespmem:s12+$0x18700];
	_ =	sdelay $0x4  }
0x7f: {  	v1 =	vmul.f32 v1, v2;
	_ =	sdelay $0x1  }
0x80: {  	v2 =	vld [tilespmem:s12+$0x19700];
	[tilespmem:s11+$0x1C700] =	vst v1  }
0x81: {  	v1 =	vld.idx.msk [tilespmem:v3+s5+$0x0], $0xffff;
	_ =	sdelay $0x4  }
0x82: {  	v1 =	vmul.f32 v2, v1;
	_ =	sdelay $0x1  }
0x83: {  	[tilespmem:s12+$0x1C700] =	vst v1  }
0x84: {  	[spmem:s4] =	stream.indirect.scatter.add.f32 [tilespmem:s20], [sflag:$0x2], $0x1, s23, s26, $0xb8;
	[tilespmem:$0x1FF80] =	vst v63  }
0x85: {  	s1 =	sadd.s32 s1, s10;
	_ =	swait.ge [sflag:s31], $0xFA0  }
0x86: {  	s1 =	sshrl.u32 s1, $0x3;
	[sflag:s31] =	ssyncset.done $0x0  }
0x87: {  	s13 =	sadd.s32 s6, s1;
	s12 =	simm.s32 $0x0;
	[sflag:s31] =	ssyncadd.s32 $0xFFFFF060  }
0x88: {  	[tilespmem:s22], [sflag:$0x1] =	stream.linear.gather [hbm4b:s13+s12], $0xFA0, $0x38;
	[tilespmem:$0x1FF80] =	vst v63  }
0x89: {  	s13 =	sadd.s32 s7, s1  }
0x8a: {  	[tilespmem:s28], [sflag:$0x1] =	stream.linear.gather [hbm4b:s13+s12], $0xFA0, $0x38;
	[tilespmem:$0x1FF80] =	vst v63  }
0x8b: {  	s1 =	sadd.s32 s2, s1  }
0x8c: {  	[tilespmem:s24], [sflag:$0x1] =	stream.linear.gather [hbm4b:s1+s12], $0xFA0, $0x38;
	[tilespmem:$0x1FF80] =	vst v63  }
0x8d: {  	_ =	swait.ge [sflag:s25], $0xFA0  }
0x8e: {  	[sflag:s25] =	ssyncset.done $0x0  }
0x8f: {  	[sflag:s25] =	ssyncadd.s32 $0xFFFFF060  }
0x90: {  	_ =	swait.ge [sflag:s25], $0xFA0  }
0x91: {  	[sflag:s25] =	ssyncset.done $0x0  }
0x92: {  	[sflag:s25] =	ssyncadd.s32 $0xFFFFF060  }
0x93: {  	_ =	swait.ge [sflag:s25], $0xFA0  }
0x94: {  	[sflag:s25] =	ssyncset.done $0x0  }
0x95: {  	s1 =	simm.s32 $0x0;
	[sflag:s25] =	ssyncadd.s32 $0xFFFFF060  }
0x96: {  	v2 =	vld [tilespmem:s1+$0x18700];
	_ =	sdelay $0x6  }
0x97: {  	v1 =	vld [tilespmem:s1+$0x19700]  }
0x98: {  	s11 =	simm.s32 $0x10;
	s12 =	simm.s32 $0x80;
	v2 =	vld.idx.msk [tilespmem:v2+s5+$0x0], $0xffff  }
.LBB2_11:
0x99: {  	p0 =	sne.s32 s12, $0x3E40;
	v3 =	vld [tilespmem:s11+$0x18700];
	_ =	sdelay $0x3  }
.Ltmp4:
0x9a: {  	(pc) =	sbr.rel @p0 .LBB2_11-.Ltmp4, $3  }
0x9b: {  	v2 =	vmul.f32 v1, v2;
	_ =	sdelay $0x1  }
0x9c: {  	v1 =	vld [tilespmem:s11+$0x19700];
	[tilespmem:s1+$0x1D700] =	vst v2;
	s1 =	smov.u32 s11  }
0x9d: {  	s11 =	sshra.s32 s12, $0x2;
	s12 =	sadd.s32 $0x40, s12;
	v2 =	vld.idx.msk [tilespmem:v3+s5+$0x0], $0xffff  }
0x9e: {  	v3 =	vld [tilespmem:s11+$0x18700];
	_ =	sdelay $0x4  }
0x9f: {  	v1 =	vmul.f32 v1, v2;
	_ =	sdelay $0x1  }
0xa0: {  	v2 =	vld [tilespmem:s11+$0x19700];
	[tilespmem:s1+$0x1D700] =	vst v1  }
0xa1: {  	v1 =	vld.idx.msk [tilespmem:v3+s5+$0x0], $0xffff;
	_ =	sdelay $0x1  }
0xa2: {  	s0 =	sadd.s32 $0x1, s0  }
0xa3: {  	p0 =	sne.s32 s0, $0x19  }
.Ltmp5:
0xa4: {  	_ = 	snop;
	(pc) =	sbr.rel @p0 .LBB2_8-.Ltmp5, $3  }
0xa5: {  	v1 =	vmul.f32 v2, v1;
	_ =	sdelay $0x1  }
0xa6: {  	[tilespmem:s11+$0x1D700] =	vst v1  }
0xa7: {  	[spmem:s4] =	stream.indirect.scatter.add.f32 [tilespmem:s29], [sflag:$0x3], $0x1, s28, s26, $0xb8;
	[tilespmem:$0x1FF80] =	vst v63  }
0xa8: {  	_ =	swait.ge [sflag:s30], $0xFA0  }
0xa9: {  	[sflag:s30] =	ssyncset.done $0x0  }
0xaa: {  	s0 =	stileid.u32;
	[sflag:s30] =	ssyncadd.s32 $0xFFFFF060  }
0xab: {  	s1 =	sshrl.u32 s9, $0x3;
	s11 =	simm.s32 $0x20;
	_ =	swait.ge [sflag:s31], $0xFA0  }
0xac: {  	s12 =	simm.s32 $0x10;
	s3 =	sadd.s32 $0x1, s3;
	[sflag:s31] =	ssyncset.done $0x0  }
0xad: {  	s0 =	sshll.u32 s0, $0x6;
	p0 =	sne.s32 s3, s19;
	[sflag:s31] =	ssyncadd.s32 $0xFFFFF060  }
.Ltmp6:
0xae: {  	s0 =	sor.u32 $0x1C04, s0;
	[bflag:$0x0] =	sbarrier.arrive $0xFFFF;
	(pc) =	sbr.rel @p0 .LBB2_1-.Ltmp6, $4  }
0xaf: {  	[hbm:s18@s11], [sflag:s0] =	dma.strided [spmem:s1@s12], $0x310, s25, $0x10   }
0xb0: {  	_ =	swait.ge [sflag:s21], $0x310  }
0xb1: {  	[sflag:s21] =	ssyncset.done $0x0  }
0xb2: {  	[sflag:s21] =	ssyncadd.s32 $0xFFFFFCF0  }
0xb3: {  	_ =	sfence.sel $0x180000  }
0xb4: {  	[bflag:$0x0] =	sbarrier.arrive $0xFFFF  }
0xb5: {  	_ =	strace $0x9000004D  }
0xb6: {  	s0 =	stileid.u32;
	[bflag:$0x2] =	sbarrier.arrive $0xFFFF  }
0xb7: {  	p0 =	sne.s32 s0, $0x0;
	s0 =	rddreg [dreg:$0x4]  }
0xb8: {  	s0 =	sadd.s32 @!p0 $0x100000, s0  }
0xb9: {  	[sflag:s0] =	ssyncadd.tile.s32 @!p0 $0x1;
	_ =	shalt  }
.Lfunc_end2:
_tile_overlayer_lowered:
.L_overlay_start_2:
0xba: {  	(tag) =	ssettag $0x2  }
0xbb: {  	s0 =	rddreg [dreg:$0x0];
	s2 =	stileid.u32  }
0xbc: {  	s1 =	rddreg [dreg:$0x1];
	p0 =	sne.s32 s2, $0x0  }
0xbd: {  	s3 =	rddreg [dreg:$0x2];
	[bflag:$0x3] =	sbarrier.arrive $0xFFFF;
	s2 =	simm.s32 @!p0 $0x1C04  }
0xbe: {  	[timem:s3], [sflag:s2] =	dma.local @!p0 [hbm:s0], s1  }
0xbf: {  	s0 =	simm.s32 @!p0 $0x4  }
0xc0: {  	_ =	swait.ge @!p0 [sflag:s0], s1  }
0xc1: {  	s1 =	ssub.s32 @!p0 $0x0, s1;
	[sflag:s0] =	ssyncset.done @!p0 $0x0  }
0xc2: {  	[sflag:s0] =	ssyncadd.s32 @!p0 s1  }
0xc3: {  	[bflag:$0x3] =	sbarrier.arrive $0xFFFF  }
0xc4: {  	_ =	shalt  }

// kernel: kernel.24.cloned.1.call-start
scs
__scs_entry_jumppad:
0x0: {  	(pc) =	sbr.rel $0x88, $3  }
0x1: {  	(tag) =	ssettag $0x0;
	lr =	simm.s32 $0x1  }
0x2: {  	[smem:$0x3F9E] =	sst lr;
	_ =	strace $0xD0000000  }
0x3: {  	_ = 	snop  }
0x4: {  	_ = 	snop  }
0x5: {  	_ = 	snop  }
0x6: {  	_ = 	snop  }
0x7: {  	_ = 	snop  }
__scs_overlays_trampoline_lowered:
0x8: {  	[smem:$0x3FAD] =	sst s0  }
0x9: {  	[smem:$0x3FAE] =	sst s1  }
0xa: {  	[smem:$0x3FAF] =	sst s2  }
0xb: {  	[smem:$0x3FB0] =	sst s3  }
0xc: {  	[smem:$0x3FB1] =	sst s4  }
0xd: {  	[smem:$0x3FB2] =	sst s5  }
0xe: {  	[smem:$0x3FB3] =	sst s6  }
0xf: {  	[smem:$0x3FB4] =	sst s7  }
0x10: {  	[smem:$0x3FB5] =	sst s8  }
0x11: {  	[smem:$0x3FB6] =	sst s9;
	s0 =	simm.s32 @!p0 $0x0  }
0x12: {  	s1 =	sld [smem:$0x3F9C];
	s0 =	simm.s32 @p0 $0x1  }
0x13: {  	[smem:$0x3FB7] =	sst s0;
	s0 =	simm.s32 @!p1 $0x0  }
0x14: {  	s2 =	sld [smem:$0x3F9B];
	s0 =	simm.s32 @p1 $0x1  }
0x15: {  	[smem:$0x3FB8] =	sst s0;
	s0 =	simm.s32 @!p2 $0x0  }
0x16: {  	s3 =	sld [smem:$0x3FDB];
	s0 =	simm.s32 @p2 $0x1  }
0x17: {  	s4 =	simm.s32 $0x1BF5;
	[smem:$0x3FBA] =	sst s0  }
0x18: {  	s0 =	sld [smem:$0x3F9D];
	_ =	swait.ge [sflag:s4], $0x0  }
0x19: {  	s7 =	sld [smem:$0x3F9E]  }
0x1a: {  	s8 =	sadd.s32 $0xFFFFE003, lr  }
0x1b: {  	s9 =	sadd.s32 $0xFFFFFEF7, lr;
	s5 =	simm.s32 $0xFFFFFFFF;
	p2 =	slt.u32 s8, $0xFFFFF086  }
0x1c: {  	p1 =	slt.u32 s9, $0xF7A;
	s5 =	simm.s32 @!p2 $0x0  }
0x1d: {  	s5 =	simm.s32 @p1 $0x1;
	p0 =	seq.s32 s7, s2  }
0x1e: {  	s7 =	smul.u32 @!p0 $0xF7A, s2;
	p2 =	seq.s32 @!p0 s5, $0x0  }
0x1f: {  	s9 =	smul.u32 $0xF7A, s1;
	s8 =	simm.s32 @!p0 $0x1BF5;
	p2 =	por !p2, p0  }
0x20: {  	[sflag:s8] =	ssyncset.s32 @!p0 $0xFFFFF086;
	s6 =	sadd.s32 @!p0 s3, s7;
	s7 =	simm.s32 @!p0 $0x108  }
0x21: {  	s3 =	sadd.s32 s3, s9;
	s6 =	sadd.s32 @!p0 $0x88, s6;
	s7 =	simm.s32 @p2 $0x1082  }
0x22: {  	[simem:s7], [sflag:s8] =	dma.local @!p0 [hbm:s6], $0xF7A  }
0x23: {  	s9 =	sor.u32 $0xD0000000, s2;
	s6 =	simm.s32 $0x108;
	_ =	swait.ge @!p0 [sflag:s8], $0x0  }
0x24: {  	s3 =	sadd.s32 $0x88, s3;
	s6 =	simm.s32 @!p1 $0x1082;
	[sflag:s4] =	ssyncset.s32 $0xFFFFF086  }
0x25: {  	[simem:s6], [sflag:s4] =	dma.local [hbm:s3], $0xF7A  }
0x26: {  	[smem:$0x3F9E] =	sst s1;
	(tag) =	ssettag s2;
	_ =	strace s9  }
0x27: {  	s1 =	sld [smem:$0x3FAE]  }
0x28: {  	s2 =	sld [smem:$0x3FAF]  }
0x29: {  	s4 =	sld [smem:$0x3FB1]  }
0x2a: {  	p0 =	seq.s32 s5, $0x0;
	s5 =	sld [smem:$0x3FB2]  }
0x2b: {  	s6 =	sld [smem:$0x3FB3]  }
0x2c: {  	s7 =	sld [smem:$0x3FB4]  }
0x2d: {  	s3 =	simm.s32 $0x108;
	s8 =	sld [smem:$0x3FB5]  }
0x2e: {  	s3 =	simm.s32 @!p0 $0x1082;
	s9 =	sld [smem:$0x3FB6]  }
0x2f: {  	lr =	sadd.s32 s0, s3;
	s0 =	sld [smem:$0x3FAD]  }
0x30: {  	s3 =	sld [smem:$0x3FB0]  }
0x31: {  	[smem:$0x3FB9] =	sst s10  }
0x32: {  	s10 =	sld [smem:$0x3FB7];
	_ =	sdelay $0x3  }
0x33: {  	p0 =	seq.s32 s10, $0x1;
	s10 =	sld [smem:$0x3FB9];
	_ =	sdelay $0x3  }
0x34: {  	[smem:$0x3FB9] =	sst s10  }
0x35: {  	s10 =	sld [smem:$0x3FB8];
	_ =	sdelay $0x3  }
0x36: {  	p1 =	seq.s32 s10, $0x1;
	s10 =	sld [smem:$0x3FB9];
	_ =	sdelay $0x3  }
0x37: {  	[smem:$0x3FB9] =	sst s10  }
0x38: {  	s10 =	sld [smem:$0x3FBA]  }
0x39: {  	_ = 	snop;
	(pc) =	sbr.ind lr, $3  }
0x3a: {  	_ = 	snop  }
0x3b: {  	_ = 	snop  }
0x3c: {  	p2 =	seq.s32 s10, $0x1;
	s10 =	sld [smem:$0x3FB9]  }
0x3d: {  	_ =	shalt  }
0x3e: {  	_ =	shalt  }
0x3f: {  	_ =	shalt  }
0x40: {  	_ =	shalt  }
0x41: {  	_ =	shalt  }
0x42: {  	_ =	shalt  }
0x43: {  	_ =	shalt  }
0x44: {  	_ =	shalt  }
0x45: {  	_ =	shalt  }
0x46: {  	_ =	shalt  }
0x47: {  	_ =	shalt  }
0x48: {  	_ =	shalt  }
0x49: {  	_ =	shalt  }
0x4a: {  	_ =	shalt  }
0x4b: {  	_ =	shalt  }
0x4c: {  	_ =	shalt  }
0x4d: {  	_ =	shalt  }
0x4e: {  	_ =	shalt  }
0x4f: {  	_ =	shalt  }
0x50: {  	_ =	shalt  }
0x51: {  	_ =	shalt  }
0x52: {  	_ =	shalt  }
0x53: {  	_ =	shalt  }
0x54: {  	_ =	shalt  }
0x55: {  	_ =	shalt  }
0x56: {  	_ =	shalt  }
0x57: {  	_ =	shalt  }
0x58: {  	_ =	shalt  }
0x59: {  	_ =	shalt  }
0x5a: {  	_ =	shalt  }
0x5b: {  	_ =	shalt  }
0x5c: {  	_ =	shalt  }
0x5d: {  	_ =	shalt  }
0x5e: {  	_ =	shalt  }
0x5f: {  	_ =	shalt  }
0x60: {  	_ =	shalt  }
0x61: {  	_ =	shalt  }
0x62: {  	_ =	shalt  }
0x63: {  	_ =	shalt  }
0x64: {  	_ =	shalt  }
0x65: {  	_ =	shalt  }
0x66: {  	_ =	shalt  }
0x67: {  	_ =	shalt  }
0x68: {  	_ =	shalt  }
0x69: {  	_ =	shalt  }
0x6a: {  	_ =	shalt  }
0x6b: {  	_ =	shalt  }
0x6c: {  	_ =	shalt  }
0x6d: {  	_ =	shalt  }
0x6e: {  	_ =	shalt  }
0x6f: {  	_ =	shalt  }
0x70: {  	_ =	shalt  }
0x71: {  	_ =	shalt  }
0x72: {  	_ =	shalt  }
0x73: {  	_ =	shalt  }
0x74: {  	_ =	shalt  }
0x75: {  	_ =	shalt  }
0x76: {  	_ =	shalt  }
0x77: {  	_ =	shalt  }
0x78: {  	_ =	shalt  }
0x79: {  	_ =	shalt  }
0x7a: {  	_ =	shalt  }
0x7b: {  	_ =	shalt  }
0x7c: {  	_ =	shalt  }
0x7d: {  	_ =	shalt  }
0x7e: {  	_ =	shalt  }
0x7f: {  	_ =	shalt  }
0x80: {  	_ =	shalt  }
0x81: {  	_ =	shalt  }
0x82: {  	_ =	shalt  }
0x83: {  	_ =	shalt  }
0x84: {  	_ =	shalt  }
0x85: {  	_ =	shalt  }
0x86: {  	_ =	shalt  }
0x87: {  	_ =	shalt  }
.Lfunc_end0:
.L_simem_size_0:
called_computation.3_lowered:
.L_overlay_start_0:
0x88: {  	s2 =	sld [smem:$0x3FD9]  }
0x89: {  	s3 =	sld [smem:$0x3FFE];
	_ =	sdelay $0x1  }
0x8a: {  	s1 =	srdreg.scid  }
0x8b: {  	s0 =	sand.u32 $0x1, s1  }
0x8c: {  	s17 =	sshll.u32 s0, $0xA;
	s2 =	sadd.s32 s3, s2  }
0x8d: {  	s2 =	sadd.s32 s2, s17  }
0x8e: {  	[smem:$0x3FC5] =	sst s2  }
0x8f: {  	_ = 	snop  }
0x90: {  	s2 =	sld [smem:$0x3FC7];
	(tm) =	ssettm $0x1  }
0x91: {  	s18 =	sld [smem:$0x3FFB];
	_ =	sdelay $0x3  }
0x92: {  	_ =	strace s18  }
0x93: {  	s3 =	sld [smem:$0x3FFC];
	_ =	sdelay $0x3  }
0x94: {  	_ =	strace s3  }
0x95: {  	s3 =	sld [smem:$0x3FFD];
	_ =	sdelay $0x3  }
0x96: {  	_ =	strace s3  }
0x97: {  	_ =	strace $0x8FFFFFFF  }
0x98: {  	s19 =	sld [smem:$0x3FDB];
	_ =	sdelay $0x1  }
0x99: {  	s4 =	simm.s32 $_scs_section_size  }
0x9a: {  	s5 =	simm.s32 $_size__tile_overlayer_lowered;
	s6 =	simm.s32 $_tile_overlayer_lowered  }
0x9b: {  	s22 =	simm.s32 $0x1BFF;
	s21 =	sshll.u32 s6, $0x1;
	s3 =	sadd.s32 s4, s19  }
0x9c: {  	s7 =	simm.s32 $0x0;
	s20 =	sshll.u32 s5, $0x1;
	s5 =	sadd.s32 s21, s3  }
0x9d: {  	[timem:s7], [sflag:s22] =	dma.local [hbm:s5], s20  }
0x9e: {  	_ =	swait.ge [sflag:s22], s20  }
0x9f: {  	s4 =	ssub.s32 $0x0, s20;
	[sflag:s22] =	ssyncset.done $0x0  }
0xa0: {  	[sflag:s22] =	ssyncadd.s32 s4;
	_ =	sdelay $0x1  }
0xa1: {  	s23 =	simm.s32 $0x1B8B  }
0xa2: {  	_ =	swait.ge [sflag:s23], $0x1  }
0xa3: {  	[sflag:s23] =	ssyncset.done $0x0  }
0xa4: {  	s25 =	simm.s32 $0x1B8E;
	s24 =	sld [smem:$0x3FFE];
	[sflag:s23] =	ssyncadd.s32 $0xFFFFFFFF  }
0xa5: {  	s26 =	simm.s32 $execute0_lowered;
	[smem:$0x3FD2] =	sst s25  }
0xa6: {  	s5 =	sshll.u32 s26, $0x1;
	_ =	strace $0x8000004F;
	[dreg:$0x1] =	wrdreg $0xFFFFFFFF  }
0xa7: {  	s28 =	simm.s32 $_size_execute0_lowered;
	s3 =	sadd.s32 s3, s5;
	[dreg:$0x0] =	wrdreg $0x0  }
0xa8: {  	s5 =	sshll.u32 s28, $0x1;
	[dreg:$0x2] =	wrdreg s3  }
0xa9: {  	[dreg:$0x3] =	wrdreg s5  }
0xaa: {  	[dreg:$0x4] =	wrdreg $0xC0  }
0xab: {  	_ =	task [dreg:s7], $0x5FFFF  }
0xac: {  	[dreg:$0x1] =	wrdreg $0xFFFFFFFF  }
0xad: {  	[dreg:$0x0] =	wrdreg $0x60  }
0xae: {  	[dreg:$0x2] =	wrdreg s24  }
0xaf: {  	[dreg:$0x3] =	wrdreg s2  }
0xb0: {  	[dreg:$0x4] =	wrdreg $0x1E7000  }
0xb1: {  	[dreg:$0x5] =	wrdreg $0x9  }
0xb2: {  	_ =	task.clear_ibuf [dreg:s7], $0x6FFFF;
	_ =	strace $0x9000004F  }
0xb3: {  	s29 =	simm.s32 $0x9;
	_ =	strace $0x80000051  }
0xb4: {  	_ =	swait.ge [sflag:s29], $0x1  }
0xb5: {  	[sflag:s29] =	ssyncadd.s32 $0xFFFFFFFF  }
0xb6: {  	_ =	strace $0x90000051  }
0xb7: {  	_ =	sfence  }
0xb8: {  	s30 =	sld [smem:$0x0];
	_ =	sdelay $0x2  }
0xb9: {  	s31 =	sshll.u32 s1, $0xD;
	s1 =	sshrl.u32 s1, $0x2  }
0xba: {  	s3 =	sand.u32 $0x4000, s31;
	s1 =	sadd.s32 s1, s30  }
0xbb: {  	s0 =	sor.u32 s3, s0;
	s1 =	sshll.u32 s1, $0x11  }
0xbc: {  	s0 =	sor.u32 s1, s0  }
0xbd: {  	s0 =	sadd.s32 $0x8F2B, s0  }
0xbe: {  	[sflag:s0] =	ssyncadd.remote.s32 $0x1  }
0xbf: {  	_ =	sfence.sel $0xFFFF  }
0xc0: {  	[dreg:$0x0] =	wrdreg $0xFFFFFFFF;
	(pc) =	sbr.abs _section_cstart, $3  }
0xc1: {  	[dreg:$0x1] =	wrdreg $0xFFFFFFFF  }
0xc2: {  	_ =	task.clear_ibuf [dreg:s7], $0x2FFFF;
	_ =	strace $0x9FFFFFFF  }
0xc3: {  	(tm) =	ssettm $0x7FFFFFFF  }
tec
execute0_lowered:
.L_overlay_start_1:
0x0: {  	(tag) =	ssettag $0x1  }
0x1: {  	s0 =	rddreg [dreg:$0x0]  }
0x2: {  	s1 =	rddreg [dreg:$0x1]  }
0x3: {  	s2 =	rddreg [dreg:$0x2]  }
0x4: {  	s4 =	simm.s32 $0x0;
	s3 =	srdreg.scid;
	s9 =	stileid.u32  }
0x5: {  	s20 =	simm.s32 $0x1C700;
	s21 =	simm.s32 $0x4;
	s28 =	simm.s32 $0x1B700  }
0x6: {  	s29 =	simm.s32 $0x1D700;
	s30 =	simm.s32 $0x2;
	s31 =	simm.s32 $0x3  }
0x7: {  	[smem:$0x7FF] =	sst s4;
	s3 =	sand.u32 $0x1, s3;
	s6 =	sadd.s32 $0x18A400, s0  }
0x8: {  	s5 =	smul.u32 $0x3100, s9;
	s7 =	sadd.s32 $0xC6E00, s0;
	_ =	strace $0x80000050  }
0x9: {  	[dreg:$0x4] =	wrdreg s6;
	s6 =	sadd.s32 $0x3800, s0;
	s8 =	sshll.u32 s3, $0x7  }
0xa: {  	s22 =	sshll.u32 s3, $0x4;
	s3 =	ssub.s32 $0x2, s3;
	s5 =	sor.u32 s8, s5  }
0xb: {  	s8 =	sor.u32 s9, s22;
	s9 =	smul.u32 $0x6200, s9;
	s10 =	sshrl.u32 s3, $0x1  }
0xc: {  	s22 =	simm.s32 $0x18700;
	s5 =	sshrl.u32 s5, $0x3;
	s8 =	smul.u32 $0x30D40, s8  }
0xd: {  	s3 =	ssub.s32 s3, s10;
	s0 =	sadd.s32 s5, s0;
	s23 =	sshrl.u32 s9, $0x2  }
0xe: {  	s19 =	smax.u32 s3, $0x1;
	s9 =	sadd.s32 s23, s2;
	s24 =	sshrl.u32 s8, $0x3  }
0xf: {  	s10 =	sadd.s32 $0xFA0, s8;
	s18 =	sadd.s32 $0x18D600, s0;
	s23 =	simm.s32 $0x1A700  }
0x10: {  	s0 =	simm.s32 $0x0;
	s11 =	sadd.s32 $0xFA0, s9;
	s25 =	sadd.s32 s6, s24  }
0x11: {  	s26 =	sshrl.u32 s10, $0x3;
	s12 =	sadd.s32 s7, s24;
	[dreg:$0x5] =	wrdreg s11  }
0x12: {  	s14 =	sadd.s32 s1, s24;
	s24 =	simm.s32 $0x19700;
	[dreg:$0x6] =	wrdreg s25  }
0x13: {  	[dreg:$0x7] =	wrdreg s12;
	s15 =	sadd.s32 s6, s26;
	s16 =	sadd.s32 s7, s26  }
0x14: {  	v0 =	vimm.f32 $0.0e+00;
	s17 =	sadd.s32 s1, s26;
	s25 =	simm.s32 $0x1;
	s26 =	simm.s32 $0xFA0  }
.LBB2_1:
0x15: {  	s3 =	simm.s32 $0x40;
	s5 =	simm.s32 $0x0  }
.LBB2_2:
0x16: {  	p0 =	sne.s32 s3, $0x3E40;
	[tilespmem:s5+$0x1C700] =	vst v0;
	s5 =	smov.u32 s3;
	s3 =	sadd.s32 $0x40, s3  }
.Ltmp0:
0x17: {  	(pc) =	sbr.rel @p0 .LBB2_2-.Ltmp0, $2  }
0x18: {  	_ =	sdelay $0x2  }
0x19: {  	s5 =	sshra.s32 s5, $0x2  }
0x1a: {  	[tilespmem:s5+$0x1C700] =	vst v0  }
0x1b: {  	[spmem:s9] =	stream.linear.scatter [tilespmem:s20], [sflag:$0x4], $0xFA0, $0x38;
	[tilespmem:$0x1FF80] =	vst v63  }
0x1c: {  	_ =	swait.ge [sflag:s21], $0xFA0  }
0x1d: {  	[sflag:s21] =	ssyncset.done $0x0  }
0x1e: {  	s3 =	rddreg [dreg:$0x5];
	[sflag:s21] =	ssyncadd.s32 $0xFFFFF060  }
0x1f: {  	[spmem:s3] =	stream.linear.scatter [tilespmem:s20], [sflag:$0x4], $0x8E0, $0x38;
	[tilespmem:$0x1FF80] =	vst v63  }
0x20: {  	_ =	swait.ge [sflag:s21], $0x8E0  }
0x21: {  	[sflag:s21] =	ssyncset.done $0x0  }
0x22: {  	s3 =	simm.s32 $0x0;
	s11 =	rddreg [dreg:$0x4];
	[sflag:s21] =	ssyncadd.s32 $0xFFFFF720  }
0x23: {  	[tilespmem:s3], [sflag:$0x4] =	stream.linear.gather [hbm4b:s11+s3], $0x186A0, $0x38;
	[tilespmem:$0x1FF80] =	vst v63  }
0x24: {  	_ =	swait.ge [sflag:s21], $0x186A0  }
0x25: {  	[sflag:s21] =	ssyncset.done $0x0  }
0x26: {  	[sflag:s21] =	ssyncadd.s32 $0xFFFE7960  }
0x27: {  	[bflag:$0x0] =	sbarrier.arrive $0xFFFF  }
0x28: {  	s12 =	rddreg [dreg:$0x6]  }
0x29: {  	[tilespmem:s22], [sflag:$0x1] =	stream.linear.gather [hbm4b:s12+s3], $0xFA0, $0x38;
	[tilespmem:$0x1FF80] =	vst v63  }
0x2a: {  	s13 =	rddreg [dreg:$0x7]  }
0x2b: {  	[tilespmem:s23], [sflag:$0x1] =	stream.linear.gather [hbm4b:s13+s3], $0xFA0, $0x38;
	[tilespmem:$0x1FF80] =	vst v63  }
0x2c: {  	_ = 	snop  }
0x2d: {  	[tilespmem:s24], [sflag:$0x1] =	stream.linear.gather [hbm4b:s14+s3], $0xFA0, $0x38;
	[tilespmem:$0x1FF80] =	vst v63  }
0x2e: {  	_ =	swait.ge [sflag:s25], $0xFA0  }
0x2f: {  	[sflag:s25] =	ssyncset.done $0x0  }
0x30: {  	[sflag:s25] =	ssyncadd.s32 $0xFFFFF060  }
0x31: {  	_ =	swait.ge [sflag:s25], $0xFA0  }
0x32: {  	[sflag:s25] =	ssyncset.done $0x0  }
0x33: {  	[sflag:s25] =	ssyncadd.s32 $0xFFFFF060  }
0x34: {  	_ =	swait.ge [sflag:s25], $0xFA0  }
0x35: {  	[sflag:s25] =	ssyncset.done $0x0  }
0x36: {  	s3 =	simm.s32 $0x0;
	[sflag:s25] =	ssyncadd.s32 $0xFFFFF060  }
0x37: {  	v2 =	vld [tilespmem:s3+$0x18700];
	_ =	sdelay $0x6  }
0x38: {  	v1 =	vld [tilespmem:s3+$0x19700]  }
0x39: {  	s5 =	simm.s32 $0x10;
	s11 =	simm.s32 $0x80;
	v2 =	vld.idx.msk [tilespmem:v2+s4+$0x0], $0xffff  }
.LBB2_4:
0x3a: {  	p0 =	sne.s32 s11, $0x3E40;
	v3 =	vld [tilespmem:s5+$0x18700];
	_ =	sdelay $0x3  }
.Ltmp1:
0x3b: {  	(pc) =	sbr.rel @p0 .LBB2_4-.Ltmp1, $3  }
0x3c: {  	v2 =	vmul.f32 v1, v2;
	_ =	sdelay $0x1  }
0x3d: {  	v1 =	vld [tilespmem:s5+$0x19700];
	[tilespmem:s3+$0x1C700] =	vst v2;
	s3 =	smov.u32 s5  }
0x3e: {  	s5 =	sshra.s32 s11, $0x2;
	s11 =	sadd.s32 $0x40, s11;
	v2 =	vld.idx.msk [tilespmem:v3+s4+$0x0], $0xffff  }
0x3f: {  	v3 =	vld [tilespmem:s5+$0x18700];
	_ =	sdelay $0x4  }
0x40: {  	v1 =	vmul.f32 v1, v2;
	_ =	sdelay $0x1  }
0x41: {  	v2 =	vld [tilespmem:s5+$0x19700];
	[tilespmem:s3+$0x1C700] =	vst v1  }
0x42: {  	v1 =	vld.idx.msk [tilespmem:v3+s4+$0x0], $0xffff;
	_ =	sdelay $0x4  }
0x43: {  	v1 =	vmul.f32 v2, v1;
	_ =	sdelay $0x1  }
0x44: {  	[tilespmem:s5+$0x1C700] =	vst v1  }
0x45: {  	[spmem:s2] =	stream.indirect.scatter.add.f32 [tilespmem:s20], [sflag:$0x2], $0x1, s23, s26, $0xb8;
	[tilespmem:$0x1FF80] =	vst v63  }
0x46: {  	s13 =	simm.s32 $0x0  }
0x47: {  	[tilespmem:s22], [sflag:$0x1] =	stream.linear.gather [hbm4b:s15+s13], $0xFA0, $0x38;
	[tilespmem:$0x1FF80] =	vst v63  }
0x48: {  	_ = 	snop  }
0x49: {  	[tilespmem:s28], [sflag:$0x1] =	stream.linear.gather [hbm4b:s16+s13], $0xFA0, $0x38;
	[tilespmem:$0x1FF80] =	vst v63  }
0x4a: {  	_ = 	snop  }
0x4b: {  	[tilespmem:s24], [sflag:$0x1] =	stream.linear.gather [hbm4b:s17+s13], $0xFA0, $0x38;
	[tilespmem:$0x1FF80] =	vst v63  }
0x4c: {  	_ =	swait.ge [sflag:s25], $0xFA0  }
0x4d: {  	[sflag:s25] =	ssyncset.done $0x0  }
0x4e: {  	[sflag:s25] =	ssyncadd.s32 $0xFFFFF060  }
0x4f: {  	_ =	swait.ge [sflag:s25], $0xFA0  }
0x50: {  	[sflag:s25] =	ssyncset.done $0x0  }
0x51: {  	[sflag:s25] =	ssyncadd.s32 $0xFFFFF060  }
0x52: {  	_ =	swait.ge [sflag:s25], $0xFA0  }
0x53: {  	[sflag:s25] =	ssyncset.done $0x0  }
0x54: {  	s3 =	simm.s32 $0x0;
	[sflag:s25] =	ssyncadd.s32 $0xFFFFF060  }
0x55: {  	v2 =	vld [tilespmem:s3+$0x18700];
	_ =	sdelay $0x6  }
0x56: {  	v1 =	vld [tilespmem:s3+$0x19700]  }
0x57: {  	s11 =	simm.s32 $0x80;
	s5 =	simm.s32 $0x10;
	v2 =	vld.idx.msk [tilespmem:v2+s4+$0x0], $0xffff  }
.LBB2_6:
0x58: {  	p0 =	sne.s32 s11, $0x3E40;
	v3 =	vld [tilespmem:s5+$0x18700];
	_ =	sdelay $0x3  }
.Ltmp2:
0x59: {  	(pc) =	sbr.rel @p0 .LBB2_6-.Ltmp2, $3  }
0x5a: {  	v2 =	vmul.f32 v1, v2;
	_ =	sdelay $0x1  }
0x5b: {  	v1 =	vld [tilespmem:s5+$0x19700];
	[tilespmem:s3+$0x1D700] =	vst v2;
	s3 =	smov.u32 s5  }
0x5c: {  	s5 =	sshra.s32 s11, $0x2;
	s11 =	sadd.s32 $0x40, s11;
	v2 =	vld.idx.msk [tilespmem:v3+s4+$0x0], $0xffff  }
0x5d: {  	v3 =	vld [tilespmem:s5+$0x18700];
	_ =	sdelay $0x4  }
0x5e: {  	v1 =	vmul.f32 v1, v2;
	_ =	sdelay $0x1  }
0x5f: {  	v2 =	vld [tilespmem:s5+$0x19700];
	[tilespmem:s3+$0x1D700] =	vst v1  }
0x60: {  	v1 =	vld.idx.msk [tilespmem:v3+s4+$0x0], $0xffff;
	_ =	sdelay $0x4  }
0x61: {  	v1 =	vmul.f32 v2, v1;
	_ =	sdelay $0x1  }
0x62: {  	s3 =	simm.s32 $0x1;
	[tilespmem:s5+$0x1D700] =	vst v1  }
0x63: {  	[spmem:s2] =	stream.indirect.scatter.add.f32 [tilespmem:s29], [sflag:$0x3], $0x1, s28, s26, $0xb8;
	[tilespmem:$0x1FF80] =	vst v63  }
.LBB2_8:
0x64: {  	s5 =	smul.u32 $0x1F40, s3;
	_ =	sdelay $0x1  }
0x65: {  	_ =	swait.ge [sflag:s30], $0xFA0;
	s11 =	sadd.s32 s8, s5  }
0x66: {  	[sflag:s30] =	ssyncset.done $0x0;
	s11 =	sshrl.u32 s11, $0x3  }
0x67: {  	s13 =	simm.s32 $0x0;
	[sflag:s30] =	ssyncadd.s32 $0xFFFFF060;
	s12 =	sadd.s32 s6, s11  }
0x68: {  	[tilespmem:s22], [sflag:$0x1] =	stream.linear.gather [hbm4b:s12+s13], $0xFA0, $0x38;
	[tilespmem:$0x1FF80] =	vst v63  }
0x69: {  	s12 =	sadd.s32 s7, s11  }
0x6a: {  	[tilespmem:s23], [sflag:$0x1] =	stream.linear.gather [hbm4b:s12+s13], $0xFA0, $0x38;
	[tilespmem:$0x1FF80] =	vst v63  }
0x6b: {  	s11 =	sadd.s32 s1, s11  }
0x6c: {  	[tilespmem:s24], [sflag:$0x1] =	stream.linear.gather [hbm4b:s11+s13], $0xFA0, $0x38;
	[tilespmem:$0x1FF80] =	vst v63  }
0x6d: {  	_ =	swait.ge [sflag:s25], $0xFA0  }
0x6e: {  	[sflag:s25] =	ssyncset.done $0x0  }
0x6f: {  	[sflag:s25] =	ssyncadd.s32 $0xFFFFF060  }
0x70: {  	_ =	swait.ge [sflag:s25], $0xFA0  }
0x71: {  	[sflag:s25] =	ssyncset.done $0x0  }
0x72: {  	[sflag:s25] =	ssyncadd.s32 $0xFFFFF060  }
0x73: {  	_ =	swait.ge [sflag:s25], $0xFA0  }
0x74: {  	[sflag:s25] =	ssyncset.done $0x0  }
0x75: {  	s11 =	simm.s32 $0x0;
	[sflag:s25] =	ssyncadd.s32 $0xFFFFF060  }
0x76: {  	v2 =	vld [tilespmem:s11+$0x18700];
	_ =	sdelay $0x6  }
0x77: {  	v1 =	vld [tilespmem:s11+$0x19700]  }
0x78: {  	s12 =	simm.s32 $0x10;
	s13 =	simm.s32 $0x80;
	v2 =	vld.idx.msk [tilespmem:v2+s4+$0x0], $0xffff  }
.LBB2_9:
0x79: {  	p0 =	sne.s32 s13, $0x3E40;
	v3 =	vld [tilespmem:s12+$0x18700];
	_ =	sdelay $0x3  }
.Ltmp3:
0x7a: {  	(pc) =	sbr.rel @p0 .LBB2_9-.Ltmp3, $3  }
0x7b: {  	v2 =	vmul.f32 v1, v2;
	_ =	sdelay $0x1  }
0x7c: {  	v1 =	vld [tilespmem:s12+$0x19700];
	[tilespmem:s11+$0x1C700] =	vst v2;
	s11 =	smov.u32 s12  }
0x7d: {  	s12 =	sshra.s32 s13, $0x2;
	s13 =	sadd.s32 $0x40, s13;
	v2 =	vld.idx.msk [tilespmem:v3+s4+$0x0], $0xffff  }
0x7e: {  	v3 =	vld [tilespmem:s12+$0x18700];
	_ =	sdelay $0x4  }
0x7f: {  	v1 =	vmul.f32 v1, v2;
	_ =	sdelay $0x1  }
0x80: {  	v2 =	vld [tilespmem:s12+$0x19700];
	[tilespmem:s11+$0x1C700] =	vst v1  }
0x81: {  	v1 =	vld.idx.msk [tilespmem:v3+s4+$0x0], $0xffff;
	_ =	sdelay $0x4  }
0x82: {  	v1 =	vmul.f32 v2, v1;
	_ =	sdelay $0x1  }
0x83: {  	[tilespmem:s12+$0x1C700] =	vst v1  }
0x84: {  	[spmem:s2] =	stream.indirect.scatter.add.f32 [tilespmem:s20], [sflag:$0x2], $0x1, s23, s26, $0xb8;
	[tilespmem:$0x1FF80] =	vst v63  }
0x85: {  	s5 =	sadd.s32 s5, s10;
	_ =	swait.ge [sflag:s31], $0xFA0  }
0x86: {  	s5 =	sshrl.u32 s5, $0x3;
	[sflag:s31] =	ssyncset.done $0x0  }
0x87: {  	s13 =	sadd.s32 s6, s5;
	s12 =	simm.s32 $0x0;
	[sflag:s31] =	ssyncadd.s32 $0xFFFFF060  }
0x88: {  	[tilespmem:s22], [sflag:$0x1] =	stream.linear.gather [hbm4b:s13+s12], $0xFA0, $0x38;
	[tilespmem:$0x1FF80] =	vst v63  }
0x89: {  	s13 =	sadd.s32 s7, s5  }
0x8a: {  	[tilespmem:s28], [sflag:$0x1] =	stream.linear.gather [hbm4b:s13+s12], $0xFA0, $0x38;
	[tilespmem:$0x1FF80] =	vst v63  }
0x8b: {  	s5 =	sadd.s32 s1, s5  }
0x8c: {  	[tilespmem:s24], [sflag:$0x1] =	stream.linear.gather [hbm4b:s5+s12], $0xFA0, $0x38;
	[tilespmem:$0x1FF80] =	vst v63  }
0x8d: {  	_ =	swait.ge [sflag:s25], $0xFA0  }
0x8e: {  	[sflag:s25] =	ssyncset.done $0x0  }
0x8f: {  	[sflag:s25] =	ssyncadd.s32 $0xFFFFF060  }
0x90: {  	_ =	swait.ge [sflag:s25], $0xFA0  }
0x91: {  	[sflag:s25] =	ssyncset.done $0x0  }
0x92: {  	[sflag:s25] =	ssyncadd.s32 $0xFFFFF060  }
0x93: {  	_ =	swait.ge [sflag:s25], $0xFA0  }
0x94: {  	[sflag:s25] =	ssyncset.done $0x0  }
0x95: {  	s5 =	simm.s32 $0x0;
	[sflag:s25] =	ssyncadd.s32 $0xFFFFF060  }
0x96: {  	v2 =	vld [tilespmem:s5+$0x18700];
	_ =	sdelay $0x6  }
0x97: {  	v1 =	vld [tilespmem:s5+$0x19700]  }
0x98: {  	s11 =	simm.s32 $0x10;
	s12 =	simm.s32 $0x80;
	v2 =	vld.idx.msk [tilespmem:v2+s4+$0x0], $0xffff  }
.LBB2_11:
0x99: {  	p0 =	sne.s32 s12, $0x3E40;
	v3 =	vld [tilespmem:s11+$0x18700];
	_ =	sdelay $0x3  }
.Ltmp4:
0x9a: {  	(pc) =	sbr.rel @p0 .LBB2_11-.Ltmp4, $3  }
0x9b: {  	v2 =	vmul.f32 v1, v2;
	_ =	sdelay $0x1  }
0x9c: {  	v1 =	vld [tilespmem:s11+$0x19700];
	[tilespmem:s5+$0x1D700] =	vst v2;
	s5 =	smov.u32 s11  }
0x9d: {  	s11 =	sshra.s32 s12, $0x2;
	s12 =	sadd.s32 $0x40, s12;
	v2 =	vld.idx.msk [tilespmem:v3+s4+$0x0], $0xffff  }
0x9e: {  	v3 =	vld [tilespmem:s11+$0x18700];
	_ =	sdelay $0x4  }
0x9f: {  	v1 =	vmul.f32 v1, v2;
	_ =	sdelay $0x1  }
0xa0: {  	v2 =	vld [tilespmem:s11+$0x19700];
	[tilespmem:s5+$0x1D700] =	vst v1  }
0xa1: {  	v1 =	vld.idx.msk [tilespmem:v3+s4+$0x0], $0xffff;
	_ =	sdelay $0x1  }
0xa2: {  	s3 =	sadd.s32 $0x1, s3  }
0xa3: {  	p0 =	sne.s32 s3, $0x19  }
.Ltmp5:
0xa4: {  	_ = 	snop;
	(pc) =	sbr.rel @p0 .LBB2_8-.Ltmp5, $3  }
0xa5: {  	v1 =	vmul.f32 v2, v1;
	_ =	sdelay $0x1  }
0xa6: {  	[tilespmem:s11+$0x1D700] =	vst v1  }
0xa7: {  	[spmem:s2] =	stream.indirect.scatter.add.f32 [tilespmem:s29], [sflag:$0x3], $0x1, s28, s26, $0xb8;
	[tilespmem:$0x1FF80] =	vst v63  }
0xa8: {  	_ =	swait.ge [sflag:s30], $0xFA0  }
0xa9: {  	[sflag:s30] =	ssyncset.done $0x0  }
0xaa: {  	s3 =	stileid.u32;
	[sflag:s30] =	ssyncadd.s32 $0xFFFFF060  }
0xab: {  	s5 =	sshrl.u32 s9, $0x3;
	s11 =	simm.s32 $0x20;
	_ =	swait.ge [sflag:s31], $0xFA0  }
0xac: {  	s12 =	simm.s32 $0x10;
	s0 =	sadd.s32 $0x1, s0;
	[sflag:s31] =	ssyncset.done $0x0  }
0xad: {  	s3 =	sshll.u32 s3, $0x6;
	p0 =	sne.s32 s0, s19;
	[sflag:s31] =	ssyncadd.s32 $0xFFFFF060  }
.Ltmp6:
0xae: {  	s3 =	sor.u32 $0x1C04, s3;
	[bflag:$0x0] =	sbarrier.arrive $0xFFFF;
	(pc) =	sbr.rel @p0 .LBB2_1-.Ltmp6, $4  }
0xaf: {  	[hbm:s18@s11], [sflag:s3] =	dma.strided [spmem:s5@s12], $0x310, s25, $0x10   }
0xb0: {  	_ =	swait.ge [sflag:s21], $0x310  }
0xb1: {  	[sflag:s21] =	ssyncset.done $0x0  }
0xb2: {  	[sflag:s21] =	ssyncadd.s32 $0xFFFFFCF0  }
0xb3: {  	_ =	sfence.sel $0x180000  }
0xb4: {  	[bflag:$0x0] =	sbarrier.arrive $0xFFFF  }
0xb5: {  	_ =	strace $0x90000050  }
0xb6: {  	s0 =	stileid.u32;
	[bflag:$0x2] =	sbarrier.arrive $0xFFFF  }
0xb7: {  	p0 =	sne.s32 s0, $0x0;
	s0 =	rddreg [dreg:$0x3]  }
0xb8: {  	s0 =	sadd.s32 @!p0 $0x100000, s0  }
0xb9: {  	[sflag:s0] =	ssyncadd.tile.s32 @!p0 $0x1;
	_ =	shalt  }
.Lfunc_end2:
_tile_overlayer_lowered:
.L_overlay_start_2:
0xba: {  	(tag) =	ssettag $0x2  }
0xbb: {  	s0 =	rddreg [dreg:$0x0];
	s2 =	stileid.u32  }
0xbc: {  	s1 =	rddreg [dreg:$0x1];
	p0 =	sne.s32 s2, $0x0  }
0xbd: {  	s3 =	rddreg [dreg:$0x2];
	[bflag:$0x3] =	sbarrier.arrive $0xFFFF;
	s2 =	simm.s32 @!p0 $0x1C04  }
0xbe: {  	[timem:s3], [sflag:s2] =	dma.local @!p0 [hbm:s0], s1  }
0xbf: {  	s0 =	simm.s32 @!p0 $0x4  }
0xc0: {  	_ =	swait.ge @!p0 [sflag:s0], s1  }
0xc1: {  	s1 =	ssub.s32 @!p0 $0x0, s1;
	[sflag:s0] =	ssyncset.done @!p0 $0x0  }
0xc2: {  	[sflag:s0] =	ssyncadd.s32 @!p0 s1  }
0xc3: {  	[bflag:$0x3] =	sbarrier.arrive $0xFFFF  }
0xc4: {  	_ =	shalt  }

// kernel: kernel.27.cloned.1.call-start
scs
__scs_entry_jumppad:
0x0: {  	(pc) =	sbr.rel $0x88, $3  }
0x1: {  	(tag) =	ssettag $0x0;
	lr =	simm.s32 $0x1  }
0x2: {  	[smem:$0x3F9E] =	sst lr;
	_ =	strace $0xD0000000  }
0x3: {  	_ = 	snop  }
0x4: {  	_ = 	snop  }
0x5: {  	_ = 	snop  }
0x6: {  	_ = 	snop  }
0x7: {  	_ = 	snop  }
__scs_overlays_trampoline_lowered:
0x8: {  	[smem:$0x3FAD] =	sst s0  }
0x9: {  	[smem:$0x3FAE] =	sst s1  }
0xa: {  	[smem:$0x3FAF] =	sst s2  }
0xb: {  	[smem:$0x3FB0] =	sst s3  }
0xc: {  	[smem:$0x3FB1] =	sst s4  }
0xd: {  	[smem:$0x3FB2] =	sst s5  }
0xe: {  	[smem:$0x3FB3] =	sst s6  }
0xf: {  	[smem:$0x3FB4] =	sst s7  }
0x10: {  	[smem:$0x3FB5] =	sst s8  }
0x11: {  	[smem:$0x3FB6] =	sst s9;
	s0 =	simm.s32 @!p0 $0x0  }
0x12: {  	s1 =	sld [smem:$0x3F9C];
	s0 =	simm.s32 @p0 $0x1  }
0x13: {  	[smem:$0x3FB7] =	sst s0;
	s0 =	simm.s32 @!p1 $0x0  }
0x14: {  	s2 =	sld [smem:$0x3F9B];
	s0 =	simm.s32 @p1 $0x1  }
0x15: {  	[smem:$0x3FB8] =	sst s0;
	s0 =	simm.s32 @!p2 $0x0  }
0x16: {  	s3 =	sld [smem:$0x3FDB];
	s0 =	simm.s32 @p2 $0x1  }
0x17: {  	s4 =	simm.s32 $0x1BF5;
	[smem:$0x3FBA] =	sst s0  }
0x18: {  	s0 =	sld [smem:$0x3F9D];
	_ =	swait.ge [sflag:s4], $0x0  }
0x19: {  	s7 =	sld [smem:$0x3F9E]  }
0x1a: {  	s8 =	sadd.s32 $0xFFFFE003, lr  }
0x1b: {  	s9 =	sadd.s32 $0xFFFFFEF7, lr;
	s5 =	simm.s32 $0xFFFFFFFF;
	p2 =	slt.u32 s8, $0xFFFFF086  }
0x1c: {  	p1 =	slt.u32 s9, $0xF7A;
	s5 =	simm.s32 @!p2 $0x0  }
0x1d: {  	s5 =	simm.s32 @p1 $0x1;
	p0 =	seq.s32 s7, s2  }
0x1e: {  	s7 =	smul.u32 @!p0 $0xF7A, s2;
	p2 =	seq.s32 @!p0 s5, $0x0  }
0x1f: {  	s9 =	smul.u32 $0xF7A, s1;
	s8 =	simm.s32 @!p0 $0x1BF5;
	p2 =	por !p2, p0  }
0x20: {  	[sflag:s8] =	ssyncset.s32 @!p0 $0xFFFFF086;
	s6 =	sadd.s32 @!p0 s3, s7;
	s7 =	simm.s32 @!p0 $0x108  }
0x21: {  	s3 =	sadd.s32 s3, s9;
	s6 =	sadd.s32 @!p0 $0x88, s6;
	s7 =	simm.s32 @p2 $0x1082  }
0x22: {  	[simem:s7], [sflag:s8] =	dma.local @!p0 [hbm:s6], $0xF7A  }
0x23: {  	s9 =	sor.u32 $0xD0000000, s2;
	s6 =	simm.s32 $0x108;
	_ =	swait.ge @!p0 [sflag:s8], $0x0  }
0x24: {  	s3 =	sadd.s32 $0x88, s3;
	s6 =	simm.s32 @!p1 $0x1082;
	[sflag:s4] =	ssyncset.s32 $0xFFFFF086  }
0x25: {  	[simem:s6], [sflag:s4] =	dma.local [hbm:s3], $0xF7A  }
0x26: {  	[smem:$0x3F9E] =	sst s1;
	(tag) =	ssettag s2;
	_ =	strace s9  }
0x27: {  	s1 =	sld [smem:$0x3FAE]  }
0x28: {  	s2 =	sld [smem:$0x3FAF]  }
0x29: {  	s4 =	sld [smem:$0x3FB1]  }
0x2a: {  	p0 =	seq.s32 s5, $0x0;
	s5 =	sld [smem:$0x3FB2]  }
0x2b: {  	s6 =	sld [smem:$0x3FB3]  }
0x2c: {  	s7 =	sld [smem:$0x3FB4]  }
0x2d: {  	s3 =	simm.s32 $0x108;
	s8 =	sld [smem:$0x3FB5]  }
0x2e: {  	s3 =	simm.s32 @!p0 $0x1082;
	s9 =	sld [smem:$0x3FB6]  }
0x2f: {  	lr =	sadd.s32 s0, s3;
	s0 =	sld [smem:$0x3FAD]  }
0x30: {  	s3 =	sld [smem:$0x3FB0]  }
0x31: {  	[smem:$0x3FB9] =	sst s10  }
0x32: {  	s10 =	sld [smem:$0x3FB7];
	_ =	sdelay $0x3  }
0x33: {  	p0 =	seq.s32 s10, $0x1;
	s10 =	sld [smem:$0x3FB9];
	_ =	sdelay $0x3  }
0x34: {  	[smem:$0x3FB9] =	sst s10  }
0x35: {  	s10 =	sld [smem:$0x3FB8];
	_ =	sdelay $0x3  }
0x36: {  	p1 =	seq.s32 s10, $0x1;
	s10 =	sld [smem:$0x3FB9];
	_ =	sdelay $0x3  }
0x37: {  	[smem:$0x3FB9] =	sst s10  }
0x38: {  	s10 =	sld [smem:$0x3FBA]  }
0x39: {  	_ = 	snop;
	(pc) =	sbr.ind lr, $3  }
0x3a: {  	_ = 	snop  }
0x3b: {  	_ = 	snop  }
0x3c: {  	p2 =	seq.s32 s10, $0x1;
	s10 =	sld [smem:$0x3FB9]  }
0x3d: {  	_ =	shalt  }
0x3e: {  	_ =	shalt  }
0x3f: {  	_ =	shalt  }
0x40: {  	_ =	shalt  }
0x41: {  	_ =	shalt  }
0x42: {  	_ =	shalt  }
0x43: {  	_ =	shalt  }
0x44: {  	_ =	shalt  }
0x45: {  	_ =	shalt  }
0x46: {  	_ =	shalt  }
0x47: {  	_ =	shalt  }
0x48: {  	_ =	shalt  }
0x49: {  	_ =	shalt  }
0x4a: {  	_ =	shalt  }
0x4b: {  	_ =	shalt  }
0x4c: {  	_ =	shalt  }
0x4d: {  	_ =	shalt  }
0x4e: {  	_ =	shalt  }
0x4f: {  	_ =	shalt  }
0x50: {  	_ =	shalt  }
0x51: {  	_ =	shalt  }
0x52: {  	_ =	shalt  }
0x53: {  	_ =	shalt  }
0x54: {  	_ =	shalt  }
0x55: {  	_ =	shalt  }
0x56: {  	_ =	shalt  }
0x57: {  	_ =	shalt  }
0x58: {  	_ =	shalt  }
0x59: {  	_ =	shalt  }
0x5a: {  	_ =	shalt  }
0x5b: {  	_ =	shalt  }
0x5c: {  	_ =	shalt  }
0x5d: {  	_ =	shalt  }
0x5e: {  	_ =	shalt  }
0x5f: {  	_ =	shalt  }
0x60: {  	_ =	shalt  }
0x61: {  	_ =	shalt  }
0x62: {  	_ =	shalt  }
0x63: {  	_ =	shalt  }
0x64: {  	_ =	shalt  }
0x65: {  	_ =	shalt  }
0x66: {  	_ =	shalt  }
0x67: {  	_ =	shalt  }
0x68: {  	_ =	shalt  }
0x69: {  	_ =	shalt  }
0x6a: {  	_ =	shalt  }
0x6b: {  	_ =	shalt  }
0x6c: {  	_ =	shalt  }
0x6d: {  	_ =	shalt  }
0x6e: {  	_ =	shalt  }
0x6f: {  	_ =	shalt  }
0x70: {  	_ =	shalt  }
0x71: {  	_ =	shalt  }
0x72: {  	_ =	shalt  }
0x73: {  	_ =	shalt  }
0x74: {  	_ =	shalt  }
0x75: {  	_ =	shalt  }
0x76: {  	_ =	shalt  }
0x77: {  	_ =	shalt  }
0x78: {  	_ =	shalt  }
0x79: {  	_ =	shalt  }
0x7a: {  	_ =	shalt  }
0x7b: {  	_ =	shalt  }
0x7c: {  	_ =	shalt  }
0x7d: {  	_ =	shalt  }
0x7e: {  	_ =	shalt  }
0x7f: {  	_ =	shalt  }
0x80: {  	_ =	shalt  }
0x81: {  	_ =	shalt  }
0x82: {  	_ =	shalt  }
0x83: {  	_ =	shalt  }
0x84: {  	_ =	shalt  }
0x85: {  	_ =	shalt  }
0x86: {  	_ =	shalt  }
0x87: {  	_ =	shalt  }
.Lfunc_end0:
.L_simem_size_0:
called_computation.4_lowered:
.L_overlay_start_0:
0x88: {  	s2 =	sld [smem:$0x3FD9]  }
0x89: {  	s3 =	sld [smem:$0x3FFE];
	_ =	sdelay $0x1  }
0x8a: {  	s1 =	srdreg.scid  }
0x8b: {  	s0 =	sand.u32 $0x1, s1  }
0x8c: {  	s17 =	sshll.u32 s0, $0xA;
	s2 =	sadd.s32 s3, s2  }
0x8d: {  	s2 =	sadd.s32 s2, s17  }
0x8e: {  	[smem:$0x3FC5] =	sst s2  }
0x8f: {  	_ = 	snop  }
0x90: {  	s2 =	sld [smem:$0x3FC7]  }
0x91: {  	s18 =	sld [smem:$0x3FD0];
	(tm) =	ssettm $0x1  }
0x92: {  	s4 =	sld [smem:$0x3FFB];
	_ =	sdelay $0x3  }
0x93: {  	_ =	strace s4  }
0x94: {  	s4 =	sld [smem:$0x3FFC];
	_ =	sdelay $0x3  }
0x95: {  	_ =	strace s4  }
0x96: {  	s4 =	sld [smem:$0x3FFD];
	_ =	sdelay $0x3  }
0x97: {  	_ =	strace s4  }
0x98: {  	_ =	strace $0x8FFFFFFF  }
0x99: {  	s19 =	sld [smem:$0x3FDB];
	_ =	sdelay $0x1  }
0x9a: {  	s5 =	simm.s32 $_scs_section_size  }
0x9b: {  	s6 =	simm.s32 $_size__tile_overlayer_lowered;
	s7 =	simm.s32 $_tile_overlayer_lowered  }
0x9c: {  	s22 =	simm.s32 $0x1BFF;
	s21 =	sshll.u32 s7, $0x1;
	s4 =	sadd.s32 s5, s19  }
0x9d: {  	s8 =	simm.s32 $0x0;
	s20 =	sshll.u32 s6, $0x1;
	s6 =	sadd.s32 s21, s4  }
0x9e: {  	[timem:s8], [sflag:s22] =	dma.local [hbm:s6], s20  }
0x9f: {  	_ =	swait.ge [sflag:s22], s20  }
0xa0: {  	s5 =	ssub.s32 $0x0, s20;
	[sflag:s22] =	ssyncset.done $0x0  }
0xa1: {  	[sflag:s22] =	ssyncadd.s32 s5;
	_ =	sdelay $0x1  }
0xa2: {  	s23 =	simm.s32 $0x1B8B  }
0xa3: {  	_ =	swait.ge [sflag:s23], $0x1  }
0xa4: {  	[sflag:s23] =	ssyncset.done $0x0  }
0xa5: {  	s25 =	simm.s32 $0x1B8E;
	s24 =	sld [smem:$0x3FFE];
	[sflag:s23] =	ssyncadd.s32 $0xFFFFFFFF  }
0xa6: {  	s26 =	simm.s32 $execute0_lowered;
	[smem:$0x3FD2] =	sst s25  }
0xa7: {  	s6 =	sshll.u32 s26, $0x1;
	_ =	strace $0x80000052;
	[dreg:$0x1] =	wrdreg $0xFFFFFFFF  }
0xa8: {  	s28 =	simm.s32 $_size_execute0_lowered;
	s4 =	sadd.s32 s4, s6;
	[dreg:$0x0] =	wrdreg $0x0  }
0xa9: {  	s6 =	sshll.u32 s28, $0x1;
	[dreg:$0x2] =	wrdreg s4  }
0xaa: {  	[dreg:$0x3] =	wrdreg s6  }
0xab: {  	[dreg:$0x4] =	wrdreg $0xC0  }
0xac: {  	_ =	task [dreg:s8], $0x5FFFF  }
0xad: {  	[dreg:$0x1] =	wrdreg $0xFFFFFFFF  }
0xae: {  	[dreg:$0x0] =	wrdreg $0x60  }
0xaf: {  	[dreg:$0x2] =	wrdreg s18  }
0xb0: {  	[dreg:$0x3] =	wrdreg s24  }
0xb1: {  	[dreg:$0x4] =	wrdreg s2  }
0xb2: {  	[dreg:$0x5] =	wrdreg $0x1E7000  }
0xb3: {  	[dreg:$0x6] =	wrdreg $0x9  }
0xb4: {  	_ =	task.clear_ibuf [dreg:s8], $0x7FFFF;
	_ =	strace $0x90000052  }
0xb5: {  	s29 =	simm.s32 $0x9;
	_ =	strace $0x80000054  }
0xb6: {  	_ =	swait.ge [sflag:s29], $0x1  }
0xb7: {  	[sflag:s29] =	ssyncadd.s32 $0xFFFFFFFF  }
0xb8: {  	_ =	strace $0x90000054  }
0xb9: {  	_ =	sfence  }
0xba: {  	s30 =	sld [smem:$0x0];
	_ =	sdelay $0x2  }
0xbb: {  	s31 =	sshll.u32 s1, $0xD;
	s1 =	sshrl.u32 s1, $0x2  }
0xbc: {  	s3 =	sand.u32 $0x4000, s31;
	s1 =	sadd.s32 s1, s30  }
0xbd: {  	s0 =	sor.u32 s3, s0;
	s1 =	sshll.u32 s1, $0x11  }
0xbe: {  	s0 =	sor.u32 s1, s0  }
0xbf: {  	s0 =	sadd.s32 $0x8F2B, s0  }
0xc0: {  	[sflag:s0] =	ssyncadd.remote.s32 $0x1  }
0xc1: {  	_ =	sfence.sel $0xFFFF  }
0xc2: {  	[dreg:$0x0] =	wrdreg $0xFFFFFFFF;
	(pc) =	sbr.abs _section_cstart, $3  }
0xc3: {  	[dreg:$0x1] =	wrdreg $0xFFFFFFFF  }
0xc4: {  	_ =	task.clear_ibuf [dreg:s8], $0x2FFFF;
	_ =	strace $0x9FFFFFFF  }
0xc5: {  	(tm) =	ssettm $0x7FFFFFFF  }
tec
execute0_lowered:
.L_overlay_start_1:
0x0: {  	(tag) =	ssettag $0x1  }
0x1: {  	s0 =	rddreg [dreg:$0x1]  }
0x2: {  	s2 =	rddreg [dreg:$0x2]  }
0x3: {  	s4 =	rddreg [dreg:$0x3];
	s5 =	simm.s32 $0x0  }
0x4: {  	s1 =	srdreg.scid;
	s9 =	stileid.u32;
	s20 =	simm.s32 $0x1C700  }
0x5: {  	s21 =	simm.s32 $0x4;
	s28 =	simm.s32 $0x1B700;
	s29 =	simm.s32 $0x1D700  }
0x6: {  	s30 =	simm.s32 $0x2;
	s31 =	simm.s32 $0x3;
	[smem:$0x7FF] =	sst s5  }
0x7: {  	s1 =	sand.u32 $0x1, s1;
	s3 =	smul.u32 $0x3100, s9;
	s6 =	sadd.s32 $0xC6E00, s0  }
0x8: {  	s7 =	sadd.s32 $0x3800, s0;
	_ =	strace $0x80000053;
	s8 =	sshll.u32 s1, $0x7  }
0x9: {  	s22 =	sshll.u32 s1, $0x4;
	s1 =	ssub.s32 $0x2, s1;
	s3 =	sor.u32 s8, s3  }
0xa: {  	s8 =	sor.u32 s9, s22;
	s9 =	smul.u32 $0x6200, s9;
	s10 =	sshrl.u32 s1, $0x1  }
0xb: {  	s22 =	simm.s32 $0x18700;
	s3 =	sshrl.u32 s3, $0x3;
	s8 =	smul.u32 $0x30D40, s8  }
0xc: {  	s1 =	ssub.s32 s1, s10;
	s0 =	sadd.s32 s3, s0;
	s23 =	sshrl.u32 s9, $0x2  }
0xd: {  	s19 =	smax.u32 s1, $0x1;
	s3 =	simm.s32 $0x0;
	s9 =	sadd.s32 s23, s4  }
0xe: {  	s24 =	sshrl.u32 s8, $0x3;
	s10 =	sadd.s32 $0xFA0, s8;
	s18 =	sadd.s32 $0x18A400, s0  }
0xf: {  	s23 =	simm.s32 $0x1A700;
	s11 =	sadd.s32 $0xFA0, s9;
	s25 =	sadd.s32 s6, s24  }
0x10: {  	s26 =	sshrl.u32 s10, $0x3;
	s12 =	sadd.s32 s7, s24;
	[dreg:$0x5] =	wrdreg s11  }
0x11: {  	s14 =	sadd.s32 s2, s24;
	s24 =	simm.s32 $0x19700;
	[dreg:$0x6] =	wrdreg s25  }
0x12: {  	[dreg:$0x7] =	wrdreg s12;
	s15 =	sadd.s32 s6, s26;
	s16 =	sadd.s32 s7, s26  }
0x13: {  	v0 =	vimm.f32 $0.0e+00;
	s17 =	sadd.s32 s2, s26;
	s25 =	simm.s32 $0x1;
	s26 =	simm.s32 $0xFA0  }
.LBB2_1:
0x14: {  	s0 =	simm.s32 $0x40;
	s1 =	simm.s32 $0x0  }
.LBB2_2:
0x15: {  	p0 =	sne.s32 s0, $0x3E40;
	[tilespmem:s1+$0x1C700] =	vst v0;
	s1 =	smov.u32 s0;
	s0 =	sadd.s32 $0x40, s0  }
.Ltmp0:
0x16: {  	(pc) =	sbr.rel @p0 .LBB2_2-.Ltmp0, $2  }
0x17: {  	_ =	sdelay $0x2  }
0x18: {  	s1 =	sshra.s32 s1, $0x2  }
0x19: {  	[tilespmem:s1+$0x1C700] =	vst v0  }
0x1a: {  	[spmem:s9] =	stream.linear.scatter [tilespmem:s20], [sflag:$0x4], $0xFA0, $0x38;
	[tilespmem:$0x1FF80] =	vst v63  }
0x1b: {  	_ =	swait.ge [sflag:s21], $0xFA0  }
0x1c: {  	[sflag:s21] =	ssyncset.done $0x0  }
0x1d: {  	s0 =	rddreg [dreg:$0x5];
	[sflag:s21] =	ssyncadd.s32 $0xFFFFF060  }
0x1e: {  	[spmem:s0] =	stream.linear.scatter [tilespmem:s20], [sflag:$0x4], $0x8E0, $0x38;
	[tilespmem:$0x1FF80] =	vst v63  }
0x1f: {  	_ =	swait.ge [sflag:s21], $0x8E0  }
0x20: {  	[sflag:s21] =	ssyncset.done $0x0  }
0x21: {  	[sflag:s21] =	ssyncadd.s32 $0xFFFFF720  }
0x22: {  	s0 =	simm.s32 $0x0;
	s11 =	rddreg [dreg:$0x0]  }
0x23: {  	[tilespmem:s0], [sflag:$0x4] =	stream.linear.gather [hbm4b:s11+s0], $0x186A0, $0x38;
	[tilespmem:$0x1FF80] =	vst v63  }
0x24: {  	_ =	swait.ge [sflag:s21], $0x186A0  }
0x25: {  	[sflag:s21] =	ssyncset.done $0x0  }
0x26: {  	[sflag:s21] =	ssyncadd.s32 $0xFFFE7960  }
0x27: {  	[bflag:$0x0] =	sbarrier.arrive $0xFFFF  }
0x28: {  	s12 =	rddreg [dreg:$0x6]  }
0x29: {  	[tilespmem:s22], [sflag:$0x1] =	stream.linear.gather [hbm4b:s12+s0], $0xFA0, $0x38;
	[tilespmem:$0x1FF80] =	vst v63  }
0x2a: {  	s13 =	rddreg [dreg:$0x7]  }
0x2b: {  	[tilespmem:s23], [sflag:$0x1] =	stream.linear.gather [hbm4b:s13+s0], $0xFA0, $0x38;
	[tilespmem:$0x1FF80] =	vst v63  }
0x2c: {  	_ = 	snop  }
0x2d: {  	[tilespmem:s24], [sflag:$0x1] =	stream.linear.gather [hbm4b:s14+s0], $0xFA0, $0x38;
	[tilespmem:$0x1FF80] =	vst v63  }
0x2e: {  	_ =	swait.ge [sflag:s25], $0xFA0  }
0x2f: {  	[sflag:s25] =	ssyncset.done $0x0  }
0x30: {  	[sflag:s25] =	ssyncadd.s32 $0xFFFFF060  }
0x31: {  	_ =	swait.ge [sflag:s25], $0xFA0  }
0x32: {  	[sflag:s25] =	ssyncset.done $0x0  }
0x33: {  	[sflag:s25] =	ssyncadd.s32 $0xFFFFF060  }
0x34: {  	_ =	swait.ge [sflag:s25], $0xFA0  }
0x35: {  	[sflag:s25] =	ssyncset.done $0x0  }
0x36: {  	s0 =	simm.s32 $0x0;
	[sflag:s25] =	ssyncadd.s32 $0xFFFFF060  }
0x37: {  	v2 =	vld [tilespmem:s0+$0x18700];
	_ =	sdelay $0x6  }
0x38: {  	v1 =	vld [tilespmem:s0+$0x19700]  }
0x39: {  	s1 =	simm.s32 $0x10;
	s11 =	simm.s32 $0x80;
	v2 =	vld.idx.msk [tilespmem:v2+s5+$0x0], $0xffff  }
.LBB2_4:
0x3a: {  	p0 =	sne.s32 s11, $0x3E40;
	v3 =	vld [tilespmem:s1+$0x18700];
	_ =	sdelay $0x3  }
.Ltmp1:
0x3b: {  	(pc) =	sbr.rel @p0 .LBB2_4-.Ltmp1, $3  }
0x3c: {  	v2 =	vmul.f32 v1, v2;
	_ =	sdelay $0x1  }
0x3d: {  	v1 =	vld [tilespmem:s1+$0x19700];
	[tilespmem:s0+$0x1C700] =	vst v2;
	s0 =	smov.u32 s1  }
0x3e: {  	s1 =	sshra.s32 s11, $0x2;
	s11 =	sadd.s32 $0x40, s11;
	v2 =	vld.idx.msk [tilespmem:v3+s5+$0x0], $0xffff  }
0x3f: {  	v3 =	vld [tilespmem:s1+$0x18700];
	_ =	sdelay $0x4  }
0x40: {  	v1 =	vmul.f32 v1, v2;
	_ =	sdelay $0x1  }
0x41: {  	v2 =	vld [tilespmem:s1+$0x19700];
	[tilespmem:s0+$0x1C700] =	vst v1  }
0x42: {  	v1 =	vld.idx.msk [tilespmem:v3+s5+$0x0], $0xffff;
	_ =	sdelay $0x4  }
0x43: {  	v1 =	vmul.f32 v2, v1;
	_ =	sdelay $0x1  }
0x44: {  	[tilespmem:s1+$0x1C700] =	vst v1  }
0x45: {  	[spmem:s4] =	stream.indirect.scatter.add.f32 [tilespmem:s20], [sflag:$0x2], $0x1, s23, s26, $0xb8;
	[tilespmem:$0x1FF80] =	vst v63  }
0x46: {  	s13 =	simm.s32 $0x0  }
0x47: {  	[tilespmem:s22], [sflag:$0x1] =	stream.linear.gather [hbm4b:s15+s13], $0xFA0, $0x38;
	[tilespmem:$0x1FF80] =	vst v63  }
0x48: {  	_ = 	snop  }
0x49: {  	[tilespmem:s28], [sflag:$0x1] =	stream.linear.gather [hbm4b:s16+s13], $0xFA0, $0x38;
	[tilespmem:$0x1FF80] =	vst v63  }
0x4a: {  	_ = 	snop  }
0x4b: {  	[tilespmem:s24], [sflag:$0x1] =	stream.linear.gather [hbm4b:s17+s13], $0xFA0, $0x38;
	[tilespmem:$0x1FF80] =	vst v63  }
0x4c: {  	_ =	swait.ge [sflag:s25], $0xFA0  }
0x4d: {  	[sflag:s25] =	ssyncset.done $0x0  }
0x4e: {  	[sflag:s25] =	ssyncadd.s32 $0xFFFFF060  }
0x4f: {  	_ =	swait.ge [sflag:s25], $0xFA0  }
0x50: {  	[sflag:s25] =	ssyncset.done $0x0  }
0x51: {  	[sflag:s25] =	ssyncadd.s32 $0xFFFFF060  }
0x52: {  	_ =	swait.ge [sflag:s25], $0xFA0  }
0x53: {  	[sflag:s25] =	ssyncset.done $0x0  }
0x54: {  	s0 =	simm.s32 $0x0;
	[sflag:s25] =	ssyncadd.s32 $0xFFFFF060  }
0x55: {  	v2 =	vld [tilespmem:s0+$0x18700];
	_ =	sdelay $0x6  }
0x56: {  	v1 =	vld [tilespmem:s0+$0x19700]  }
0x57: {  	s11 =	simm.s32 $0x80;
	s1 =	simm.s32 $0x10;
	v2 =	vld.idx.msk [tilespmem:v2+s5+$0x0], $0xffff  }
.LBB2_6:
0x58: {  	p0 =	sne.s32 s11, $0x3E40;
	v3 =	vld [tilespmem:s1+$0x18700];
	_ =	sdelay $0x3  }
.Ltmp2:
0x59: {  	(pc) =	sbr.rel @p0 .LBB2_6-.Ltmp2, $3  }
0x5a: {  	v2 =	vmul.f32 v1, v2;
	_ =	sdelay $0x1  }
0x5b: {  	v1 =	vld [tilespmem:s1+$0x19700];
	[tilespmem:s0+$0x1D700] =	vst v2;
	s0 =	smov.u32 s1  }
0x5c: {  	s1 =	sshra.s32 s11, $0x2;
	s11 =	sadd.s32 $0x40, s11;
	v2 =	vld.idx.msk [tilespmem:v3+s5+$0x0], $0xffff  }
0x5d: {  	v3 =	vld [tilespmem:s1+$0x18700];
	_ =	sdelay $0x4  }
0x5e: {  	v1 =	vmul.f32 v1, v2;
	_ =	sdelay $0x1  }
0x5f: {  	v2 =	vld [tilespmem:s1+$0x19700];
	[tilespmem:s0+$0x1D700] =	vst v1  }
0x60: {  	v1 =	vld.idx.msk [tilespmem:v3+s5+$0x0], $0xffff;
	_ =	sdelay $0x4  }
0x61: {  	v1 =	vmul.f32 v2, v1;
	_ =	sdelay $0x1  }
0x62: {  	s0 =	simm.s32 $0x1;
	[tilespmem:s1+$0x1D700] =	vst v1  }
0x63: {  	[spmem:s4] =	stream.indirect.scatter.add.f32 [tilespmem:s29], [sflag:$0x3], $0x1, s28, s26, $0xb8;
	[tilespmem:$0x1FF80] =	vst v63  }
.LBB2_8:
0x64: {  	s1 =	smul.u32 $0x1F40, s0;
	_ =	sdelay $0x1  }
0x65: {  	_ =	swait.ge [sflag:s30], $0xFA0;
	s11 =	sadd.s32 s8, s1  }
0x66: {  	[sflag:s30] =	ssyncset.done $0x0;
	s11 =	sshrl.u32 s11, $0x3  }
0x67: {  	s13 =	simm.s32 $0x0;
	[sflag:s30] =	ssyncadd.s32 $0xFFFFF060;
	s12 =	sadd.s32 s6, s11  }
0x68: {  	[tilespmem:s22], [sflag:$0x1] =	stream.linear.gather [hbm4b:s12+s13], $0xFA0, $0x38;
	[tilespmem:$0x1FF80] =	vst v63  }
0x69: {  	s12 =	sadd.s32 s7, s11  }
0x6a: {  	[tilespmem:s23], [sflag:$0x1] =	stream.linear.gather [hbm4b:s12+s13], $0xFA0, $0x38;
	[tilespmem:$0x1FF80] =	vst v63  }
0x6b: {  	s11 =	sadd.s32 s2, s11  }
0x6c: {  	[tilespmem:s24], [sflag:$0x1] =	stream.linear.gather [hbm4b:s11+s13], $0xFA0, $0x38;
	[tilespmem:$0x1FF80] =	vst v63  }
0x6d: {  	_ =	swait.ge [sflag:s25], $0xFA0  }
0x6e: {  	[sflag:s25] =	ssyncset.done $0x0  }
0x6f: {  	[sflag:s25] =	ssyncadd.s32 $0xFFFFF060  }
0x70: {  	_ =	swait.ge [sflag:s25], $0xFA0  }
0x71: {  	[sflag:s25] =	ssyncset.done $0x0  }
0x72: {  	[sflag:s25] =	ssyncadd.s32 $0xFFFFF060  }
0x73: {  	_ =	swait.ge [sflag:s25], $0xFA0  }
0x74: {  	[sflag:s25] =	ssyncset.done $0x0  }
0x75: {  	s11 =	simm.s32 $0x0;
	[sflag:s25] =	ssyncadd.s32 $0xFFFFF060  }
0x76: {  	v2 =	vld [tilespmem:s11+$0x18700];
	_ =	sdelay $0x6  }
0x77: {  	v1 =	vld [tilespmem:s11+$0x19700]  }
0x78: {  	s12 =	simm.s32 $0x10;
	s13 =	simm.s32 $0x80;
	v2 =	vld.idx.msk [tilespmem:v2+s5+$0x0], $0xffff  }
.LBB2_9:
0x79: {  	p0 =	sne.s32 s13, $0x3E40;
	v3 =	vld [tilespmem:s12+$0x18700];
	_ =	sdelay $0x3  }
.Ltmp3:
0x7a: {  	(pc) =	sbr.rel @p0 .LBB2_9-.Ltmp3, $3  }
0x7b: {  	v2 =	vmul.f32 v1, v2;
	_ =	sdelay $0x1  }
0x7c: {  	v1 =	vld [tilespmem:s12+$0x19700];
	[tilespmem:s11+$0x1C700] =	vst v2;
	s11 =	smov.u32 s12  }
0x7d: {  	s12 =	sshra.s32 s13, $0x2;
	s13 =	sadd.s32 $0x40, s13;
	v2 =	vld.idx.msk [tilespmem:v3+s5+$0x0], $0xffff  }
0x7e: {  	v3 =	vld [tilespmem:s12+$0x18700];
	_ =	sdelay $0x4  }
0x7f: {  	v1 =	vmul.f32 v1, v2;
	_ =	sdelay $0x1  }
0x80: {  	v2 =	vld [tilespmem:s12+$0x19700];
	[tilespmem:s11+$0x1C700] =	vst v1  }
0x81: {  	v1 =	vld.idx.msk [tilespmem:v3+s5+$0x0], $0xffff;
	_ =	sdelay $0x4  }
0x82: {  	v1 =	vmul.f32 v2, v1;
	_ =	sdelay $0x1  }
0x83: {  	[tilespmem:s12+$0x1C700] =	vst v1  }
0x84: {  	[spmem:s4] =	stream.indirect.scatter.add.f32 [tilespmem:s20], [sflag:$0x2], $0x1, s23, s26, $0xb8;
	[tilespmem:$0x1FF80] =	vst v63  }
0x85: {  	s1 =	sadd.s32 s1, s10;
	_ =	swait.ge [sflag:s31], $0xFA0  }
0x86: {  	s1 =	sshrl.u32 s1, $0x3;
	[sflag:s31] =	ssyncset.done $0x0  }
0x87: {  	s13 =	sadd.s32 s6, s1;
	s12 =	simm.s32 $0x0;
	[sflag:s31] =	ssyncadd.s32 $0xFFFFF060  }
0x88: {  	[tilespmem:s22], [sflag:$0x1] =	stream.linear.gather [hbm4b:s13+s12], $0xFA0, $0x38;
	[tilespmem:$0x1FF80] =	vst v63  }
0x89: {  	s13 =	sadd.s32 s7, s1  }
0x8a: {  	[tilespmem:s28], [sflag:$0x1] =	stream.linear.gather [hbm4b:s13+s12], $0xFA0, $0x38;
	[tilespmem:$0x1FF80] =	vst v63  }
0x8b: {  	s1 =	sadd.s32 s2, s1  }
0x8c: {  	[tilespmem:s24], [sflag:$0x1] =	stream.linear.gather [hbm4b:s1+s12], $0xFA0, $0x38;
	[tilespmem:$0x1FF80] =	vst v63  }
0x8d: {  	_ =	swait.ge [sflag:s25], $0xFA0  }
0x8e: {  	[sflag:s25] =	ssyncset.done $0x0  }
0x8f: {  	[sflag:s25] =	ssyncadd.s32 $0xFFFFF060  }
0x90: {  	_ =	swait.ge [sflag:s25], $0xFA0  }
0x91: {  	[sflag:s25] =	ssyncset.done $0x0  }
0x92: {  	[sflag:s25] =	ssyncadd.s32 $0xFFFFF060  }
0x93: {  	_ =	swait.ge [sflag:s25], $0xFA0  }
0x94: {  	[sflag:s25] =	ssyncset.done $0x0  }
0x95: {  	s1 =	simm.s32 $0x0;
	[sflag:s25] =	ssyncadd.s32 $0xFFFFF060  }
0x96: {  	v2 =	vld [tilespmem:s1+$0x18700];
	_ =	sdelay $0x6  }
0x97: {  	v1 =	vld [tilespmem:s1+$0x19700]  }
0x98: {  	s11 =	simm.s32 $0x10;
	s12 =	simm.s32 $0x80;
	v2 =	vld.idx.msk [tilespmem:v2+s5+$0x0], $0xffff  }
.LBB2_11:
0x99: {  	p0 =	sne.s32 s12, $0x3E40;
	v3 =	vld [tilespmem:s11+$0x18700];
	_ =	sdelay $0x3  }
.Ltmp4:
0x9a: {  	(pc) =	sbr.rel @p0 .LBB2_11-.Ltmp4, $3  }
0x9b: {  	v2 =	vmul.f32 v1, v2;
	_ =	sdelay $0x1  }
0x9c: {  	v1 =	vld [tilespmem:s11+$0x19700];
	[tilespmem:s1+$0x1D700] =	vst v2;
	s1 =	smov.u32 s11  }
0x9d: {  	s11 =	sshra.s32 s12, $0x2;
	s12 =	sadd.s32 $0x40, s12;
	v2 =	vld.idx.msk [tilespmem:v3+s5+$0x0], $0xffff  }
0x9e: {  	v3 =	vld [tilespmem:s11+$0x18700];
	_ =	sdelay $0x4  }
0x9f: {  	v1 =	vmul.f32 v1, v2;
	_ =	sdelay $0x1  }
0xa0: {  	v2 =	vld [tilespmem:s11+$0x19700];
	[tilespmem:s1+$0x1D700] =	vst v1  }
0xa1: {  	v1 =	vld.idx.msk [tilespmem:v3+s5+$0x0], $0xffff;
	_ =	sdelay $0x1  }
0xa2: {  	s0 =	sadd.s32 $0x1, s0  }
0xa3: {  	p0 =	sne.s32 s0, $0x19  }
.Ltmp5:
0xa4: {  	_ = 	snop;
	(pc) =	sbr.rel @p0 .LBB2_8-.Ltmp5, $3  }
0xa5: {  	v1 =	vmul.f32 v2, v1;
	_ =	sdelay $0x1  }
0xa6: {  	[tilespmem:s11+$0x1D700] =	vst v1  }
0xa7: {  	[spmem:s4] =	stream.indirect.scatter.add.f32 [tilespmem:s29], [sflag:$0x3], $0x1, s28, s26, $0xb8;
	[tilespmem:$0x1FF80] =	vst v63  }
0xa8: {  	_ =	swait.ge [sflag:s30], $0xFA0  }
0xa9: {  	[sflag:s30] =	ssyncset.done $0x0  }
0xaa: {  	s0 =	stileid.u32;
	[sflag:s30] =	ssyncadd.s32 $0xFFFFF060  }
0xab: {  	s1 =	sshrl.u32 s9, $0x3;
	s11 =	simm.s32 $0x20;
	_ =	swait.ge [sflag:s31], $0xFA0  }
0xac: {  	s12 =	simm.s32 $0x10;
	s3 =	sadd.s32 $0x1, s3;
	[sflag:s31] =	ssyncset.done $0x0  }
0xad: {  	s0 =	sshll.u32 s0, $0x6;
	p0 =	sne.s32 s3, s19;
	[sflag:s31] =	ssyncadd.s32 $0xFFFFF060  }
.Ltmp6:
0xae: {  	s0 =	sor.u32 $0x1C04, s0;
	[bflag:$0x0] =	sbarrier.arrive $0xFFFF;
	(pc) =	sbr.rel @p0 .LBB2_1-.Ltmp6, $4  }
0xaf: {  	[hbm:s18@s11], [sflag:s0] =	dma.strided [spmem:s1@s12], $0x310, s25, $0x10   }
0xb0: {  	_ =	swait.ge [sflag:s21], $0x310  }
0xb1: {  	[sflag:s21] =	ssyncset.done $0x0  }
0xb2: {  	[sflag:s21] =	ssyncadd.s32 $0xFFFFFCF0  }
0xb3: {  	_ =	sfence.sel $0x180000  }
0xb4: {  	[bflag:$0x0] =	sbarrier.arrive $0xFFFF  }
0xb5: {  	_ =	strace $0x90000053  }
0xb6: {  	s0 =	stileid.u32;
	[bflag:$0x2] =	sbarrier.arrive $0xFFFF  }
0xb7: {  	p0 =	sne.s32 s0, $0x0;
	s0 =	rddreg [dreg:$0x4]  }
0xb8: {  	s0 =	sadd.s32 @!p0 $0x100000, s0  }
0xb9: {  	[sflag:s0] =	ssyncadd.tile.s32 @!p0 $0x1;
	_ =	shalt  }
.Lfunc_end2:
_tile_overlayer_lowered:
.L_overlay_start_2:
0xba: {  	(tag) =	ssettag $0x2  }
0xbb: {  	s0 =	rddreg [dreg:$0x0];
	s2 =	stileid.u32  }
0xbc: {  	s1 =	rddreg [dreg:$0x1];
	p0 =	sne.s32 s2, $0x0  }
0xbd: {  	s3 =	rddreg [dreg:$0x2];
	[bflag:$0x3] =	sbarrier.arrive $0xFFFF;
	s2 =	simm.s32 @!p0 $0x1C04  }
0xbe: {  	[timem:s3], [sflag:s2] =	dma.local @!p0 [hbm:s0], s1  }
0xbf: {  	s0 =	simm.s32 @!p0 $0x4  }
0xc0: {  	_ =	swait.ge @!p0 [sflag:s0], s1  }
0xc1: {  	s1 =	ssub.s32 @!p0 $0x0, s1;
	[sflag:s0] =	ssyncset.done @!p0 $0x0  }
0xc2: {  	[sflag:s0] =	ssyncadd.s32 @!p0 s1  }
0xc3: {  	[bflag:$0x3] =	sbarrier.arrive $0xFFFF  }
0xc4: {  	_ =	shalt  }

// kernel: kernel.30.cloned.1.call-start
scs
__scs_entry_jumppad:
0x0: {  	(pc) =	sbr.rel $0x88, $3  }
0x1: {  	(tag) =	ssettag $0x0;
	lr =	simm.s32 $0x1  }
0x2: {  	[smem:$0x3F9E] =	sst lr;
	_ =	strace $0xD0000000  }
0x3: {  	_ = 	snop  }
0x4: {  	_ = 	snop  }
0x5: {  	_ = 	snop  }
0x6: {  	_ = 	snop  }
0x7: {  	_ = 	snop  }
__scs_overlays_trampoline_lowered:
0x8: {  	[smem:$0x3FAD] =	sst s0  }
0x9: {  	[smem:$0x3FAE] =	sst s1  }
0xa: {  	[smem:$0x3FAF] =	sst s2  }
0xb: {  	[smem:$0x3FB0] =	sst s3  }
0xc: {  	[smem:$0x3FB1] =	sst s4  }
0xd: {  	[smem:$0x3FB2] =	sst s5  }
0xe: {  	[smem:$0x3FB3] =	sst s6  }
0xf: {  	[smem:$0x3FB4] =	sst s7  }
0x10: {  	[smem:$0x3FB5] =	sst s8  }
0x11: {  	[smem:$0x3FB6] =	sst s9;
	s0 =	simm.s32 @!p0 $0x0  }
0x12: {  	s1 =	sld [smem:$0x3F9C];
	s0 =	simm.s32 @p0 $0x1  }
0x13: {  	[smem:$0x3FB7] =	sst s0;
	s0 =	simm.s32 @!p1 $0x0  }
0x14: {  	s2 =	sld [smem:$0x3F9B];
	s0 =	simm.s32 @p1 $0x1  }
0x15: {  	[smem:$0x3FB8] =	sst s0;
	s0 =	simm.s32 @!p2 $0x0  }
0x16: {  	s3 =	sld [smem:$0x3FDB];
	s0 =	simm.s32 @p2 $0x1  }
0x17: {  	s4 =	simm.s32 $0x1BF5;
	[smem:$0x3FBA] =	sst s0  }
0x18: {  	s0 =	sld [smem:$0x3F9D];
	_ =	swait.ge [sflag:s4], $0x0  }
0x19: {  	s7 =	sld [smem:$0x3F9E]  }
0x1a: {  	s8 =	sadd.s32 $0xFFFFE003, lr  }
0x1b: {  	s9 =	sadd.s32 $0xFFFFFEF7, lr;
	s5 =	simm.s32 $0xFFFFFFFF;
	p2 =	slt.u32 s8, $0xFFFFF086  }
0x1c: {  	p1 =	slt.u32 s9, $0xF7A;
	s5 =	simm.s32 @!p2 $0x0  }
0x1d: {  	s5 =	simm.s32 @p1 $0x1;
	p0 =	seq.s32 s7, s2  }
0x1e: {  	s7 =	smul.u32 @!p0 $0xF7A, s2;
	p2 =	seq.s32 @!p0 s5, $0x0  }
0x1f: {  	s9 =	smul.u32 $0xF7A, s1;
	s8 =	simm.s32 @!p0 $0x1BF5;
	p2 =	por !p2, p0  }
0x20: {  	[sflag:s8] =	ssyncset.s32 @!p0 $0xFFFFF086;
	s6 =	sadd.s32 @!p0 s3, s7;
	s7 =	simm.s32 @!p0 $0x108  }
0x21: {  	s3 =	sadd.s32 s3, s9;
	s6 =	sadd.s32 @!p0 $0x88, s6;
	s7 =	simm.s32 @p2 $0x1082  }
0x22: {  	[simem:s7], [sflag:s8] =	dma.local @!p0 [hbm:s6], $0xF7A  }
0x23: {  	s9 =	sor.u32 $0xD0000000, s2;
	s6 =	simm.s32 $0x108;
	_ =	swait.ge @!p0 [sflag:s8], $0x0  }
0x24: {  	s3 =	sadd.s32 $0x88, s3;
	s6 =	simm.s32 @!p1 $0x1082;
	[sflag:s4] =	ssyncset.s32 $0xFFFFF086  }
0x25: {  	[simem:s6], [sflag:s4] =	dma.local [hbm:s3], $0xF7A  }
0x26: {  	[smem:$0x3F9E] =	sst s1;
	(tag) =	ssettag s2;
	_ =	strace s9  }
0x27: {  	s1 =	sld [smem:$0x3FAE]  }
0x28: {  	s2 =	sld [smem:$0x3FAF]  }
0x29: {  	s4 =	sld [smem:$0x3FB1]  }
0x2a: {  	p0 =	seq.s32 s5, $0x0;
	s5 =	sld [smem:$0x3FB2]  }
0x2b: {  	s6 =	sld [smem:$0x3FB3]  }
0x2c: {  	s7 =	sld [smem:$0x3FB4]  }
0x2d: {  	s3 =	simm.s32 $0x108;
	s8 =	sld [smem:$0x3FB5]  }
0x2e: {  	s3 =	simm.s32 @!p0 $0x1082;
	s9 =	sld [smem:$0x3FB6]  }
0x2f: {  	lr =	sadd.s32 s0, s3;
	s0 =	sld [smem:$0x3FAD]  }
0x30: {  	s3 =	sld [smem:$0x3FB0]  }
0x31: {  	[smem:$0x3FB9] =	sst s10  }
0x32: {  	s10 =	sld [smem:$0x3FB7];
	_ =	sdelay $0x3  }
0x33: {  	p0 =	seq.s32 s10, $0x1;
	s10 =	sld [smem:$0x3FB9];
	_ =	sdelay $0x3  }
0x34: {  	[smem:$0x3FB9] =	sst s10  }
0x35: {  	s10 =	sld [smem:$0x3FB8];
	_ =	sdelay $0x3  }
0x36: {  	p1 =	seq.s32 s10, $0x1;
	s10 =	sld [smem:$0x3FB9];
	_ =	sdelay $0x3  }
0x37: {  	[smem:$0x3FB9] =	sst s10  }
0x38: {  	s10 =	sld [smem:$0x3FBA]  }
0x39: {  	_ = 	snop;
	(pc) =	sbr.ind lr, $3  }
0x3a: {  	_ = 	snop  }
0x3b: {  	_ = 	snop  }
0x3c: {  	p2 =	seq.s32 s10, $0x1;
	s10 =	sld [smem:$0x3FB9]  }
0x3d: {  	_ =	shalt  }
0x3e: {  	_ =	shalt  }
0x3f: {  	_ =	shalt  }
0x40: {  	_ =	shalt  }
0x41: {  	_ =	shalt  }
0x42: {  	_ =	shalt  }
0x43: {  	_ =	shalt  }
0x44: {  	_ =	shalt  }
0x45: {  	_ =	shalt  }
0x46: {  	_ =	shalt  }
0x47: {  	_ =	shalt  }
0x48: {  	_ =	shalt  }
0x49: {  	_ =	shalt  }
0x4a: {  	_ =	shalt  }
0x4b: {  	_ =	shalt  }
0x4c: {  	_ =	shalt  }
0x4d: {  	_ =	shalt  }
0x4e: {  	_ =	shalt  }
0x4f: {  	_ =	shalt  }
0x50: {  	_ =	shalt  }
0x51: {  	_ =	shalt  }
0x52: {  	_ =	shalt  }
0x53: {  	_ =	shalt  }
0x54: {  	_ =	shalt  }
0x55: {  	_ =	shalt  }
0x56: {  	_ =	shalt  }
0x57: {  	_ =	shalt  }
0x58: {  	_ =	shalt  }
0x59: {  	_ =	shalt  }
0x5a: {  	_ =	shalt  }
0x5b: {  	_ =	shalt  }
0x5c: {  	_ =	shalt  }
0x5d: {  	_ =	shalt  }
0x5e: {  	_ =	shalt  }
0x5f: {  	_ =	shalt  }
0x60: {  	_ =	shalt  }
0x61: {  	_ =	shalt  }
0x62: {  	_ =	shalt  }
0x63: {  	_ =	shalt  }
0x64: {  	_ =	shalt  }
0x65: {  	_ =	shalt  }
0x66: {  	_ =	shalt  }
0x67: {  	_ =	shalt  }
0x68: {  	_ =	shalt  }
0x69: {  	_ =	shalt  }
0x6a: {  	_ =	shalt  }
0x6b: {  	_ =	shalt  }
0x6c: {  	_ =	shalt  }
0x6d: {  	_ =	shalt  }
0x6e: {  	_ =	shalt  }
0x6f: {  	_ =	shalt  }
0x70: {  	_ =	shalt  }
0x71: {  	_ =	shalt  }
0x72: {  	_ =	shalt  }
0x73: {  	_ =	shalt  }
0x74: {  	_ =	shalt  }
0x75: {  	_ =	shalt  }
0x76: {  	_ =	shalt  }
0x77: {  	_ =	shalt  }
0x78: {  	_ =	shalt  }
0x79: {  	_ =	shalt  }
0x7a: {  	_ =	shalt  }
0x7b: {  	_ =	shalt  }
0x7c: {  	_ =	shalt  }
0x7d: {  	_ =	shalt  }
0x7e: {  	_ =	shalt  }
0x7f: {  	_ =	shalt  }
0x80: {  	_ =	shalt  }
0x81: {  	_ =	shalt  }
0x82: {  	_ =	shalt  }
0x83: {  	_ =	shalt  }
0x84: {  	_ =	shalt  }
0x85: {  	_ =	shalt  }
0x86: {  	_ =	shalt  }
0x87: {  	_ =	shalt  }
.Lfunc_end0:
.L_simem_size_0:
called_computation.5_lowered:
.L_overlay_start_0:
0x88: {  	s2 =	sld [smem:$0x3FD9]  }
0x89: {  	s3 =	sld [smem:$0x3FFE];
	_ =	sdelay $0x1  }
0x8a: {  	s1 =	srdreg.scid  }
0x8b: {  	s0 =	sand.u32 $0x1, s1  }
0x8c: {  	s17 =	sshll.u32 s0, $0xA;
	s2 =	sadd.s32 s3, s2  }
0x8d: {  	s2 =	sadd.s32 s2, s17  }
0x8e: {  	[smem:$0x3FC5] =	sst s2  }
0x8f: {  	_ = 	snop  }
0x90: {  	s2 =	sld [smem:$0x3FC7];
	(tm) =	ssettm $0x1  }
0x91: {  	s18 =	sld [smem:$0x3FFB];
	_ =	sdelay $0x3  }
0x92: {  	_ =	strace s18  }
0x93: {  	s3 =	sld [smem:$0x3FFC];
	_ =	sdelay $0x3  }
0x94: {  	_ =	strace s3  }
0x95: {  	s3 =	sld [smem:$0x3FFD];
	_ =	sdelay $0x3  }
0x96: {  	_ =	strace s3  }
0x97: {  	_ =	strace $0x8FFFFFFF  }
0x98: {  	s19 =	sld [smem:$0x3FDB];
	_ =	sdelay $0x1  }
0x99: {  	s4 =	simm.s32 $_scs_section_size  }
0x9a: {  	s5 =	simm.s32 $_size__tile_overlayer_lowered;
	s6 =	simm.s32 $_tile_overlayer_lowered  }
0x9b: {  	s22 =	simm.s32 $0x1BFF;
	s21 =	sshll.u32 s6, $0x1;
	s3 =	sadd.s32 s4, s19  }
0x9c: {  	s7 =	simm.s32 $0x0;
	s20 =	sshll.u32 s5, $0x1;
	s5 =	sadd.s32 s21, s3  }
0x9d: {  	[timem:s7], [sflag:s22] =	dma.local [hbm:s5], s20  }
0x9e: {  	_ =	swait.ge [sflag:s22], s20  }
0x9f: {  	s4 =	ssub.s32 $0x0, s20;
	[sflag:s22] =	ssyncset.done $0x0  }
0xa0: {  	[sflag:s22] =	ssyncadd.s32 s4;
	_ =	sdelay $0x1  }
0xa1: {  	s23 =	simm.s32 $0x1B8B  }
0xa2: {  	_ =	swait.ge [sflag:s23], $0x1  }
0xa3: {  	[sflag:s23] =	ssyncset.done $0x0  }
0xa4: {  	s25 =	simm.s32 $0x1B8E;
	s24 =	sld [smem:$0x3FFE];
	[sflag:s23] =	ssyncadd.s32 $0xFFFFFFFF  }
0xa5: {  	s26 =	simm.s32 $execute0_lowered;
	[smem:$0x3FD2] =	sst s25  }
0xa6: {  	s5 =	sshll.u32 s26, $0x1;
	_ =	strace $0x80000055;
	[dreg:$0x1] =	wrdreg $0xFFFFFFFF  }
0xa7: {  	s28 =	simm.s32 $_size_execute0_lowered;
	s3 =	sadd.s32 s3, s5;
	[dreg:$0x0] =	wrdreg $0x0  }
0xa8: {  	s5 =	sshll.u32 s28, $0x1;
	[dreg:$0x2] =	wrdreg s3  }
0xa9: {  	[dreg:$0x3] =	wrdreg s5  }
0xaa: {  	[dreg:$0x4] =	wrdreg $0xC0  }
0xab: {  	_ =	task [dreg:s7], $0x5FFFF  }
0xac: {  	[dreg:$0x1] =	wrdreg $0xFFFFFFFF  }
0xad: {  	[dreg:$0x0] =	wrdreg $0x60  }
0xae: {  	[dreg:$0x2] =	wrdreg s24  }
0xaf: {  	[dreg:$0x3] =	wrdreg s2  }
0xb0: {  	[dreg:$0x4] =	wrdreg $0x1E7000  }
0xb1: {  	[dreg:$0x5] =	wrdreg $0x9  }
0xb2: {  	_ =	task.clear_ibuf [dreg:s7], $0x6FFFF;
	_ =	strace $0x90000055  }
0xb3: {  	s29 =	simm.s32 $0x9;
	_ =	strace $0x80000057  }
0xb4: {  	_ =	swait.ge [sflag:s29], $0x1  }
0xb5: {  	[sflag:s29] =	ssyncadd.s32 $0xFFFFFFFF  }
0xb6: {  	_ =	strace $0x90000057  }
0xb7: {  	_ =	sfence  }
0xb8: {  	s30 =	sld [smem:$0x0];
	_ =	sdelay $0x2  }
0xb9: {  	s31 =	sshll.u32 s1, $0xD;
	s1 =	sshrl.u32 s1, $0x2  }
0xba: {  	s3 =	sand.u32 $0x4000, s31;
	s1 =	sadd.s32 s1, s30  }
0xbb: {  	s0 =	sor.u32 s3, s0;
	s1 =	sshll.u32 s1, $0x11  }
0xbc: {  	s0 =	sor.u32 s1, s0  }
0xbd: {  	s0 =	sadd.s32 $0x8F2B, s0  }
0xbe: {  	[sflag:s0] =	ssyncadd.remote.s32 $0x1  }
0xbf: {  	_ =	sfence.sel $0xFFFF  }
0xc0: {  	[dreg:$0x0] =	wrdreg $0xFFFFFFFF;
	(pc) =	sbr.abs _section_cstart, $3  }
0xc1: {  	[dreg:$0x1] =	wrdreg $0xFFFFFFFF  }
0xc2: {  	_ =	task.clear_ibuf [dreg:s7], $0x2FFFF;
	_ =	strace $0x9FFFFFFF  }
0xc3: {  	(tm) =	ssettm $0x7FFFFFFF  }
tec
execute0_lowered:
.L_overlay_start_1:
0x0: {  	(tag) =	ssettag $0x1  }
0x1: {  	s0 =	rddreg [dreg:$0x0]  }
0x2: {  	s1 =	rddreg [dreg:$0x1]  }
0x3: {  	s2 =	rddreg [dreg:$0x2]  }
0x4: {  	s4 =	simm.s32 $0x0;
	s3 =	srdreg.scid;
	s9 =	stileid.u32  }
0x5: {  	s20 =	simm.s32 $0x1C700;
	s21 =	simm.s32 $0x4;
	s28 =	simm.s32 $0x1B700  }
0x6: {  	s29 =	simm.s32 $0x1D700;
	s30 =	simm.s32 $0x2;
	s31 =	simm.s32 $0x3  }
0x7: {  	[smem:$0x7FF] =	sst s4;
	s3 =	sand.u32 $0x1, s3;
	s6 =	sadd.s32 $0x18A400, s0  }
0x8: {  	s5 =	smul.u32 $0x3100, s9;
	s7 =	sadd.s32 $0xC6E00, s0;
	_ =	strace $0x80000056  }
0x9: {  	[dreg:$0x4] =	wrdreg s6;
	s6 =	sadd.s32 $0x3800, s0;
	s8 =	sshll.u32 s3, $0x7  }
0xa: {  	s22 =	sshll.u32 s3, $0x4;
	s3 =	ssub.s32 $0x2, s3;
	s5 =	sor.u32 s8, s5  }
0xb: {  	s8 =	sor.u32 s9, s22;
	s9 =	smul.u32 $0x6200, s9;
	s10 =	sshrl.u32 s3, $0x1  }
0xc: {  	s22 =	simm.s32 $0x18700;
	s5 =	sshrl.u32 s5, $0x3;
	s8 =	smul.u32 $0x30D40, s8  }
0xd: {  	s3 =	ssub.s32 s3, s10;
	s0 =	sadd.s32 s5, s0;
	s23 =	sshrl.u32 s9, $0x2  }
0xe: {  	s19 =	smax.u32 s3, $0x1;
	s9 =	sadd.s32 s23, s2;
	s24 =	sshrl.u32 s8, $0x3  }
0xf: {  	s10 =	sadd.s32 $0xFA0, s8;
	s18 =	sadd.s32 $0x18D600, s0;
	s23 =	simm.s32 $0x1A700  }
0x10: {  	s0 =	simm.s32 $0x0;
	s11 =	sadd.s32 $0xFA0, s9;
	s25 =	sadd.s32 s6, s24  }
0x11: {  	s26 =	sshrl.u32 s10, $0x3;
	s12 =	sadd.s32 s7, s24;
	[dreg:$0x5] =	wrdreg s11  }
0x12: {  	s14 =	sadd.s32 s1, s24;
	s24 =	simm.s32 $0x19700;
	[dreg:$0x6] =	wrdreg s25  }
0x13: {  	[dreg:$0x7] =	wrdreg s12;
	s15 =	sadd.s32 s6, s26;
	s16 =	sadd.s32 s7, s26  }
0x14: {  	v0 =	vimm.f32 $0.0e+00;
	s17 =	sadd.s32 s1, s26;
	s25 =	simm.s32 $0x1;
	s26 =	simm.s32 $0xFA0  }
.LBB2_1:
0x15: {  	s3 =	simm.s32 $0x40;
	s5 =	simm.s32 $0x0  }
.LBB2_2:
0x16: {  	p0 =	sne.s32 s3, $0x3E40;
	[tilespmem:s5+$0x1C700] =	vst v0;
	s5 =	smov.u32 s3;
	s3 =	sadd.s32 $0x40, s3  }
.Ltmp0:
0x17: {  	(pc) =	sbr.rel @p0 .LBB2_2-.Ltmp0, $2  }
0x18: {  	_ =	sdelay $0x2  }
0x19: {  	s5 =	sshra.s32 s5, $0x2  }
0x1a: {  	[tilespmem:s5+$0x1C700] =	vst v0  }
0x1b: {  	[spmem:s9] =	stream.linear.scatter [tilespmem:s20], [sflag:$0x4], $0xFA0, $0x38;
	[tilespmem:$0x1FF80] =	vst v63  }
0x1c: {  	_ =	swait.ge [sflag:s21], $0xFA0  }
0x1d: {  	[sflag:s21] =	ssyncset.done $0x0  }
0x1e: {  	s3 =	rddreg [dreg:$0x5];
	[sflag:s21] =	ssyncadd.s32 $0xFFFFF060  }
0x1f: {  	[spmem:s3] =	stream.linear.scatter [tilespmem:s20], [sflag:$0x4], $0x8E0, $0x38;
	[tilespmem:$0x1FF80] =	vst v63  }
0x20: {  	_ =	swait.ge [sflag:s21], $0x8E0  }
0x21: {  	[sflag:s21] =	ssyncset.done $0x0  }
0x22: {  	s3 =	simm.s32 $0x0;
	s11 =	rddreg [dreg:$0x4];
	[sflag:s21] =	ssyncadd.s32 $0xFFFFF720  }
0x23: {  	[tilespmem:s3], [sflag:$0x4] =	stream.linear.gather [hbm4b:s11+s3], $0x186A0, $0x38;
	[tilespmem:$0x1FF80] =	vst v63  }
0x24: {  	_ =	swait.ge [sflag:s21], $0x186A0  }
0x25: {  	[sflag:s21] =	ssyncset.done $0x0  }
0x26: {  	[sflag:s21] =	ssyncadd.s32 $0xFFFE7960  }
0x27: {  	[bflag:$0x0] =	sbarrier.arrive $0xFFFF  }
0x28: {  	s12 =	rddreg [dreg:$0x6]  }
0x29: {  	[tilespmem:s22], [sflag:$0x1] =	stream.linear.gather [hbm4b:s12+s3], $0xFA0, $0x38;
	[tilespmem:$0x1FF80] =	vst v63  }
0x2a: {  	s13 =	rddreg [dreg:$0x7]  }
0x2b: {  	[tilespmem:s23], [sflag:$0x1] =	stream.linear.gather [hbm4b:s13+s3], $0xFA0, $0x38;
	[tilespmem:$0x1FF80] =	vst v63  }
0x2c: {  	_ = 	snop  }
0x2d: {  	[tilespmem:s24], [sflag:$0x1] =	stream.linear.gather [hbm4b:s14+s3], $0xFA0, $0x38;
	[tilespmem:$0x1FF80] =	vst v63  }
0x2e: {  	_ =	swait.ge [sflag:s25], $0xFA0  }
0x2f: {  	[sflag:s25] =	ssyncset.done $0x0  }
0x30: {  	[sflag:s25] =	ssyncadd.s32 $0xFFFFF060  }
0x31: {  	_ =	swait.ge [sflag:s25], $0xFA0  }
0x32: {  	[sflag:s25] =	ssyncset.done $0x0  }
0x33: {  	[sflag:s25] =	ssyncadd.s32 $0xFFFFF060  }
0x34: {  	_ =	swait.ge [sflag:s25], $0xFA0  }
0x35: {  	[sflag:s25] =	ssyncset.done $0x0  }
0x36: {  	s3 =	simm.s32 $0x0;
	[sflag:s25] =	ssyncadd.s32 $0xFFFFF060  }
0x37: {  	v2 =	vld [tilespmem:s3+$0x18700];
	_ =	sdelay $0x6  }
0x38: {  	v1 =	vld [tilespmem:s3+$0x19700]  }
0x39: {  	s5 =	simm.s32 $0x10;
	s11 =	simm.s32 $0x80;
	v2 =	vld.idx.msk [tilespmem:v2+s4+$0x0], $0xffff  }
.LBB2_4:
0x3a: {  	p0 =	sne.s32 s11, $0x3E40;
	v3 =	vld [tilespmem:s5+$0x18700];
	_ =	sdelay $0x3  }
.Ltmp1:
0x3b: {  	(pc) =	sbr.rel @p0 .LBB2_4-.Ltmp1, $3  }
0x3c: {  	v2 =	vmul.f32 v1, v2;
	_ =	sdelay $0x1  }
0x3d: {  	v1 =	vld [tilespmem:s5+$0x19700];
	[tilespmem:s3+$0x1C700] =	vst v2;
	s3 =	smov.u32 s5  }
0x3e: {  	s5 =	sshra.s32 s11, $0x2;
	s11 =	sadd.s32 $0x40, s11;
	v2 =	vld.idx.msk [tilespmem:v3+s4+$0x0], $0xffff  }
0x3f: {  	v3 =	vld [tilespmem:s5+$0x18700];
	_ =	sdelay $0x4  }
0x40: {  	v1 =	vmul.f32 v1, v2;
	_ =	sdelay $0x1  }
0x41: {  	v2 =	vld [tilespmem:s5+$0x19700];
	[tilespmem:s3+$0x1C700] =	vst v1  }
0x42: {  	v1 =	vld.idx.msk [tilespmem:v3+s4+$0x0], $0xffff;
	_ =	sdelay $0x4  }
0x43: {  	v1 =	vmul.f32 v2, v1;
	_ =	sdelay $0x1  }
0x44: {  	[tilespmem:s5+$0x1C700] =	vst v1  }
0x45: {  	[spmem:s2] =	stream.indirect.scatter.add.f32 [tilespmem:s20], [sflag:$0x2], $0x1, s23, s26, $0xb8;
	[tilespmem:$0x1FF80] =	vst v63  }
0x46: {  	s13 =	simm.s32 $0x0  }
0x47: {  	[tilespmem:s22], [sflag:$0x1] =	stream.linear.gather [hbm4b:s15+s13], $0xFA0, $0x38;
	[tilespmem:$0x1FF80] =	vst v63  }
0x48: {  	_ = 	snop  }
0x49: {  	[tilespmem:s28], [sflag:$0x1] =	stream.linear.gather [hbm4b:s16+s13], $0xFA0, $0x38;
	[tilespmem:$0x1FF80] =	vst v63  }
0x4a: {  	_ = 	snop  }
0x4b: {  	[tilespmem:s24], [sflag:$0x1] =	stream.linear.gather [hbm4b:s17+s13], $0xFA0, $0x38;
	[tilespmem:$0x1FF80] =	vst v63  }
0x4c: {  	_ =	swait.ge [sflag:s25], $0xFA0  }
0x4d: {  	[sflag:s25] =	ssyncset.done $0x0  }
0x4e: {  	[sflag:s25] =	ssyncadd.s32 $0xFFFFF060  }
0x4f: {  	_ =	swait.ge [sflag:s25], $0xFA0  }
0x50: {  	[sflag:s25] =	ssyncset.done $0x0  }
0x51: {  	[sflag:s25] =	ssyncadd.s32 $0xFFFFF060  }
0x52: {  	_ =	swait.ge [sflag:s25], $0xFA0  }
0x53: {  	[sflag:s25] =	ssyncset.done $0x0  }
0x54: {  	s3 =	simm.s32 $0x0;
	[sflag:s25] =	ssyncadd.s32 $0xFFFFF060  }
0x55: {  	v2 =	vld [tilespmem:s3+$0x18700];
	_ =	sdelay $0x6  }
0x56: {  	v1 =	vld [tilespmem:s3+$0x19700]  }
0x57: {  	s11 =	simm.s32 $0x80;
	s5 =	simm.s32 $0x10;
	v2 =	vld.idx.msk [tilespmem:v2+s4+$0x0], $0xffff  }
.LBB2_6:
0x58: {  	p0 =	sne.s32 s11, $0x3E40;
	v3 =	vld [tilespmem:s5+$0x18700];
	_ =	sdelay $0x3  }
.Ltmp2:
0x59: {  	(pc) =	sbr.rel @p0 .LBB2_6-.Ltmp2, $3  }
0x5a: {  	v2 =	vmul.f32 v1, v2;
	_ =	sdelay $0x1  }
0x5b: {  	v1 =	vld [tilespmem:s5+$0x19700];
	[tilespmem:s3+$0x1D700] =	vst v2;
	s3 =	smov.u32 s5  }
0x5c: {  	s5 =	sshra.s32 s11, $0x2;
	s11 =	sadd.s32 $0x40, s11;
	v2 =	vld.idx.msk [tilespmem:v3+s4+$0x0], $0xffff  }
0x5d: {  	v3 =	vld [tilespmem:s5+$0x18700];
	_ =	sdelay $0x4  }
0x5e: {  	v1 =	vmul.f32 v1, v2;
	_ =	sdelay $0x1  }
0x5f: {  	v2 =	vld [tilespmem:s5+$0x19700];
	[tilespmem:s3+$0x1D700] =	vst v1  }
0x60: {  	v1 =	vld.idx.msk [tilespmem:v3+s4+$0x0], $0xffff;
	_ =	sdelay $0x4  }
0x61: {  	v1 =	vmul.f32 v2, v1;
	_ =	sdelay $0x1  }
0x62: {  	s3 =	simm.s32 $0x1;
	[tilespmem:s5+$0x1D700] =	vst v1  }
0x63: {  	[spmem:s2] =	stream.indirect.scatter.add.f32 [tilespmem:s29], [sflag:$0x3], $0x1, s28, s26, $0xb8;
	[tilespmem:$0x1FF80] =	vst v63  }
.LBB2_8:
0x64: {  	s5 =	smul.u32 $0x1F40, s3;
	_ =	sdelay $0x1  }
0x65: {  	_ =	swait.ge [sflag:s30], $0xFA0;
	s11 =	sadd.s32 s8, s5  }
0x66: {  	[sflag:s30] =	ssyncset.done $0x0;
	s11 =	sshrl.u32 s11, $0x3  }
0x67: {  	s13 =	simm.s32 $0x0;
	[sflag:s30] =	ssyncadd.s32 $0xFFFFF060;
	s12 =	sadd.s32 s6, s11  }
0x68: {  	[tilespmem:s22], [sflag:$0x1] =	stream.linear.gather [hbm4b:s12+s13], $0xFA0, $0x38;
	[tilespmem:$0x1FF80] =	vst v63  }
0x69: {  	s12 =	sadd.s32 s7, s11  }
0x6a: {  	[tilespmem:s23], [sflag:$0x1] =	stream.linear.gather [hbm4b:s12+s13], $0xFA0, $0x38;
	[tilespmem:$0x1FF80] =	vst v63  }
0x6b: {  	s11 =	sadd.s32 s1, s11  }
0x6c: {  	[tilespmem:s24], [sflag:$0x1] =	stream.linear.gather [hbm4b:s11+s13], $0xFA0, $0x38;
	[tilespmem:$0x1FF80] =	vst v63  }
0x6d: {  	_ =	swait.ge [sflag:s25], $0xFA0  }
0x6e: {  	[sflag:s25] =	ssyncset.done $0x0  }
0x6f: {  	[sflag:s25] =	ssyncadd.s32 $0xFFFFF060  }
0x70: {  	_ =	swait.ge [sflag:s25], $0xFA0  }
0x71: {  	[sflag:s25] =	ssyncset.done $0x0  }
0x72: {  	[sflag:s25] =	ssyncadd.s32 $0xFFFFF060  }
0x73: {  	_ =	swait.ge [sflag:s25], $0xFA0  }
0x74: {  	[sflag:s25] =	ssyncset.done $0x0  }
0x75: {  	s11 =	simm.s32 $0x0;
	[sflag:s25] =	ssyncadd.s32 $0xFFFFF060  }
0x76: {  	v2 =	vld [tilespmem:s11+$0x18700];
	_ =	sdelay $0x6  }
0x77: {  	v1 =	vld [tilespmem:s11+$0x19700]  }
0x78: {  	s12 =	simm.s32 $0x10;
	s13 =	simm.s32 $0x80;
	v2 =	vld.idx.msk [tilespmem:v2+s4+$0x0], $0xffff  }
.LBB2_9:
0x79: {  	p0 =	sne.s32 s13, $0x3E40;
	v3 =	vld [tilespmem:s12+$0x18700];
	_ =	sdelay $0x3  }
.Ltmp3:
0x7a: {  	(pc) =	sbr.rel @p0 .LBB2_9-.Ltmp3, $3  }
0x7b: {  	v2 =	vmul.f32 v1, v2;
	_ =	sdelay $0x1  }
0x7c: {  	v1 =	vld [tilespmem:s12+$0x19700];
	[tilespmem:s11+$0x1C700] =	vst v2;
	s11 =	smov.u32 s12  }
0x7d: {  	s12 =	sshra.s32 s13, $0x2;
	s13 =	sadd.s32 $0x40, s13;
	v2 =	vld.idx.msk [tilespmem:v3+s4+$0x0], $0xffff  }
0x7e: {  	v3 =	vld [tilespmem:s12+$0x18700];
	_ =	sdelay $0x4  }
0x7f: {  	v1 =	vmul.f32 v1, v2;
	_ =	sdelay $0x1  }
0x80: {  	v2 =	vld [tilespmem:s12+$0x19700];
	[tilespmem:s11+$0x1C700] =	vst v1  }
0x81: {  	v1 =	vld.idx.msk [tilespmem:v3+s4+$0x0], $0xffff;
	_ =	sdelay $0x4  }
0x82: {  	v1 =	vmul.f32 v2, v1;
	_ =	sdelay $0x1  }
0x83: {  	[tilespmem:s12+$0x1C700] =	vst v1  }
0x84: {  	[spmem:s2] =	stream.indirect.scatter.add.f32 [tilespmem:s20], [sflag:$0x2], $0x1, s23, s26, $0xb8;
	[tilespmem:$0x1FF80] =	vst v63  }
0x85: {  	s5 =	sadd.s32 s5, s10;
	_ =	swait.ge [sflag:s31], $0xFA0  }
0x86: {  	s5 =	sshrl.u32 s5, $0x3;
	[sflag:s31] =	ssyncset.done $0x0  }
0x87: {  	s13 =	sadd.s32 s6, s5;
	s12 =	simm.s32 $0x0;
	[sflag:s31] =	ssyncadd.s32 $0xFFFFF060  }
0x88: {  	[tilespmem:s22], [sflag:$0x1] =	stream.linear.gather [hbm4b:s13+s12], $0xFA0, $0x38;
	[tilespmem:$0x1FF80] =	vst v63  }
0x89: {  	s13 =	sadd.s32 s7, s5  }
0x8a: {  	[tilespmem:s28], [sflag:$0x1] =	stream.linear.gather [hbm4b:s13+s12], $0xFA0, $0x38;
	[tilespmem:$0x1FF80] =	vst v63  }
0x8b: {  	s5 =	sadd.s32 s1, s5  }
0x8c: {  	[tilespmem:s24], [sflag:$0x1] =	stream.linear.gather [hbm4b:s5+s12], $0xFA0, $0x38;
	[tilespmem:$0x1FF80] =	vst v63  }
0x8d: {  	_ =	swait.ge [sflag:s25], $0xFA0  }
0x8e: {  	[sflag:s25] =	ssyncset.done $0x0  }
0x8f: {  	[sflag:s25] =	ssyncadd.s32 $0xFFFFF060  }
0x90: {  	_ =	swait.ge [sflag:s25], $0xFA0  }
0x91: {  	[sflag:s25] =	ssyncset.done $0x0  }
0x92: {  	[sflag:s25] =	ssyncadd.s32 $0xFFFFF060  }
0x93: {  	_ =	swait.ge [sflag:s25], $0xFA0  }
0x94: {  	[sflag:s25] =	ssyncset.done $0x0  }
0x95: {  	s5 =	simm.s32 $0x0;
	[sflag:s25] =	ssyncadd.s32 $0xFFFFF060  }
0x96: {  	v2 =	vld [tilespmem:s5+$0x18700];
	_ =	sdelay $0x6  }
0x97: {  	v1 =	vld [tilespmem:s5+$0x19700]  }
0x98: {  	s11 =	simm.s32 $0x10;
	s12 =	simm.s32 $0x80;
	v2 =	vld.idx.msk [tilespmem:v2+s4+$0x0], $0xffff  }
.LBB2_11:
0x99: {  	p0 =	sne.s32 s12, $0x3E40;
	v3 =	vld [tilespmem:s11+$0x18700];
	_ =	sdelay $0x3  }
.Ltmp4:
0x9a: {  	(pc) =	sbr.rel @p0 .LBB2_11-.Ltmp4, $3  }
0x9b: {  	v2 =	vmul.f32 v1, v2;
	_ =	sdelay $0x1  }
0x9c: {  	v1 =	vld [tilespmem:s11+$0x19700];
	[tilespmem:s5+$0x1D700] =	vst v2;
	s5 =	smov.u32 s11  }
0x9d: {  	s11 =	sshra.s32 s12, $0x2;
	s12 =	sadd.s32 $0x40, s12;
	v2 =	vld.idx.msk [tilespmem:v3+s4+$0x0], $0xffff  }
0x9e: {  	v3 =	vld [tilespmem:s11+$0x18700];
	_ =	sdelay $0x4  }
0x9f: {  	v1 =	vmul.f32 v1, v2;
	_ =	sdelay $0x1  }
0xa0: {  	v2 =	vld [tilespmem:s11+$0x19700];
	[tilespmem:s5+$0x1D700] =	vst v1  }
0xa1: {  	v1 =	vld.idx.msk [tilespmem:v3+s4+$0x0], $0xffff;
	_ =	sdelay $0x1  }
0xa2: {  	s3 =	sadd.s32 $0x1, s3  }
0xa3: {  	p0 =	sne.s32 s3, $0x19  }
.Ltmp5:
0xa4: {  	_ = 	snop;
	(pc) =	sbr.rel @p0 .LBB2_8-.Ltmp5, $3  }
0xa5: {  	v1 =	vmul.f32 v2, v1;
	_ =	sdelay $0x1  }
0xa6: {  	[tilespmem:s11+$0x1D700] =	vst v1  }
0xa7: {  	[spmem:s2] =	stream.indirect.scatter.add.f32 [tilespmem:s29], [sflag:$0x3], $0x1, s28, s26, $0xb8;
	[tilespmem:$0x1FF80] =	vst v63  }
0xa8: {  	_ =	swait.ge [sflag:s30], $0xFA0  }
0xa9: {  	[sflag:s30] =	ssyncset.done $0x0  }
0xaa: {  	s3 =	stileid.u32;
	[sflag:s30] =	ssyncadd.s32 $0xFFFFF060  }
0xab: {  	s5 =	sshrl.u32 s9, $0x3;
	s11 =	simm.s32 $0x20;
	_ =	swait.ge [sflag:s31], $0xFA0  }
0xac: {  	s12 =	simm.s32 $0x10;
	s0 =	sadd.s32 $0x1, s0;
	[sflag:s31] =	ssyncset.done $0x0  }
0xad: {  	s3 =	sshll.u32 s3, $0x6;
	p0 =	sne.s32 s0, s19;
	[sflag:s31] =	ssyncadd.s32 $0xFFFFF060  }
.Ltmp6:
0xae: {  	s3 =	sor.u32 $0x1C04, s3;
	[bflag:$0x0] =	sbarrier.arrive $0xFFFF;
	(pc) =	sbr.rel @p0 .LBB2_1-.Ltmp6, $4  }
0xaf: {  	[hbm:s18@s11], [sflag:s3] =	dma.strided [spmem:s5@s12], $0x310, s25, $0x10   }
0xb0: {  	_ =	swait.ge [sflag:s21], $0x310  }
0xb1: {  	[sflag:s21] =	ssyncset.done $0x0  }
0xb2: {  	[sflag:s21] =	ssyncadd.s32 $0xFFFFFCF0  }
0xb3: {  	_ =	sfence.sel $0x180000  }
0xb4: {  	[bflag:$0x0] =	sbarrier.arrive $0xFFFF  }
0xb5: {  	_ =	strace $0x90000056  }
0xb6: {  	s0 =	stileid.u32;
	[bflag:$0x2] =	sbarrier.arrive $0xFFFF  }
0xb7: {  	p0 =	sne.s32 s0, $0x0;
	s0 =	rddreg [dreg:$0x3]  }
0xb8: {  	s0 =	sadd.s32 @!p0 $0x100000, s0  }
0xb9: {  	[sflag:s0] =	ssyncadd.tile.s32 @!p0 $0x1;
	_ =	shalt  }
.Lfunc_end2:
_tile_overlayer_lowered:
.L_overlay_start_2:
0xba: {  	(tag) =	ssettag $0x2  }
0xbb: {  	s0 =	rddreg [dreg:$0x0];
	s2 =	stileid.u32  }
0xbc: {  	s1 =	rddreg [dreg:$0x1];
	p0 =	sne.s32 s2, $0x0  }
0xbd: {  	s3 =	rddreg [dreg:$0x2];
	[bflag:$0x3] =	sbarrier.arrive $0xFFFF;
	s2 =	simm.s32 @!p0 $0x1C04  }
0xbe: {  	[timem:s3], [sflag:s2] =	dma.local @!p0 [hbm:s0], s1  }
0xbf: {  	s0 =	simm.s32 @!p0 $0x4  }
0xc0: {  	_ =	swait.ge @!p0 [sflag:s0], s1  }
0xc1: {  	s1 =	ssub.s32 @!p0 $0x0, s1;
	[sflag:s0] =	ssyncset.done @!p0 $0x0  }
0xc2: {  	[sflag:s0] =	ssyncadd.s32 @!p0 s1  }
0xc3: {  	[bflag:$0x3] =	sbarrier.arrive $0xFFFF  }
0xc4: {  	_ =	shalt  }

</sc_bundles>
